<compile_context>
chip_gen: v7x
topology: tpu7x:2x2x1
jax: 0.10.2.dev20260603
libtpu: 0.0.44.dev20260713+nightly
codegen_flags: <defaults>
</compile_context>

<pallas_src>
import functools

import jax
import jax.numpy as jnp
from jax import lax
from jax.experimental import pallas as pl
from jax.experimental.pallas import tpu as pltpu
from jax.experimental.pallas import tpu_sc as plsc

N = 10000
D = 256
E = 160000
SCALE = 1.8

NC = 2
NS = 16
L = 16

NPAD = 10240
EPAD = 163840
W = 128
PW = 64
ROWS_PER_TILE = NPAD // NS
EW_PER_TILE = EPAD // NS // W
EPT = EPAD // NS
NW = EPT // PW

_mesh = plsc.VectorSubcoreMesh(core_axis_name="c", subcore_axis_name="s")


@functools.partial(
    pl.kernel,
    out_type=jax.ShapeDtypeStruct((NC, NPAD * 8), jnp.float32),
    mesh=_mesh,
    scratch_types=[
        pltpu.VMEM((W,), jnp.int32),
        pltpu.VMEM((W,), jnp.int32),
        pltpu.VMEM((W,), jnp.int32),
        pltpu.VMEM((W,), jnp.int32),
        pltpu.VMEM((W,), jnp.float32),
        pltpu.VMEM((ROWS_PER_TILE * 8,), jnp.float32),
        pltpu.VMEM_SHARED((NPAD * 8,), jnp.float32),
        pltpu.SemaphoreType.DMA,
        pltpu.SemaphoreType.DMA,
        pltpu.SemaphoreType.DMA,
    ],
)
def _sc_degree(col_hbm, deg8_hbm, cv0, cv1, cv2, colv2, ones, zbuf, deg_sh,
               sem0, sem1, sem2):
    cid = lax.axis_index("c")
    sid = lax.axis_index("s")
    colv = (cv0, cv1, cv2)
    sems = (sem0, sem1, sem2)
    NWD = EW_PER_TILE // NC
    zeros16 = jnp.zeros((L,), jnp.float32)
    for i in range(ROWS_PER_TILE * 8 // L):
        zbuf[pl.ds(i * L, L)] = zeros16
    for i in range(W // L):
        ones[pl.ds(i * L, L)] = zeros16 + 1.0

    def cwin(w):
        base = cid * (EPAD // NC) + sid * (EPAD // NC // NS) + w * W
        return col_hbm.at[pl.ds(base, W)]

    for b in range(3):
        pltpu.async_copy(cwin(b), colv[b], sems[b])
    pltpu.sync_copy(
        zbuf, deg_sh.at[pl.ds(sid * ROWS_PER_TILE * 8, ROWS_PER_TILE * 8)])
    plsc.subcore_barrier()

    lane8 = lax.broadcasted_iota(jnp.int32, (L,), 0) & 7

    def body(k, _):
        for u in range(3):
            v = k * 3 + u
            pltpu.make_async_copy(cwin(v), colv[u], sems[u]).wait()
            for j in range(W // L):
                colv2[pl.ds(j * L, L)] = colv[u][pl.ds(j * L, L)] * 8 + lane8

            @pl.when(v + 3 < NWD)
            def _():
                pltpu.async_copy(cwin(v + 3), colv[u], sems[u])

            pltpu.sync_copy(ones, deg_sh.at[colv2], add=True)
        return _

    lax.fori_loop(0, NWD // 3, body, None)
    for v in range((NWD // 3) * 3, NWD):
        u = v % 3
        pltpu.make_async_copy(cwin(v), colv[u], sems[u]).wait()
        for j in range(W // L):
            colv2[pl.ds(j * L, L)] = colv[u][pl.ds(j * L, L)] * 8 + lane8
        pltpu.sync_copy(ones, deg_sh.at[colv2], add=True)
    plsc.subcore_barrier()

    sl = ROWS_PER_TILE * 8
    pltpu.sync_copy(deg_sh.at[pl.ds(sid * sl, sl)], zbuf)
    pltpu.sync_copy(zbuf, deg8_hbm.at[cid, pl.ds(sid * sl, sl)])


def _tc_prep_body(x_ref, w1_ref, b1_ref, w2_ref, b2_ref, deg_ref, y_ref):
    i = pl.program_id(0)
    x = x_ref[...]
    dn = (((1,), (1,)), ((), ()))
    h1 = lax.dot_general(x, w1_ref[...], dn,
                         preferred_element_type=jnp.float32,
                         precision=lax.Precision.HIGHEST) + b1_ref[...]
    h2 = lax.dot_general(x, w2_ref[...], dn,
                         preferred_element_type=jnp.float32,
                         precision=lax.Precision.HIGHEST) + b2_ref[...]
    nrm = jnp.sqrt(jnp.sum(h2 * h2, axis=1, keepdims=True))
    h2 = h2 / jnp.maximum(nrm, 1e-12) * SCALE
    deg = jnp.sum(deg_ref[...], axis=(0, 2)).reshape(256, 1) + 1.0
    dis = lax.rsqrt(deg)
    rows = i * 256 + lax.broadcasted_iota(jnp.int32, (256, 1), 0)
    s = dis * (rows < N).astype(jnp.float32)
    y1 = h1 * s
    y2 = h2 * s
    y_ref[0] = y1[:, :128]
    y_ref[1] = y1[:, 128:]
    y_ref[2] = y2[:, :128]
    y_ref[3] = y2[:, 128:]


_tc_prep = pl.pallas_call(
    _tc_prep_body,
    grid=(NPAD // 256,),
    in_specs=[
        pl.BlockSpec((256, D), lambda i: (i, 0)),
        pl.BlockSpec((D, D), lambda i: (0, 0)),
        pl.BlockSpec((1, D), lambda i: (0, 0)),
        pl.BlockSpec((D, D), lambda i: (0, 0)),
        pl.BlockSpec((1, D), lambda i: (0, 0)),
        pl.BlockSpec((NC, 256, 8), lambda i: (0, i, 0)),
    ],
    out_specs=pl.BlockSpec((4, 256, 128), lambda i: (0, i, 0)),
    out_shape=jax.ShapeDtypeStruct((4, NPAD, 128), jnp.float32),
)


DEPTH = 5

_prop_scratch = (
    [pltpu.VMEM((PW,), jnp.int32) for _ in range(DEPTH)]
    + [pltpu.VMEM((PW,), jnp.int32) for _ in range(DEPTH)]
    + [pltpu.VMEM((PW, 128), jnp.float32) for _ in range(DEPTH)]
    + [pltpu.VMEM_SHARED((NPAD, 128), jnp.float32)]
    + [pltpu.SemaphoreType.DMA for _ in range(3 * DEPTH)]
)


@functools.partial(
    pl.kernel,
    out_type=jax.ShapeDtypeStruct((4 * NPAD, 128), jnp.float32),
    mesh=_mesh,
    scratch_types=_prop_scratch,
)
def _sc_prop(row_hbm, col2_hbm, y_hbm, acc_hbm, *scr):
    cid = lax.axis_index("c")
    sid = lax.axis_index("s")
    roww = scr[0:DEPTH]
    colw = scr[DEPTH:2 * DEPTH]
    g = scr[2 * DEPTH:3 * DEPTH]
    acc_sh = scr[3 * DEPTH]
    semg = scr[3 * DEPTH + 1:4 * DEPTH + 1]
    semr = scr[4 * DEPTH + 1:5 * DEPTH + 1]
    semc = scr[5 * DEPTH + 1:6 * DEPTH + 1]

    def rslice(w, qoff):
        return row_hbm.at[pl.ds(qoff + sid * EPT + w * PW, PW)]

    def cslice(w):
        return col2_hbm.at[sid * NW + w]

    def idx_start(w, b, qoff):
        pltpu.async_copy(rslice(w, qoff), roww[b], semr[b])
        pltpu.async_copy(cslice(w), colw[b], semc[b])

    def gath_start(w, b, qoff):
        pltpu.make_async_copy(rslice(w, qoff), roww[b], semr[b]).wait()
        pltpu.async_copy(y_hbm.at[roww[b]], g[b], semg[b])

    def scat(w, b):
        pltpu.make_async_copy(y_hbm.at[roww[b]], g[b], semg[b]).wait()
        pltpu.make_async_copy(cslice(w), colw[b], semc[b]).wait()
        pltpu.sync_copy(g[b], acc_sh.at[colw[b]], add=True)

    for q in range(2):
        qq = cid * 2 + q
        yoff = qq * NPAD
        qoff = qq * EPAD
        for b in range(DEPTH):
            idx_start(b, b, qoff)
        pltpu.sync_copy(
            y_hbm.at[pl.ds(yoff + sid * ROWS_PER_TILE, ROWS_PER_TILE), :],
            acc_sh.at[pl.ds(sid * ROWS_PER_TILE, ROWS_PER_TILE), :])
        plsc.subcore_barrier()

        for w in range(DEPTH - 1):
            gath_start(w, w, qoff)

        def body(k, _):
            for u in range(DEPTH):
                v = k * DEPTH + u
                scat(v, u)
                if (NW // DEPTH) * DEPTH - DEPTH + u + DEPTH < NW:
                    idx_start(v + DEPTH, u, qoff)
                else:
                    @pl.when(v + DEPTH < NW)
                    def _():
                        idx_start(v + DEPTH, u, qoff)
                if (NW // DEPTH) * DEPTH - DEPTH + u + DEPTH - 1 < NW:
                    gath_start(v + DEPTH - 1, (u + DEPTH - 1) % DEPTH, qoff)
                else:
                    @pl.when(v + DEPTH - 1 < NW)
                    def _():
                        gath_start(v + DEPTH - 1, (u + DEPTH - 1) % DEPTH,
                                   qoff)
            return _

        lax.fori_loop(0, NW // DEPTH, body, None)
        for v in range((NW // DEPTH) * DEPTH, NW):
            scat(v, v % DEPTH)
        plsc.subcore_barrier()
        pltpu.sync_copy(
            acc_sh.at[pl.ds(sid * ROWS_PER_TILE, ROWS_PER_TILE), :],
            acc_hbm.at[pl.ds(yoff + sid * ROWS_PER_TILE, ROWS_PER_TILE), :])
        plsc.subcore_barrier()


def _tc_final_body(acc_ref, deg_ref, z_ref, mu_ref):
    deg = jnp.sum(deg_ref[...], axis=(0, 2)).reshape(256, 1) + 1.0
    dis = lax.rsqrt(deg)
    mu_ref[...] = jnp.concatenate([acc_ref[0], acc_ref[1]], axis=1) * dis
    z_ref[...] = jnp.concatenate([acc_ref[2], acc_ref[3]], axis=1) * dis


_tc_final = pl.pallas_call(
    _tc_final_body,
    grid=(NPAD // 256,),
    in_specs=[
        pl.BlockSpec((4, 256, 128), lambda i: (0, i, 0)),
        pl.BlockSpec((NC, 256, 8), lambda i: (0, i, 0)),
    ],
    out_specs=[
        pl.BlockSpec((256, D), lambda i: (i, 0)),
        pl.BlockSpec((256, D), lambda i: (i, 0)),
    ],
    out_shape=[
        jax.ShapeDtypeStruct((NPAD, D), jnp.float32),
        jax.ShapeDtypeStruct((NPAD, D), jnp.float32),
    ],
)


def kernel(x, edge_index, W1, b1, W2, b2):
    row = edge_index[0].astype(jnp.int32)
    col = edge_index[1].astype(jnp.int32)
    pad = N + (jnp.arange(EPAD - E, dtype=jnp.int32) % (NPAD - N))
    row_p = jnp.concatenate([row, pad])
    col_p = jnp.concatenate([col, pad])
    x_p = jnp.pad(x, ((0, NPAD - N), (0, 0)))

    row4 = jnp.concatenate([row_p + q * NPAD for q in range(4)])

    deg8 = _sc_degree(col_p).reshape(NC, NPAD, 8)
    y4 = _tc_prep(x_p, W1, b1.reshape(1, D), W2, b2.reshape(1, D), deg8)
    acc = _sc_prop(row4, col_p.reshape(EPAD // PW, PW),
                   y4.reshape(4 * NPAD, 128))
    z, mu = _tc_final(acc.reshape(4, NPAD, 128), deg8)
    return (z[:N], mu[:N])

# --- scband reference (transcript-rebuilt; emitter-appended) ---
"""Pipeline reference for scband-my-vgnae-89043261981498 (READ-ONLY COPY).

The authoritative reference and input builder live on the scoring server;
editing this copy changes nothing except your own understanding.
"""

import jax, jax.numpy as jnp
import numpy as np

N = 10000
E = 160000
D_IN = 256
D_OUT = 256
SCALING_FACTOR = 1.8


def setup_inputs(seed: int = 0) -> dict:
    key = jax.random.key(seed)
    k1, k2, k3, k4, k5, k6 = jax.random.split(key, 6)
    x = jax.random.normal(k1, (N, D_IN), dtype=jnp.float32)
    edge_index = jax.random.randint(k2, (2, E), 0, N)
    s = 1.0 / np.sqrt(D_IN)
    W1 = jax.random.uniform(k3, (D_OUT, D_IN), minval=-s, maxval=s, dtype=jnp.float32)
    b1 = jax.random.uniform(k4, (D_OUT,), minval=-s, maxval=s, dtype=jnp.float32)
    W2 = jax.random.uniform(k5, (D_OUT, D_IN), minval=-s, maxval=s, dtype=jnp.float32)
    b2 = jax.random.uniform(k6, (D_OUT,), minval=-s, maxval=s, dtype=jnp.float32)
    return {"x": x, "edge_index": edge_index, "W1": W1, "b1": b1, "W2": W2, "b2": b2}


def _gcn_propagate(x, edge_index):
    # APPNP with K=1, alpha=0 reduces to one symmetric-normalized propagation
    # with self-loops (GCN norm), i.e. x_out = D^{-1/2} (A + I) D^{-1/2} x.
    row = edge_index[0]
    col = edge_index[1]
    loop = jnp.arange(N, dtype=row.dtype)
    row = jnp.concatenate([row, loop])
    col = jnp.concatenate([col, loop])
    ew = jnp.ones(row.shape[0], dtype=x.dtype)
    deg = jax.ops.segment_sum(ew, col, num_segments=N)
    deg_inv_sqrt = jnp.where(deg > 0, deg ** -0.5, 0.0)
    norm = deg_inv_sqrt[row] * deg_inv_sqrt[col]
    msgs = norm[:, None] * jnp.take(x, row, axis=0)
    return jax.ops.segment_sum(msgs, col, num_segments=N)


def reference(x, edge_index, W1, b1, W2, b2):
    # VGNAE branch
    x_mu = x @ W1.T + b1
    x_mu = _gcn_propagate(x_mu, edge_index)
    xz = x @ W2.T + b2
    nrm = jnp.sqrt(jnp.sum(xz * xz, axis=1, keepdims=True))
    xz = xz / jnp.maximum(nrm, 1e-12) * SCALING_FACTOR
    xz = _gcn_propagate(xz, edge_index)
    return (xz, x_mu)

if __name__ == "__main__":
    import jax
    _d = setup_inputs()
    print(jax.jit(kernel)(*tuple(_d.values())))

</pallas_src>

<mosaic_0001>
#map = affine_map<(d0, d1) -> (0)>
#map1 = affine_map<(d0, d1) -> (0, 0)>
module attributes {stable_mosaic.version = 14 : i64} {
  func.func @_sc_prop(%arg0: i32, %arg1: i32, %arg2: memref<655360xi32, #tpu.memory_space<hbm>>, %arg3: memref<2560x64xi32, #tpu.memory_space<hbm>>, %arg4: memref<40960x128xf32, #tpu.memory_space<hbm>>, %arg5: memref<40960x128xf32, #tpu.memory_space<hbm>>, %arg6: memref<64xi32, #tpu.memory_space<vmem>>, %arg7: memref<64xi32, #tpu.memory_space<vmem>>, %arg8: memref<64xi32, #tpu.memory_space<vmem>>, %arg9: memref<64xi32, #tpu.memory_space<vmem>>, %arg10: memref<64xi32, #tpu.memory_space<vmem>>, %arg11: memref<64xi32, #tpu.memory_space<vmem>>, %arg12: memref<64xi32, #tpu.memory_space<vmem>>, %arg13: memref<64xi32, #tpu.memory_space<vmem>>, %arg14: memref<64xi32, #tpu.memory_space<vmem>>, %arg15: memref<64xi32, #tpu.memory_space<vmem>>, %arg16: memref<64x128xf32, #tpu.memory_space<vmem>>, %arg17: memref<64x128xf32, #tpu.memory_space<vmem>>, %arg18: memref<64x128xf32, #tpu.memory_space<vmem>>, %arg19: memref<64x128xf32, #tpu.memory_space<vmem>>, %arg20: memref<64x128xf32, #tpu.memory_space<vmem>>, %arg21: memref<10240x128xf32, #tpu.memory_space<vmem_shared>>, %arg22: memref<!tpu.dma_semaphore, #tpu.memory_space<semaphore_mem>>, %arg23: memref<!tpu.dma_semaphore, #tpu.memory_space<semaphore_mem>>, %arg24: memref<!tpu.dma_semaphore, #tpu.memory_space<semaphore_mem>>, %arg25: memref<!tpu.dma_semaphore, #tpu.memory_space<semaphore_mem>>, %arg26: memref<!tpu.dma_semaphore, #tpu.memory_space<semaphore_mem>>, %arg27: memref<!tpu.dma_semaphore, #tpu.memory_space<semaphore_mem>>, %arg28: memref<!tpu.dma_semaphore, #tpu.memory_space<semaphore_mem>>, %arg29: memref<!tpu.dma_semaphore, #tpu.memory_space<semaphore_mem>>, %arg30: memref<!tpu.dma_semaphore, #tpu.memory_space<semaphore_mem>>, %arg31: memref<!tpu.dma_semaphore, #tpu.memory_space<semaphore_mem>>, %arg32: memref<!tpu.dma_semaphore, #tpu.memory_space<semaphore_mem>>, %arg33: memref<!tpu.dma_semaphore, #tpu.memory_space<semaphore_mem>>, %arg34: memref<!tpu.dma_semaphore, #tpu.memory_space<semaphore_mem>>, %arg35: memref<!tpu.dma_semaphore, #tpu.memory_space<semaphore_mem>>, %arg36: memref<!tpu.dma_semaphore, #tpu.memory_space<semaphore_mem>>) attributes {dimension_semantics = [#tpu.dimension_semantics<core_parallel>, #tpu.dimension_semantics<subcore_parallel>], iteration_bounds = array<i64: 2, 16>, scalar_prefetch = 0 : i64, scratch_operands = 31 : i64, tpu.core_type = #tpu.core_type<sc_vector_subcore>, window_params = [{transform_indices = #map}, {transform_indices = #map1}, {transform_indices = #map1}, {transform_indices = #map1}]} {
    %mul3A = arith.constant 2 : i32
    %mul3A_0 = arith.muli %arg0, %mul3A : i32
    %add3A = arith.constant 0 : i32
    %add3A_1 = arith.addi %mul3A_0, %add3A : i32
    %mul3A_2 = arith.constant 10240 : i32
    %mul3A_3 = arith.muli %add3A_1, %mul3A_2 : i32
    %mul3A_4 = arith.constant 163840 : i32
    %mul3A_5 = arith.muli %add3A_1, %mul3A_4 : i32
    %mul3A_6 = arith.constant 10240 : i32
    %mul3A_7 = arith.muli %arg1, %mul3A_6 : i32
    %add3A_8 = arith.addi %mul3A_5, %mul3A_7 : i32
    %add3A_9 = arith.constant 0 : i32
    %add3A_10 = arith.addi %add3A_8, %add3A_9 : i32
    %dma_start3A = tpu.memref_slice %arg2[%add3A_10] : memref<655360xi32, #tpu.memory_space<hbm>> -> memref<64xi32, #tpu.memory_space<hbm>>
    %dma_start3A_11 = tpu.memref_slice %arg2[%add3A_10] : memref<655360xi32, #tpu.memory_space<hbm>> -> memref<64xi32, #tpu.memory_space<hbm>>
    tpu.enqueue_dma source(%dma_start3A_11 : memref<64xi32, #tpu.memory_space<hbm>>) target(%arg6 : memref<64xi32, #tpu.memory_space<vmem>>) target_semaphore(%arg27 : memref<!tpu.dma_semaphore, #tpu.memory_space<semaphore_mem>>)
    %mul3A_12 = arith.constant 160 : i32
    %mul3A_13 = arith.muli %arg1, %mul3A_12 : i32
    %add3A_14 = arith.constant 0 : i32
    %add3A_15 = arith.addi %mul3A_13, %add3A_14 : i32
    %dma_start3A_16 = arith.constant 0 : i32
    %dma_start3A_17 = tpu.memref_slice %arg3[%add3A_15, %dma_start3A_16] : memref<2560x64xi32, #tpu.memory_space<hbm>> -> memref<1x64xi32, #tpu.memory_space<hbm>>
    %dma_start3A_18 = tpu.memref_squeeze %dma_start3A_17 : memref<1x64xi32, #tpu.memory_space<hbm>> -> memref<64xi32, #tpu.memory_space<hbm>>
    %dma_start3A_19 = arith.constant 0 : i32
    %dma_start3A_20 = tpu.memref_slice %arg3[%add3A_15, %dma_start3A_19] : memref<2560x64xi32, #tpu.memory_space<hbm>> -> memref<1x64xi32, #tpu.memory_space<hbm>>
    %dma_start3A_21 = tpu.memref_squeeze %dma_start3A_20 : memref<1x64xi32, #tpu.memory_space<hbm>> -> memref<64xi32, #tpu.memory_space<hbm>>
    tpu.enqueue_dma source(%dma_start3A_21 : memref<64xi32, #tpu.memory_space<hbm>>) target(%arg11 : memref<64xi32, #tpu.memory_space<vmem>>) target_semaphore(%arg32 : memref<!tpu.dma_semaphore, #tpu.memory_space<semaphore_mem>>)
    %mul3A_22 = arith.constant 10240 : i32
    %mul3A_23 = arith.muli %arg1, %mul3A_22 : i32
    %add3A_24 = arith.addi %mul3A_5, %mul3A_23 : i32
    %add3A_25 = arith.constant 64 : i32
    %add3A_26 = arith.addi %add3A_24, %add3A_25 : i32
    %dma_start3A_27 = tpu.memref_slice %arg2[%add3A_26] : memref<655360xi32, #tpu.memory_space<hbm>> -> memref<64xi32, #tpu.memory_space<hbm>>
    %dma_start3A_28 = tpu.memref_slice %arg2[%add3A_26] : memref<655360xi32, #tpu.memory_space<hbm>> -> memref<64xi32, #tpu.memory_space<hbm>>
    tpu.enqueue_dma source(%dma_start3A_28 : memref<64xi32, #tpu.memory_space<hbm>>) target(%arg7 : memref<64xi32, #tpu.memory_space<vmem>>) target_semaphore(%arg28 : memref<!tpu.dma_semaphore, #tpu.memory_space<semaphore_mem>>)
    %mul3A_29 = arith.constant 160 : i32
    %mul3A_30 = arith.muli %arg1, %mul3A_29 : i32
    %add3A_31 = arith.constant 1 : i32
    %add3A_32 = arith.addi %mul3A_30, %add3A_31 : i32
    %dma_start3A_33 = arith.constant 0 : i32
    %dma_start3A_34 = tpu.memref_slice %arg3[%add3A_32, %dma_start3A_33] : memref<2560x64xi32, #tpu.memory_space<hbm>> -> memref<1x64xi32, #tpu.memory_space<hbm>>
    %dma_start3A_35 = tpu.memref_squeeze %dma_start3A_34 : memref<1x64xi32, #tpu.memory_space<hbm>> -> memref<64xi32, #tpu.memory_space<hbm>>
    %dma_start3A_36 = arith.constant 0 : i32
    %dma_start3A_37 = tpu.memref_slice %arg3[%add3A_32, %dma_start3A_36] : memref<2560x64xi32, #tpu.memory_space<hbm>> -> memref<1x64xi32, #tpu.memory_space<hbm>>
    %dma_start3A_38 = tpu.memref_squeeze %dma_start3A_37 : memref<1x64xi32, #tpu.memory_space<hbm>> -> memref<64xi32, #tpu.memory_space<hbm>>
    tpu.enqueue_dma source(%dma_start3A_38 : memref<64xi32, #tpu.memory_space<hbm>>) target(%arg12 : memref<64xi32, #tpu.memory_space<vmem>>) target_semaphore(%arg33 : memref<!tpu.dma_semaphore, #tpu.memory_space<semaphore_mem>>)
    %mul3A_39 = arith.constant 10240 : i32
    %mul3A_40 = arith.muli %arg1, %mul3A_39 : i32
    %add3A_41 = arith.addi %mul3A_5, %mul3A_40 : i32
    %add3A_42 = arith.constant 128 : i32
    %add3A_43 = arith.addi %add3A_41, %add3A_42 : i32
    %dma_start3A_44 = tpu.memref_slice %arg2[%add3A_43] : memref<655360xi32, #tpu.memory_space<hbm>> -> memref<64xi32, #tpu.memory_space<hbm>>
    %dma_start3A_45 = tpu.memref_slice %arg2[%add3A_43] : memref<655360xi32, #tpu.memory_space<hbm>> -> memref<64xi32, #tpu.memory_space<hbm>>
    tpu.enqueue_dma source(%dma_start3A_45 : memref<64xi32, #tpu.memory_space<hbm>>) target(%arg8 : memref<64xi32, #tpu.memory_space<vmem>>) target_semaphore(%arg29 : memref<!tpu.dma_semaphore, #tpu.memory_space<semaphore_mem>>)
    %mul3A_46 = arith.constant 160 : i32
    %mul3A_47 = arith.muli %arg1, %mul3A_46 : i32
    %add3A_48 = arith.constant 2 : i32
    %add3A_49 = arith.addi %mul3A_47, %add3A_48 : i32
    %dma_start3A_50 = arith.constant 0 : i32
    %dma_start3A_51 = tpu.memref_slice %arg3[%add3A_49, %dma_start3A_50] : memref<2560x64xi32, #tpu.memory_space<hbm>> -> memref<1x64xi32, #tpu.memory_space<hbm>>
    %dma_start3A_52 = tpu.memref_squeeze %dma_start3A_51 : memref<1x64xi32, #tpu.memory_space<hbm>> -> memref<64xi32, #tpu.memory_space<hbm>>
    %dma_start3A_53 = arith.constant 0 : i32
    %dma_start3A_54 = tpu.memref_slice %arg3[%add3A_49, %dma_start3A_53] : memref<2560x64xi32, #tpu.memory_space<hbm>> -> memref<1x64xi32, #tpu.memory_space<hbm>>
    %dma_start3A_55 = tpu.memref_squeeze %dma_start3A_54 : memref<1x64xi32, #tpu.memory_space<hbm>> -> memref<64xi32, #tpu.memory_space<hbm>>
    tpu.enqueue_dma source(%dma_start3A_55 : memref<64xi32, #tpu.memory_space<hbm>>) target(%arg13 : memref<64xi32, #tpu.memory_space<vmem>>) target_semaphore(%arg34 : memref<!tpu.dma_semaphore, #tpu.memory_space<semaphore_mem>>)
    %mul3A_56 = arith.constant 10240 : i32
    %mul3A_57 = arith.muli %arg1, %mul3A_56 : i32
    %add3A_58 = arith.addi %mul3A_5, %mul3A_57 : i32
    %add3A_59 = arith.constant 192 : i32
    %add3A_60 = arith.addi %add3A_58, %add3A_59 : i32
    %dma_start3A_61 = tpu.memref_slice %arg2[%add3A_60] : memref<655360xi32, #tpu.memory_space<hbm>> -> memref<64xi32, #tpu.memory_space<hbm>>
    %dma_start3A_62 = tpu.memref_slice %arg2[%add3A_60] : memref<655360xi32, #tpu.memory_space<hbm>> -> memref<64xi32, #tpu.memory_space<hbm>>
    tpu.enqueue_dma source(%dma_start3A_62 : memref<64xi32, #tpu.memory_space<hbm>>) target(%arg9 : memref<64xi32, #tpu.memory_space<vmem>>) target_semaphore(%arg30 : memref<!tpu.dma_semaphore, #tpu.memory_space<semaphore_mem>>)
    %mul3A_63 = arith.constant 160 : i32
    %mul3A_64 = arith.muli %arg1, %mul3A_63 : i32
    %add3A_65 = arith.constant 3 : i32
    %add3A_66 = arith.addi %mul3A_64, %add3A_65 : i32
    %dma_start3A_67 = arith.constant 0 : i32
    %dma_start3A_68 = tpu.memref_slice %arg3[%add3A_66, %dma_start3A_67] : memref<2560x64xi32, #tpu.memory_space<hbm>> -> memref<1x64xi32, #tpu.memory_space<hbm>>
    %dma_start3A_69 = tpu.memref_squeeze %dma_start3A_68 : memref<1x64xi32, #tpu.memory_space<hbm>> -> memref<64xi32, #tpu.memory_space<hbm>>
    %dma_start3A_70 = arith.constant 0 : i32
    %dma_start3A_71 = tpu.memref_slice %arg3[%add3A_66, %dma_start3A_70] : memref<2560x64xi32, #tpu.memory_space<hbm>> -> memref<1x64xi32, #tpu.memory_space<hbm>>
    %dma_start3A_72 = tpu.memref_squeeze %dma_start3A_71 : memref<1x64xi32, #tpu.memory_space<hbm>> -> memref<64xi32, #tpu.memory_space<hbm>>
    tpu.enqueue_dma source(%dma_start3A_72 : memref<64xi32, #tpu.memory_space<hbm>>) target(%arg14 : memref<64xi32, #tpu.memory_space<vmem>>) target_semaphore(%arg35 : memref<!tpu.dma_semaphore, #tpu.memory_space<semaphore_mem>>)
    %mul3A_73 = arith.constant 10240 : i32
    %mul3A_74 = arith.muli %arg1, %mul3A_73 : i32
    %add3A_75 = arith.addi %mul3A_5, %mul3A_74 : i32
    %add3A_76 = arith.constant 256 : i32
    %add3A_77 = arith.addi %add3A_75, %add3A_76 : i32
    %dma_start3A_78 = tpu.memref_slice %arg2[%add3A_77] : memref<655360xi32, #tpu.memory_space<hbm>> -> memref<64xi32, #tpu.memory_space<hbm>>
    %dma_start3A_79 = tpu.memref_slice %arg2[%add3A_77] : memref<655360xi32, #tpu.memory_space<hbm>> -> memref<64xi32, #tpu.memory_space<hbm>>
    tpu.enqueue_dma source(%dma_start3A_79 : memref<64xi32, #tpu.memory_space<hbm>>) target(%arg10 : memref<64xi32, #tpu.memory_space<vmem>>) target_semaphore(%arg31 : memref<!tpu.dma_semaphore, #tpu.memory_space<semaphore_mem>>)
    %mul3A_80 = arith.constant 160 : i32
    %mul3A_81 = arith.muli %arg1, %mul3A_80 : i32
    %add3A_82 = arith.constant 4 : i32
    %add3A_83 = arith.addi %mul3A_81, %add3A_82 : i32
    %dma_start3A_84 = arith.constant 0 : i32
    %dma_start3A_85 = tpu.memref_slice %arg3[%add3A_83, %dma_start3A_84] : memref<2560x64xi32, #tpu.memory_space<hbm>> -> memref<1x64xi32, #tpu.memory_space<hbm>>
    %dma_start3A_86 = tpu.memref_squeeze %dma_start3A_85 : memref<1x64xi32, #tpu.memory_space<hbm>> -> memref<64xi32, #tpu.memory_space<hbm>>
    %dma_start3A_87 = arith.constant 0 : i32
    %dma_start3A_88 = tpu.memref_slice %arg3[%add3A_83, %dma_start3A_87] : memref<2560x64xi32, #tpu.memory_space<hbm>> -> memref<1x64xi32, #tpu.memory_space<hbm>>
    %dma_start3A_89 = tpu.memref_squeeze %dma_start3A_88 : memref<1x64xi32, #tpu.memory_space<hbm>> -> memref<64xi32, #tpu.memory_space<hbm>>
    tpu.enqueue_dma source(%dma_start3A_89 : memref<64xi32, #tpu.memory_space<hbm>>) target(%arg15 : memref<64xi32, #tpu.memory_space<vmem>>) target_semaphore(%arg36 : memref<!tpu.dma_semaphore, #tpu.memory_space<semaphore_mem>>)
    %mul3A_90 = arith.constant 640 : i32
    %mul3A_91 = arith.muli %arg1, %mul3A_90 : i32
    %add3A_92 = arith.addi %mul3A_3, %mul3A_91 : i32
    %mul3A_93 = arith.constant 640 : i32
    %mul3A_94 = arith.muli %arg1, %mul3A_93 : i32
    "tpu.region"() ({
      %run_scoped3A = tpu.sem_alloc : memref<!tpu.dma_semaphore, #tpu.memory_space<semaphore_mem>>
      %dma_start3A_296 = arith.constant 0 : i32
      %dma_start3A_297 = tpu.memref_slice %arg21[%mul3A_94, %dma_start3A_296] : memref<10240x128xf32, #tpu.memory_space<vmem_shared>> -> memref<640x128xf32, #tpu.memory_space<vmem_shared>>
      %dma_start3A_298 = arith.constant 0 : i32
      %dma_start3A_299 = tpu.memref_slice %arg4[%add3A_92, %dma_start3A_298] : memref<40960x128xf32, #tpu.memory_space<hbm>> -> memref<640x128xf32, #tpu.memory_space<hbm>>
      tpu.enqueue_dma source(%dma_start3A_299 : memref<640x128xf32, #tpu.memory_space<hbm>>) target(%dma_start3A_297 : memref<640x128xf32, #tpu.memory_space<vmem_shared>>) target_semaphore(%run_scoped3A : memref<!tpu.dma_semaphore, #tpu.memory_space<semaphore_mem>>)
      %dma_wait3A_300 = arith.constant 0 : i32
      %dma_wait3A_301 = tpu.memref_slice %arg21[%mul3A_94, %dma_wait3A_300] : memref<10240x128xf32, #tpu.memory_space<vmem_shared>> -> memref<640x128xf32, #tpu.memory_space<vmem_shared>>
      %dma_wait3A_302 = arith.constant 0 : i32
      %dma_wait3A_303 = tpu.memref_slice %arg4[%add3A_92, %dma_wait3A_302] : memref<40960x128xf32, #tpu.memory_space<hbm>> -> memref<640x128xf32, #tpu.memory_space<hbm>>
      tpu.wait_dma2 semaphore(%run_scoped3A : memref<!tpu.dma_semaphore, #tpu.memory_space<semaphore_mem>>) src(%dma_wait3A_303 : memref<640x128xf32, #tpu.memory_space<hbm>>) dst(%dma_wait3A_301 : memref<640x128xf32, #tpu.memory_space<vmem_shared>>)
      tpu.yield
    }) : () -> ()
    %barrier3A = arith.constant 0 : index
    tpu.barrier barrier_id(%barrier3A)
    %mul3A_95 = arith.constant 10240 : i32
    %mul3A_96 = arith.muli %arg1, %mul3A_95 : i32
    %add3A_97 = arith.addi %mul3A_5, %mul3A_96 : i32
    %add3A_98 = arith.constant 0 : i32
    %add3A_99 = arith.addi %add3A_97, %add3A_98 : i32
    %dma_wait3A = tpu.memref_slice %arg2[%add3A_99] : memref<655360xi32, #tpu.memory_space<hbm>> -> memref<64xi32, #tpu.memory_space<hbm>>
    %dma_wait3A_100 = tpu.memref_slice %arg2[%add3A_99] : memref<655360xi32, #tpu.memory_space<hbm>> -> memref<64xi32, #tpu.memory_space<hbm>>
    tpu.wait_dma2 semaphore(%arg27 : memref<!tpu.dma_semaphore, #tpu.memory_space<semaphore_mem>>) src(%dma_wait3A_100 : memref<64xi32, #tpu.memory_space<hbm>>) dst(%arg6 : memref<64xi32, #tpu.memory_space<vmem>>)
    %dma_start3A_101 = arith.constant 0 : i32
    %dma_start3A_102 = arith.constant 0 : i32
    %dma_start3A_103 = tpu.memref_slice %arg4[%dma_start3A_101, %dma_start3A_102] : memref<40960x128xf32, #tpu.memory_space<hbm>> -> memref<40960x128xf32, #tpu.memory_space<hbm>>
    tpu.enqueue_indirect_dma source(%dma_start3A_103 : memref<40960x128xf32, #tpu.memory_space<hbm>>) target(%arg16 : memref<64x128xf32, #tpu.memory_space<vmem>>) offsets(%arg6 : memref<64xi32, #tpu.memory_space<vmem>>) semaphore(%arg22 : memref<!tpu.dma_semaphore, #tpu.memory_space<semaphore_mem>>)
    %mul3A_104 = arith.constant 10240 : i32
    %mul3A_105 = arith.muli %arg1, %mul3A_104 : i32
    %add3A_106 = arith.addi %mul3A_5, %mul3A_105 : i32
    %add3A_107 = arith.constant 64 : i32
    %add3A_108 = arith.addi %add3A_106, %add3A_107 : i32
    %dma_wait3A_109 = tpu.memref_slice %arg2[%add3A_108] : memref<655360xi32, #tpu.memory_space<hbm>> -> memref<64xi32, #tpu.memory_space<hbm>>
    %dma_wait3A_110 = tpu.memref_slice %arg2[%add3A_108] : memref<655360xi32, #tpu.memory_space<hbm>> -> memref<64xi32, #tpu.memory_space<hbm>>
    tpu.wait_dma2 semaphore(%arg28 : memref<!tpu.dma_semaphore, #tpu.memory_space<semaphore_mem>>) src(%dma_wait3A_110 : memref<64xi32, #tpu.memory_space<hbm>>) dst(%arg7 : memref<64xi32, #tpu.memory_space<vmem>>)
    %dma_start3A_111 = arith.constant 0 : i32
    %dma_start3A_112 = arith.constant 0 : i32
    %dma_start3A_113 = tpu.memref_slice %arg4[%dma_start3A_111, %dma_start3A_112] : memref<40960x128xf32, #tpu.memory_space<hbm>> -> memref<40960x128xf32, #tpu.memory_space<hbm>>
    tpu.enqueue_indirect_dma source(%dma_start3A_113 : memref<40960x128xf32, #tpu.memory_space<hbm>>) target(%arg17 : memref<64x128xf32, #tpu.memory_space<vmem>>) offsets(%arg7 : memref<64xi32, #tpu.memory_space<vmem>>) semaphore(%arg23 : memref<!tpu.dma_semaphore, #tpu.memory_space<semaphore_mem>>)
    %mul3A_114 = arith.constant 10240 : i32
    %mul3A_115 = arith.muli %arg1, %mul3A_114 : i32
    %add3A_116 = arith.addi %mul3A_5, %mul3A_115 : i32
    %add3A_117 = arith.constant 128 : i32
    %add3A_118 = arith.addi %add3A_116, %add3A_117 : i32
    %dma_wait3A_119 = tpu.memref_slice %arg2[%add3A_118] : memref<655360xi32, #tpu.memory_space<hbm>> -> memref<64xi32, #tpu.memory_space<hbm>>
    %dma_wait3A_120 = tpu.memref_slice %arg2[%add3A_118] : memref<655360xi32, #tpu.memory_space<hbm>> -> memref<64xi32, #tpu.memory_space<hbm>>
    tpu.wait_dma2 semaphore(%arg29 : memref<!tpu.dma_semaphore, #tpu.memory_space<semaphore_mem>>) src(%dma_wait3A_120 : memref<64xi32, #tpu.memory_space<hbm>>) dst(%arg8 : memref<64xi32, #tpu.memory_space<vmem>>)
    %dma_start3A_121 = arith.constant 0 : i32
    %dma_start3A_122 = arith.constant 0 : i32
    %dma_start3A_123 = tpu.memref_slice %arg4[%dma_start3A_121, %dma_start3A_122] : memref<40960x128xf32, #tpu.memory_space<hbm>> -> memref<40960x128xf32, #tpu.memory_space<hbm>>
    tpu.enqueue_indirect_dma source(%dma_start3A_123 : memref<40960x128xf32, #tpu.memory_space<hbm>>) target(%arg18 : memref<64x128xf32, #tpu.memory_space<vmem>>) offsets(%arg8 : memref<64xi32, #tpu.memory_space<vmem>>) semaphore(%arg24 : memref<!tpu.dma_semaphore, #tpu.memory_space<semaphore_mem>>)
    %mul3A_124 = arith.constant 10240 : i32
    %mul3A_125 = arith.muli %arg1, %mul3A_124 : i32
    %add3A_126 = arith.addi %mul3A_5, %mul3A_125 : i32
    %add3A_127 = arith.constant 192 : i32
    %add3A_128 = arith.addi %add3A_126, %add3A_127 : i32
    %dma_wait3A_129 = tpu.memref_slice %arg2[%add3A_128] : memref<655360xi32, #tpu.memory_space<hbm>> -> memref<64xi32, #tpu.memory_space<hbm>>
    %dma_wait3A_130 = tpu.memref_slice %arg2[%add3A_128] : memref<655360xi32, #tpu.memory_space<hbm>> -> memref<64xi32, #tpu.memory_space<hbm>>
    tpu.wait_dma2 semaphore(%arg30 : memref<!tpu.dma_semaphore, #tpu.memory_space<semaphore_mem>>) src(%dma_wait3A_130 : memref<64xi32, #tpu.memory_space<hbm>>) dst(%arg9 : memref<64xi32, #tpu.memory_space<vmem>>)
    %dma_start3A_131 = arith.constant 0 : i32
    %dma_start3A_132 = arith.constant 0 : i32
    %dma_start3A_133 = tpu.memref_slice %arg4[%dma_start3A_131, %dma_start3A_132] : memref<40960x128xf32, #tpu.memory_space<hbm>> -> memref<40960x128xf32, #tpu.memory_space<hbm>>
    tpu.enqueue_indirect_dma source(%dma_start3A_133 : memref<40960x128xf32, #tpu.memory_space<hbm>>) target(%arg19 : memref<64x128xf32, #tpu.memory_space<vmem>>) offsets(%arg9 : memref<64xi32, #tpu.memory_space<vmem>>) semaphore(%arg25 : memref<!tpu.dma_semaphore, #tpu.memory_space<semaphore_mem>>)
    %scan3A = arith.constant 0 : i32
    %scan3A_134 = arith.constant 32 : i32
    %scan3A_135 = arith.addi %scan3A, %scan3A_134 : i32
    %scan3A_136 = arith.constant 1 : i32
    scf.for %scan3A_296 = %scan3A to %scan3A_135 step %scan3A_136  : i32 {
      %mul3A_297 = arith.constant 5 : i32
      %mul3A_298 = arith.muli %scan3A_296, %mul3A_297 : i32
      %add3A_299 = arith.constant 0 : i32
      %add3A_300 = arith.addi %mul3A_298, %add3A_299 : i32
      %dma_wait3A_301 = arith.constant 0 : i32
      %dma_wait3A_302 = arith.constant 0 : i32
      %dma_wait3A_303 = tpu.memref_slice %arg4[%dma_wait3A_301, %dma_wait3A_302] : memref<40960x128xf32, #tpu.memory_space<hbm>> -> memref<40960x128xf32, #tpu.memory_space<hbm>>
      tpu.wait_indirect_dma semaphore(%arg22 : memref<!tpu.dma_semaphore, #tpu.memory_space<semaphore_mem>>) src(%dma_wait3A_303 : memref<40960x128xf32, #tpu.memory_space<hbm>>) dst(%arg16 : memref<64x128xf32, #tpu.memory_space<vmem>>)
      %mul3A_304 = arith.constant 160 : i32
      %mul3A_305 = arith.muli %arg1, %mul3A_304 : i32
      %add3A_306 = arith.addi %mul3A_305, %add3A_300 : i32
      %dma_wait3A_307 = arith.constant 0 : i32
      %dma_wait3A_308 = tpu.memref_slice %arg3[%add3A_306, %dma_wait3A_307] : memref<2560x64xi32, #tpu.memory_space<hbm>> -> memref<1x64xi32, #tpu.memory_space<hbm>>
      %dma_wait3A_309 = tpu.memref_squeeze %dma_wait3A_308 : memref<1x64xi32, #tpu.memory_space<hbm>> -> memref<64xi32, #tpu.memory_space<hbm>>
      %dma_wait3A_310 = arith.constant 0 : i32
      %dma_wait3A_311 = tpu.memref_slice %arg3[%add3A_306, %dma_wait3A_310] : memref<2560x64xi32, #tpu.memory_space<hbm>> -> memref<1x64xi32, #tpu.memory_space<hbm>>
      %dma_wait3A_312 = tpu.memref_squeeze %dma_wait3A_311 : memref<1x64xi32, #tpu.memory_space<hbm>> -> memref<64xi32, #tpu.memory_space<hbm>>
      tpu.wait_dma2 semaphore(%arg32 : memref<!tpu.dma_semaphore, #tpu.memory_space<semaphore_mem>>) src(%dma_wait3A_312 : memref<64xi32, #tpu.memory_space<hbm>>) dst(%arg11 : memref<64xi32, #tpu.memory_space<vmem>>)
      "tpu.region"() ({
        %run_scoped3A = tpu.sem_alloc : memref<!tpu.dma_semaphore, #tpu.memory_space<semaphore_mem>>
        %dma_start3A_459 = arith.constant 0 : i32
        %dma_start3A_460 = arith.constant 0 : i32
        %dma_start3A_461 = tpu.memref_slice %arg21[%dma_start3A_459, %dma_start3A_460] : memref<10240x128xf32, #tpu.memory_space<vmem_shared>> -> memref<10240x128xf32, #tpu.memory_space<vmem_shared>>
        tpu.enqueue_indirect_dma source(%arg16 : memref<64x128xf32, #tpu.memory_space<vmem>>) target(%dma_start3A_461 : memref<10240x128xf32, #tpu.memory_space<vmem_shared>>) offsets(%arg11 : memref<64xi32, #tpu.memory_space<vmem>>) semaphore(%run_scoped3A : memref<!tpu.dma_semaphore, #tpu.memory_space<semaphore_mem>>) {add = true}
        %dma_wait3A_462 = arith.constant 0 : i32
        %dma_wait3A_463 = arith.constant 0 : i32
        %dma_wait3A_464 = tpu.memref_slice %arg21[%dma_wait3A_462, %dma_wait3A_463] : memref<10240x128xf32, #tpu.memory_space<vmem_shared>> -> memref<10240x128xf32, #tpu.memory_space<vmem_shared>>
        tpu.wait_indirect_dma semaphore(%run_scoped3A : memref<!tpu.dma_semaphore, #tpu.memory_space<semaphore_mem>>) src(%arg16 : memref<64x128xf32, #tpu.memory_space<vmem>>) dst(%dma_wait3A_464 : memref<10240x128xf32, #tpu.memory_space<vmem_shared>>)
        tpu.yield
      }) : () -> ()
      %add3A_313 = arith.constant 5 : i32
      %add3A_314 = arith.addi %add3A_300, %add3A_313 : i32
      %lt3A = arith.constant 160 : i32
      %lt3A_315 = arith.cmpi slt, %add3A_314, %lt3A : i32
      %convert_element_type3A = arith.extui %lt3A_315 : i1 to i32
      %cond3A = arith.constant 0 : i32
      %cond3A_316 = arith.cmpi ne, %convert_element_type3A, %cond3A : i32
      scf.if %cond3A_316 {
        %add3A_459 = arith.constant 5 : i32
        %add3A_460 = arith.addi %add3A_300, %add3A_459 : i32
        %mul3A_461 = arith.constant 10240 : i32
        %mul3A_462 = arith.muli %arg1, %mul3A_461 : i32
        %add3A_463 = arith.addi %mul3A_5, %mul3A_462 : i32
        %mul3A_464 = arith.constant 64 : i32
        %mul3A_465 = arith.muli %add3A_460, %mul3A_464 : i32
        %add3A_466 = arith.addi %add3A_463, %mul3A_465 : i32
        %dma_start3A_467 = tpu.memref_slice %arg2[%add3A_466] : memref<655360xi32, #tpu.memory_space<hbm>> -> memref<64xi32, #tpu.memory_space<hbm>>
        %dma_start3A_468 = tpu.memref_slice %arg2[%add3A_466] : memref<655360xi32, #tpu.memory_space<hbm>> -> memref<64xi32, #tpu.memory_space<hbm>>
        tpu.enqueue_dma source(%dma_start3A_468 : memref<64xi32, #tpu.memory_space<hbm>>) target(%arg6 : memref<64xi32, #tpu.memory_space<vmem>>) target_semaphore(%arg27 : memref<!tpu.dma_semaphore, #tpu.memory_space<semaphore_mem>>)
        %mul3A_469 = arith.constant 160 : i32
        %mul3A_470 = arith.muli %arg1, %mul3A_469 : i32
        %add3A_471 = arith.addi %mul3A_470, %add3A_460 : i32
        %dma_start3A_472 = arith.constant 0 : i32
        %dma_start3A_473 = tpu.memref_slice %arg3[%add3A_471, %dma_start3A_472] : memref<2560x64xi32, #tpu.memory_space<hbm>> -> memref<1x64xi32, #tpu.memory_space<hbm>>
        %dma_start3A_474 = tpu.memref_squeeze %dma_start3A_473 : memref<1x64xi32, #tpu.memory_space<hbm>> -> memref<64xi32, #tpu.memory_space<hbm>>
        %dma_start3A_475 = arith.constant 0 : i32
        %dma_start3A_476 = tpu.memref_slice %arg3[%add3A_471, %dma_start3A_475] : memref<2560x64xi32, #tpu.memory_space<hbm>> -> memref<1x64xi32, #tpu.memory_space<hbm>>
        %dma_start3A_477 = tpu.memref_squeeze %dma_start3A_476 : memref<1x64xi32, #tpu.memory_space<hbm>> -> memref<64xi32, #tpu.memory_space<hbm>>
        tpu.enqueue_dma source(%dma_start3A_477 : memref<64xi32, #tpu.memory_space<hbm>>) target(%arg11 : memref<64xi32, #tpu.memory_space<vmem>>) target_semaphore(%arg32 : memref<!tpu.dma_semaphore, #tpu.memory_space<semaphore_mem>>)
      } else {
      }
      %add3A_317 = arith.constant 5 : i32
      %add3A_318 = arith.addi %add3A_300, %add3A_317 : i32
      %sub3A = arith.constant 1 : i32
      %sub3A_319 = arith.subi %add3A_318, %sub3A : i32
      %mul3A_320 = arith.constant 10240 : i32
      %mul3A_321 = arith.muli %arg1, %mul3A_320 : i32
      %add3A_322 = arith.addi %mul3A_5, %mul3A_321 : i32
      %mul3A_323 = arith.constant 64 : i32
      %mul3A_324 = arith.muli %sub3A_319, %mul3A_323 : i32
      %add3A_325 = arith.addi %add3A_322, %mul3A_324 : i32
      %dma_wait3A_326 = tpu.memref_slice %arg2[%add3A_325] : memref<655360xi32, #tpu.memory_space<hbm>> -> memref<64xi32, #tpu.memory_space<hbm>>
      %dma_wait3A_327 = tpu.memref_slice %arg2[%add3A_325] : memref<655360xi32, #tpu.memory_space<hbm>> -> memref<64xi32, #tpu.memory_space<hbm>>
      tpu.wait_dma2 semaphore(%arg31 : memref<!tpu.dma_semaphore, #tpu.memory_space<semaphore_mem>>) src(%dma_wait3A_327 : memref<64xi32, #tpu.memory_space<hbm>>) dst(%arg10 : memref<64xi32, #tpu.memory_space<vmem>>)
      %dma_start3A_328 = arith.constant 0 : i32
      %dma_start3A_329 = arith.constant 0 : i32
      %dma_start3A_330 = tpu.memref_slice %arg4[%dma_start3A_328, %dma_start3A_329] : memref<40960x128xf32, #tpu.memory_space<hbm>> -> memref<40960x128xf32, #tpu.memory_space<hbm>>
      tpu.enqueue_indirect_dma source(%dma_start3A_330 : memref<40960x128xf32, #tpu.memory_space<hbm>>) target(%arg20 : memref<64x128xf32, #tpu.memory_space<vmem>>) offsets(%arg10 : memref<64xi32, #tpu.memory_space<vmem>>) semaphore(%arg26 : memref<!tpu.dma_semaphore, #tpu.memory_space<semaphore_mem>>)
      %mul3A_331 = arith.constant 5 : i32
      %mul3A_332 = arith.muli %scan3A_296, %mul3A_331 : i32
      %add3A_333 = arith.constant 1 : i32
      %add3A_334 = arith.addi %mul3A_332, %add3A_333 : i32
      %dma_wait3A_335 = arith.constant 0 : i32
      %dma_wait3A_336 = arith.constant 0 : i32
      %dma_wait3A_337 = tpu.memref_slice %arg4[%dma_wait3A_335, %dma_wait3A_336] : memref<40960x128xf32, #tpu.memory_space<hbm>> -> memref<40960x128xf32, #tpu.memory_space<hbm>>
      tpu.wait_indirect_dma semaphore(%arg23 : memref<!tpu.dma_semaphore, #tpu.memory_space<semaphore_mem>>) src(%dma_wait3A_337 : memref<40960x128xf32, #tpu.memory_space<hbm>>) dst(%arg17 : memref<64x128xf32, #tpu.memory_space<vmem>>)
      %mul3A_338 = arith.constant 160 : i32
      %mul3A_339 = arith.muli %arg1, %mul3A_338 : i32
      %add3A_340 = arith.addi %mul3A_339, %add3A_334 : i32
      %dma_wait3A_341 = arith.constant 0 : i32
      %dma_wait3A_342 = tpu.memref_slice %arg3[%add3A_340, %dma_wait3A_341] : memref<2560x64xi32, #tpu.memory_space<hbm>> -> memref<1x64xi32, #tpu.memory_space<hbm>>
      %dma_wait3A_343 = tpu.memref_squeeze %dma_wait3A_342 : memref<1x64xi32, #tpu.memory_space<hbm>> -> memref<64xi32, #tpu.memory_space<hbm>>
      %dma_wait3A_344 = arith.constant 0 : i32
      %dma_wait3A_345 = tpu.memref_slice %arg3[%add3A_340, %dma_wait3A_344] : memref<2560x64xi32, #tpu.memory_space<hbm>> -> memref<1x64xi32, #tpu.memory_space<hbm>>
      %dma_wait3A_346 = tpu.memref_squeeze %dma_wait3A_345 : memref<1x64xi32, #tpu.memory_space<hbm>> -> memref<64xi32, #tpu.memory_space<hbm>>
      tpu.wait_dma2 semaphore(%arg33 : memref<!tpu.dma_semaphore, #tpu.memory_space<semaphore_mem>>) src(%dma_wait3A_346 : memref<64xi32, #tpu.memory_space<hbm>>) dst(%arg12 : memref<64xi32, #tpu.memory_space<vmem>>)
      "tpu.region"() ({
        %run_scoped3A = tpu.sem_alloc : memref<!tpu.dma_semaphore, #tpu.memory_space<semaphore_mem>>
        %dma_start3A_459 = arith.constant 0 : i32
        %dma_start3A_460 = arith.constant 0 : i32
        %dma_start3A_461 = tpu.memref_slice %arg21[%dma_start3A_459, %dma_start3A_460] : memref<10240x128xf32, #tpu.memory_space<vmem_shared>> -> memref<10240x128xf32, #tpu.memory_space<vmem_shared>>
        tpu.enqueue_indirect_dma source(%arg17 : memref<64x128xf32, #tpu.memory_space<vmem>>) target(%dma_start3A_461 : memref<10240x128xf32, #tpu.memory_space<vmem_shared>>) offsets(%arg12 : memref<64xi32, #tpu.memory_space<vmem>>) semaphore(%run_scoped3A : memref<!tpu.dma_semaphore, #tpu.memory_space<semaphore_mem>>) {add = true}
        %dma_wait3A_462 = arith.constant 0 : i32
        %dma_wait3A_463 = arith.constant 0 : i32
        %dma_wait3A_464 = tpu.memref_slice %arg21[%dma_wait3A_462, %dma_wait3A_463] : memref<10240x128xf32, #tpu.memory_space<vmem_shared>> -> memref<10240x128xf32, #tpu.memory_space<vmem_shared>>
        tpu.wait_indirect_dma semaphore(%run_scoped3A : memref<!tpu.dma_semaphore, #tpu.memory_space<semaphore_mem>>) src(%arg17 : memref<64x128xf32, #tpu.memory_space<vmem>>) dst(%dma_wait3A_464 : memref<10240x128xf32, #tpu.memory_space<vmem_shared>>)
        tpu.yield
      }) : () -> ()
      %add3A_347 = arith.constant 5 : i32
      %add3A_348 = arith.addi %add3A_334, %add3A_347 : i32
      %lt3A_349 = arith.constant 160 : i32
      %lt3A_350 = arith.cmpi slt, %add3A_348, %lt3A_349 : i32
      %convert_element_type3A_351 = arith.extui %lt3A_350 : i1 to i32
      %cond3A_352 = arith.constant 0 : i32
      %cond3A_353 = arith.cmpi ne, %convert_element_type3A_351, %cond3A_352 : i32
      scf.if %cond3A_353 {
        %add3A_459 = arith.constant 5 : i32
        %add3A_460 = arith.addi %add3A_334, %add3A_459 : i32
        %mul3A_461 = arith.constant 10240 : i32
        %mul3A_462 = arith.muli %arg1, %mul3A_461 : i32
        %add3A_463 = arith.addi %mul3A_5, %mul3A_462 : i32
        %mul3A_464 = arith.constant 64 : i32
        %mul3A_465 = arith.muli %add3A_460, %mul3A_464 : i32
        %add3A_466 = arith.addi %add3A_463, %mul3A_465 : i32
        %dma_start3A_467 = tpu.memref_slice %arg2[%add3A_466] : memref<655360xi32, #tpu.memory_space<hbm>> -> memref<64xi32, #tpu.memory_space<hbm>>
        %dma_start3A_468 = tpu.memref_slice %arg2[%add3A_466] : memref<655360xi32, #tpu.memory_space<hbm>> -> memref<64xi32, #tpu.memory_space<hbm>>
        tpu.enqueue_dma source(%dma_start3A_468 : memref<64xi32, #tpu.memory_space<hbm>>) target(%arg7 : memref<64xi32, #tpu.memory_space<vmem>>) target_semaphore(%arg28 : memref<!tpu.dma_semaphore, #tpu.memory_space<semaphore_mem>>)
        %mul3A_469 = arith.constant 160 : i32
        %mul3A_470 = arith.muli %arg1, %mul3A_469 : i32
        %add3A_471 = arith.addi %mul3A_470, %add3A_460 : i32
        %dma_start3A_472 = arith.constant 0 : i32
        %dma_start3A_473 = tpu.memref_slice %arg3[%add3A_471, %dma_start3A_472] : memref<2560x64xi32, #tpu.memory_space<hbm>> -> memref<1x64xi32, #tpu.memory_space<hbm>>
        %dma_start3A_474 = tpu.memref_squeeze %dma_start3A_473 : memref<1x64xi32, #tpu.memory_space<hbm>> -> memref<64xi32, #tpu.memory_space<hbm>>
        %dma_start3A_475 = arith.constant 0 : i32
        %dma_start3A_476 = tpu.memref_slice %arg3[%add3A_471, %dma_start3A_475] : memref<2560x64xi32, #tpu.memory_space<hbm>> -> memref<1x64xi32, #tpu.memory_space<hbm>>
        %dma_start3A_477 = tpu.memref_squeeze %dma_start3A_476 : memref<1x64xi32, #tpu.memory_space<hbm>> -> memref<64xi32, #tpu.memory_space<hbm>>
        tpu.enqueue_dma source(%dma_start3A_477 : memref<64xi32, #tpu.memory_space<hbm>>) target(%arg12 : memref<64xi32, #tpu.memory_space<vmem>>) target_semaphore(%arg33 : memref<!tpu.dma_semaphore, #tpu.memory_space<semaphore_mem>>)
      } else {
      }
      %add3A_354 = arith.constant 5 : i32
      %add3A_355 = arith.addi %add3A_334, %add3A_354 : i32
      %sub3A_356 = arith.constant 1 : i32
      %sub3A_357 = arith.subi %add3A_355, %sub3A_356 : i32
      %lt3A_358 = arith.constant 160 : i32
      %lt3A_359 = arith.cmpi slt, %sub3A_357, %lt3A_358 : i32
      %convert_element_type3A_360 = arith.extui %lt3A_359 : i1 to i32
      %cond3A_361 = arith.constant 0 : i32
      %cond3A_362 = arith.cmpi ne, %convert_element_type3A_360, %cond3A_361 : i32
      scf.if %cond3A_362 {
        %add3A_459 = arith.constant 5 : i32
        %add3A_460 = arith.addi %add3A_334, %add3A_459 : i32
        %sub3A_461 = arith.constant 1 : i32
        %sub3A_462 = arith.subi %add3A_460, %sub3A_461 : i32
        %mul3A_463 = arith.constant 10240 : i32
        %mul3A_464 = arith.muli %arg1, %mul3A_463 : i32
        %add3A_465 = arith.addi %mul3A_5, %mul3A_464 : i32
        %mul3A_466 = arith.constant 64 : i32
        %mul3A_467 = arith.muli %sub3A_462, %mul3A_466 : i32
        %add3A_468 = arith.addi %add3A_465, %mul3A_467 : i32
        %dma_wait3A_469 = tpu.memref_slice %arg2[%add3A_468] : memref<655360xi32, #tpu.memory_space<hbm>> -> memref<64xi32, #tpu.memory_space<hbm>>
        %dma_wait3A_470 = tpu.memref_slice %arg2[%add3A_468] : memref<655360xi32, #tpu.memory_space<hbm>> -> memref<64xi32, #tpu.memory_space<hbm>>
        tpu.wait_dma2 semaphore(%arg27 : memref<!tpu.dma_semaphore, #tpu.memory_space<semaphore_mem>>) src(%dma_wait3A_470 : memref<64xi32, #tpu.memory_space<hbm>>) dst(%arg6 : memref<64xi32, #tpu.memory_space<vmem>>)
        %dma_start3A_471 = arith.constant 0 : i32
        %dma_start3A_472 = arith.constant 0 : i32
        %dma_start3A_473 = tpu.memref_slice %arg4[%dma_start3A_471, %dma_start3A_472] : memref<40960x128xf32, #tpu.memory_space<hbm>> -> memref<40960x128xf32, #tpu.memory_space<hbm>>
        tpu.enqueue_indirect_dma source(%dma_start3A_473 : memref<40960x128xf32, #tpu.memory_space<hbm>>) target(%arg16 : memref<64x128xf32, #tpu.memory_space<vmem>>) offsets(%arg6 : memref<64xi32, #tpu.memory_space<vmem>>) semaphore(%arg22 : memref<!tpu.dma_semaphore, #tpu.memory_space<semaphore_mem>>)
      } else {
      }
      %mul3A_363 = arith.constant 5 : i32
      %mul3A_364 = arith.muli %scan3A_296, %mul3A_363 : i32
      %add3A_365 = arith.constant 2 : i32
      %add3A_366 = arith.addi %mul3A_364, %add3A_365 : i32
      %dma_wait3A_367 = arith.constant 0 : i32
      %dma_wait3A_368 = arith.constant 0 : i32
      %dma_wait3A_369 = tpu.memref_slice %arg4[%dma_wait3A_367, %dma_wait3A_368] : memref<40960x128xf32, #tpu.memory_space<hbm>> -> memref<40960x128xf32, #tpu.memory_space<hbm>>
      tpu.wait_indirect_dma semaphore(%arg24 : memref<!tpu.dma_semaphore, #tpu.memory_space<semaphore_mem>>) src(%dma_wait3A_369 : memref<40960x128xf32, #tpu.memory_space<hbm>>) dst(%arg18 : memref<64x128xf32, #tpu.memory_space<vmem>>)
      %mul3A_370 = arith.constant 160 : i32
      %mul3A_371 = arith.muli %arg1, %mul3A_370 : i32
      %add3A_372 = arith.addi %mul3A_371, %add3A_366 : i32
      %dma_wait3A_373 = arith.constant 0 : i32
      %dma_wait3A_374 = tpu.memref_slice %arg3[%add3A_372, %dma_wait3A_373] : memref<2560x64xi32, #tpu.memory_space<hbm>> -> memref<1x64xi32, #tpu.memory_space<hbm>>
      %dma_wait3A_375 = tpu.memref_squeeze %dma_wait3A_374 : memref<1x64xi32, #tpu.memory_space<hbm>> -> memref<64xi32, #tpu.memory_space<hbm>>
      %dma_wait3A_376 = arith.constant 0 : i32
      %dma_wait3A_377 = tpu.memref_slice %arg3[%add3A_372, %dma_wait3A_376] : memref<2560x64xi32, #tpu.memory_space<hbm>> -> memref<1x64xi32, #tpu.memory_space<hbm>>
      %dma_wait3A_378 = tpu.memref_squeeze %dma_wait3A_377 : memref<1x64xi32, #tpu.memory_space<hbm>> -> memref<64xi32, #tpu.memory_space<hbm>>
      tpu.wait_dma2 semaphore(%arg34 : memref<!tpu.dma_semaphore, #tpu.memory_space<semaphore_mem>>) src(%dma_wait3A_378 : memref<64xi32, #tpu.memory_space<hbm>>) dst(%arg13 : memref<64xi32, #tpu.memory_space<vmem>>)
      "tpu.region"() ({
        %run_scoped3A = tpu.sem_alloc : memref<!tpu.dma_semaphore, #tpu.memory_space<semaphore_mem>>
        %dma_start3A_459 = arith.constant 0 : i32
        %dma_start3A_460 = arith.constant 0 : i32
        %dma_start3A_461 = tpu.memref_slice %arg21[%dma_start3A_459, %dma_start3A_460] : memref<10240x128xf32, #tpu.memory_space<vmem_shared>> -> memref<10240x128xf32, #tpu.memory_space<vmem_shared>>
        tpu.enqueue_indirect_dma source(%arg18 : memref<64x128xf32, #tpu.memory_space<vmem>>) target(%dma_start3A_461 : memref<10240x128xf32, #tpu.memory_space<vmem_shared>>) offsets(%arg13 : memref<64xi32, #tpu.memory_space<vmem>>) semaphore(%run_scoped3A : memref<!tpu.dma_semaphore, #tpu.memory_space<semaphore_mem>>) {add = true}
        %dma_wait3A_462 = arith.constant 0 : i32
        %dma_wait3A_463 = arith.constant 0 : i32
        %dma_wait3A_464 = tpu.memref_slice %arg21[%dma_wait3A_462, %dma_wait3A_463] : memref<10240x128xf32, #tpu.memory_space<vmem_shared>> -> memref<10240x128xf32, #tpu.memory_space<vmem_shared>>
        tpu.wait_indirect_dma semaphore(%run_scoped3A : memref<!tpu.dma_semaphore, #tpu.memory_space<semaphore_mem>>) src(%arg18 : memref<64x128xf32, #tpu.memory_space<vmem>>) dst(%dma_wait3A_464 : memref<10240x128xf32, #tpu.memory_space<vmem_shared>>)
        tpu.yield
      }) : () -> ()
      %add3A_379 = arith.constant 5 : i32
      %add3A_380 = arith.addi %add3A_366, %add3A_379 : i32
      %lt3A_381 = arith.constant 160 : i32
      %lt3A_382 = arith.cmpi slt, %add3A_380, %lt3A_381 : i32
      %convert_element_type3A_383 = arith.extui %lt3A_382 : i1 to i32
      %cond3A_384 = arith.constant 0 : i32
      %cond3A_385 = arith.cmpi ne, %convert_element_type3A_383, %cond3A_384 : i32
      scf.if %cond3A_385 {
        %add3A_459 = arith.constant 5 : i32
        %add3A_460 = arith.addi %add3A_366, %add3A_459 : i32
        %mul3A_461 = arith.constant 10240 : i32
        %mul3A_462 = arith.muli %arg1, %mul3A_461 : i32
        %add3A_463 = arith.addi %mul3A_5, %mul3A_462 : i32
        %mul3A_464 = arith.constant 64 : i32
        %mul3A_465 = arith.muli %add3A_460, %mul3A_464 : i32
        %add3A_466 = arith.addi %add3A_463, %mul3A_465 : i32
        %dma_start3A_467 = tpu.memref_slice %arg2[%add3A_466] : memref<655360xi32, #tpu.memory_space<hbm>> -> memref<64xi32, #tpu.memory_space<hbm>>
        %dma_start3A_468 = tpu.memref_slice %arg2[%add3A_466] : memref<655360xi32, #tpu.memory_space<hbm>> -> memref<64xi32, #tpu.memory_space<hbm>>
        tpu.enqueue_dma source(%dma_start3A_468 : memref<64xi32, #tpu.memory_space<hbm>>) target(%arg8 : memref<64xi32, #tpu.memory_space<vmem>>) target_semaphore(%arg29 : memref<!tpu.dma_semaphore, #tpu.memory_space<semaphore_mem>>)
        %mul3A_469 = arith.constant 160 : i32
        %mul3A_470 = arith.muli %arg1, %mul3A_469 : i32
        %add3A_471 = arith.addi %mul3A_470, %add3A_460 : i32
        %dma_start3A_472 = arith.constant 0 : i32
        %dma_start3A_473 = tpu.memref_slice %arg3[%add3A_471, %dma_start3A_472] : memref<2560x64xi32, #tpu.memory_space<hbm>> -> memref<1x64xi32, #tpu.memory_space<hbm>>
        %dma_start3A_474 = tpu.memref_squeeze %dma_start3A_473 : memref<1x64xi32, #tpu.memory_space<hbm>> -> memref<64xi32, #tpu.memory_space<hbm>>
        %dma_start3A_475 = arith.constant 0 : i32
        %dma_start3A_476 = tpu.memref_slice %arg3[%add3A_471, %dma_start3A_475] : memref<2560x64xi32, #tpu.memory_space<hbm>> -> memref<1x64xi32, #tpu.memory_space<hbm>>
        %dma_start3A_477 = tpu.memref_squeeze %dma_start3A_476 : memref<1x64xi32, #tpu.memory_space<hbm>> -> memref<64xi32, #tpu.memory_space<hbm>>
        tpu.enqueue_dma source(%dma_start3A_477 : memref<64xi32, #tpu.memory_space<hbm>>) target(%arg13 : memref<64xi32, #tpu.memory_space<vmem>>) target_semaphore(%arg34 : memref<!tpu.dma_semaphore, #tpu.memory_space<semaphore_mem>>)
      } else {
      }
      %add3A_386 = arith.constant 5 : i32
      %add3A_387 = arith.addi %add3A_366, %add3A_386 : i32
      %sub3A_388 = arith.constant 1 : i32
      %sub3A_389 = arith.subi %add3A_387, %sub3A_388 : i32
      %lt3A_390 = arith.constant 160 : i32
      %lt3A_391 = arith.cmpi slt, %sub3A_389, %lt3A_390 : i32
      %convert_element_type3A_392 = arith.extui %lt3A_391 : i1 to i32
      %cond3A_393 = arith.constant 0 : i32
      %cond3A_394 = arith.cmpi ne, %convert_element_type3A_392, %cond3A_393 : i32
      scf.if %cond3A_394 {
        %add3A_459 = arith.constant 5 : i32
        %add3A_460 = arith.addi %add3A_366, %add3A_459 : i32
        %sub3A_461 = arith.constant 1 : i32
        %sub3A_462 = arith.subi %add3A_460, %sub3A_461 : i32
        %mul3A_463 = arith.constant 10240 : i32
        %mul3A_464 = arith.muli %arg1, %mul3A_463 : i32
        %add3A_465 = arith.addi %mul3A_5, %mul3A_464 : i32
        %mul3A_466 = arith.constant 64 : i32
        %mul3A_467 = arith.muli %sub3A_462, %mul3A_466 : i32
        %add3A_468 = arith.addi %add3A_465, %mul3A_467 : i32
        %dma_wait3A_469 = tpu.memref_slice %arg2[%add3A_468] : memref<655360xi32, #tpu.memory_space<hbm>> -> memref<64xi32, #tpu.memory_space<hbm>>
        %dma_wait3A_470 = tpu.memref_slice %arg2[%add3A_468] : memref<655360xi32, #tpu.memory_space<hbm>> -> memref<64xi32, #tpu.memory_space<hbm>>
        tpu.wait_dma2 semaphore(%arg28 : memref<!tpu.dma_semaphore, #tpu.memory_space<semaphore_mem>>) src(%dma_wait3A_470 : memref<64xi32, #tpu.memory_space<hbm>>) dst(%arg7 : memref<64xi32, #tpu.memory_space<vmem>>)
        %dma_start3A_471 = arith.constant 0 : i32
        %dma_start3A_472 = arith.constant 0 : i32
        %dma_start3A_473 = tpu.memref_slice %arg4[%dma_start3A_471, %dma_start3A_472] : memref<40960x128xf32, #tpu.memory_space<hbm>> -> memref<40960x128xf32, #tpu.memory_space<hbm>>
        tpu.enqueue_indirect_dma source(%dma_start3A_473 : memref<40960x128xf32, #tpu.memory_space<hbm>>) target(%arg17 : memref<64x128xf32, #tpu.memory_space<vmem>>) offsets(%arg7 : memref<64xi32, #tpu.memory_space<vmem>>) semaphore(%arg23 : memref<!tpu.dma_semaphore, #tpu.memory_space<semaphore_mem>>)
      } else {
      }
      %mul3A_395 = arith.constant 5 : i32
      %mul3A_396 = arith.muli %scan3A_296, %mul3A_395 : i32
      %add3A_397 = arith.constant 3 : i32
      %add3A_398 = arith.addi %mul3A_396, %add3A_397 : i32
      %dma_wait3A_399 = arith.constant 0 : i32
      %dma_wait3A_400 = arith.constant 0 : i32
      %dma_wait3A_401 = tpu.memref_slice %arg4[%dma_wait3A_399, %dma_wait3A_400] : memref<40960x128xf32, #tpu.memory_space<hbm>> -> memref<40960x128xf32, #tpu.memory_space<hbm>>
      tpu.wait_indirect_dma semaphore(%arg25 : memref<!tpu.dma_semaphore, #tpu.memory_space<semaphore_mem>>) src(%dma_wait3A_401 : memref<40960x128xf32, #tpu.memory_space<hbm>>) dst(%arg19 : memref<64x128xf32, #tpu.memory_space<vmem>>)
      %mul3A_402 = arith.constant 160 : i32
      %mul3A_403 = arith.muli %arg1, %mul3A_402 : i32
      %add3A_404 = arith.addi %mul3A_403, %add3A_398 : i32
      %dma_wait3A_405 = arith.constant 0 : i32
      %dma_wait3A_406 = tpu.memref_slice %arg3[%add3A_404, %dma_wait3A_405] : memref<2560x64xi32, #tpu.memory_space<hbm>> -> memref<1x64xi32, #tpu.memory_space<hbm>>
      %dma_wait3A_407 = tpu.memref_squeeze %dma_wait3A_406 : memref<1x64xi32, #tpu.memory_space<hbm>> -> memref<64xi32, #tpu.memory_space<hbm>>
      %dma_wait3A_408 = arith.constant 0 : i32
      %dma_wait3A_409 = tpu.memref_slice %arg3[%add3A_404, %dma_wait3A_408] : memref<2560x64xi32, #tpu.memory_space<hbm>> -> memref<1x64xi32, #tpu.memory_space<hbm>>
      %dma_wait3A_410 = tpu.memref_squeeze %dma_wait3A_409 : memref<1x64xi32, #tpu.memory_space<hbm>> -> memref<64xi32, #tpu.memory_space<hbm>>
      tpu.wait_dma2 semaphore(%arg35 : memref<!tpu.dma_semaphore, #tpu.memory_space<semaphore_mem>>) src(%dma_wait3A_410 : memref<64xi32, #tpu.memory_space<hbm>>) dst(%arg14 : memref<64xi32, #tpu.memory_space<vmem>>)
      "tpu.region"() ({
        %run_scoped3A = tpu.sem_alloc : memref<!tpu.dma_semaphore, #tpu.memory_space<semaphore_mem>>
        %dma_start3A_459 = arith.constant 0 : i32
        %dma_start3A_460 = arith.constant 0 : i32
        %dma_start3A_461 = tpu.memref_slice %arg21[%dma_start3A_459, %dma_start3A_460] : memref<10240x128xf32, #tpu.memory_space<vmem_shared>> -> memref<10240x128xf32, #tpu.memory_space<vmem_shared>>
        tpu.enqueue_indirect_dma source(%arg19 : memref<64x128xf32, #tpu.memory_space<vmem>>) target(%dma_start3A_461 : memref<10240x128xf32, #tpu.memory_space<vmem_shared>>) offsets(%arg14 : memref<64xi32, #tpu.memory_space<vmem>>) semaphore(%run_scoped3A : memref<!tpu.dma_semaphore, #tpu.memory_space<semaphore_mem>>) {add = true}
        %dma_wait3A_462 = arith.constant 0 : i32
        %dma_wait3A_463 = arith.constant 0 : i32
        %dma_wait3A_464 = tpu.memref_slice %arg21[%dma_wait3A_462, %dma_wait3A_463] : memref<10240x128xf32, #tpu.memory_space<vmem_shared>> -> memref<10240x128xf32, #tpu.memory_space<vmem_shared>>
        tpu.wait_indirect_dma semaphore(%run_scoped3A : memref<!tpu.dma_semaphore, #tpu.memory_space<semaphore_mem>>) src(%arg19 : memref<64x128xf32, #tpu.memory_space<vmem>>) dst(%dma_wait3A_464 : memref<10240x128xf32, #tpu.memory_space<vmem_shared>>)
        tpu.yield
      }) : () -> ()
      %add3A_411 = arith.constant 5 : i32
      %add3A_412 = arith.addi %add3A_398, %add3A_411 : i32
      %lt3A_413 = arith.constant 160 : i32
      %lt3A_414 = arith.cmpi slt, %add3A_412, %lt3A_413 : i32
      %convert_element_type3A_415 = arith.extui %lt3A_414 : i1 to i32
      %cond3A_416 = arith.constant 0 : i32
      %cond3A_417 = arith.cmpi ne, %convert_element_type3A_415, %cond3A_416 : i32
      scf.if %cond3A_417 {
        %add3A_459 = arith.constant 5 : i32
        %add3A_460 = arith.addi %add3A_398, %add3A_459 : i32
        %mul3A_461 = arith.constant 10240 : i32
        %mul3A_462 = arith.muli %arg1, %mul3A_461 : i32
        %add3A_463 = arith.addi %mul3A_5, %mul3A_462 : i32
        %mul3A_464 = arith.constant 64 : i32
        %mul3A_465 = arith.muli %add3A_460, %mul3A_464 : i32
        %add3A_466 = arith.addi %add3A_463, %mul3A_465 : i32
        %dma_start3A_467 = tpu.memref_slice %arg2[%add3A_466] : memref<655360xi32, #tpu.memory_space<hbm>> -> memref<64xi32, #tpu.memory_space<hbm>>
        %dma_start3A_468 = tpu.memref_slice %arg2[%add3A_466] : memref<655360xi32, #tpu.memory_space<hbm>> -> memref<64xi32, #tpu.memory_space<hbm>>
        tpu.enqueue_dma source(%dma_start3A_468 : memref<64xi32, #tpu.memory_space<hbm>>) target(%arg9 : memref<64xi32, #tpu.memory_space<vmem>>) target_semaphore(%arg30 : memref<!tpu.dma_semaphore, #tpu.memory_space<semaphore_mem>>)
        %mul3A_469 = arith.constant 160 : i32
        %mul3A_470 = arith.muli %arg1, %mul3A_469 : i32
        %add3A_471 = arith.addi %mul3A_470, %add3A_460 : i32
        %dma_start3A_472 = arith.constant 0 : i32
        %dma_start3A_473 = tpu.memref_slice %arg3[%add3A_471, %dma_start3A_472] : memref<2560x64xi32, #tpu.memory_space<hbm>> -> memref<1x64xi32, #tpu.memory_space<hbm>>
        %dma_start3A_474 = tpu.memref_squeeze %dma_start3A_473 : memref<1x64xi32, #tpu.memory_space<hbm>> -> memref<64xi32, #tpu.memory_space<hbm>>
        %dma_start3A_475 = arith.constant 0 : i32
        %dma_start3A_476 = tpu.memref_slice %arg3[%add3A_471, %dma_start3A_475] : memref<2560x64xi32, #tpu.memory_space<hbm>> -> memref<1x64xi32, #tpu.memory_space<hbm>>
        %dma_start3A_477 = tpu.memref_squeeze %dma_start3A_476 : memref<1x64xi32, #tpu.memory_space<hbm>> -> memref<64xi32, #tpu.memory_space<hbm>>
        tpu.enqueue_dma source(%dma_start3A_477 : memref<64xi32, #tpu.memory_space<hbm>>) target(%arg14 : memref<64xi32, #tpu.memory_space<vmem>>) target_semaphore(%arg35 : memref<!tpu.dma_semaphore, #tpu.memory_space<semaphore_mem>>)
      } else {
      }
      %add3A_418 = arith.constant 5 : i32
      %add3A_419 = arith.addi %add3A_398, %add3A_418 : i32
      %sub3A_420 = arith.constant 1 : i32
      %sub3A_421 = arith.subi %add3A_419, %sub3A_420 : i32
      %lt3A_422 = arith.constant 160 : i32
      %lt3A_423 = arith.cmpi slt, %sub3A_421, %lt3A_422 : i32
      %convert_element_type3A_424 = arith.extui %lt3A_423 : i1 to i32
      %cond3A_425 = arith.constant 0 : i32
      %cond3A_426 = arith.cmpi ne, %convert_element_type3A_424, %cond3A_425 : i32
      scf.if %cond3A_426 {
        %add3A_459 = arith.constant 5 : i32
        %add3A_460 = arith.addi %add3A_398, %add3A_459 : i32
        %sub3A_461 = arith.constant 1 : i32
        %sub3A_462 = arith.subi %add3A_460, %sub3A_461 : i32
        %mul3A_463 = arith.constant 10240 : i32
        %mul3A_464 = arith.muli %arg1, %mul3A_463 : i32
        %add3A_465 = arith.addi %mul3A_5, %mul3A_464 : i32
        %mul3A_466 = arith.constant 64 : i32
        %mul3A_467 = arith.muli %sub3A_462, %mul3A_466 : i32
        %add3A_468 = arith.addi %add3A_465, %mul3A_467 : i32
        %dma_wait3A_469 = tpu.memref_slice %arg2[%add3A_468] : memref<655360xi32, #tpu.memory_space<hbm>> -> memref<64xi32, #tpu.memory_space<hbm>>
        %dma_wait3A_470 = tpu.memref_slice %arg2[%add3A_468] : memref<655360xi32, #tpu.memory_space<hbm>> -> memref<64xi32, #tpu.memory_space<hbm>>
        tpu.wait_dma2 semaphore(%arg29 : memref<!tpu.dma_semaphore, #tpu.memory_space<semaphore_mem>>) src(%dma_wait3A_470 : memref<64xi32, #tpu.memory_space<hbm>>) dst(%arg8 : memref<64xi32, #tpu.memory_space<vmem>>)
        %dma_start3A_471 = arith.constant 0 : i32
        %dma_start3A_472 = arith.constant 0 : i32
        %dma_start3A_473 = tpu.memref_slice %arg4[%dma_start3A_471, %dma_start3A_472] : memref<40960x128xf32, #tpu.memory_space<hbm>> -> memref<40960x128xf32, #tpu.memory_space<hbm>>
        tpu.enqueue_indirect_dma source(%dma_start3A_473 : memref<40960x128xf32, #tpu.memory_space<hbm>>) target(%arg18 : memref<64x128xf32, #tpu.memory_space<vmem>>) offsets(%arg8 : memref<64xi32, #tpu.memory_space<vmem>>) semaphore(%arg24 : memref<!tpu.dma_semaphore, #tpu.memory_space<semaphore_mem>>)
      } else {
      }
      %mul3A_427 = arith.constant 5 : i32
      %mul3A_428 = arith.muli %scan3A_296, %mul3A_427 : i32
      %add3A_429 = arith.constant 4 : i32
      %add3A_430 = arith.addi %mul3A_428, %add3A_429 : i32
      %dma_wait3A_431 = arith.constant 0 : i32
      %dma_wait3A_432 = arith.constant 0 : i32
      %dma_wait3A_433 = tpu.memref_slice %arg4[%dma_wait3A_431, %dma_wait3A_432] : memref<40960x128xf32, #tpu.memory_space<hbm>> -> memref<40960x128xf32, #tpu.memory_space<hbm>>
      tpu.wait_indirect_dma semaphore(%arg26 : memref<!tpu.dma_semaphore, #tpu.memory_space<semaphore_mem>>) src(%dma_wait3A_433 : memref<40960x128xf32, #tpu.memory_space<hbm>>) dst(%arg20 : memref<64x128xf32, #tpu.memory_space<vmem>>)
      %mul3A_434 = arith.constant 160 : i32
      %mul3A_435 = arith.muli %arg1, %mul3A_434 : i32
      %add3A_436 = arith.addi %mul3A_435, %add3A_430 : i32
      %dma_wait3A_437 = arith.constant 0 : i32
      %dma_wait3A_438 = tpu.memref_slice %arg3[%add3A_436, %dma_wait3A_437] : memref<2560x64xi32, #tpu.memory_space<hbm>> -> memref<1x64xi32, #tpu.memory_space<hbm>>
      %dma_wait3A_439 = tpu.memref_squeeze %dma_wait3A_438 : memref<1x64xi32, #tpu.memory_space<hbm>> -> memref<64xi32, #tpu.memory_space<hbm>>
      %dma_wait3A_440 = arith.constant 0 : i32
      %dma_wait3A_441 = tpu.memref_slice %arg3[%add3A_436, %dma_wait3A_440] : memref<2560x64xi32, #tpu.memory_space<hbm>> -> memref<1x64xi32, #tpu.memory_space<hbm>>
      %dma_wait3A_442 = tpu.memref_squeeze %dma_wait3A_441 : memref<1x64xi32, #tpu.memory_space<hbm>> -> memref<64xi32, #tpu.memory_space<hbm>>
      tpu.wait_dma2 semaphore(%arg36 : memref<!tpu.dma_semaphore, #tpu.memory_space<semaphore_mem>>) src(%dma_wait3A_442 : memref<64xi32, #tpu.memory_space<hbm>>) dst(%arg15 : memref<64xi32, #tpu.memory_space<vmem>>)
      "tpu.region"() ({
        %run_scoped3A = tpu.sem_alloc : memref<!tpu.dma_semaphore, #tpu.memory_space<semaphore_mem>>
        %dma_start3A_459 = arith.constant 0 : i32
        %dma_start3A_460 = arith.constant 0 : i32
        %dma_start3A_461 = tpu.memref_slice %arg21[%dma_start3A_459, %dma_start3A_460] : memref<10240x128xf32, #tpu.memory_space<vmem_shared>> -> memref<10240x128xf32, #tpu.memory_space<vmem_shared>>
        tpu.enqueue_indirect_dma source(%arg20 : memref<64x128xf32, #tpu.memory_space<vmem>>) target(%dma_start3A_461 : memref<10240x128xf32, #tpu.memory_space<vmem_shared>>) offsets(%arg15 : memref<64xi32, #tpu.memory_space<vmem>>) semaphore(%run_scoped3A : memref<!tpu.dma_semaphore, #tpu.memory_space<semaphore_mem>>) {add = true}
        %dma_wait3A_462 = arith.constant 0 : i32
        %dma_wait3A_463 = arith.constant 0 : i32
        %dma_wait3A_464 = tpu.memref_slice %arg21[%dma_wait3A_462, %dma_wait3A_463] : memref<10240x128xf32, #tpu.memory_space<vmem_shared>> -> memref<10240x128xf32, #tpu.memory_space<vmem_shared>>
        tpu.wait_indirect_dma semaphore(%run_scoped3A : memref<!tpu.dma_semaphore, #tpu.memory_space<semaphore_mem>>) src(%arg20 : memref<64x128xf32, #tpu.memory_space<vmem>>) dst(%dma_wait3A_464 : memref<10240x128xf32, #tpu.memory_space<vmem_shared>>)
        tpu.yield
      }) : () -> ()
      %add3A_443 = arith.constant 5 : i32
      %add3A_444 = arith.addi %add3A_430, %add3A_443 : i32
      %lt3A_445 = arith.constant 160 : i32
      %lt3A_446 = arith.cmpi slt, %add3A_444, %lt3A_445 : i32
      %convert_element_type3A_447 = arith.extui %lt3A_446 : i1 to i32
      %cond3A_448 = arith.constant 0 : i32
      %cond3A_449 = arith.cmpi ne, %convert_element_type3A_447, %cond3A_448 : i32
      scf.if %cond3A_449 {
        %add3A_459 = arith.constant 5 : i32
        %add3A_460 = arith.addi %add3A_430, %add3A_459 : i32
        %mul3A_461 = arith.constant 10240 : i32
        %mul3A_462 = arith.muli %arg1, %mul3A_461 : i32
        %add3A_463 = arith.addi %mul3A_5, %mul3A_462 : i32
        %mul3A_464 = arith.constant 64 : i32
        %mul3A_465 = arith.muli %add3A_460, %mul3A_464 : i32
        %add3A_466 = arith.addi %add3A_463, %mul3A_465 : i32
        %dma_start3A_467 = tpu.memref_slice %arg2[%add3A_466] : memref<655360xi32, #tpu.memory_space<hbm>> -> memref<64xi32, #tpu.memory_space<hbm>>
        %dma_start3A_468 = tpu.memref_slice %arg2[%add3A_466] : memref<655360xi32, #tpu.memory_space<hbm>> -> memref<64xi32, #tpu.memory_space<hbm>>
        tpu.enqueue_dma source(%dma_start3A_468 : memref<64xi32, #tpu.memory_space<hbm>>) target(%arg10 : memref<64xi32, #tpu.memory_space<vmem>>) target_semaphore(%arg31 : memref<!tpu.dma_semaphore, #tpu.memory_space<semaphore_mem>>)
        %mul3A_469 = arith.constant 160 : i32
        %mul3A_470 = arith.muli %arg1, %mul3A_469 : i32
        %add3A_471 = arith.addi %mul3A_470, %add3A_460 : i32
        %dma_start3A_472 = arith.constant 0 : i32
        %dma_start3A_473 = tpu.memref_slice %arg3[%add3A_471, %dma_start3A_472] : memref<2560x64xi32, #tpu.memory_space<hbm>> -> memref<1x64xi32, #tpu.memory_space<hbm>>
        %dma_start3A_474 = tpu.memref_squeeze %dma_start3A_473 : memref<1x64xi32, #tpu.memory_space<hbm>> -> memref<64xi32, #tpu.memory_space<hbm>>
        %dma_start3A_475 = arith.constant 0 : i32
        %dma_start3A_476 = tpu.memref_slice %arg3[%add3A_471, %dma_start3A_475] : memref<2560x64xi32, #tpu.memory_space<hbm>> -> memref<1x64xi32, #tpu.memory_space<hbm>>
        %dma_start3A_477 = tpu.memref_squeeze %dma_start3A_476 : memref<1x64xi32, #tpu.memory_space<hbm>> -> memref<64xi32, #tpu.memory_space<hbm>>
        tpu.enqueue_dma source(%dma_start3A_477 : memref<64xi32, #tpu.memory_space<hbm>>) target(%arg15 : memref<64xi32, #tpu.memory_space<vmem>>) target_semaphore(%arg36 : memref<!tpu.dma_semaphore, #tpu.memory_space<semaphore_mem>>)
      } else {
      }
      %add3A_450 = arith.constant 5 : i32
      %add3A_451 = arith.addi %add3A_430, %add3A_450 : i32
      %sub3A_452 = arith.constant 1 : i32
      %sub3A_453 = arith.subi %add3A_451, %sub3A_452 : i32
      %lt3A_454 = arith.constant 160 : i32
      %lt3A_455 = arith.cmpi slt, %sub3A_453, %lt3A_454 : i32
      %convert_element_type3A_456 = arith.extui %lt3A_455 : i1 to i32
      %cond3A_457 = arith.constant 0 : i32
      %cond3A_458 = arith.cmpi ne, %convert_element_type3A_456, %cond3A_457 : i32
      scf.if %cond3A_458 {
        %add3A_459 = arith.constant 5 : i32
        %add3A_460 = arith.addi %add3A_430, %add3A_459 : i32
        %sub3A_461 = arith.constant 1 : i32
        %sub3A_462 = arith.subi %add3A_460, %sub3A_461 : i32
        %mul3A_463 = arith.constant 10240 : i32
        %mul3A_464 = arith.muli %arg1, %mul3A_463 : i32
        %add3A_465 = arith.addi %mul3A_5, %mul3A_464 : i32
        %mul3A_466 = arith.constant 64 : i32
        %mul3A_467 = arith.muli %sub3A_462, %mul3A_466 : i32
        %add3A_468 = arith.addi %add3A_465, %mul3A_467 : i32
        %dma_wait3A_469 = tpu.memref_slice %arg2[%add3A_468] : memref<655360xi32, #tpu.memory_space<hbm>> -> memref<64xi32, #tpu.memory_space<hbm>>
        %dma_wait3A_470 = tpu.memref_slice %arg2[%add3A_468] : memref<655360xi32, #tpu.memory_space<hbm>> -> memref<64xi32, #tpu.memory_space<hbm>>
        tpu.wait_dma2 semaphore(%arg30 : memref<!tpu.dma_semaphore, #tpu.memory_space<semaphore_mem>>) src(%dma_wait3A_470 : memref<64xi32, #tpu.memory_space<hbm>>) dst(%arg9 : memref<64xi32, #tpu.memory_space<vmem>>)
        %dma_start3A_471 = arith.constant 0 : i32
        %dma_start3A_472 = arith.constant 0 : i32
        %dma_start3A_473 = tpu.memref_slice %arg4[%dma_start3A_471, %dma_start3A_472] : memref<40960x128xf32, #tpu.memory_space<hbm>> -> memref<40960x128xf32, #tpu.memory_space<hbm>>
        tpu.enqueue_indirect_dma source(%dma_start3A_473 : memref<40960x128xf32, #tpu.memory_space<hbm>>) target(%arg19 : memref<64x128xf32, #tpu.memory_space<vmem>>) offsets(%arg9 : memref<64xi32, #tpu.memory_space<vmem>>) semaphore(%arg25 : memref<!tpu.dma_semaphore, #tpu.memory_space<semaphore_mem>>)
      } else {
      }
    }
    %scan3A_137 = arith.constant 32 : i32
    %barrier3A_138 = arith.constant 0 : index
    tpu.barrier barrier_id(%barrier3A_138)
    %mul3A_139 = arith.constant 640 : i32
    %mul3A_140 = arith.muli %arg1, %mul3A_139 : i32
    %mul3A_141 = arith.constant 640 : i32
    %mul3A_142 = arith.muli %arg1, %mul3A_141 : i32
    %add3A_143 = arith.addi %mul3A_3, %mul3A_142 : i32
    "tpu.region"() ({
      %run_scoped3A = tpu.sem_alloc : memref<!tpu.dma_semaphore, #tpu.memory_space<semaphore_mem>>
      %dma_start3A_296 = arith.constant 0 : i32
      %dma_start3A_297 = tpu.memref_slice %arg5[%add3A_143, %dma_start3A_296] : memref<40960x128xf32, #tpu.memory_space<hbm>> -> memref<640x128xf32, #tpu.memory_space<hbm>>
      %dma_start3A_298 = arith.constant 0 : i32
      %dma_start3A_299 = tpu.memref_slice %arg21[%mul3A_140, %dma_start3A_298] : memref<10240x128xf32, #tpu.memory_space<vmem_shared>> -> memref<640x128xf32, #tpu.memory_space<vmem_shared>>
      tpu.enqueue_dma source(%dma_start3A_299 : memref<640x128xf32, #tpu.memory_space<vmem_shared>>) target(%dma_start3A_297 : memref<640x128xf32, #tpu.memory_space<hbm>>) target_semaphore(%run_scoped3A : memref<!tpu.dma_semaphore, #tpu.memory_space<semaphore_mem>>)
      %dma_wait3A_300 = arith.constant 0 : i32
      %dma_wait3A_301 = tpu.memref_slice %arg5[%add3A_143, %dma_wait3A_300] : memref<40960x128xf32, #tpu.memory_space<hbm>> -> memref<640x128xf32, #tpu.memory_space<hbm>>
      %dma_wait3A_302 = arith.constant 0 : i32
      %dma_wait3A_303 = tpu.memref_slice %arg21[%mul3A_140, %dma_wait3A_302] : memref<10240x128xf32, #tpu.memory_space<vmem_shared>> -> memref<640x128xf32, #tpu.memory_space<vmem_shared>>
      tpu.wait_dma2 semaphore(%run_scoped3A : memref<!tpu.dma_semaphore, #tpu.memory_space<semaphore_mem>>) src(%dma_wait3A_303 : memref<640x128xf32, #tpu.memory_space<vmem_shared>>) dst(%dma_wait3A_301 : memref<640x128xf32, #tpu.memory_space<hbm>>)
      tpu.yield
    }) : () -> ()
    %barrier3A_144 = arith.constant 0 : index
    tpu.barrier barrier_id(%barrier3A_144)
    %mul3A_145 = arith.constant 2 : i32
    %mul3A_146 = arith.muli %arg0, %mul3A_145 : i32
    %add3A_147 = arith.constant 1 : i32
    %add3A_148 = arith.addi %mul3A_146, %add3A_147 : i32
    %mul3A_149 = arith.constant 10240 : i32
    %mul3A_150 = arith.muli %add3A_148, %mul3A_149 : i32
    %mul3A_151 = arith.constant 163840 : i32
    %mul3A_152 = arith.muli %add3A_148, %mul3A_151 : i32
    %mul3A_153 = arith.constant 10240 : i32
    %mul3A_154 = arith.muli %arg1, %mul3A_153 : i32
    %add3A_155 = arith.addi %mul3A_152, %mul3A_154 : i32
    %add3A_156 = arith.constant 0 : i32
    %add3A_157 = arith.addi %add3A_155, %add3A_156 : i32
    %dma_start3A_158 = tpu.memref_slice %arg2[%add3A_157] : memref<655360xi32, #tpu.memory_space<hbm>> -> memref<64xi32, #tpu.memory_space<hbm>>
    %dma_start3A_159 = tpu.memref_slice %arg2[%add3A_157] : memref<655360xi32, #tpu.memory_space<hbm>> -> memref<64xi32, #tpu.memory_space<hbm>>
    tpu.enqueue_dma source(%dma_start3A_159 : memref<64xi32, #tpu.memory_space<hbm>>) target(%arg6 : memref<64xi32, #tpu.memory_space<vmem>>) target_semaphore(%arg27 : memref<!tpu.dma_semaphore, #tpu.memory_space<semaphore_mem>>)
    %mul3A_160 = arith.constant 160 : i32
    %mul3A_161 = arith.muli %arg1, %mul3A_160 : i32
    %add3A_162 = arith.constant 0 : i32
    %add3A_163 = arith.addi %mul3A_161, %add3A_162 : i32
    %dma_start3A_164 = arith.constant 0 : i32
    %dma_start3A_165 = tpu.memref_slice %arg3[%add3A_163, %dma_start3A_164] : memref<2560x64xi32, #tpu.memory_space<hbm>> -> memref<1x64xi32, #tpu.memory_space<hbm>>
    %dma_start3A_166 = tpu.memref_squeeze %dma_start3A_165 : memref<1x64xi32, #tpu.memory_space<hbm>> -> memref<64xi32, #tpu.memory_space<hbm>>
    %dma_start3A_167 = arith.constant 0 : i32
    %dma_start3A_168 = tpu.memref_slice %arg3[%add3A_163, %dma_start3A_167] : memref<2560x64xi32, #tpu.memory_space<hbm>> -> memref<1x64xi32, #tpu.memory_space<hbm>>
    %dma_start3A_169 = tpu.memref_squeeze %dma_start3A_168 : memref<1x64xi32, #tpu.memory_space<hbm>> -> memref<64xi32, #tpu.memory_space<hbm>>
    tpu.enqueue_dma source(%dma_start3A_169 : memref<64xi32, #tpu.memory_space<hbm>>) target(%arg11 : memref<64xi32, #tpu.memory_space<vmem>>) target_semaphore(%arg32 : memref<!tpu.dma_semaphore, #tpu.memory_space<semaphore_mem>>)
    %mul3A_170 = arith.constant 10240 : i32
    %mul3A_171 = arith.muli %arg1, %mul3A_170 : i32
    %add3A_172 = arith.addi %mul3A_152, %mul3A_171 : i32
    %add3A_173 = arith.constant 64 : i32
    %add3A_174 = arith.addi %add3A_172, %add3A_173 : i32
    %dma_start3A_175 = tpu.memref_slice %arg2[%add3A_174] : memref<655360xi32, #tpu.memory_space<hbm>> -> memref<64xi32, #tpu.memory_space<hbm>>
    %dma_start3A_176 = tpu.memref_slice %arg2[%add3A_174] : memref<655360xi32, #tpu.memory_space<hbm>> -> memref<64xi32, #tpu.memory_space<hbm>>
    tpu.enqueue_dma source(%dma_start3A_176 : memref<64xi32, #tpu.memory_space<hbm>>) target(%arg7 : memref<64xi32, #tpu.memory_space<vmem>>) target_semaphore(%arg28 : memref<!tpu.dma_semaphore, #tpu.memory_space<semaphore_mem>>)
    %mul3A_177 = arith.constant 160 : i32
    %mul3A_178 = arith.muli %arg1, %mul3A_177 : i32
    %add3A_179 = arith.constant 1 : i32
    %add3A_180 = arith.addi %mul3A_178, %add3A_179 : i32
    %dma_start3A_181 = arith.constant 0 : i32
    %dma_start3A_182 = tpu.memref_slice %arg3[%add3A_180, %dma_start3A_181] : memref<2560x64xi32, #tpu.memory_space<hbm>> -> memref<1x64xi32, #tpu.memory_space<hbm>>
    %dma_start3A_183 = tpu.memref_squeeze %dma_start3A_182 : memref<1x64xi32, #tpu.memory_space<hbm>> -> memref<64xi32, #tpu.memory_space<hbm>>
    %dma_start3A_184 = arith.constant 0 : i32
    %dma_start3A_185 = tpu.memref_slice %arg3[%add3A_180, %dma_start3A_184] : memref<2560x64xi32, #tpu.memory_space<hbm>> -> memref<1x64xi32, #tpu.memory_space<hbm>>
    %dma_start3A_186 = tpu.memref_squeeze %dma_start3A_185 : memref<1x64xi32, #tpu.memory_space<hbm>> -> memref<64xi32, #tpu.memory_space<hbm>>
    tpu.enqueue_dma source(%dma_start3A_186 : memref<64xi32, #tpu.memory_space<hbm>>) target(%arg12 : memref<64xi32, #tpu.memory_space<vmem>>) target_semaphore(%arg33 : memref<!tpu.dma_semaphore, #tpu.memory_space<semaphore_mem>>)
    %mul3A_187 = arith.constant 10240 : i32
    %mul3A_188 = arith.muli %arg1, %mul3A_187 : i32
    %add3A_189 = arith.addi %mul3A_152, %mul3A_188 : i32
    %add3A_190 = arith.constant 128 : i32
    %add3A_191 = arith.addi %add3A_189, %add3A_190 : i32
    %dma_start3A_192 = tpu.memref_slice %arg2[%add3A_191] : memref<655360xi32, #tpu.memory_space<hbm>> -> memref<64xi32, #tpu.memory_space<hbm>>
    %dma_start3A_193 = tpu.memref_slice %arg2[%add3A_191] : memref<655360xi32, #tpu.memory_space<hbm>> -> memref<64xi32, #tpu.memory_space<hbm>>
    tpu.enqueue_dma source(%dma_start3A_193 : memref<64xi32, #tpu.memory_space<hbm>>) target(%arg8 : memref<64xi32, #tpu.memory_space<vmem>>) target_semaphore(%arg29 : memref<!tpu.dma_semaphore, #tpu.memory_space<semaphore_mem>>)
    %mul3A_194 = arith.constant 160 : i32
    %mul3A_195 = arith.muli %arg1, %mul3A_194 : i32
    %add3A_196 = arith.constant 2 : i32
    %add3A_197 = arith.addi %mul3A_195, %add3A_196 : i32
    %dma_start3A_198 = arith.constant 0 : i32
    %dma_start3A_199 = tpu.memref_slice %arg3[%add3A_197, %dma_start3A_198] : memref<2560x64xi32, #tpu.memory_space<hbm>> -> memref<1x64xi32, #tpu.memory_space<hbm>>
    %dma_start3A_200 = tpu.memref_squeeze %dma_start3A_199 : memref<1x64xi32, #tpu.memory_space<hbm>> -> memref<64xi32, #tpu.memory_space<hbm>>
    %dma_start3A_201 = arith.constant 0 : i32
    %dma_start3A_202 = tpu.memref_slice %arg3[%add3A_197, %dma_start3A_201] : memref<2560x64xi32, #tpu.memory_space<hbm>> -> memref<1x64xi32, #tpu.memory_space<hbm>>
    %dma_start3A_203 = tpu.memref_squeeze %dma_start3A_202 : memref<1x64xi32, #tpu.memory_space<hbm>> -> memref<64xi32, #tpu.memory_space<hbm>>
    tpu.enqueue_dma source(%dma_start3A_203 : memref<64xi32, #tpu.memory_space<hbm>>) target(%arg13 : memref<64xi32, #tpu.memory_space<vmem>>) target_semaphore(%arg34 : memref<!tpu.dma_semaphore, #tpu.memory_space<semaphore_mem>>)
    %mul3A_204 = arith.constant 10240 : i32
    %mul3A_205 = arith.muli %arg1, %mul3A_204 : i32
    %add3A_206 = arith.addi %mul3A_152, %mul3A_205 : i32
    %add3A_207 = arith.constant 192 : i32
    %add3A_208 = arith.addi %add3A_206, %add3A_207 : i32
    %dma_start3A_209 = tpu.memref_slice %arg2[%add3A_208] : memref<655360xi32, #tpu.memory_space<hbm>> -> memref<64xi32, #tpu.memory_space<hbm>>
    %dma_start3A_210 = tpu.memref_slice %arg2[%add3A_208] : memref<655360xi32, #tpu.memory_space<hbm>> -> memref<64xi32, #tpu.memory_space<hbm>>
    tpu.enqueue_dma source(%dma_start3A_210 : memref<64xi32, #tpu.memory_space<hbm>>) target(%arg9 : memref<64xi32, #tpu.memory_space<vmem>>) target_semaphore(%arg30 : memref<!tpu.dma_semaphore, #tpu.memory_space<semaphore_mem>>)
    %mul3A_211 = arith.constant 160 : i32
    %mul3A_212 = arith.muli %arg1, %mul3A_211 : i32
    %add3A_213 = arith.constant 3 : i32
    %add3A_214 = arith.addi %mul3A_212, %add3A_213 : i32
    %dma_start3A_215 = arith.constant 0 : i32
    %dma_start3A_216 = tpu.memref_slice %arg3[%add3A_214, %dma_start3A_215] : memref<2560x64xi32, #tpu.memory_space<hbm>> -> memref<1x64xi32, #tpu.memory_space<hbm>>
    %dma_start3A_217 = tpu.memref_squeeze %dma_start3A_216 : memref<1x64xi32, #tpu.memory_space<hbm>> -> memref<64xi32, #tpu.memory_space<hbm>>
    %dma_start3A_218 = arith.constant 0 : i32
    %dma_start3A_219 = tpu.memref_slice %arg3[%add3A_214, %dma_start3A_218] : memref<2560x64xi32, #tpu.memory_space<hbm>> -> memref<1x64xi32, #tpu.memory_space<hbm>>
    %dma_start3A_220 = tpu.memref_squeeze %dma_start3A_219 : memref<1x64xi32, #tpu.memory_space<hbm>> -> memref<64xi32, #tpu.memory_space<hbm>>
    tpu.enqueue_dma source(%dma_start3A_220 : memref<64xi32, #tpu.memory_space<hbm>>) target(%arg14 : memref<64xi32, #tpu.memory_space<vmem>>) target_semaphore(%arg35 : memref<!tpu.dma_semaphore, #tpu.memory_space<semaphore_mem>>)
    %mul3A_221 = arith.constant 10240 : i32
    %mul3A_222 = arith.muli %arg1, %mul3A_221 : i32
    %add3A_223 = arith.addi %mul3A_152, %mul3A_222 : i32
    %add3A_224 = arith.constant 256 : i32
    %add3A_225 = arith.addi %add3A_223, %add3A_224 : i32
    %dma_start3A_226 = tpu.memref_slice %arg2[%add3A_225] : memref<655360xi32, #tpu.memory_space<hbm>> -> memref<64xi32, #tpu.memory_space<hbm>>
    %dma_start3A_227 = tpu.memref_slice %arg2[%add3A_225] : memref<655360xi32, #tpu.memory_space<hbm>> -> memref<64xi32, #tpu.memory_space<hbm>>
    tpu.enqueue_dma source(%dma_start3A_227 : memref<64xi32, #tpu.memory_space<hbm>>) target(%arg10 : memref<64xi32, #tpu.memory_space<vmem>>) target_semaphore(%arg31 : memref<!tpu.dma_semaphore, #tpu.memory_space<semaphore_mem>>)
    %mul3A_228 = arith.constant 160 : i32
    %mul3A_229 = arith.muli %arg1, %mul3A_228 : i32
    %add3A_230 = arith.constant 4 : i32
    %add3A_231 = arith.addi %mul3A_229, %add3A_230 : i32
    %dma_start3A_232 = arith.constant 0 : i32
    %dma_start3A_233 = tpu.memref_slice %arg3[%add3A_231, %dma_start3A_232] : memref<2560x64xi32, #tpu.memory_space<hbm>> -> memref<1x64xi32, #tpu.memory_space<hbm>>
    %dma_start3A_234 = tpu.memref_squeeze %dma_start3A_233 : memref<1x64xi32, #tpu.memory_space<hbm>> -> memref<64xi32, #tpu.memory_space<hbm>>
    %dma_start3A_235 = arith.constant 0 : i32
    %dma_start3A_236 = tpu.memref_slice %arg3[%add3A_231, %dma_start3A_235] : memref<2560x64xi32, #tpu.memory_space<hbm>> -> memref<1x64xi32, #tpu.memory_space<hbm>>
    %dma_start3A_237 = tpu.memref_squeeze %dma_start3A_236 : memref<1x64xi32, #tpu.memory_space<hbm>> -> memref<64xi32, #tpu.memory_space<hbm>>
    tpu.enqueue_dma source(%dma_start3A_237 : memref<64xi32, #tpu.memory_space<hbm>>) target(%arg15 : memref<64xi32, #tpu.memory_space<vmem>>) target_semaphore(%arg36 : memref<!tpu.dma_semaphore, #tpu.memory_space<semaphore_mem>>)
    %mul3A_238 = arith.constant 640 : i32
    %mul3A_239 = arith.muli %arg1, %mul3A_238 : i32
    %add3A_240 = arith.addi %mul3A_150, %mul3A_239 : i32
    %mul3A_241 = arith.constant 640 : i32
    %mul3A_242 = arith.muli %arg1, %mul3A_241 : i32
    "tpu.region"() ({
      %run_scoped3A = tpu.sem_alloc : memref<!tpu.dma_semaphore, #tpu.memory_space<semaphore_mem>>
      %dma_start3A_296 = arith.constant 0 : i32
      %dma_start3A_297 = tpu.memref_slice %arg21[%mul3A_242, %dma_start3A_296] : memref<10240x128xf32, #tpu.memory_space<vmem_shared>> -> memref<640x128xf32, #tpu.memory_space<vmem_shared>>
      %dma_start3A_298 = arith.constant 0 : i32
      %dma_start3A_299 = tpu.memref_slice %arg4[%add3A_240, %dma_start3A_298] : memref<40960x128xf32, #tpu.memory_space<hbm>> -> memref<640x128xf32, #tpu.memory_space<hbm>>
      tpu.enqueue_dma source(%dma_start3A_299 : memref<640x128xf32, #tpu.memory_space<hbm>>) target(%dma_start3A_297 : memref<640x128xf32, #tpu.memory_space<vmem_shared>>) target_semaphore(%run_scoped3A : memref<!tpu.dma_semaphore, #tpu.memory_space<semaphore_mem>>)
      %dma_wait3A_300 = arith.constant 0 : i32
      %dma_wait3A_301 = tpu.memref_slice %arg21[%mul3A_242, %dma_wait3A_300] : memref<10240x128xf32, #tpu.memory_space<vmem_shared>> -> memref<640x128xf32, #tpu.memory_space<vmem_shared>>
      %dma_wait3A_302 = arith.constant 0 : i32
      %dma_wait3A_303 = tpu.memref_slice %arg4[%add3A_240, %dma_wait3A_302] : memref<40960x128xf32, #tpu.memory_space<hbm>> -> memref<640x128xf32, #tpu.memory_space<hbm>>
      tpu.wait_dma2 semaphore(%run_scoped3A : memref<!tpu.dma_semaphore, #tpu.memory_space<semaphore_mem>>) src(%dma_wait3A_303 : memref<640x128xf32, #tpu.memory_space<hbm>>) dst(%dma_wait3A_301 : memref<640x128xf32, #tpu.memory_space<vmem_shared>>)
      tpu.yield
    }) : () -> ()
    %barrier3A_243 = arith.constant 0 : index
    tpu.barrier barrier_id(%barrier3A_243)
    %mul3A_244 = arith.constant 10240 : i32
    %mul3A_245 = arith.muli %arg1, %mul3A_244 : i32
    %add3A_246 = arith.addi %mul3A_152, %mul3A_245 : i32
    %add3A_247 = arith.constant 0 : i32
    %add3A_248 = arith.addi %add3A_246, %add3A_247 : i32
    %dma_wait3A_249 = tpu.memref_slice %arg2[%add3A_248] : memref<655360xi32, #tpu.memory_space<hbm>> -> memref<64xi32, #tpu.memory_space<hbm>>
    %dma_wait3A_250 = tpu.memref_slice %arg2[%add3A_248] : memref<655360xi32, #tpu.memory_space<hbm>> -> memref<64xi32, #tpu.memory_space<hbm>>
    tpu.wait_dma2 semaphore(%arg27 : memref<!tpu.dma_semaphore, #tpu.memory_space<semaphore_mem>>) src(%dma_wait3A_250 : memref<64xi32, #tpu.memory_space<hbm>>) dst(%arg6 : memref<64xi32, #tpu.memory_space<vmem>>)
    %dma_start3A_251 = arith.constant 0 : i32
    %dma_start3A_252 = arith.constant 0 : i32
    %dma_start3A_253 = tpu.memref_slice %arg4[%dma_start3A_251, %dma_start3A_252] : memref<40960x128xf32, #tpu.memory_space<hbm>> -> memref<40960x128xf32, #tpu.memory_space<hbm>>
    tpu.enqueue_indirect_dma source(%dma_start3A_253 : memref<40960x128xf32, #tpu.memory_space<hbm>>) target(%arg16 : memref<64x128xf32, #tpu.memory_space<vmem>>) offsets(%arg6 : memref<64xi32, #tpu.memory_space<vmem>>) semaphore(%arg22 : memref<!tpu.dma_semaphore, #tpu.memory_space<semaphore_mem>>)
    %mul3A_254 = arith.constant 10240 : i32
    %mul3A_255 = arith.muli %arg1, %mul3A_254 : i32
    %add3A_256 = arith.addi %mul3A_152, %mul3A_255 : i32
    %add3A_257 = arith.constant 64 : i32
    %add3A_258 = arith.addi %add3A_256, %add3A_257 : i32
    %dma_wait3A_259 = tpu.memref_slice %arg2[%add3A_258] : memref<655360xi32, #tpu.memory_space<hbm>> -> memref<64xi32, #tpu.memory_space<hbm>>
    %dma_wait3A_260 = tpu.memref_slice %arg2[%add3A_258] : memref<655360xi32, #tpu.memory_space<hbm>> -> memref<64xi32, #tpu.memory_space<hbm>>
    tpu.wait_dma2 semaphore(%arg28 : memref<!tpu.dma_semaphore, #tpu.memory_space<semaphore_mem>>) src(%dma_wait3A_260 : memref<64xi32, #tpu.memory_space<hbm>>) dst(%arg7 : memref<64xi32, #tpu.memory_space<vmem>>)
    %dma_start3A_261 = arith.constant 0 : i32
    %dma_start3A_262 = arith.constant 0 : i32
    %dma_start3A_263 = tpu.memref_slice %arg4[%dma_start3A_261, %dma_start3A_262] : memref<40960x128xf32, #tpu.memory_space<hbm>> -> memref<40960x128xf32, #tpu.memory_space<hbm>>
    tpu.enqueue_indirect_dma source(%dma_start3A_263 : memref<40960x128xf32, #tpu.memory_space<hbm>>) target(%arg17 : memref<64x128xf32, #tpu.memory_space<vmem>>) offsets(%arg7 : memref<64xi32, #tpu.memory_space<vmem>>) semaphore(%arg23 : memref<!tpu.dma_semaphore, #tpu.memory_space<semaphore_mem>>)
    %mul3A_264 = arith.constant 10240 : i32
    %mul3A_265 = arith.muli %arg1, %mul3A_264 : i32
    %add3A_266 = arith.addi %mul3A_152, %mul3A_265 : i32
    %add3A_267 = arith.constant 128 : i32
    %add3A_268 = arith.addi %add3A_266, %add3A_267 : i32
    %dma_wait3A_269 = tpu.memref_slice %arg2[%add3A_268] : memref<655360xi32, #tpu.memory_space<hbm>> -> memref<64xi32, #tpu.memory_space<hbm>>
    %dma_wait3A_270 = tpu.memref_slice %arg2[%add3A_268] : memref<655360xi32, #tpu.memory_space<hbm>> -> memref<64xi32, #tpu.memory_space<hbm>>
    tpu.wait_dma2 semaphore(%arg29 : memref<!tpu.dma_semaphore, #tpu.memory_space<semaphore_mem>>) src(%dma_wait3A_270 : memref<64xi32, #tpu.memory_space<hbm>>) dst(%arg8 : memref<64xi32, #tpu.memory_space<vmem>>)
    %dma_start3A_271 = arith.constant 0 : i32
    %dma_start3A_272 = arith.constant 0 : i32
    %dma_start3A_273 = tpu.memref_slice %arg4[%dma_start3A_271, %dma_start3A_272] : memref<40960x128xf32, #tpu.memory_space<hbm>> -> memref<40960x128xf32, #tpu.memory_space<hbm>>
    tpu.enqueue_indirect_dma source(%dma_start3A_273 : memref<40960x128xf32, #tpu.memory_space<hbm>>) target(%arg18 : memref<64x128xf32, #tpu.memory_space<vmem>>) offsets(%arg8 : memref<64xi32, #tpu.memory_space<vmem>>) semaphore(%arg24 : memref<!tpu.dma_semaphore, #tpu.memory_space<semaphore_mem>>)
    %mul3A_274 = arith.constant 10240 : i32
    %mul3A_275 = arith.muli %arg1, %mul3A_274 : i32
    %add3A_276 = arith.addi %mul3A_152, %mul3A_275 : i32
    %add3A_277 = arith.constant 192 : i32
    %add3A_278 = arith.addi %add3A_276, %add3A_277 : i32
    %dma_wait3A_279 = tpu.memref_slice %arg2[%add3A_278] : memref<655360xi32, #tpu.memory_space<hbm>> -> memref<64xi32, #tpu.memory_space<hbm>>
    %dma_wait3A_280 = tpu.memref_slice %arg2[%add3A_278] : memref<655360xi32, #tpu.memory_space<hbm>> -> memref<64xi32, #tpu.memory_space<hbm>>
    tpu.wait_dma2 semaphore(%arg30 : memref<!tpu.dma_semaphore, #tpu.memory_space<semaphore_mem>>) src(%dma_wait3A_280 : memref<64xi32, #tpu.memory_space<hbm>>) dst(%arg9 : memref<64xi32, #tpu.memory_space<vmem>>)
    %dma_start3A_281 = arith.constant 0 : i32
    %dma_start3A_282 = arith.constant 0 : i32
    %dma_start3A_283 = tpu.memref_slice %arg4[%dma_start3A_281, %dma_start3A_282] : memref<40960x128xf32, #tpu.memory_space<hbm>> -> memref<40960x128xf32, #tpu.memory_space<hbm>>
    tpu.enqueue_indirect_dma source(%dma_start3A_283 : memref<40960x128xf32, #tpu.memory_space<hbm>>) target(%arg19 : memref<64x128xf32, #tpu.memory_space<vmem>>) offsets(%arg9 : memref<64xi32, #tpu.memory_space<vmem>>) semaphore(%arg25 : memref<!tpu.dma_semaphore, #tpu.memory_space<semaphore_mem>>)
    %scan3A_284 = arith.constant 0 : i32
    %scan3A_285 = arith.constant 32 : i32
    %scan3A_286 = arith.addi %scan3A_284, %scan3A_285 : i32
    %scan3A_287 = arith.constant 1 : i32
    scf.for %scan3A_296 = %scan3A_284 to %scan3A_286 step %scan3A_287  : i32 {
      %mul3A_297 = arith.constant 5 : i32
      %mul3A_298 = arith.muli %scan3A_296, %mul3A_297 : i32
      %add3A_299 = arith.constant 0 : i32
      %add3A_300 = arith.addi %mul3A_298, %add3A_299 : i32
      %dma_wait3A_301 = arith.constant 0 : i32
      %dma_wait3A_302 = arith.constant 0 : i32
      %dma_wait3A_303 = tpu.memref_slice %arg4[%dma_wait3A_301, %dma_wait3A_302] : memref<40960x128xf32, #tpu.memory_space<hbm>> -> memref<40960x128xf32, #tpu.memory_space<hbm>>
      tpu.wait_indirect_dma semaphore(%arg22 : memref<!tpu.dma_semaphore, #tpu.memory_space<semaphore_mem>>) src(%dma_wait3A_303 : memref<40960x128xf32, #tpu.memory_space<hbm>>) dst(%arg16 : memref<64x128xf32, #tpu.memory_space<vmem>>)
      %mul3A_304 = arith.constant 160 : i32
      %mul3A_305 = arith.muli %arg1, %mul3A_304 : i32
      %add3A_306 = arith.addi %mul3A_305, %add3A_300 : i32
      %dma_wait3A_307 = arith.constant 0 : i32
      %dma_wait3A_308 = tpu.memref_slice %arg3[%add3A_306, %dma_wait3A_307] : memref<2560x64xi32, #tpu.memory_space<hbm>> -> memref<1x64xi32, #tpu.memory_space<hbm>>
      %dma_wait3A_309 = tpu.memref_squeeze %dma_wait3A_308 : memref<1x64xi32, #tpu.memory_space<hbm>> -> memref<64xi32, #tpu.memory_space<hbm>>
      %dma_wait3A_310 = arith.constant 0 : i32
      %dma_wait3A_311 = tpu.memref_slice %arg3[%add3A_306, %dma_wait3A_310] : memref<2560x64xi32, #tpu.memory_space<hbm>> -> memref<1x64xi32, #tpu.memory_space<hbm>>
      %dma_wait3A_312 = tpu.memref_squeeze %dma_wait3A_311 : memref<1x64xi32, #tpu.memory_space<hbm>> -> memref<64xi32, #tpu.memory_space<hbm>>
      tpu.wait_dma2 semaphore(%arg32 : memref<!tpu.dma_semaphore, #tpu.memory_space<semaphore_mem>>) src(%dma_wait3A_312 : memref<64xi32, #tpu.memory_space<hbm>>) dst(%arg11 : memref<64xi32, #tpu.memory_space<vmem>>)
      "tpu.region"() ({
        %run_scoped3A = tpu.sem_alloc : memref<!tpu.dma_semaphore, #tpu.memory_space<semaphore_mem>>
        %dma_start3A_459 = arith.constant 0 : i32
        %dma_start3A_460 = arith.constant 0 : i32
        %dma_start3A_461 = tpu.memref_slice %arg21[%dma_start3A_459, %dma_start3A_460] : memref<10240x128xf32, #tpu.memory_space<vmem_shared>> -> memref<10240x128xf32, #tpu.memory_space<vmem_shared>>
        tpu.enqueue_indirect_dma source(%arg16 : memref<64x128xf32, #tpu.memory_space<vmem>>) target(%dma_start3A_461 : memref<10240x128xf32, #tpu.memory_space<vmem_shared>>) offsets(%arg11 : memref<64xi32, #tpu.memory_space<vmem>>) semaphore(%run_scoped3A : memref<!tpu.dma_semaphore, #tpu.memory_space<semaphore_mem>>) {add = true}
        %dma_wait3A_462 = arith.constant 0 : i32
        %dma_wait3A_463 = arith.constant 0 : i32
        %dma_wait3A_464 = tpu.memref_slice %arg21[%dma_wait3A_462, %dma_wait3A_463] : memref<10240x128xf32, #tpu.memory_space<vmem_shared>> -> memref<10240x128xf32, #tpu.memory_space<vmem_shared>>
        tpu.wait_indirect_dma semaphore(%run_scoped3A : memref<!tpu.dma_semaphore, #tpu.memory_space<semaphore_mem>>) src(%arg16 : memref<64x128xf32, #tpu.memory_space<vmem>>) dst(%dma_wait3A_464 : memref<10240x128xf32, #tpu.memory_space<vmem_shared>>)
        tpu.yield
      }) : () -> ()
      %add3A_313 = arith.constant 5 : i32
      %add3A_314 = arith.addi %add3A_300, %add3A_313 : i32
      %lt3A = arith.constant 160 : i32
      %lt3A_315 = arith.cmpi slt, %add3A_314, %lt3A : i32
      %convert_element_type3A = arith.extui %lt3A_315 : i1 to i32
      %cond3A = arith.constant 0 : i32
      %cond3A_316 = arith.cmpi ne, %convert_element_type3A, %cond3A : i32
      scf.if %cond3A_316 {
        %add3A_459 = arith.constant 5 : i32
        %add3A_460 = arith.addi %add3A_300, %add3A_459 : i32
        %mul3A_461 = arith.constant 10240 : i32
        %mul3A_462 = arith.muli %arg1, %mul3A_461 : i32
        %add3A_463 = arith.addi %mul3A_152, %mul3A_462 : i32
        %mul3A_464 = arith.constant 64 : i32
        %mul3A_465 = arith.muli %add3A_460, %mul3A_464 : i32
        %add3A_466 = arith.addi %add3A_463, %mul3A_465 : i32
        %dma_start3A_467 = tpu.memref_slice %arg2[%add3A_466] : memref<655360xi32, #tpu.memory_space<hbm>> -> memref<64xi32, #tpu.memory_space<hbm>>
        %dma_start3A_468 = tpu.memref_slice %arg2[%add3A_466] : memref<655360xi32, #tpu.memory_space<hbm>> -> memref<64xi32, #tpu.memory_space<hbm>>
        tpu.enqueue_dma source(%dma_start3A_468 : memref<64xi32, #tpu.memory_space<hbm>>) target(%arg6 : memref<64xi32, #tpu.memory_space<vmem>>) target_semaphore(%arg27 : memref<!tpu.dma_semaphore, #tpu.memory_space<semaphore_mem>>)
        %mul3A_469 = arith.constant 160 : i32
        %mul3A_470 = arith.muli %arg1, %mul3A_469 : i32
        %add3A_471 = arith.addi %mul3A_470, %add3A_460 : i32
        %dma_start3A_472 = arith.constant 0 : i32
        %dma_start3A_473 = tpu.memref_slice %arg3[%add3A_471, %dma_start3A_472] : memref<2560x64xi32, #tpu.memory_space<hbm>> -> memref<1x64xi32, #tpu.memory_space<hbm>>
        %dma_start3A_474 = tpu.memref_squeeze %dma_start3A_473 : memref<1x64xi32, #tpu.memory_space<hbm>> -> memref<64xi32, #tpu.memory_space<hbm>>
        %dma_start3A_475 = arith.constant 0 : i32
        %dma_start3A_476 = tpu.memref_slice %arg3[%add3A_471, %dma_start3A_475] : memref<2560x64xi32, #tpu.memory_space<hbm>> -> memref<1x64xi32, #tpu.memory_space<hbm>>
        %dma_start3A_477 = tpu.memref_squeeze %dma_start3A_476 : memref<1x64xi32, #tpu.memory_space<hbm>> -> memref<64xi32, #tpu.memory_space<hbm>>
        tpu.enqueue_dma source(%dma_start3A_477 : memref<64xi32, #tpu.memory_space<hbm>>) target(%arg11 : memref<64xi32, #tpu.memory_space<vmem>>) target_semaphore(%arg32 : memref<!tpu.dma_semaphore, #tpu.memory_space<semaphore_mem>>)
      } else {
      }
      %add3A_317 = arith.constant 5 : i32
      %add3A_318 = arith.addi %add3A_300, %add3A_317 : i32
      %sub3A = arith.constant 1 : i32
      %sub3A_319 = arith.subi %add3A_318, %sub3A : i32
      %mul3A_320 = arith.constant 10240 : i32
      %mul3A_321 = arith.muli %arg1, %mul3A_320 : i32
      %add3A_322 = arith.addi %mul3A_152, %mul3A_321 : i32
      %mul3A_323 = arith.constant 64 : i32
      %mul3A_324 = arith.muli %sub3A_319, %mul3A_323 : i32
      %add3A_325 = arith.addi %add3A_322, %mul3A_324 : i32
      %dma_wait3A_326 = tpu.memref_slice %arg2[%add3A_325] : memref<655360xi32, #tpu.memory_space<hbm>> -> memref<64xi32, #tpu.memory_space<hbm>>
      %dma_wait3A_327 = tpu.memref_slice %arg2[%add3A_325] : memref<655360xi32, #tpu.memory_space<hbm>> -> memref<64xi32, #tpu.memory_space<hbm>>
      tpu.wait_dma2 semaphore(%arg31 : memref<!tpu.dma_semaphore, #tpu.memory_space<semaphore_mem>>) src(%dma_wait3A_327 : memref<64xi32, #tpu.memory_space<hbm>>) dst(%arg10 : memref<64xi32, #tpu.memory_space<vmem>>)
      %dma_start3A_328 = arith.constant 0 : i32
      %dma_start3A_329 = arith.constant 0 : i32
      %dma_start3A_330 = tpu.memref_slice %arg4[%dma_start3A_328, %dma_start3A_329] : memref<40960x128xf32, #tpu.memory_space<hbm>> -> memref<40960x128xf32, #tpu.memory_space<hbm>>
      tpu.enqueue_indirect_dma source(%dma_start3A_330 : memref<40960x128xf32, #tpu.memory_space<hbm>>) target(%arg20 : memref<64x128xf32, #tpu.memory_space<vmem>>) offsets(%arg10 : memref<64xi32, #tpu.memory_space<vmem>>) semaphore(%arg26 : memref<!tpu.dma_semaphore, #tpu.memory_space<semaphore_mem>>)
      %mul3A_331 = arith.constant 5 : i32
      %mul3A_332 = arith.muli %scan3A_296, %mul3A_331 : i32
      %add3A_333 = arith.constant 1 : i32
      %add3A_334 = arith.addi %mul3A_332, %add3A_333 : i32
      %dma_wait3A_335 = arith.constant 0 : i32
      %dma_wait3A_336 = arith.constant 0 : i32
      %dma_wait3A_337 = tpu.memref_slice %arg4[%dma_wait3A_335, %dma_wait3A_336] : memref<40960x128xf32, #tpu.memory_space<hbm>> -> memref<40960x128xf32, #tpu.memory_space<hbm>>
      tpu.wait_indirect_dma semaphore(%arg23 : memref<!tpu.dma_semaphore, #tpu.memory_space<semaphore_mem>>) src(%dma_wait3A_337 : memref<40960x128xf32, #tpu.memory_space<hbm>>) dst(%arg17 : memref<64x128xf32, #tpu.memory_space<vmem>>)
      %mul3A_338 = arith.constant 160 : i32
      %mul3A_339 = arith.muli %arg1, %mul3A_338 : i32
      %add3A_340 = arith.addi %mul3A_339, %add3A_334 : i32
      %dma_wait3A_341 = arith.constant 0 : i32
      %dma_wait3A_342 = tpu.memref_slice %arg3[%add3A_340, %dma_wait3A_341] : memref<2560x64xi32, #tpu.memory_space<hbm>> -> memref<1x64xi32, #tpu.memory_space<hbm>>
      %dma_wait3A_343 = tpu.memref_squeeze %dma_wait3A_342 : memref<1x64xi32, #tpu.memory_space<hbm>> -> memref<64xi32, #tpu.memory_space<hbm>>
      %dma_wait3A_344 = arith.constant 0 : i32
      %dma_wait3A_345 = tpu.memref_slice %arg3[%add3A_340, %dma_wait3A_344] : memref<2560x64xi32, #tpu.memory_space<hbm>> -> memref<1x64xi32, #tpu.memory_space<hbm>>
      %dma_wait3A_346 = tpu.memref_squeeze %dma_wait3A_345 : memref<1x64xi32, #tpu.memory_space<hbm>> -> memref<64xi32, #tpu.memory_space<hbm>>
      tpu.wait_dma2 semaphore(%arg33 : memref<!tpu.dma_semaphore, #tpu.memory_space<semaphore_mem>>) src(%dma_wait3A_346 : memref<64xi32, #tpu.memory_space<hbm>>) dst(%arg12 : memref<64xi32, #tpu.memory_space<vmem>>)
      "tpu.region"() ({
        %run_scoped3A = tpu.sem_alloc : memref<!tpu.dma_semaphore, #tpu.memory_space<semaphore_mem>>
        %dma_start3A_459 = arith.constant 0 : i32
        %dma_start3A_460 = arith.constant 0 : i32
        %dma_start3A_461 = tpu.memref_slice %arg21[%dma_start3A_459, %dma_start3A_460] : memref<10240x128xf32, #tpu.memory_space<vmem_shared>> -> memref<10240x128xf32, #tpu.memory_space<vmem_shared>>
        tpu.enqueue_indirect_dma source(%arg17 : memref<64x128xf32, #tpu.memory_space<vmem>>) target(%dma_start3A_461 : memref<10240x128xf32, #tpu.memory_space<vmem_shared>>) offsets(%arg12 : memref<64xi32, #tpu.memory_space<vmem>>) semaphore(%run_scoped3A : memref<!tpu.dma_semaphore, #tpu.memory_space<semaphore_mem>>) {add = true}
        %dma_wait3A_462 = arith.constant 0 : i32
        %dma_wait3A_463 = arith.constant 0 : i32
        %dma_wait3A_464 = tpu.memref_slice %arg21[%dma_wait3A_462, %dma_wait3A_463] : memref<10240x128xf32, #tpu.memory_space<vmem_shared>> -> memref<10240x128xf32, #tpu.memory_space<vmem_shared>>
        tpu.wait_indirect_dma semaphore(%run_scoped3A : memref<!tpu.dma_semaphore, #tpu.memory_space<semaphore_mem>>) src(%arg17 : memref<64x128xf32, #tpu.memory_space<vmem>>) dst(%dma_wait3A_464 : memref<10240x128xf32, #tpu.memory_space<vmem_shared>>)
        tpu.yield
      }) : () -> ()
      %add3A_347 = arith.constant 5 : i32
      %add3A_348 = arith.addi %add3A_334, %add3A_347 : i32
      %lt3A_349 = arith.constant 160 : i32
      %lt3A_350 = arith.cmpi slt, %add3A_348, %lt3A_349 : i32
      %convert_element_type3A_351 = arith.extui %lt3A_350 : i1 to i32
      %cond3A_352 = arith.constant 0 : i32
      %cond3A_353 = arith.cmpi ne, %convert_element_type3A_351, %cond3A_352 : i32
      scf.if %cond3A_353 {
        %add3A_459 = arith.constant 5 : i32
        %add3A_460 = arith.addi %add3A_334, %add3A_459 : i32
        %mul3A_461 = arith.constant 10240 : i32
        %mul3A_462 = arith.muli %arg1, %mul3A_461 : i32
        %add3A_463 = arith.addi %mul3A_152, %mul3A_462 : i32
        %mul3A_464 = arith.constant 64 : i32
        %mul3A_465 = arith.muli %add3A_460, %mul3A_464 : i32
        %add3A_466 = arith.addi %add3A_463, %mul3A_465 : i32
        %dma_start3A_467 = tpu.memref_slice %arg2[%add3A_466] : memref<655360xi32, #tpu.memory_space<hbm>> -> memref<64xi32, #tpu.memory_space<hbm>>
        %dma_start3A_468 = tpu.memref_slice %arg2[%add3A_466] : memref<655360xi32, #tpu.memory_space<hbm>> -> memref<64xi32, #tpu.memory_space<hbm>>
        tpu.enqueue_dma source(%dma_start3A_468 : memref<64xi32, #tpu.memory_space<hbm>>) target(%arg7 : memref<64xi32, #tpu.memory_space<vmem>>) target_semaphore(%arg28 : memref<!tpu.dma_semaphore, #tpu.memory_space<semaphore_mem>>)
        %mul3A_469 = arith.constant 160 : i32
        %mul3A_470 = arith.muli %arg1, %mul3A_469 : i32
        %add3A_471 = arith.addi %mul3A_470, %add3A_460 : i32
        %dma_start3A_472 = arith.constant 0 : i32
        %dma_start3A_473 = tpu.memref_slice %arg3[%add3A_471, %dma_start3A_472] : memref<2560x64xi32, #tpu.memory_space<hbm>> -> memref<1x64xi32, #tpu.memory_space<hbm>>
        %dma_start3A_474 = tpu.memref_squeeze %dma_start3A_473 : memref<1x64xi32, #tpu.memory_space<hbm>> -> memref<64xi32, #tpu.memory_space<hbm>>
        %dma_start3A_475 = arith.constant 0 : i32
        %dma_start3A_476 = tpu.memref_slice %arg3[%add3A_471, %dma_start3A_475] : memref<2560x64xi32, #tpu.memory_space<hbm>> -> memref<1x64xi32, #tpu.memory_space<hbm>>
        %dma_start3A_477 = tpu.memref_squeeze %dma_start3A_476 : memref<1x64xi32, #tpu.memory_space<hbm>> -> memref<64xi32, #tpu.memory_space<hbm>>
        tpu.enqueue_dma source(%dma_start3A_477 : memref<64xi32, #tpu.memory_space<hbm>>) target(%arg12 : memref<64xi32, #tpu.memory_space<vmem>>) target_semaphore(%arg33 : memref<!tpu.dma_semaphore, #tpu.memory_space<semaphore_mem>>)
      } else {
      }
      %add3A_354 = arith.constant 5 : i32
      %add3A_355 = arith.addi %add3A_334, %add3A_354 : i32
      %sub3A_356 = arith.constant 1 : i32
      %sub3A_357 = arith.subi %add3A_355, %sub3A_356 : i32
      %lt3A_358 = arith.constant 160 : i32
      %lt3A_359 = arith.cmpi slt, %sub3A_357, %lt3A_358 : i32
      %convert_element_type3A_360 = arith.extui %lt3A_359 : i1 to i32
      %cond3A_361 = arith.constant 0 : i32
      %cond3A_362 = arith.cmpi ne, %convert_element_type3A_360, %cond3A_361 : i32
      scf.if %cond3A_362 {
        %add3A_459 = arith.constant 5 : i32
        %add3A_460 = arith.addi %add3A_334, %add3A_459 : i32
        %sub3A_461 = arith.constant 1 : i32
        %sub3A_462 = arith.subi %add3A_460, %sub3A_461 : i32
        %mul3A_463 = arith.constant 10240 : i32
        %mul3A_464 = arith.muli %arg1, %mul3A_463 : i32
        %add3A_465 = arith.addi %mul3A_152, %mul3A_464 : i32
        %mul3A_466 = arith.constant 64 : i32
        %mul3A_467 = arith.muli %sub3A_462, %mul3A_466 : i32
        %add3A_468 = arith.addi %add3A_465, %mul3A_467 : i32
        %dma_wait3A_469 = tpu.memref_slice %arg2[%add3A_468] : memref<655360xi32, #tpu.memory_space<hbm>> -> memref<64xi32, #tpu.memory_space<hbm>>
        %dma_wait3A_470 = tpu.memref_slice %arg2[%add3A_468] : memref<655360xi32, #tpu.memory_space<hbm>> -> memref<64xi32, #tpu.memory_space<hbm>>
        tpu.wait_dma2 semaphore(%arg27 : memref<!tpu.dma_semaphore, #tpu.memory_space<semaphore_mem>>) src(%dma_wait3A_470 : memref<64xi32, #tpu.memory_space<hbm>>) dst(%arg6 : memref<64xi32, #tpu.memory_space<vmem>>)
        %dma_start3A_471 = arith.constant 0 : i32
        %dma_start3A_472 = arith.constant 0 : i32
        %dma_start3A_473 = tpu.memref_slice %arg4[%dma_start3A_471, %dma_start3A_472] : memref<40960x128xf32, #tpu.memory_space<hbm>> -> memref<40960x128xf32, #tpu.memory_space<hbm>>
        tpu.enqueue_indirect_dma source(%dma_start3A_473 : memref<40960x128xf32, #tpu.memory_space<hbm>>) target(%arg16 : memref<64x128xf32, #tpu.memory_space<vmem>>) offsets(%arg6 : memref<64xi32, #tpu.memory_space<vmem>>) semaphore(%arg22 : memref<!tpu.dma_semaphore, #tpu.memory_space<semaphore_mem>>)
      } else {
      }
      %mul3A_363 = arith.constant 5 : i32
      %mul3A_364 = arith.muli %scan3A_296, %mul3A_363 : i32
      %add3A_365 = arith.constant 2 : i32
      %add3A_366 = arith.addi %mul3A_364, %add3A_365 : i32
      %dma_wait3A_367 = arith.constant 0 : i32
      %dma_wait3A_368 = arith.constant 0 : i32
      %dma_wait3A_369 = tpu.memref_slice %arg4[%dma_wait3A_367, %dma_wait3A_368] : memref<40960x128xf32, #tpu.memory_space<hbm>> -> memref<40960x128xf32, #tpu.memory_space<hbm>>
      tpu.wait_indirect_dma semaphore(%arg24 : memref<!tpu.dma_semaphore, #tpu.memory_space<semaphore_mem>>) src(%dma_wait3A_369 : memref<40960x128xf32, #tpu.memory_space<hbm>>) dst(%arg18 : memref<64x128xf32, #tpu.memory_space<vmem>>)
      %mul3A_370 = arith.constant 160 : i32
      %mul3A_371 = arith.muli %arg1, %mul3A_370 : i32
      %add3A_372 = arith.addi %mul3A_371, %add3A_366 : i32
      %dma_wait3A_373 = arith.constant 0 : i32
      %dma_wait3A_374 = tpu.memref_slice %arg3[%add3A_372, %dma_wait3A_373] : memref<2560x64xi32, #tpu.memory_space<hbm>> -> memref<1x64xi32, #tpu.memory_space<hbm>>
      %dma_wait3A_375 = tpu.memref_squeeze %dma_wait3A_374 : memref<1x64xi32, #tpu.memory_space<hbm>> -> memref<64xi32, #tpu.memory_space<hbm>>
      %dma_wait3A_376 = arith.constant 0 : i32
      %dma_wait3A_377 = tpu.memref_slice %arg3[%add3A_372, %dma_wait3A_376] : memref<2560x64xi32, #tpu.memory_space<hbm>> -> memref<1x64xi32, #tpu.memory_space<hbm>>
      %dma_wait3A_378 = tpu.memref_squeeze %dma_wait3A_377 : memref<1x64xi32, #tpu.memory_space<hbm>> -> memref<64xi32, #tpu.memory_space<hbm>>
      tpu.wait_dma2 semaphore(%arg34 : memref<!tpu.dma_semaphore, #tpu.memory_space<semaphore_mem>>) src(%dma_wait3A_378 : memref<64xi32, #tpu.memory_space<hbm>>) dst(%arg13 : memref<64xi32, #tpu.memory_space<vmem>>)
      "tpu.region"() ({
        %run_scoped3A = tpu.sem_alloc : memref<!tpu.dma_semaphore, #tpu.memory_space<semaphore_mem>>
        %dma_start3A_459 = arith.constant 0 : i32
        %dma_start3A_460 = arith.constant 0 : i32
        %dma_start3A_461 = tpu.memref_slice %arg21[%dma_start3A_459, %dma_start3A_460] : memref<10240x128xf32, #tpu.memory_space<vmem_shared>> -> memref<10240x128xf32, #tpu.memory_space<vmem_shared>>
        tpu.enqueue_indirect_dma source(%arg18 : memref<64x128xf32, #tpu.memory_space<vmem>>) target(%dma_start3A_461 : memref<10240x128xf32, #tpu.memory_space<vmem_shared>>) offsets(%arg13 : memref<64xi32, #tpu.memory_space<vmem>>) semaphore(%run_scoped3A : memref<!tpu.dma_semaphore, #tpu.memory_space<semaphore_mem>>) {add = true}
        %dma_wait3A_462 = arith.constant 0 : i32
        %dma_wait3A_463 = arith.constant 0 : i32
        %dma_wait3A_464 = tpu.memref_slice %arg21[%dma_wait3A_462, %dma_wait3A_463] : memref<10240x128xf32, #tpu.memory_space<vmem_shared>> -> memref<10240x128xf32, #tpu.memory_space<vmem_shared>>
        tpu.wait_indirect_dma semaphore(%run_scoped3A : memref<!tpu.dma_semaphore, #tpu.memory_space<semaphore_mem>>) src(%arg18 : memref<64x128xf32, #tpu.memory_space<vmem>>) dst(%dma_wait3A_464 : memref<10240x128xf32, #tpu.memory_space<vmem_shared>>)
        tpu.yield
      }) : () -> ()
      %add3A_379 = arith.constant 5 : i32
      %add3A_380 = arith.addi %add3A_366, %add3A_379 : i32
      %lt3A_381 = arith.constant 160 : i32
      %lt3A_382 = arith.cmpi slt, %add3A_380, %lt3A_381 : i32
      %convert_element_type3A_383 = arith.extui %lt3A_382 : i1 to i32
      %cond3A_384 = arith.constant 0 : i32
      %cond3A_385 = arith.cmpi ne, %convert_element_type3A_383, %cond3A_384 : i32
      scf.if %cond3A_385 {
        %add3A_459 = arith.constant 5 : i32
        %add3A_460 = arith.addi %add3A_366, %add3A_459 : i32
        %mul3A_461 = arith.constant 10240 : i32
        %mul3A_462 = arith.muli %arg1, %mul3A_461 : i32
        %add3A_463 = arith.addi %mul3A_152, %mul3A_462 : i32
        %mul3A_464 = arith.constant 64 : i32
        %mul3A_465 = arith.muli %add3A_460, %mul3A_464 : i32
        %add3A_466 = arith.addi %add3A_463, %mul3A_465 : i32
        %dma_start3A_467 = tpu.memref_slice %arg2[%add3A_466] : memref<655360xi32, #tpu.memory_space<hbm>> -> memref<64xi32, #tpu.memory_space<hbm>>
        %dma_start3A_468 = tpu.memref_slice %arg2[%add3A_466] : memref<655360xi32, #tpu.memory_space<hbm>> -> memref<64xi32, #tpu.memory_space<hbm>>
        tpu.enqueue_dma source(%dma_start3A_468 : memref<64xi32, #tpu.memory_space<hbm>>) target(%arg8 : memref<64xi32, #tpu.memory_space<vmem>>) target_semaphore(%arg29 : memref<!tpu.dma_semaphore, #tpu.memory_space<semaphore_mem>>)
        %mul3A_469 = arith.constant 160 : i32
        %mul3A_470 = arith.muli %arg1, %mul3A_469 : i32
        %add3A_471 = arith.addi %mul3A_470, %add3A_460 : i32
        %dma_start3A_472 = arith.constant 0 : i32
        %dma_start3A_473 = tpu.memref_slice %arg3[%add3A_471, %dma_start3A_472] : memref<2560x64xi32, #tpu.memory_space<hbm>> -> memref<1x64xi32, #tpu.memory_space<hbm>>
        %dma_start3A_474 = tpu.memref_squeeze %dma_start3A_473 : memref<1x64xi32, #tpu.memory_space<hbm>> -> memref<64xi32, #tpu.memory_space<hbm>>
        %dma_start3A_475 = arith.constant 0 : i32
        %dma_start3A_476 = tpu.memref_slice %arg3[%add3A_471, %dma_start3A_475] : memref<2560x64xi32, #tpu.memory_space<hbm>> -> memref<1x64xi32, #tpu.memory_space<hbm>>
        %dma_start3A_477 = tpu.memref_squeeze %dma_start3A_476 : memref<1x64xi32, #tpu.memory_space<hbm>> -> memref<64xi32, #tpu.memory_space<hbm>>
        tpu.enqueue_dma source(%dma_start3A_477 : memref<64xi32, #tpu.memory_space<hbm>>) target(%arg13 : memref<64xi32, #tpu.memory_space<vmem>>) target_semaphore(%arg34 : memref<!tpu.dma_semaphore, #tpu.memory_space<semaphore_mem>>)
      } else {
      }
      %add3A_386 = arith.constant 5 : i32
      %add3A_387 = arith.addi %add3A_366, %add3A_386 : i32
      %sub3A_388 = arith.constant 1 : i32
      %sub3A_389 = arith.subi %add3A_387, %sub3A_388 : i32
      %lt3A_390 = arith.constant 160 : i32
      %lt3A_391 = arith.cmpi slt, %sub3A_389, %lt3A_390 : i32
      %convert_element_type3A_392 = arith.extui %lt3A_391 : i1 to i32
      %cond3A_393 = arith.constant 0 : i32
      %cond3A_394 = arith.cmpi ne, %convert_element_type3A_392, %cond3A_393 : i32
      scf.if %cond3A_394 {
        %add3A_459 = arith.constant 5 : i32
        %add3A_460 = arith.addi %add3A_366, %add3A_459 : i32
        %sub3A_461 = arith.constant 1 : i32
        %sub3A_462 = arith.subi %add3A_460, %sub3A_461 : i32
        %mul3A_463 = arith.constant 10240 : i32
        %mul3A_464 = arith.muli %arg1, %mul3A_463 : i32
        %add3A_465 = arith.addi %mul3A_152, %mul3A_464 : i32
        %mul3A_466 = arith.constant 64 : i32
        %mul3A_467 = arith.muli %sub3A_462, %mul3A_466 : i32
        %add3A_468 = arith.addi %add3A_465, %mul3A_467 : i32
        %dma_wait3A_469 = tpu.memref_slice %arg2[%add3A_468] : memref<655360xi32, #tpu.memory_space<hbm>> -> memref<64xi32, #tpu.memory_space<hbm>>
        %dma_wait3A_470 = tpu.memref_slice %arg2[%add3A_468] : memref<655360xi32, #tpu.memory_space<hbm>> -> memref<64xi32, #tpu.memory_space<hbm>>
        tpu.wait_dma2 semaphore(%arg28 : memref<!tpu.dma_semaphore, #tpu.memory_space<semaphore_mem>>) src(%dma_wait3A_470 : memref<64xi32, #tpu.memory_space<hbm>>) dst(%arg7 : memref<64xi32, #tpu.memory_space<vmem>>)
        %dma_start3A_471 = arith.constant 0 : i32
        %dma_start3A_472 = arith.constant 0 : i32
        %dma_start3A_473 = tpu.memref_slice %arg4[%dma_start3A_471, %dma_start3A_472] : memref<40960x128xf32, #tpu.memory_space<hbm>> -> memref<40960x128xf32, #tpu.memory_space<hbm>>
        tpu.enqueue_indirect_dma source(%dma_start3A_473 : memref<40960x128xf32, #tpu.memory_space<hbm>>) target(%arg17 : memref<64x128xf32, #tpu.memory_space<vmem>>) offsets(%arg7 : memref<64xi32, #tpu.memory_space<vmem>>) semaphore(%arg23 : memref<!tpu.dma_semaphore, #tpu.memory_space<semaphore_mem>>)
      } else {
      }
      %mul3A_395 = arith.constant 5 : i32
      %mul3A_396 = arith.muli %scan3A_296, %mul3A_395 : i32
      %add3A_397 = arith.constant 3 : i32
      %add3A_398 = arith.addi %mul3A_396, %add3A_397 : i32
      %dma_wait3A_399 = arith.constant 0 : i32
      %dma_wait3A_400 = arith.constant 0 : i32
      %dma_wait3A_401 = tpu.memref_slice %arg4[%dma_wait3A_399, %dma_wait3A_400] : memref<40960x128xf32, #tpu.memory_space<hbm>> -> memref<40960x128xf32, #tpu.memory_space<hbm>>
      tpu.wait_indirect_dma semaphore(%arg25 : memref<!tpu.dma_semaphore, #tpu.memory_space<semaphore_mem>>) src(%dma_wait3A_401 : memref<40960x128xf32, #tpu.memory_space<hbm>>) dst(%arg19 : memref<64x128xf32, #tpu.memory_space<vmem>>)
      %mul3A_402 = arith.constant 160 : i32
      %mul3A_403 = arith.muli %arg1, %mul3A_402 : i32
      %add3A_404 = arith.addi %mul3A_403, %add3A_398 : i32
      %dma_wait3A_405 = arith.constant 0 : i32
      %dma_wait3A_406 = tpu.memref_slice %arg3[%add3A_404, %dma_wait3A_405] : memref<2560x64xi32, #tpu.memory_space<hbm>> -> memref<1x64xi32, #tpu.memory_space<hbm>>
      %dma_wait3A_407 = tpu.memref_squeeze %dma_wait3A_406 : memref<1x64xi32, #tpu.memory_space<hbm>> -> memref<64xi32, #tpu.memory_space<hbm>>
      %dma_wait3A_408 = arith.constant 0 : i32
      %dma_wait3A_409 = tpu.memref_slice %arg3[%add3A_404, %dma_wait3A_408] : memref<2560x64xi32, #tpu.memory_space<hbm>> -> memref<1x64xi32, #tpu.memory_space<hbm>>
      %dma_wait3A_410 = tpu.memref_squeeze %dma_wait3A_409 : memref<1x64xi32, #tpu.memory_space<hbm>> -> memref<64xi32, #tpu.memory_space<hbm>>
      tpu.wait_dma2 semaphore(%arg35 : memref<!tpu.dma_semaphore, #tpu.memory_space<semaphore_mem>>) src(%dma_wait3A_410 : memref<64xi32, #tpu.memory_space<hbm>>) dst(%arg14 : memref<64xi32, #tpu.memory_space<vmem>>)
      "tpu.region"() ({
        %run_scoped3A = tpu.sem_alloc : memref<!tpu.dma_semaphore, #tpu.memory_space<semaphore_mem>>
        %dma_start3A_459 = arith.constant 0 : i32
        %dma_start3A_460 = arith.constant 0 : i32
        %dma_start3A_461 = tpu.memref_slice %arg21[%dma_start3A_459, %dma_start3A_460] : memref<10240x128xf32, #tpu.memory_space<vmem_shared>> -> memref<10240x128xf32, #tpu.memory_space<vmem_shared>>
        tpu.enqueue_indirect_dma source(%arg19 : memref<64x128xf32, #tpu.memory_space<vmem>>) target(%dma_start3A_461 : memref<10240x128xf32, #tpu.memory_space<vmem_shared>>) offsets(%arg14 : memref<64xi32, #tpu.memory_space<vmem>>) semaphore(%run_scoped3A : memref<!tpu.dma_semaphore, #tpu.memory_space<semaphore_mem>>) {add = true}
        %dma_wait3A_462 = arith.constant 0 : i32
        %dma_wait3A_463 = arith.constant 0 : i32
        %dma_wait3A_464 = tpu.memref_slice %arg21[%dma_wait3A_462, %dma_wait3A_463] : memref<10240x128xf32, #tpu.memory_space<vmem_shared>> -> memref<10240x128xf32, #tpu.memory_space<vmem_shared>>
        tpu.wait_indirect_dma semaphore(%run_scoped3A : memref<!tpu.dma_semaphore, #tpu.memory_space<semaphore_mem>>) src(%arg19 : memref<64x128xf32, #tpu.memory_space<vmem>>) dst(%dma_wait3A_464 : memref<10240x128xf32, #tpu.memory_space<vmem_shared>>)
        tpu.yield
      }) : () -> ()
      %add3A_411 = arith.constant 5 : i32
      %add3A_412 = arith.addi %add3A_398, %add3A_411 : i32
      %lt3A_413 = arith.constant 160 : i32
      %lt3A_414 = arith.cmpi slt, %add3A_412, %lt3A_413 : i32
      %convert_element_type3A_415 = arith.extui %lt3A_414 : i1 to i32
      %cond3A_416 = arith.constant 0 : i32
      %cond3A_417 = arith.cmpi ne, %convert_element_type3A_415, %cond3A_416 : i32
      scf.if %cond3A_417 {
        %add3A_459 = arith.constant 5 : i32
        %add3A_460 = arith.addi %add3A_398, %add3A_459 : i32
        %mul3A_461 = arith.constant 10240 : i32
        %mul3A_462 = arith.muli %arg1, %mul3A_461 : i32
        %add3A_463 = arith.addi %mul3A_152, %mul3A_462 : i32
        %mul3A_464 = arith.constant 64 : i32
        %mul3A_465 = arith.muli %add3A_460, %mul3A_464 : i32
        %add3A_466 = arith.addi %add3A_463, %mul3A_465 : i32
        %dma_start3A_467 = tpu.memref_slice %arg2[%add3A_466] : memref<655360xi32, #tpu.memory_space<hbm>> -> memref<64xi32, #tpu.memory_space<hbm>>
        %dma_start3A_468 = tpu.memref_slice %arg2[%add3A_466] : memref<655360xi32, #tpu.memory_space<hbm>> -> memref<64xi32, #tpu.memory_space<hbm>>
        tpu.enqueue_dma source(%dma_start3A_468 : memref<64xi32, #tpu.memory_space<hbm>>) target(%arg9 : memref<64xi32, #tpu.memory_space<vmem>>) target_semaphore(%arg30 : memref<!tpu.dma_semaphore, #tpu.memory_space<semaphore_mem>>)
        %mul3A_469 = arith.constant 160 : i32
        %mul3A_470 = arith.muli %arg1, %mul3A_469 : i32
        %add3A_471 = arith.addi %mul3A_470, %add3A_460 : i32
        %dma_start3A_472 = arith.constant 0 : i32
        %dma_start3A_473 = tpu.memref_slice %arg3[%add3A_471, %dma_start3A_472] : memref<2560x64xi32, #tpu.memory_space<hbm>> -> memref<1x64xi32, #tpu.memory_space<hbm>>
        %dma_start3A_474 = tpu.memref_squeeze %dma_start3A_473 : memref<1x64xi32, #tpu.memory_space<hbm>> -> memref<64xi32, #tpu.memory_space<hbm>>
        %dma_start3A_475 = arith.constant 0 : i32
        %dma_start3A_476 = tpu.memref_slice %arg3[%add3A_471, %dma_start3A_475] : memref<2560x64xi32, #tpu.memory_space<hbm>> -> memref<1x64xi32, #tpu.memory_space<hbm>>
        %dma_start3A_477 = tpu.memref_squeeze %dma_start3A_476 : memref<1x64xi32, #tpu.memory_space<hbm>> -> memref<64xi32, #tpu.memory_space<hbm>>
        tpu.enqueue_dma source(%dma_start3A_477 : memref<64xi32, #tpu.memory_space<hbm>>) target(%arg14 : memref<64xi32, #tpu.memory_space<vmem>>) target_semaphore(%arg35 : memref<!tpu.dma_semaphore, #tpu.memory_space<semaphore_mem>>)
      } else {
      }
      %add3A_418 = arith.constant 5 : i32
      %add3A_419 = arith.addi %add3A_398, %add3A_418 : i32
      %sub3A_420 = arith.constant 1 : i32
      %sub3A_421 = arith.subi %add3A_419, %sub3A_420 : i32
      %lt3A_422 = arith.constant 160 : i32
      %lt3A_423 = arith.cmpi slt, %sub3A_421, %lt3A_422 : i32
      %convert_element_type3A_424 = arith.extui %lt3A_423 : i1 to i32
      %cond3A_425 = arith.constant 0 : i32
      %cond3A_426 = arith.cmpi ne, %convert_element_type3A_424, %cond3A_425 : i32
      scf.if %cond3A_426 {
        %add3A_459 = arith.constant 5 : i32
        %add3A_460 = arith.addi %add3A_398, %add3A_459 : i32
        %sub3A_461 = arith.constant 1 : i32
        %sub3A_462 = arith.subi %add3A_460, %sub3A_461 : i32
        %mul3A_463 = arith.constant 10240 : i32
        %mul3A_464 = arith.muli %arg1, %mul3A_463 : i32
        %add3A_465 = arith.addi %mul3A_152, %mul3A_464 : i32
        %mul3A_466 = arith.constant 64 : i32
        %mul3A_467 = arith.muli %sub3A_462, %mul3A_466 : i32
        %add3A_468 = arith.addi %add3A_465, %mul3A_467 : i32
        %dma_wait3A_469 = tpu.memref_slice %arg2[%add3A_468] : memref<655360xi32, #tpu.memory_space<hbm>> -> memref<64xi32, #tpu.memory_space<hbm>>
        %dma_wait3A_470 = tpu.memref_slice %arg2[%add3A_468] : memref<655360xi32, #tpu.memory_space<hbm>> -> memref<64xi32, #tpu.memory_space<hbm>>
        tpu.wait_dma2 semaphore(%arg29 : memref<!tpu.dma_semaphore, #tpu.memory_space<semaphore_mem>>) src(%dma_wait3A_470 : memref<64xi32, #tpu.memory_space<hbm>>) dst(%arg8 : memref<64xi32, #tpu.memory_space<vmem>>)
        %dma_start3A_471 = arith.constant 0 : i32
        %dma_start3A_472 = arith.constant 0 : i32
        %dma_start3A_473 = tpu.memref_slice %arg4[%dma_start3A_471, %dma_start3A_472] : memref<40960x128xf32, #tpu.memory_space<hbm>> -> memref<40960x128xf32, #tpu.memory_space<hbm>>
        tpu.enqueue_indirect_dma source(%dma_start3A_473 : memref<40960x128xf32, #tpu.memory_space<hbm>>) target(%arg18 : memref<64x128xf32, #tpu.memory_space<vmem>>) offsets(%arg8 : memref<64xi32, #tpu.memory_space<vmem>>) semaphore(%arg24 : memref<!tpu.dma_semaphore, #tpu.memory_space<semaphore_mem>>)
      } else {
      }
      %mul3A_427 = arith.constant 5 : i32
      %mul3A_428 = arith.muli %scan3A_296, %mul3A_427 : i32
      %add3A_429 = arith.constant 4 : i32
      %add3A_430 = arith.addi %mul3A_428, %add3A_429 : i32
      %dma_wait3A_431 = arith.constant 0 : i32
      %dma_wait3A_432 = arith.constant 0 : i32
      %dma_wait3A_433 = tpu.memref_slice %arg4[%dma_wait3A_431, %dma_wait3A_432] : memref<40960x128xf32, #tpu.memory_space<hbm>> -> memref<40960x128xf32, #tpu.memory_space<hbm>>
      tpu.wait_indirect_dma semaphore(%arg26 : memref<!tpu.dma_semaphore, #tpu.memory_space<semaphore_mem>>) src(%dma_wait3A_433 : memref<40960x128xf32, #tpu.memory_space<hbm>>) dst(%arg20 : memref<64x128xf32, #tpu.memory_space<vmem>>)
      %mul3A_434 = arith.constant 160 : i32
      %mul3A_435 = arith.muli %arg1, %mul3A_434 : i32
      %add3A_436 = arith.addi %mul3A_435, %add3A_430 : i32
      %dma_wait3A_437 = arith.constant 0 : i32
      %dma_wait3A_438 = tpu.memref_slice %arg3[%add3A_436, %dma_wait3A_437] : memref<2560x64xi32, #tpu.memory_space<hbm>> -> memref<1x64xi32, #tpu.memory_space<hbm>>
      %dma_wait3A_439 = tpu.memref_squeeze %dma_wait3A_438 : memref<1x64xi32, #tpu.memory_space<hbm>> -> memref<64xi32, #tpu.memory_space<hbm>>
      %dma_wait3A_440 = arith.constant 0 : i32
      %dma_wait3A_441 = tpu.memref_slice %arg3[%add3A_436, %dma_wait3A_440] : memref<2560x64xi32, #tpu.memory_space<hbm>> -> memref<1x64xi32, #tpu.memory_space<hbm>>
      %dma_wait3A_442 = tpu.memref_squeeze %dma_wait3A_441 : memref<1x64xi32, #tpu.memory_space<hbm>> -> memref<64xi32, #tpu.memory_space<hbm>>
      tpu.wait_dma2 semaphore(%arg36 : memref<!tpu.dma_semaphore, #tpu.memory_space<semaphore_mem>>) src(%dma_wait3A_442 : memref<64xi32, #tpu.memory_space<hbm>>) dst(%arg15 : memref<64xi32, #tpu.memory_space<vmem>>)
      "tpu.region"() ({
        %run_scoped3A = tpu.sem_alloc : memref<!tpu.dma_semaphore, #tpu.memory_space<semaphore_mem>>
        %dma_start3A_459 = arith.constant 0 : i32
        %dma_start3A_460 = arith.constant 0 : i32
        %dma_start3A_461 = tpu.memref_slice %arg21[%dma_start3A_459, %dma_start3A_460] : memref<10240x128xf32, #tpu.memory_space<vmem_shared>> -> memref<10240x128xf32, #tpu.memory_space<vmem_shared>>
        tpu.enqueue_indirect_dma source(%arg20 : memref<64x128xf32, #tpu.memory_space<vmem>>) target(%dma_start3A_461 : memref<10240x128xf32, #tpu.memory_space<vmem_shared>>) offsets(%arg15 : memref<64xi32, #tpu.memory_space<vmem>>) semaphore(%run_scoped3A : memref<!tpu.dma_semaphore, #tpu.memory_space<semaphore_mem>>) {add = true}
        %dma_wait3A_462 = arith.constant 0 : i32
        %dma_wait3A_463 = arith.constant 0 : i32
        %dma_wait3A_464 = tpu.memref_slice %arg21[%dma_wait3A_462, %dma_wait3A_463] : memref<10240x128xf32, #tpu.memory_space<vmem_shared>> -> memref<10240x128xf32, #tpu.memory_space<vmem_shared>>
        tpu.wait_indirect_dma semaphore(%run_scoped3A : memref<!tpu.dma_semaphore, #tpu.memory_space<semaphore_mem>>) src(%arg20 : memref<64x128xf32, #tpu.memory_space<vmem>>) dst(%dma_wait3A_464 : memref<10240x128xf32, #tpu.memory_space<vmem_shared>>)
        tpu.yield
      }) : () -> ()
      %add3A_443 = arith.constant 5 : i32
      %add3A_444 = arith.addi %add3A_430, %add3A_443 : i32
      %lt3A_445 = arith.constant 160 : i32
      %lt3A_446 = arith.cmpi slt, %add3A_444, %lt3A_445 : i32
      %convert_element_type3A_447 = arith.extui %lt3A_446 : i1 to i32
      %cond3A_448 = arith.constant 0 : i32
      %cond3A_449 = arith.cmpi ne, %convert_element_type3A_447, %cond3A_448 : i32
      scf.if %cond3A_449 {
        %add3A_459 = arith.constant 5 : i32
        %add3A_460 = arith.addi %add3A_430, %add3A_459 : i32
        %mul3A_461 = arith.constant 10240 : i32
        %mul3A_462 = arith.muli %arg1, %mul3A_461 : i32
        %add3A_463 = arith.addi %mul3A_152, %mul3A_462 : i32
        %mul3A_464 = arith.constant 64 : i32
        %mul3A_465 = arith.muli %add3A_460, %mul3A_464 : i32
        %add3A_466 = arith.addi %add3A_463, %mul3A_465 : i32
        %dma_start3A_467 = tpu.memref_slice %arg2[%add3A_466] : memref<655360xi32, #tpu.memory_space<hbm>> -> memref<64xi32, #tpu.memory_space<hbm>>
        %dma_start3A_468 = tpu.memref_slice %arg2[%add3A_466] : memref<655360xi32, #tpu.memory_space<hbm>> -> memref<64xi32, #tpu.memory_space<hbm>>
        tpu.enqueue_dma source(%dma_start3A_468 : memref<64xi32, #tpu.memory_space<hbm>>) target(%arg10 : memref<64xi32, #tpu.memory_space<vmem>>) target_semaphore(%arg31 : memref<!tpu.dma_semaphore, #tpu.memory_space<semaphore_mem>>)
        %mul3A_469 = arith.constant 160 : i32
        %mul3A_470 = arith.muli %arg1, %mul3A_469 : i32
        %add3A_471 = arith.addi %mul3A_470, %add3A_460 : i32
        %dma_start3A_472 = arith.constant 0 : i32
        %dma_start3A_473 = tpu.memref_slice %arg3[%add3A_471, %dma_start3A_472] : memref<2560x64xi32, #tpu.memory_space<hbm>> -> memref<1x64xi32, #tpu.memory_space<hbm>>
        %dma_start3A_474 = tpu.memref_squeeze %dma_start3A_473 : memref<1x64xi32, #tpu.memory_space<hbm>> -> memref<64xi32, #tpu.memory_space<hbm>>
        %dma_start3A_475 = arith.constant 0 : i32
        %dma_start3A_476 = tpu.memref_slice %arg3[%add3A_471, %dma_start3A_475] : memref<2560x64xi32, #tpu.memory_space<hbm>> -> memref<1x64xi32, #tpu.memory_space<hbm>>
        %dma_start3A_477 = tpu.memref_squeeze %dma_start3A_476 : memref<1x64xi32, #tpu.memory_space<hbm>> -> memref<64xi32, #tpu.memory_space<hbm>>
        tpu.enqueue_dma source(%dma_start3A_477 : memref<64xi32, #tpu.memory_space<hbm>>) target(%arg15 : memref<64xi32, #tpu.memory_space<vmem>>) target_semaphore(%arg36 : memref<!tpu.dma_semaphore, #tpu.memory_space<semaphore_mem>>)
      } else {
      }
      %add3A_450 = arith.constant 5 : i32
      %add3A_451 = arith.addi %add3A_430, %add3A_450 : i32
      %sub3A_452 = arith.constant 1 : i32
      %sub3A_453 = arith.subi %add3A_451, %sub3A_452 : i32
      %lt3A_454 = arith.constant 160 : i32
      %lt3A_455 = arith.cmpi slt, %sub3A_453, %lt3A_454 : i32
      %convert_element_type3A_456 = arith.extui %lt3A_455 : i1 to i32
      %cond3A_457 = arith.constant 0 : i32
      %cond3A_458 = arith.cmpi ne, %convert_element_type3A_456, %cond3A_457 : i32
      scf.if %cond3A_458 {
        %add3A_459 = arith.constant 5 : i32
        %add3A_460 = arith.addi %add3A_430, %add3A_459 : i32
        %sub3A_461 = arith.constant 1 : i32
        %sub3A_462 = arith.subi %add3A_460, %sub3A_461 : i32
        %mul3A_463 = arith.constant 10240 : i32
        %mul3A_464 = arith.muli %arg1, %mul3A_463 : i32
        %add3A_465 = arith.addi %mul3A_152, %mul3A_464 : i32
        %mul3A_466 = arith.constant 64 : i32
        %mul3A_467 = arith.muli %sub3A_462, %mul3A_466 : i32
        %add3A_468 = arith.addi %add3A_465, %mul3A_467 : i32
        %dma_wait3A_469 = tpu.memref_slice %arg2[%add3A_468] : memref<655360xi32, #tpu.memory_space<hbm>> -> memref<64xi32, #tpu.memory_space<hbm>>
        %dma_wait3A_470 = tpu.memref_slice %arg2[%add3A_468] : memref<655360xi32, #tpu.memory_space<hbm>> -> memref<64xi32, #tpu.memory_space<hbm>>
        tpu.wait_dma2 semaphore(%arg30 : memref<!tpu.dma_semaphore, #tpu.memory_space<semaphore_mem>>) src(%dma_wait3A_470 : memref<64xi32, #tpu.memory_space<hbm>>) dst(%arg9 : memref<64xi32, #tpu.memory_space<vmem>>)
        %dma_start3A_471 = arith.constant 0 : i32
        %dma_start3A_472 = arith.constant 0 : i32
        %dma_start3A_473 = tpu.memref_slice %arg4[%dma_start3A_471, %dma_start3A_472] : memref<40960x128xf32, #tpu.memory_space<hbm>> -> memref<40960x128xf32, #tpu.memory_space<hbm>>
        tpu.enqueue_indirect_dma source(%dma_start3A_473 : memref<40960x128xf32, #tpu.memory_space<hbm>>) target(%arg19 : memref<64x128xf32, #tpu.memory_space<vmem>>) offsets(%arg9 : memref<64xi32, #tpu.memory_space<vmem>>) semaphore(%arg25 : memref<!tpu.dma_semaphore, #tpu.memory_space<semaphore_mem>>)
      } else {
      }
    }
    %scan3A_288 = arith.constant 32 : i32
    %barrier3A_289 = arith.constant 0 : index
    tpu.barrier barrier_id(%barrier3A_289)
    %mul3A_290 = arith.constant 640 : i32
    %mul3A_291 = arith.muli %arg1, %mul3A_290 : i32
    %mul3A_292 = arith.constant 640 : i32
    %mul3A_293 = arith.muli %arg1, %mul3A_292 : i32
    %add3A_294 = arith.addi %mul3A_150, %mul3A_293 : i32
    "tpu.region"() ({
      %run_scoped3A = tpu.sem_alloc : memref<!tpu.dma_semaphore, #tpu.memory_space<semaphore_mem>>
      %dma_start3A_296 = arith.constant 0 : i32
      %dma_start3A_297 = tpu.memref_slice %arg5[%add3A_294, %dma_start3A_296] : memref<40960x128xf32, #tpu.memory_space<hbm>> -> memref<640x128xf32, #tpu.memory_space<hbm>>
      %dma_start3A_298 = arith.constant 0 : i32
      %dma_start3A_299 = tpu.memref_slice %arg21[%mul3A_291, %dma_start3A_298] : memref<10240x128xf32, #tpu.memory_space<vmem_shared>> -> memref<640x128xf32, #tpu.memory_space<vmem_shared>>
      tpu.enqueue_dma source(%dma_start3A_299 : memref<640x128xf32, #tpu.memory_space<vmem_shared>>) target(%dma_start3A_297 : memref<640x128xf32, #tpu.memory_space<hbm>>) target_semaphore(%run_scoped3A : memref<!tpu.dma_semaphore, #tpu.memory_space<semaphore_mem>>)
      %dma_wait3A_300 = arith.constant 0 : i32
      %dma_wait3A_301 = tpu.memref_slice %arg5[%add3A_294, %dma_wait3A_300] : memref<40960x128xf32, #tpu.memory_space<hbm>> -> memref<640x128xf32, #tpu.memory_space<hbm>>
      %dma_wait3A_302 = arith.constant 0 : i32
      %dma_wait3A_303 = tpu.memref_slice %arg21[%mul3A_291, %dma_wait3A_302] : memref<10240x128xf32, #tpu.memory_space<vmem_shared>> -> memref<640x128xf32, #tpu.memory_space<vmem_shared>>
      tpu.wait_dma2 semaphore(%run_scoped3A : memref<!tpu.dma_semaphore, #tpu.memory_space<semaphore_mem>>) src(%dma_wait3A_303 : memref<640x128xf32, #tpu.memory_space<vmem_shared>>) dst(%dma_wait3A_301 : memref<640x128xf32, #tpu.memory_space<hbm>>)
      tpu.yield
    }) : () -> ()
    %barrier3A_295 = arith.constant 0 : index
    tpu.barrier barrier_id(%barrier3A_295)
    return
  }
}

#map = affine_map<(d0, d1) -> (0)>
#map1 = affine_map<(d0, d1) -> (0, 0)>
module attributes {stable_mosaic.version = 14 : i64} {
  func.func @_sc_degree(%arg0: i32, %arg1: i32, %arg2: memref<163840xi32, #tpu.memory_space<hbm>>, %arg3: memref<2x81920xf32, #tpu.memory_space<hbm>>, %arg4: memref<128xi32, #tpu.memory_space<vmem>>, %arg5: memref<128xi32, #tpu.memory_space<vmem>>, %arg6: memref<128xi32, #tpu.memory_space<vmem>>, %arg7: memref<128xi32, #tpu.memory_space<vmem>>, %arg8: memref<128xf32, #tpu.memory_space<vmem>>, %arg9: memref<5120xf32, #tpu.memory_space<vmem>>, %arg10: memref<81920xf32, #tpu.memory_space<vmem_shared>>, %arg11: memref<!tpu.dma_semaphore, #tpu.memory_space<semaphore_mem>>, %arg12: memref<!tpu.dma_semaphore, #tpu.memory_space<semaphore_mem>>, %arg13: memref<!tpu.dma_semaphore, #tpu.memory_space<semaphore_mem>>) attributes {dimension_semantics = [#tpu.dimension_semantics<core_parallel>, #tpu.dimension_semantics<subcore_parallel>], iteration_bounds = array<i64: 2, 16>, scalar_prefetch = 0 : i64, scratch_operands = 10 : i64, tpu.core_type = #tpu.core_type<sc_vector_subcore>, window_params = [{transform_indices = #map}, {transform_indices = #map1}]} {
    %broadcast_in_dim3A = arith.constant 0.000000e+00 : f32
    %broadcast_in_dim3A_0 = vector.broadcast %broadcast_in_dim3A : f32 to vector<16xf32>
    %swap3A = arith.constant 0 : index
    %swap3A_1 = tpu.vector_load %arg9[%swap3A] {strides = array<i32>} : memref<5120xf32, #tpu.memory_space<vmem>>, vector<16xf32>,
    %swap3A_2 = vector.shape_cast %swap3A_1 : vector<16xf32> to vector<16xf32>
    %swap3A_3 = vector.shape_cast %broadcast_in_dim3A_0 : vector<16xf32> to vector<16xf32>
    tpu.vector_store %arg9[%swap3A], %swap3A_3 {strides = array<i32>} : memref<5120xf32, #tpu.memory_space<vmem>>, vector<16xf32>,
    %swap3A_4 = arith.constant 16 : index
    %swap3A_5 = tpu.vector_load %arg9[%swap3A_4] {strides = array<i32>} : memref<5120xf32, #tpu.memory_space<vmem>>, vector<16xf32>,
    %swap3A_6 = vector.shape_cast %swap3A_5 : vector<16xf32> to vector<16xf32>
    %swap3A_7 = vector.shape_cast %broadcast_in_dim3A_0 : vector<16xf32> to vector<16xf32>
    tpu.vector_store %arg9[%swap3A_4], %swap3A_7 {strides = array<i32>} : memref<5120xf32, #tpu.memory_space<vmem>>, vector<16xf32>,
    %swap3A_8 = arith.constant 32 : index
    %swap3A_9 = tpu.vector_load %arg9[%swap3A_8] {strides = array<i32>} : memref<5120xf32, #tpu.memory_space<vmem>>, vector<16xf32>,
    %swap3A_10 = vector.shape_cast %swap3A_9 : vector<16xf32> to vector<16xf32>
    %swap3A_11 = vector.shape_cast %broadcast_in_dim3A_0 : vector<16xf32> to vector<16xf32>
    tpu.vector_store %arg9[%swap3A_8], %swap3A_11 {strides = array<i32>} : memref<5120xf32, #tpu.memory_space<vmem>>, vector<16xf32>,
    %swap3A_12 = arith.constant 48 : index
    %swap3A_13 = tpu.vector_load %arg9[%swap3A_12] {strides = array<i32>} : memref<5120xf32, #tpu.memory_space<vmem>>, vector<16xf32>,
    %swap3A_14 = vector.shape_cast %swap3A_13 : vector<16xf32> to vector<16xf32>
    %swap3A_15 = vector.shape_cast %broadcast_in_dim3A_0 : vector<16xf32> to vector<16xf32>
    tpu.vector_store %arg9[%swap3A_12], %swap3A_15 {strides = array<i32>} : memref<5120xf32, #tpu.memory_space<vmem>>, vector<16xf32>,
    %swap3A_16 = arith.constant 64 : index
    %swap3A_17 = tpu.vector_load %arg9[%swap3A_16] {strides = array<i32>} : memref<5120xf32, #tpu.memory_space<vmem>>, vector<16xf32>,
    %swap3A_18 = vector.shape_cast %swap3A_17 : vector<16xf32> to vector<16xf32>
    %swap3A_19 = vector.shape_cast %broadcast_in_dim3A_0 : vector<16xf32> to vector<16xf32>
    tpu.vector_store %arg9[%swap3A_16], %swap3A_19 {strides = array<i32>} : memref<5120xf32, #tpu.memory_space<vmem>>, vector<16xf32>,
    %swap3A_20 = arith.constant 80 : index
    %swap3A_21 = tpu.vector_load %arg9[%swap3A_20] {strides = array<i32>} : memref<5120xf32, #tpu.memory_space<vmem>>, vector<16xf32>,
    %swap3A_22 = vector.shape_cast %swap3A_21 : vector<16xf32> to vector<16xf32>
    %swap3A_23 = vector.shape_cast %broadcast_in_dim3A_0 : vector<16xf32> to vector<16xf32>
    tpu.vector_store %arg9[%swap3A_20], %swap3A_23 {strides = array<i32>} : memref<5120xf32, #tpu.memory_space<vmem>>, vector<16xf32>,
    %swap3A_24 = arith.constant 96 : index
    %swap3A_25 = tpu.vector_load %arg9[%swap3A_24] {strides = array<i32>} : memref<5120xf32, #tpu.memory_space<vmem>>, vector<16xf32>,
    %swap3A_26 = vector.shape_cast %swap3A_25 : vector<16xf32> to vector<16xf32>
    %swap3A_27 = vector.shape_cast %broadcast_in_dim3A_0 : vector<16xf32> to vector<16xf32>
    tpu.vector_store %arg9[%swap3A_24], %swap3A_27 {strides = array<i32>} : memref<5120xf32, #tpu.memory_space<vmem>>, vector<16xf32>,
    %swap3A_28 = arith.constant 112 : index
    %swap3A_29 = tpu.vector_load %arg9[%swap3A_28] {strides = array<i32>} : memref<5120xf32, #tpu.memory_space<vmem>>, vector<16xf32>,
    %swap3A_30 = vector.shape_cast %swap3A_29 : vector<16xf32> to vector<16xf32>
    %swap3A_31 = vector.shape_cast %broadcast_in_dim3A_0 : vector<16xf32> to vector<16xf32>
    tpu.vector_store %arg9[%swap3A_28], %swap3A_31 {strides = array<i32>} : memref<5120xf32, #tpu.memory_space<vmem>>, vector<16xf32>,
    %swap3A_32 = arith.constant 128 : index
    %swap3A_33 = tpu.vector_load %arg9[%swap3A_32] {strides = array<i32>} : memref<5120xf32, #tpu.memory_space<vmem>>, vector<16xf32>,
    %swap3A_34 = vector.shape_cast %swap3A_33 : vector<16xf32> to vector<16xf32>
    %swap3A_35 = vector.shape_cast %broadcast_in_dim3A_0 : vector<16xf32> to vector<16xf32>
    tpu.vector_store %arg9[%swap3A_32], %swap3A_35 {strides = array<i32>} : memref<5120xf32, #tpu.memory_space<vmem>>, vector<16xf32>,
    %swap3A_36 = arith.constant 144 : index
    %swap3A_37 = tpu.vector_load %arg9[%swap3A_36] {strides = array<i32>} : memref<5120xf32, #tpu.memory_space<vmem>>, vector<16xf32>,
    %swap3A_38 = vector.shape_cast %swap3A_37 : vector<16xf32> to vector<16xf32>
    %swap3A_39 = vector.shape_cast %broadcast_in_dim3A_0 : vector<16xf32> to vector<16xf32>
    tpu.vector_store %arg9[%swap3A_36], %swap3A_39 {strides = array<i32>} : memref<5120xf32, #tpu.memory_space<vmem>>, vector<16xf32>,
    %swap3A_40 = arith.constant 160 : index
    %swap3A_41 = tpu.vector_load %arg9[%swap3A_40] {strides = array<i32>} : memref<5120xf32, #tpu.memory_space<vmem>>, vector<16xf32>,
    %swap3A_42 = vector.shape_cast %swap3A_41 : vector<16xf32> to vector<16xf32>
    %swap3A_43 = vector.shape_cast %broadcast_in_dim3A_0 : vector<16xf32> to vector<16xf32>
    tpu.vector_store %arg9[%swap3A_40], %swap3A_43 {strides = array<i32>} : memref<5120xf32, #tpu.memory_space<vmem>>, vector<16xf32>,
    %swap3A_44 = arith.constant 176 : index
    %swap3A_45 = tpu.vector_load %arg9[%swap3A_44] {strides = array<i32>} : memref<5120xf32, #tpu.memory_space<vmem>>, vector<16xf32>,
    %swap3A_46 = vector.shape_cast %swap3A_45 : vector<16xf32> to vector<16xf32>
    %swap3A_47 = vector.shape_cast %broadcast_in_dim3A_0 : vector<16xf32> to vector<16xf32>
    tpu.vector_store %arg9[%swap3A_44], %swap3A_47 {strides = array<i32>} : memref<5120xf32, #tpu.memory_space<vmem>>, vector<16xf32>,
    %swap3A_48 = arith.constant 192 : index
    %swap3A_49 = tpu.vector_load %arg9[%swap3A_48] {strides = array<i32>} : memref<5120xf32, #tpu.memory_space<vmem>>, vector<16xf32>,
    %swap3A_50 = vector.shape_cast %swap3A_49 : vector<16xf32> to vector<16xf32>
    %swap3A_51 = vector.shape_cast %broadcast_in_dim3A_0 : vector<16xf32> to vector<16xf32>
    tpu.vector_store %arg9[%swap3A_48], %swap3A_51 {strides = array<i32>} : memref<5120xf32, #tpu.memory_space<vmem>>, vector<16xf32>,
    %swap3A_52 = arith.constant 208 : index
    %swap3A_53 = tpu.vector_load %arg9[%swap3A_52] {strides = array<i32>} : memref<5120xf32, #tpu.memory_space<vmem>>, vector<16xf32>,
    %swap3A_54 = vector.shape_cast %swap3A_53 : vector<16xf32> to vector<16xf32>
    %swap3A_55 = vector.shape_cast %broadcast_in_dim3A_0 : vector<16xf32> to vector<16xf32>
    tpu.vector_store %arg9[%swap3A_52], %swap3A_55 {strides = array<i32>} : memref<5120xf32, #tpu.memory_space<vmem>>, vector<16xf32>,
    %swap3A_56 = arith.constant 224 : index
    %swap3A_57 = tpu.vector_load %arg9[%swap3A_56] {strides = array<i32>} : memref<5120xf32, #tpu.memory_space<vmem>>, vector<16xf32>,
    %swap3A_58 = vector.shape_cast %swap3A_57 : vector<16xf32> to vector<16xf32>
    %swap3A_59 = vector.shape_cast %broadcast_in_dim3A_0 : vector<16xf32> to vector<16xf32>
    tpu.vector_store %arg9[%swap3A_56], %swap3A_59 {strides = array<i32>} : memref<5120xf32, #tpu.memory_space<vmem>>, vector<16xf32>,
    %swap3A_60 = arith.constant 240 : index
    %swap3A_61 = tpu.vector_load %arg9[%swap3A_60] {strides = array<i32>} : memref<5120xf32, #tpu.memory_space<vmem>>, vector<16xf32>,
    %swap3A_62 = vector.shape_cast %swap3A_61 : vector<16xf32> to vector<16xf32>
    %swap3A_63 = vector.shape_cast %broadcast_in_dim3A_0 : vector<16xf32> to vector<16xf32>
    tpu.vector_store %arg9[%swap3A_60], %swap3A_63 {strides = array<i32>} : memref<5120xf32, #tpu.memory_space<vmem>>, vector<16xf32>,
    %swap3A_64 = arith.constant 256 : index
    %swap3A_65 = tpu.vector_load %arg9[%swap3A_64] {strides = array<i32>} : memref<5120xf32, #tpu.memory_space<vmem>>, vector<16xf32>,
    %swap3A_66 = vector.shape_cast %swap3A_65 : vector<16xf32> to vector<16xf32>
    %swap3A_67 = vector.shape_cast %broadcast_in_dim3A_0 : vector<16xf32> to vector<16xf32>
    tpu.vector_store %arg9[%swap3A_64], %swap3A_67 {strides = array<i32>} : memref<5120xf32, #tpu.memory_space<vmem>>, vector<16xf32>,
    %swap3A_68 = arith.constant 272 : index
    %swap3A_69 = tpu.vector_load %arg9[%swap3A_68] {strides = array<i32>} : memref<5120xf32, #tpu.memory_space<vmem>>, vector<16xf32>,
    %swap3A_70 = vector.shape_cast %swap3A_69 : vector<16xf32> to vector<16xf32>
    %swap3A_71 = vector.shape_cast %broadcast_in_dim3A_0 : vector<16xf32> to vector<16xf32>
    tpu.vector_store %arg9[%swap3A_68], %swap3A_71 {strides = array<i32>} : memref<5120xf32, #tpu.memory_space<vmem>>, vector<16xf32>,
    %swap3A_72 = arith.constant 288 : index
    %swap3A_73 = tpu.vector_load %arg9[%swap3A_72] {strides = array<i32>} : memref<5120xf32, #tpu.memory_space<vmem>>, vector<16xf32>,
    %swap3A_74 = vector.shape_cast %swap3A_73 : vector<16xf32> to vector<16xf32>
    %swap3A_75 = vector.shape_cast %broadcast_in_dim3A_0 : vector<16xf32> to vector<16xf32>
    tpu.vector_store %arg9[%swap3A_72], %swap3A_75 {strides = array<i32>} : memref<5120xf32, #tpu.memory_space<vmem>>, vector<16xf32>,
    %swap3A_76 = arith.constant 304 : index
    %swap3A_77 = tpu.vector_load %arg9[%swap3A_76] {strides = array<i32>} : memref<5120xf32, #tpu.memory_space<vmem>>, vector<16xf32>,
    %swap3A_78 = vector.shape_cast %swap3A_77 : vector<16xf32> to vector<16xf32>
    %swap3A_79 = vector.shape_cast %broadcast_in_dim3A_0 : vector<16xf32> to vector<16xf32>
    tpu.vector_store %arg9[%swap3A_76], %swap3A_79 {strides = array<i32>} : memref<5120xf32, #tpu.memory_space<vmem>>, vector<16xf32>,
    %swap3A_80 = arith.constant 320 : index
    %swap3A_81 = tpu.vector_load %arg9[%swap3A_80] {strides = array<i32>} : memref<5120xf32, #tpu.memory_space<vmem>>, vector<16xf32>,
    %swap3A_82 = vector.shape_cast %swap3A_81 : vector<16xf32> to vector<16xf32>
    %swap3A_83 = vector.shape_cast %broadcast_in_dim3A_0 : vector<16xf32> to vector<16xf32>
    tpu.vector_store %arg9[%swap3A_80], %swap3A_83 {strides = array<i32>} : memref<5120xf32, #tpu.memory_space<vmem>>, vector<16xf32>,
    %swap3A_84 = arith.constant 336 : index
    %swap3A_85 = tpu.vector_load %arg9[%swap3A_84] {strides = array<i32>} : memref<5120xf32, #tpu.memory_space<vmem>>, vector<16xf32>,
    %swap3A_86 = vector.shape_cast %swap3A_85 : vector<16xf32> to vector<16xf32>
    %swap3A_87 = vector.shape_cast %broadcast_in_dim3A_0 : vector<16xf32> to vector<16xf32>
    tpu.vector_store %arg9[%swap3A_84], %swap3A_87 {strides = array<i32>} : memref<5120xf32, #tpu.memory_space<vmem>>, vector<16xf32>,
    %swap3A_88 = arith.constant 352 : index
    %swap3A_89 = tpu.vector_load %arg9[%swap3A_88] {strides = array<i32>} : memref<5120xf32, #tpu.memory_space<vmem>>, vector<16xf32>,
    %swap3A_90 = vector.shape_cast %swap3A_89 : vector<16xf32> to vector<16xf32>
    %swap3A_91 = vector.shape_cast %broadcast_in_dim3A_0 : vector<16xf32> to vector<16xf32>
    tpu.vector_store %arg9[%swap3A_88], %swap3A_91 {strides = array<i32>} : memref<5120xf32, #tpu.memory_space<vmem>>, vector<16xf32>,
    %swap3A_92 = arith.constant 368 : index
    %swap3A_93 = tpu.vector_load %arg9[%swap3A_92] {strides = array<i32>} : memref<5120xf32, #tpu.memory_space<vmem>>, vector<16xf32>,
    %swap3A_94 = vector.shape_cast %swap3A_93 : vector<16xf32> to vector<16xf32>
    %swap3A_95 = vector.shape_cast %broadcast_in_dim3A_0 : vector<16xf32> to vector<16xf32>
    tpu.vector_store %arg9[%swap3A_92], %swap3A_95 {strides = array<i32>} : memref<5120xf32, #tpu.memory_space<vmem>>, vector<16xf32>,
    %swap3A_96 = arith.constant 384 : index
    %swap3A_97 = tpu.vector_load %arg9[%swap3A_96] {strides = array<i32>} : memref<5120xf32, #tpu.memory_space<vmem>>, vector<16xf32>,
    %swap3A_98 = vector.shape_cast %swap3A_97 : vector<16xf32> to vector<16xf32>
    %swap3A_99 = vector.shape_cast %broadcast_in_dim3A_0 : vector<16xf32> to vector<16xf32>
    tpu.vector_store %arg9[%swap3A_96], %swap3A_99 {strides = array<i32>} : memref<5120xf32, #tpu.memory_space<vmem>>, vector<16xf32>,
    %swap3A_100 = arith.constant 400 : index
    %swap3A_101 = tpu.vector_load %arg9[%swap3A_100] {strides = array<i32>} : memref<5120xf32, #tpu.memory_space<vmem>>, vector<16xf32>,
    %swap3A_102 = vector.shape_cast %swap3A_101 : vector<16xf32> to vector<16xf32>
    %swap3A_103 = vector.shape_cast %broadcast_in_dim3A_0 : vector<16xf32> to vector<16xf32>
    tpu.vector_store %arg9[%swap3A_100], %swap3A_103 {strides = array<i32>} : memref<5120xf32, #tpu.memory_space<vmem>>, vector<16xf32>,
    %swap3A_104 = arith.constant 416 : index
    %swap3A_105 = tpu.vector_load %arg9[%swap3A_104] {strides = array<i32>} : memref<5120xf32, #tpu.memory_space<vmem>>, vector<16xf32>,
    %swap3A_106 = vector.shape_cast %swap3A_105 : vector<16xf32> to vector<16xf32>
    %swap3A_107 = vector.shape_cast %broadcast_in_dim3A_0 : vector<16xf32> to vector<16xf32>
    tpu.vector_store %arg9[%swap3A_104], %swap3A_107 {strides = array<i32>} : memref<5120xf32, #tpu.memory_space<vmem>>, vector<16xf32>,
    %swap3A_108 = arith.constant 432 : index
    %swap3A_109 = tpu.vector_load %arg9[%swap3A_108] {strides = array<i32>} : memref<5120xf32, #tpu.memory_space<vmem>>, vector<16xf32>,
    %swap3A_110 = vector.shape_cast %swap3A_109 : vector<16xf32> to vector<16xf32>
    %swap3A_111 = vector.shape_cast %broadcast_in_dim3A_0 : vector<16xf32> to vector<16xf32>
    tpu.vector_store %arg9[%swap3A_108], %swap3A_111 {strides = array<i32>} : memref<5120xf32, #tpu.memory_space<vmem>>, vector<16xf32>,
    %swap3A_112 = arith.constant 448 : index
    %swap3A_113 = tpu.vector_load %arg9[%swap3A_112] {strides = array<i32>} : memref<5120xf32, #tpu.memory_space<vmem>>, vector<16xf32>,
    %swap3A_114 = vector.shape_cast %swap3A_113 : vector<16xf32> to vector<16xf32>
    %swap3A_115 = vector.shape_cast %broadcast_in_dim3A_0 : vector<16xf32> to vector<16xf32>
    tpu.vector_store %arg9[%swap3A_112], %swap3A_115 {strides = array<i32>} : memref<5120xf32, #tpu.memory_space<vmem>>, vector<16xf32>,
    %swap3A_116 = arith.constant 464 : index
    %swap3A_117 = tpu.vector_load %arg9[%swap3A_116] {strides = array<i32>} : memref<5120xf32, #tpu.memory_space<vmem>>, vector<16xf32>,
    %swap3A_118 = vector.shape_cast %swap3A_117 : vector<16xf32> to vector<16xf32>
    %swap3A_119 = vector.shape_cast %broadcast_in_dim3A_0 : vector<16xf32> to vector<16xf32>
    tpu.vector_store %arg9[%swap3A_116], %swap3A_119 {strides = array<i32>} : memref<5120xf32, #tpu.memory_space<vmem>>, vector<16xf32>,
    %swap3A_120 = arith.constant 480 : index
    %swap3A_121 = tpu.vector_load %arg9[%swap3A_120] {strides = array<i32>} : memref<5120xf32, #tpu.memory_space<vmem>>, vector<16xf32>,
    %swap3A_122 = vector.shape_cast %swap3A_121 : vector<16xf32> to vector<16xf32>
    %swap3A_123 = vector.shape_cast %broadcast_in_dim3A_0 : vector<16xf32> to vector<16xf32>
    tpu.vector_store %arg9[%swap3A_120], %swap3A_123 {strides = array<i32>} : memref<5120xf32, #tpu.memory_space<vmem>>, vector<16xf32>,
    %swap3A_124 = arith.constant 496 : index
    %swap3A_125 = tpu.vector_load %arg9[%swap3A_124] {strides = array<i32>} : memref<5120xf32, #tpu.memory_space<vmem>>, vector<16xf32>,
    %swap3A_126 = vector.shape_cast %swap3A_125 : vector<16xf32> to vector<16xf32>
    %swap3A_127 = vector.shape_cast %broadcast_in_dim3A_0 : vector<16xf32> to vector<16xf32>
    tpu.vector_store %arg9[%swap3A_124], %swap3A_127 {strides = array<i32>} : memref<5120xf32, #tpu.memory_space<vmem>>, vector<16xf32>,
    %swap3A_128 = arith.constant 512 : index
    %swap3A_129 = tpu.vector_load %arg9[%swap3A_128] {strides = array<i32>} : memref<5120xf32, #tpu.memory_space<vmem>>, vector<16xf32>,
    %swap3A_130 = vector.shape_cast %swap3A_129 : vector<16xf32> to vector<16xf32>
    %swap3A_131 = vector.shape_cast %broadcast_in_dim3A_0 : vector<16xf32> to vector<16xf32>
    tpu.vector_store %arg9[%swap3A_128], %swap3A_131 {strides = array<i32>} : memref<5120xf32, #tpu.memory_space<vmem>>, vector<16xf32>,
    %swap3A_132 = arith.constant 528 : index
    %swap3A_133 = tpu.vector_load %arg9[%swap3A_132] {strides = array<i32>} : memref<5120xf32, #tpu.memory_space<vmem>>, vector<16xf32>,
    %swap3A_134 = vector.shape_cast %swap3A_133 : vector<16xf32> to vector<16xf32>
    %swap3A_135 = vector.shape_cast %broadcast_in_dim3A_0 : vector<16xf32> to vector<16xf32>
    tpu.vector_store %arg9[%swap3A_132], %swap3A_135 {strides = array<i32>} : memref<5120xf32, #tpu.memory_space<vmem>>, vector<16xf32>,
    %swap3A_136 = arith.constant 544 : index
    %swap3A_137 = tpu.vector_load %arg9[%swap3A_136] {strides = array<i32>} : memref<5120xf32, #tpu.memory_space<vmem>>, vector<16xf32>,
    %swap3A_138 = vector.shape_cast %swap3A_137 : vector<16xf32> to vector<16xf32>
    %swap3A_139 = vector.shape_cast %broadcast_in_dim3A_0 : vector<16xf32> to vector<16xf32>
    tpu.vector_store %arg9[%swap3A_136], %swap3A_139 {strides = array<i32>} : memref<5120xf32, #tpu.memory_space<vmem>>, vector<16xf32>,
    %swap3A_140 = arith.constant 560 : index
    %swap3A_141 = tpu.vector_load %arg9[%swap3A_140] {strides = array<i32>} : memref<5120xf32, #tpu.memory_space<vmem>>, vector<16xf32>,
    %swap3A_142 = vector.shape_cast %swap3A_141 : vector<16xf32> to vector<16xf32>
    %swap3A_143 = vector.shape_cast %broadcast_in_dim3A_0 : vector<16xf32> to vector<16xf32>
    tpu.vector_store %arg9[%swap3A_140], %swap3A_143 {strides = array<i32>} : memref<5120xf32, #tpu.memory_space<vmem>>, vector<16xf32>,
    %swap3A_144 = arith.constant 576 : index
    %swap3A_145 = tpu.vector_load %arg9[%swap3A_144] {strides = array<i32>} : memref<5120xf32, #tpu.memory_space<vmem>>, vector<16xf32>,
    %swap3A_146 = vector.shape_cast %swap3A_145 : vector<16xf32> to vector<16xf32>
    %swap3A_147 = vector.shape_cast %broadcast_in_dim3A_0 : vector<16xf32> to vector<16xf32>
    tpu.vector_store %arg9[%swap3A_144], %swap3A_147 {strides = array<i32>} : memref<5120xf32, #tpu.memory_space<vmem>>, vector<16xf32>,
    %swap3A_148 = arith.constant 592 : index
    %swap3A_149 = tpu.vector_load %arg9[%swap3A_148] {strides = array<i32>} : memref<5120xf32, #tpu.memory_space<vmem>>, vector<16xf32>,
    %swap3A_150 = vector.shape_cast %swap3A_149 : vector<16xf32> to vector<16xf32>
    %swap3A_151 = vector.shape_cast %broadcast_in_dim3A_0 : vector<16xf32> to vector<16xf32>
    tpu.vector_store %arg9[%swap3A_148], %swap3A_151 {strides = array<i32>} : memref<5120xf32, #tpu.memory_space<vmem>>, vector<16xf32>,
    %swap3A_152 = arith.constant 608 : index
    %swap3A_153 = tpu.vector_load %arg9[%swap3A_152] {strides = array<i32>} : memref<5120xf32, #tpu.memory_space<vmem>>, vector<16xf32>,
    %swap3A_154 = vector.shape_cast %swap3A_153 : vector<16xf32> to vector<16xf32>
    %swap3A_155 = vector.shape_cast %broadcast_in_dim3A_0 : vector<16xf32> to vector<16xf32>
    tpu.vector_store %arg9[%swap3A_152], %swap3A_155 {strides = array<i32>} : memref<5120xf32, #tpu.memory_space<vmem>>, vector<16xf32>,
    %swap3A_156 = arith.constant 624 : index
    %swap3A_157 = tpu.vector_load %arg9[%swap3A_156] {strides = array<i32>} : memref<5120xf32, #tpu.memory_space<vmem>>, vector<16xf32>,
    %swap3A_158 = vector.shape_cast %swap3A_157 : vector<16xf32> to vector<16xf32>
    %swap3A_159 = vector.shape_cast %broadcast_in_dim3A_0 : vector<16xf32> to vector<16xf32>
    tpu.vector_store %arg9[%swap3A_156], %swap3A_159 {strides = array<i32>} : memref<5120xf32, #tpu.memory_space<vmem>>, vector<16xf32>,
    %swap3A_160 = arith.constant 640 : index
    %swap3A_161 = tpu.vector_load %arg9[%swap3A_160] {strides = array<i32>} : memref<5120xf32, #tpu.memory_space<vmem>>, vector<16xf32>,
    %swap3A_162 = vector.shape_cast %swap3A_161 : vector<16xf32> to vector<16xf32>
    %swap3A_163 = vector.shape_cast %broadcast_in_dim3A_0 : vector<16xf32> to vector<16xf32>
    tpu.vector_store %arg9[%swap3A_160], %swap3A_163 {strides = array<i32>} : memref<5120xf32, #tpu.memory_space<vmem>>, vector<16xf32>,
    %swap3A_164 = arith.constant 656 : index
    %swap3A_165 = tpu.vector_load %arg9[%swap3A_164] {strides = array<i32>} : memref<5120xf32, #tpu.memory_space<vmem>>, vector<16xf32>,
    %swap3A_166 = vector.shape_cast %swap3A_165 : vector<16xf32> to vector<16xf32>
    %swap3A_167 = vector.shape_cast %broadcast_in_dim3A_0 : vector<16xf32> to vector<16xf32>
    tpu.vector_store %arg9[%swap3A_164], %swap3A_167 {strides = array<i32>} : memref<5120xf32, #tpu.memory_space<vmem>>, vector<16xf32>,
    %swap3A_168 = arith.constant 672 : index
    %swap3A_169 = tpu.vector_load %arg9[%swap3A_168] {strides = array<i32>} : memref<5120xf32, #tpu.memory_space<vmem>>, vector<16xf32>,
    %swap3A_170 = vector.shape_cast %swap3A_169 : vector<16xf32> to vector<16xf32>
    %swap3A_171 = vector.shape_cast %broadcast_in_dim3A_0 : vector<16xf32> to vector<16xf32>
    tpu.vector_store %arg9[%swap3A_168], %swap3A_171 {strides = array<i32>} : memref<5120xf32, #tpu.memory_space<vmem>>, vector<16xf32>,
    %swap3A_172 = arith.constant 688 : index
    %swap3A_173 = tpu.vector_load %arg9[%swap3A_172] {strides = array<i32>} : memref<5120xf32, #tpu.memory_space<vmem>>, vector<16xf32>,
    %swap3A_174 = vector.shape_cast %swap3A_173 : vector<16xf32> to vector<16xf32>
    %swap3A_175 = vector.shape_cast %broadcast_in_dim3A_0 : vector<16xf32> to vector<16xf32>
    tpu.vector_store %arg9[%swap3A_172], %swap3A_175 {strides = array<i32>} : memref<5120xf32, #tpu.memory_space<vmem>>, vector<16xf32>,
    %swap3A_176 = arith.constant 704 : index
    %swap3A_177 = tpu.vector_load %arg9[%swap3A_176] {strides = array<i32>} : memref<5120xf32, #tpu.memory_space<vmem>>, vector<16xf32>,
    %swap3A_178 = vector.shape_cast %swap3A_177 : vector<16xf32> to vector<16xf32>
    %swap3A_179 = vector.shape_cast %broadcast_in_dim3A_0 : vector<16xf32> to vector<16xf32>
    tpu.vector_store %arg9[%swap3A_176], %swap3A_179 {strides = array<i32>} : memref<5120xf32, #tpu.memory_space<vmem>>, vector<16xf32>,
    %swap3A_180 = arith.constant 720 : index
    %swap3A_181 = tpu.vector_load %arg9[%swap3A_180] {strides = array<i32>} : memref<5120xf32, #tpu.memory_space<vmem>>, vector<16xf32>,
    %swap3A_182 = vector.shape_cast %swap3A_181 : vector<16xf32> to vector<16xf32>
    %swap3A_183 = vector.shape_cast %broadcast_in_dim3A_0 : vector<16xf32> to vector<16xf32>
    tpu.vector_store %arg9[%swap3A_180], %swap3A_183 {strides = array<i32>} : memref<5120xf32, #tpu.memory_space<vmem>>, vector<16xf32>,
    %swap3A_184 = arith.constant 736 : index
    %swap3A_185 = tpu.vector_load %arg9[%swap3A_184] {strides = array<i32>} : memref<5120xf32, #tpu.memory_space<vmem>>, vector<16xf32>,
    %swap3A_186 = vector.shape_cast %swap3A_185 : vector<16xf32> to vector<16xf32>
    %swap3A_187 = vector.shape_cast %broadcast_in_dim3A_0 : vector<16xf32> to vector<16xf32>
    tpu.vector_store %arg9[%swap3A_184], %swap3A_187 {strides = array<i32>} : memref<5120xf32, #tpu.memory_space<vmem>>, vector<16xf32>,
    %swap3A_188 = arith.constant 752 : index
    %swap3A_189 = tpu.vector_load %arg9[%swap3A_188] {strides = array<i32>} : memref<5120xf32, #tpu.memory_space<vmem>>, vector<16xf32>,
    %swap3A_190 = vector.shape_cast %swap3A_189 : vector<16xf32> to vector<16xf32>
    %swap3A_191 = vector.shape_cast %broadcast_in_dim3A_0 : vector<16xf32> to vector<16xf32>
    tpu.vector_store %arg9[%swap3A_188], %swap3A_191 {strides = array<i32>} : memref<5120xf32, #tpu.memory_space<vmem>>, vector<16xf32>,
    %swap3A_192 = arith.constant 768 : index
    %swap3A_193 = tpu.vector_load %arg9[%swap3A_192] {strides = array<i32>} : memref<5120xf32, #tpu.memory_space<vmem>>, vector<16xf32>,
    %swap3A_194 = vector.shape_cast %swap3A_193 : vector<16xf32> to vector<16xf32>
    %swap3A_195 = vector.shape_cast %broadcast_in_dim3A_0 : vector<16xf32> to vector<16xf32>
    tpu.vector_store %arg9[%swap3A_192], %swap3A_195 {strides = array<i32>} : memref<5120xf32, #tpu.memory_space<vmem>>, vector<16xf32>,
    %swap3A_196 = arith.constant 784 : index
    %swap3A_197 = tpu.vector_load %arg9[%swap3A_196] {strides = array<i32>} : memref<5120xf32, #tpu.memory_space<vmem>>, vector<16xf32>,
    %swap3A_198 = vector.shape_cast %swap3A_197 : vector<16xf32> to vector<16xf32>
    %swap3A_199 = vector.shape_cast %broadcast_in_dim3A_0 : vector<16xf32> to vector<16xf32>
    tpu.vector_store %arg9[%swap3A_196], %swap3A_199 {strides = array<i32>} : memref<5120xf32, #tpu.memory_space<vmem>>, vector<16xf32>,
    %swap3A_200 = arith.constant 800 : index
    %swap3A_201 = tpu.vector_load %arg9[%swap3A_200] {strides = array<i32>} : memref<5120xf32, #tpu.memory_space<vmem>>, vector<16xf32>,
    %swap3A_202 = vector.shape_cast %swap3A_201 : vector<16xf32> to vector<16xf32>
    %swap3A_203 = vector.shape_cast %broadcast_in_dim3A_0 : vector<16xf32> to vector<16xf32>
    tpu.vector_store %arg9[%swap3A_200], %swap3A_203 {strides = array<i32>} : memref<5120xf32, #tpu.memory_space<vmem>>, vector<16xf32>,
    %swap3A_204 = arith.constant 816 : index
    %swap3A_205 = tpu.vector_load %arg9[%swap3A_204] {strides = array<i32>} : memref<5120xf32, #tpu.memory_space<vmem>>, vector<16xf32>,
    %swap3A_206 = vector.shape_cast %swap3A_205 : vector<16xf32> to vector<16xf32>
    %swap3A_207 = vector.shape_cast %broadcast_in_dim3A_0 : vector<16xf32> to vector<16xf32>
    tpu.vector_store %arg9[%swap3A_204], %swap3A_207 {strides = array<i32>} : memref<5120xf32, #tpu.memory_space<vmem>>, vector<16xf32>,
    %swap3A_208 = arith.constant 832 : index
    %swap3A_209 = tpu.vector_load %arg9[%swap3A_208] {strides = array<i32>} : memref<5120xf32, #tpu.memory_space<vmem>>, vector<16xf32>,
    %swap3A_210 = vector.shape_cast %swap3A_209 : vector<16xf32> to vector<16xf32>
    %swap3A_211 = vector.shape_cast %broadcast_in_dim3A_0 : vector<16xf32> to vector<16xf32>
    tpu.vector_store %arg9[%swap3A_208], %swap3A_211 {strides = array<i32>} : memref<5120xf32, #tpu.memory_space<vmem>>, vector<16xf32>,
    %swap3A_212 = arith.constant 848 : index
    %swap3A_213 = tpu.vector_load %arg9[%swap3A_212] {strides = array<i32>} : memref<5120xf32, #tpu.memory_space<vmem>>, vector<16xf32>,
    %swap3A_214 = vector.shape_cast %swap3A_213 : vector<16xf32> to vector<16xf32>
    %swap3A_215 = vector.shape_cast %broadcast_in_dim3A_0 : vector<16xf32> to vector<16xf32>
    tpu.vector_store %arg9[%swap3A_212], %swap3A_215 {strides = array<i32>} : memref<5120xf32, #tpu.memory_space<vmem>>, vector<16xf32>,
    %swap3A_216 = arith.constant 864 : index
    %swap3A_217 = tpu.vector_load %arg9[%swap3A_216] {strides = array<i32>} : memref<5120xf32, #tpu.memory_space<vmem>>, vector<16xf32>,
    %swap3A_218 = vector.shape_cast %swap3A_217 : vector<16xf32> to vector<16xf32>
    %swap3A_219 = vector.shape_cast %broadcast_in_dim3A_0 : vector<16xf32> to vector<16xf32>
    tpu.vector_store %arg9[%swap3A_216], %swap3A_219 {strides = array<i32>} : memref<5120xf32, #tpu.memory_space<vmem>>, vector<16xf32>,
    %swap3A_220 = arith.constant 880 : index
    %swap3A_221 = tpu.vector_load %arg9[%swap3A_220] {strides = array<i32>} : memref<5120xf32, #tpu.memory_space<vmem>>, vector<16xf32>,
    %swap3A_222 = vector.shape_cast %swap3A_221 : vector<16xf32> to vector<16xf32>
    %swap3A_223 = vector.shape_cast %broadcast_in_dim3A_0 : vector<16xf32> to vector<16xf32>
    tpu.vector_store %arg9[%swap3A_220], %swap3A_223 {strides = array<i32>} : memref<5120xf32, #tpu.memory_space<vmem>>, vector<16xf32>,
    %swap3A_224 = arith.constant 896 : index
    %swap3A_225 = tpu.vector_load %arg9[%swap3A_224] {strides = array<i32>} : memref<5120xf32, #tpu.memory_space<vmem>>, vector<16xf32>,
    %swap3A_226 = vector.shape_cast %swap3A_225 : vector<16xf32> to vector<16xf32>
    %swap3A_227 = vector.shape_cast %broadcast_in_dim3A_0 : vector<16xf32> to vector<16xf32>
    tpu.vector_store %arg9[%swap3A_224], %swap3A_227 {strides = array<i32>} : memref<5120xf32, #tpu.memory_space<vmem>>, vector<16xf32>,
    %swap3A_228 = arith.constant 912 : index
    %swap3A_229 = tpu.vector_load %arg9[%swap3A_228] {strides = array<i32>} : memref<5120xf32, #tpu.memory_space<vmem>>, vector<16xf32>,
    %swap3A_230 = vector.shape_cast %swap3A_229 : vector<16xf32> to vector<16xf32>
    %swap3A_231 = vector.shape_cast %broadcast_in_dim3A_0 : vector<16xf32> to vector<16xf32>
    tpu.vector_store %arg9[%swap3A_228], %swap3A_231 {strides = array<i32>} : memref<5120xf32, #tpu.memory_space<vmem>>, vector<16xf32>,
    %swap3A_232 = arith.constant 928 : index
    %swap3A_233 = tpu.vector_load %arg9[%swap3A_232] {strides = array<i32>} : memref<5120xf32, #tpu.memory_space<vmem>>, vector<16xf32>,
    %swap3A_234 = vector.shape_cast %swap3A_233 : vector<16xf32> to vector<16xf32>
    %swap3A_235 = vector.shape_cast %broadcast_in_dim3A_0 : vector<16xf32> to vector<16xf32>
    tpu.vector_store %arg9[%swap3A_232], %swap3A_235 {strides = array<i32>} : memref<5120xf32, #tpu.memory_space<vmem>>, vector<16xf32>,
    %swap3A_236 = arith.constant 944 : index
    %swap3A_237 = tpu.vector_load %arg9[%swap3A_236] {strides = array<i32>} : memref<5120xf32, #tpu.memory_space<vmem>>, vector<16xf32>,
    %swap3A_238 = vector.shape_cast %swap3A_237 : vector<16xf32> to vector<16xf32>
    %swap3A_239 = vector.shape_cast %broadcast_in_dim3A_0 : vector<16xf32> to vector<16xf32>
    tpu.vector_store %arg9[%swap3A_236], %swap3A_239 {strides = array<i32>} : memref<5120xf32, #tpu.memory_space<vmem>>, vector<16xf32>,
    %swap3A_240 = arith.constant 960 : index
    %swap3A_241 = tpu.vector_load %arg9[%swap3A_240] {strides = array<i32>} : memref<5120xf32, #tpu.memory_space<vmem>>, vector<16xf32>,
    %swap3A_242 = vector.shape_cast %swap3A_241 : vector<16xf32> to vector<16xf32>
    %swap3A_243 = vector.shape_cast %broadcast_in_dim3A_0 : vector<16xf32> to vector<16xf32>
    tpu.vector_store %arg9[%swap3A_240], %swap3A_243 {strides = array<i32>} : memref<5120xf32, #tpu.memory_space<vmem>>, vector<16xf32>,
    %swap3A_244 = arith.constant 976 : index
    %swap3A_245 = tpu.vector_load %arg9[%swap3A_244] {strides = array<i32>} : memref<5120xf32, #tpu.memory_space<vmem>>, vector<16xf32>,
    %swap3A_246 = vector.shape_cast %swap3A_245 : vector<16xf32> to vector<16xf32>
    %swap3A_247 = vector.shape_cast %broadcast_in_dim3A_0 : vector<16xf32> to vector<16xf32>
    tpu.vector_store %arg9[%swap3A_244], %swap3A_247 {strides = array<i32>} : memref<5120xf32, #tpu.memory_space<vmem>>, vector<16xf32>,
    %swap3A_248 = arith.constant 992 : index
    %swap3A_249 = tpu.vector_load %arg9[%swap3A_248] {strides = array<i32>} : memref<5120xf32, #tpu.memory_space<vmem>>, vector<16xf32>,
    %swap3A_250 = vector.shape_cast %swap3A_249 : vector<16xf32> to vector<16xf32>
    %swap3A_251 = vector.shape_cast %broadcast_in_dim3A_0 : vector<16xf32> to vector<16xf32>
    tpu.vector_store %arg9[%swap3A_248], %swap3A_251 {strides = array<i32>} : memref<5120xf32, #tpu.memory_space<vmem>>, vector<16xf32>,
    %swap3A_252 = arith.constant 1008 : index
    %swap3A_253 = tpu.vector_load %arg9[%swap3A_252] {strides = array<i32>} : memref<5120xf32, #tpu.memory_space<vmem>>, vector<16xf32>,
    %swap3A_254 = vector.shape_cast %swap3A_253 : vector<16xf32> to vector<16xf32>
    %swap3A_255 = vector.shape_cast %broadcast_in_dim3A_0 : vector<16xf32> to vector<16xf32>
    tpu.vector_store %arg9[%swap3A_252], %swap3A_255 {strides = array<i32>} : memref<5120xf32, #tpu.memory_space<vmem>>, vector<16xf32>,
    %swap3A_256 = arith.constant 1024 : index
    %swap3A_257 = tpu.vector_load %arg9[%swap3A_256] {strides = array<i32>} : memref<5120xf32, #tpu.memory_space<vmem>>, vector<16xf32>,
    %swap3A_258 = vector.shape_cast %swap3A_257 : vector<16xf32> to vector<16xf32>
    %swap3A_259 = vector.shape_cast %broadcast_in_dim3A_0 : vector<16xf32> to vector<16xf32>
    tpu.vector_store %arg9[%swap3A_256], %swap3A_259 {strides = array<i32>} : memref<5120xf32, #tpu.memory_space<vmem>>, vector<16xf32>,
    %swap3A_260 = arith.constant 1040 : index
    %swap3A_261 = tpu.vector_load %arg9[%swap3A_260] {strides = array<i32>} : memref<5120xf32, #tpu.memory_space<vmem>>, vector<16xf32>,
    %swap3A_262 = vector.shape_cast %swap3A_261 : vector<16xf32> to vector<16xf32>
    %swap3A_263 = vector.shape_cast %broadcast_in_dim3A_0 : vector<16xf32> to vector<16xf32>
    tpu.vector_store %arg9[%swap3A_260], %swap3A_263 {strides = array<i32>} : memref<5120xf32, #tpu.memory_space<vmem>>, vector<16xf32>,
    %swap3A_264 = arith.constant 1056 : index
    %swap3A_265 = tpu.vector_load %arg9[%swap3A_264] {strides = array<i32>} : memref<5120xf32, #tpu.memory_space<vmem>>, vector<16xf32>,
    %swap3A_266 = vector.shape_cast %swap3A_265 : vector<16xf32> to vector<16xf32>
    %swap3A_267 = vector.shape_cast %broadcast_in_dim3A_0 : vector<16xf32> to vector<16xf32>
    tpu.vector_store %arg9[%swap3A_264], %swap3A_267 {strides = array<i32>} : memref<5120xf32, #tpu.memory_space<vmem>>, vector<16xf32>,
    %swap3A_268 = arith.constant 1072 : index
    %swap3A_269 = tpu.vector_load %arg9[%swap3A_268] {strides = array<i32>} : memref<5120xf32, #tpu.memory_space<vmem>>, vector<16xf32>,
    %swap3A_270 = vector.shape_cast %swap3A_269 : vector<16xf32> to vector<16xf32>
    %swap3A_271 = vector.shape_cast %broadcast_in_dim3A_0 : vector<16xf32> to vector<16xf32>
    tpu.vector_store %arg9[%swap3A_268], %swap3A_271 {strides = array<i32>} : memref<5120xf32, #tpu.memory_space<vmem>>, vector<16xf32>,
    %swap3A_272 = arith.constant 1088 : index
    %swap3A_273 = tpu.vector_load %arg9[%swap3A_272] {strides = array<i32>} : memref<5120xf32, #tpu.memory_space<vmem>>, vector<16xf32>,
    %swap3A_274 = vector.shape_cast %swap3A_273 : vector<16xf32> to vector<16xf32>
    %swap3A_275 = vector.shape_cast %broadcast_in_dim3A_0 : vector<16xf32> to vector<16xf32>
    tpu.vector_store %arg9[%swap3A_272], %swap3A_275 {strides = array<i32>} : memref<5120xf32, #tpu.memory_space<vmem>>, vector<16xf32>,
    %swap3A_276 = arith.constant 1104 : index
    %swap3A_277 = tpu.vector_load %arg9[%swap3A_276] {strides = array<i32>} : memref<5120xf32, #tpu.memory_space<vmem>>, vector<16xf32>,
    %swap3A_278 = vector.shape_cast %swap3A_277 : vector<16xf32> to vector<16xf32>
    %swap3A_279 = vector.shape_cast %broadcast_in_dim3A_0 : vector<16xf32> to vector<16xf32>
    tpu.vector_store %arg9[%swap3A_276], %swap3A_279 {strides = array<i32>} : memref<5120xf32, #tpu.memory_space<vmem>>, vector<16xf32>,
    %swap3A_280 = arith.constant 1120 : index
    %swap3A_281 = tpu.vector_load %arg9[%swap3A_280] {strides = array<i32>} : memref<5120xf32, #tpu.memory_space<vmem>>, vector<16xf32>,
    %swap3A_282 = vector.shape_cast %swap3A_281 : vector<16xf32> to vector<16xf32>
    %swap3A_283 = vector.shape_cast %broadcast_in_dim3A_0 : vector<16xf32> to vector<16xf32>
    tpu.vector_store %arg9[%swap3A_280], %swap3A_283 {strides = array<i32>} : memref<5120xf32, #tpu.memory_space<vmem>>, vector<16xf32>,
    %swap3A_284 = arith.constant 1136 : index
    %swap3A_285 = tpu.vector_load %arg9[%swap3A_284] {strides = array<i32>} : memref<5120xf32, #tpu.memory_space<vmem>>, vector<16xf32>,
    %swap3A_286 = vector.shape_cast %swap3A_285 : vector<16xf32> to vector<16xf32>
    %swap3A_287 = vector.shape_cast %broadcast_in_dim3A_0 : vector<16xf32> to vector<16xf32>
    tpu.vector_store %arg9[%swap3A_284], %swap3A_287 {strides = array<i32>} : memref<5120xf32, #tpu.memory_space<vmem>>, vector<16xf32>,
    %swap3A_288 = arith.constant 1152 : index
    %swap3A_289 = tpu.vector_load %arg9[%swap3A_288] {strides = array<i32>} : memref<5120xf32, #tpu.memory_space<vmem>>, vector<16xf32>,
    %swap3A_290 = vector.shape_cast %swap3A_289 : vector<16xf32> to vector<16xf32>
    %swap3A_291 = vector.shape_cast %broadcast_in_dim3A_0 : vector<16xf32> to vector<16xf32>
    tpu.vector_store %arg9[%swap3A_288], %swap3A_291 {strides = array<i32>} : memref<5120xf32, #tpu.memory_space<vmem>>, vector<16xf32>,
    %swap3A_292 = arith.constant 1168 : index
    %swap3A_293 = tpu.vector_load %arg9[%swap3A_292] {strides = array<i32>} : memref<5120xf32, #tpu.memory_space<vmem>>, vector<16xf32>,
    %swap3A_294 = vector.shape_cast %swap3A_293 : vector<16xf32> to vector<16xf32>
    %swap3A_295 = vector.shape_cast %broadcast_in_dim3A_0 : vector<16xf32> to vector<16xf32>
    tpu.vector_store %arg9[%swap3A_292], %swap3A_295 {strides = array<i32>} : memref<5120xf32, #tpu.memory_space<vmem>>, vector<16xf32>,
    %swap3A_296 = arith.constant 1184 : index
    %swap3A_297 = tpu.vector_load %arg9[%swap3A_296] {strides = array<i32>} : memref<5120xf32, #tpu.memory_space<vmem>>, vector<16xf32>,
    %swap3A_298 = vector.shape_cast %swap3A_297 : vector<16xf32> to vector<16xf32>
    %swap3A_299 = vector.shape_cast %broadcast_in_dim3A_0 : vector<16xf32> to vector<16xf32>
    tpu.vector_store %arg9[%swap3A_296], %swap3A_299 {strides = array<i32>} : memref<5120xf32, #tpu.memory_space<vmem>>, vector<16xf32>,
    %swap3A_300 = arith.constant 1200 : index
    %swap3A_301 = tpu.vector_load %arg9[%swap3A_300] {strides = array<i32>} : memref<5120xf32, #tpu.memory_space<vmem>>, vector<16xf32>,
    %swap3A_302 = vector.shape_cast %swap3A_301 : vector<16xf32> to vector<16xf32>
    %swap3A_303 = vector.shape_cast %broadcast_in_dim3A_0 : vector<16xf32> to vector<16xf32>
    tpu.vector_store %arg9[%swap3A_300], %swap3A_303 {strides = array<i32>} : memref<5120xf32, #tpu.memory_space<vmem>>, vector<16xf32>,
    %swap3A_304 = arith.constant 1216 : index
    %swap3A_305 = tpu.vector_load %arg9[%swap3A_304] {strides = array<i32>} : memref<5120xf32, #tpu.memory_space<vmem>>, vector<16xf32>,
    %swap3A_306 = vector.shape_cast %swap3A_305 : vector<16xf32> to vector<16xf32>
    %swap3A_307 = vector.shape_cast %broadcast_in_dim3A_0 : vector<16xf32> to vector<16xf32>
    tpu.vector_store %arg9[%swap3A_304], %swap3A_307 {strides = array<i32>} : memref<5120xf32, #tpu.memory_space<vmem>>, vector<16xf32>,
    %swap3A_308 = arith.constant 1232 : index
    %swap3A_309 = tpu.vector_load %arg9[%swap3A_308] {strides = array<i32>} : memref<5120xf32, #tpu.memory_space<vmem>>, vector<16xf32>,
    %swap3A_310 = vector.shape_cast %swap3A_309 : vector<16xf32> to vector<16xf32>
    %swap3A_311 = vector.shape_cast %broadcast_in_dim3A_0 : vector<16xf32> to vector<16xf32>
    tpu.vector_store %arg9[%swap3A_308], %swap3A_311 {strides = array<i32>} : memref<5120xf32, #tpu.memory_space<vmem>>, vector<16xf32>,
    %swap3A_312 = arith.constant 1248 : index
    %swap3A_313 = tpu.vector_load %arg9[%swap3A_312] {strides = array<i32>} : memref<5120xf32, #tpu.memory_space<vmem>>, vector<16xf32>,
    %swap3A_314 = vector.shape_cast %swap3A_313 : vector<16xf32> to vector<16xf32>
    %swap3A_315 = vector.shape_cast %broadcast_in_dim3A_0 : vector<16xf32> to vector<16xf32>
    tpu.vector_store %arg9[%swap3A_312], %swap3A_315 {strides = array<i32>} : memref<5120xf32, #tpu.memory_space<vmem>>, vector<16xf32>,
    %swap3A_316 = arith.constant 1264 : index
    %swap3A_317 = tpu.vector_load %arg9[%swap3A_316] {strides = array<i32>} : memref<5120xf32, #tpu.memory_space<vmem>>, vector<16xf32>,
    %swap3A_318 = vector.shape_cast %swap3A_317 : vector<16xf32> to vector<16xf32>
    %swap3A_319 = vector.shape_cast %broadcast_in_dim3A_0 : vector<16xf32> to vector<16xf32>
    tpu.vector_store %arg9[%swap3A_316], %swap3A_319 {strides = array<i32>} : memref<5120xf32, #tpu.memory_space<vmem>>, vector<16xf32>,
    %swap3A_320 = arith.constant 1280 : index
    %swap3A_321 = tpu.vector_load %arg9[%swap3A_320] {strides = array<i32>} : memref<5120xf32, #tpu.memory_space<vmem>>, vector<16xf32>,
    %swap3A_322 = vector.shape_cast %swap3A_321 : vector<16xf32> to vector<16xf32>
    %swap3A_323 = vector.shape_cast %broadcast_in_dim3A_0 : vector<16xf32> to vector<16xf32>
    tpu.vector_store %arg9[%swap3A_320], %swap3A_323 {strides = array<i32>} : memref<5120xf32, #tpu.memory_space<vmem>>, vector<16xf32>,
    %swap3A_324 = arith.constant 1296 : index
    %swap3A_325 = tpu.vector_load %arg9[%swap3A_324] {strides = array<i32>} : memref<5120xf32, #tpu.memory_space<vmem>>, vector<16xf32>,
    %swap3A_326 = vector.shape_cast %swap3A_325 : vector<16xf32> to vector<16xf32>
    %swap3A_327 = vector.shape_cast %broadcast_in_dim3A_0 : vector<16xf32> to vector<16xf32>
    tpu.vector_store %arg9[%swap3A_324], %swap3A_327 {strides = array<i32>} : memref<5120xf32, #tpu.memory_space<vmem>>, vector<16xf32>,
    %swap3A_328 = arith.constant 1312 : index
    %swap3A_329 = tpu.vector_load %arg9[%swap3A_328] {strides = array<i32>} : memref<5120xf32, #tpu.memory_space<vmem>>, vector<16xf32>,
    %swap3A_330 = vector.shape_cast %swap3A_329 : vector<16xf32> to vector<16xf32>
    %swap3A_331 = vector.shape_cast %broadcast_in_dim3A_0 : vector<16xf32> to vector<16xf32>
    tpu.vector_store %arg9[%swap3A_328], %swap3A_331 {strides = array<i32>} : memref<5120xf32, #tpu.memory_space<vmem>>, vector<16xf32>,
    %swap3A_332 = arith.constant 1328 : index
    %swap3A_333 = tpu.vector_load %arg9[%swap3A_332] {strides = array<i32>} : memref<5120xf32, #tpu.memory_space<vmem>>, vector<16xf32>,
    %swap3A_334 = vector.shape_cast %swap3A_333 : vector<16xf32> to vector<16xf32>
    %swap3A_335 = vector.shape_cast %broadcast_in_dim3A_0 : vector<16xf32> to vector<16xf32>
    tpu.vector_store %arg9[%swap3A_332], %swap3A_335 {strides = array<i32>} : memref<5120xf32, #tpu.memory_space<vmem>>, vector<16xf32>,
    %swap3A_336 = arith.constant 1344 : index
    %swap3A_337 = tpu.vector_load %arg9[%swap3A_336] {strides = array<i32>} : memref<5120xf32, #tpu.memory_space<vmem>>, vector<16xf32>,
    %swap3A_338 = vector.shape_cast %swap3A_337 : vector<16xf32> to vector<16xf32>
    %swap3A_339 = vector.shape_cast %broadcast_in_dim3A_0 : vector<16xf32> to vector<16xf32>
    tpu.vector_store %arg9[%swap3A_336], %swap3A_339 {strides = array<i32>} : memref<5120xf32, #tpu.memory_space<vmem>>, vector<16xf32>,
    %swap3A_340 = arith.constant 1360 : index
    %swap3A_341 = tpu.vector_load %arg9[%swap3A_340] {strides = array<i32>} : memref<5120xf32, #tpu.memory_space<vmem>>, vector<16xf32>,
    %swap3A_342 = vector.shape_cast %swap3A_341 : vector<16xf32> to vector<16xf32>
    %swap3A_343 = vector.shape_cast %broadcast_in_dim3A_0 : vector<16xf32> to vector<16xf32>
    tpu.vector_store %arg9[%swap3A_340], %swap3A_343 {strides = array<i32>} : memref<5120xf32, #tpu.memory_space<vmem>>, vector<16xf32>,
    %swap3A_344 = arith.constant 1376 : index
    %swap3A_345 = tpu.vector_load %arg9[%swap3A_344] {strides = array<i32>} : memref<5120xf32, #tpu.memory_space<vmem>>, vector<16xf32>,
    %swap3A_346 = vector.shape_cast %swap3A_345 : vector<16xf32> to vector<16xf32>
    %swap3A_347 = vector.shape_cast %broadcast_in_dim3A_0 : vector<16xf32> to vector<16xf32>
    tpu.vector_store %arg9[%swap3A_344], %swap3A_347 {strides = array<i32>} : memref<5120xf32, #tpu.memory_space<vmem>>, vector<16xf32>,
    %swap3A_348 = arith.constant 1392 : index
    %swap3A_349 = tpu.vector_load %arg9[%swap3A_348] {strides = array<i32>} : memref<5120xf32, #tpu.memory_space<vmem>>, vector<16xf32>,
    %swap3A_350 = vector.shape_cast %swap3A_349 : vector<16xf32> to vector<16xf32>
    %swap3A_351 = vector.shape_cast %broadcast_in_dim3A_0 : vector<16xf32> to vector<16xf32>
    tpu.vector_store %arg9[%swap3A_348], %swap3A_351 {strides = array<i32>} : memref<5120xf32, #tpu.memory_space<vmem>>, vector<16xf32>,
    %swap3A_352 = arith.constant 1408 : index
    %swap3A_353 = tpu.vector_load %arg9[%swap3A_352] {strides = array<i32>} : memref<5120xf32, #tpu.memory_space<vmem>>, vector<16xf32>,
    %swap3A_354 = vector.shape_cast %swap3A_353 : vector<16xf32> to vector<16xf32>
    %swap3A_355 = vector.shape_cast %broadcast_in_dim3A_0 : vector<16xf32> to vector<16xf32>
    tpu.vector_store %arg9[%swap3A_352], %swap3A_355 {strides = array<i32>} : memref<5120xf32, #tpu.memory_space<vmem>>, vector<16xf32>,
    %swap3A_356 = arith.constant 1424 : index
    %swap3A_357 = tpu.vector_load %arg9[%swap3A_356] {strides = array<i32>} : memref<5120xf32, #tpu.memory_space<vmem>>, vector<16xf32>,
    %swap3A_358 = vector.shape_cast %swap3A_357 : vector<16xf32> to vector<16xf32>
    %swap3A_359 = vector.shape_cast %broadcast_in_dim3A_0 : vector<16xf32> to vector<16xf32>
    tpu.vector_store %arg9[%swap3A_356], %swap3A_359 {strides = array<i32>} : memref<5120xf32, #tpu.memory_space<vmem>>, vector<16xf32>,
    %swap3A_360 = arith.constant 1440 : index
    %swap3A_361 = tpu.vector_load %arg9[%swap3A_360] {strides = array<i32>} : memref<5120xf32, #tpu.memory_space<vmem>>, vector<16xf32>,
    %swap3A_362 = vector.shape_cast %swap3A_361 : vector<16xf32> to vector<16xf32>
    %swap3A_363 = vector.shape_cast %broadcast_in_dim3A_0 : vector<16xf32> to vector<16xf32>
    tpu.vector_store %arg9[%swap3A_360], %swap3A_363 {strides = array<i32>} : memref<5120xf32, #tpu.memory_space<vmem>>, vector<16xf32>,
    %swap3A_364 = arith.constant 1456 : index
    %swap3A_365 = tpu.vector_load %arg9[%swap3A_364] {strides = array<i32>} : memref<5120xf32, #tpu.memory_space<vmem>>, vector<16xf32>,
    %swap3A_366 = vector.shape_cast %swap3A_365 : vector<16xf32> to vector<16xf32>
    %swap3A_367 = vector.shape_cast %broadcast_in_dim3A_0 : vector<16xf32> to vector<16xf32>
    tpu.vector_store %arg9[%swap3A_364], %swap3A_367 {strides = array<i32>} : memref<5120xf32, #tpu.memory_space<vmem>>, vector<16xf32>,
    %swap3A_368 = arith.constant 1472 : index
    %swap3A_369 = tpu.vector_load %arg9[%swap3A_368] {strides = array<i32>} : memref<5120xf32, #tpu.memory_space<vmem>>, vector<16xf32>,
    %swap3A_370 = vector.shape_cast %swap3A_369 : vector<16xf32> to vector<16xf32>
    %swap3A_371 = vector.shape_cast %broadcast_in_dim3A_0 : vector<16xf32> to vector<16xf32>
    tpu.vector_store %arg9[%swap3A_368], %swap3A_371 {strides = array<i32>} : memref<5120xf32, #tpu.memory_space<vmem>>, vector<16xf32>,
    %swap3A_372 = arith.constant 1488 : index
    %swap3A_373 = tpu.vector_load %arg9[%swap3A_372] {strides = array<i32>} : memref<5120xf32, #tpu.memory_space<vmem>>, vector<16xf32>,
    %swap3A_374 = vector.shape_cast %swap3A_373 : vector<16xf32> to vector<16xf32>
    %swap3A_375 = vector.shape_cast %broadcast_in_dim3A_0 : vector<16xf32> to vector<16xf32>
    tpu.vector_store %arg9[%swap3A_372], %swap3A_375 {strides = array<i32>} : memref<5120xf32, #tpu.memory_space<vmem>>, vector<16xf32>,
    %swap3A_376 = arith.constant 1504 : index
    %swap3A_377 = tpu.vector_load %arg9[%swap3A_376] {strides = array<i32>} : memref<5120xf32, #tpu.memory_space<vmem>>, vector<16xf32>,
    %swap3A_378 = vector.shape_cast %swap3A_377 : vector<16xf32> to vector<16xf32>
    %swap3A_379 = vector.shape_cast %broadcast_in_dim3A_0 : vector<16xf32> to vector<16xf32>
    tpu.vector_store %arg9[%swap3A_376], %swap3A_379 {strides = array<i32>} : memref<5120xf32, #tpu.memory_space<vmem>>, vector<16xf32>,
    %swap3A_380 = arith.constant 1520 : index
    %swap3A_381 = tpu.vector_load %arg9[%swap3A_380] {strides = array<i32>} : memref<5120xf32, #tpu.memory_space<vmem>>, vector<16xf32>,
    %swap3A_382 = vector.shape_cast %swap3A_381 : vector<16xf32> to vector<16xf32>
    %swap3A_383 = vector.shape_cast %broadcast_in_dim3A_0 : vector<16xf32> to vector<16xf32>
    tpu.vector_store %arg9[%swap3A_380], %swap3A_383 {strides = array<i32>} : memref<5120xf32, #tpu.memory_space<vmem>>, vector<16xf32>,
    %swap3A_384 = arith.constant 1536 : index
    %swap3A_385 = tpu.vector_load %arg9[%swap3A_384] {strides = array<i32>} : memref<5120xf32, #tpu.memory_space<vmem>>, vector<16xf32>,
    %swap3A_386 = vector.shape_cast %swap3A_385 : vector<16xf32> to vector<16xf32>
    %swap3A_387 = vector.shape_cast %broadcast_in_dim3A_0 : vector<16xf32> to vector<16xf32>
    tpu.vector_store %arg9[%swap3A_384], %swap3A_387 {strides = array<i32>} : memref<5120xf32, #tpu.memory_space<vmem>>, vector<16xf32>,
    %swap3A_388 = arith.constant 1552 : index
    %swap3A_389 = tpu.vector_load %arg9[%swap3A_388] {strides = array<i32>} : memref<5120xf32, #tpu.memory_space<vmem>>, vector<16xf32>,
    %swap3A_390 = vector.shape_cast %swap3A_389 : vector<16xf32> to vector<16xf32>
    %swap3A_391 = vector.shape_cast %broadcast_in_dim3A_0 : vector<16xf32> to vector<16xf32>
    tpu.vector_store %arg9[%swap3A_388], %swap3A_391 {strides = array<i32>} : memref<5120xf32, #tpu.memory_space<vmem>>, vector<16xf32>,
    %swap3A_392 = arith.constant 1568 : index
    %swap3A_393 = tpu.vector_load %arg9[%swap3A_392] {strides = array<i32>} : memref<5120xf32, #tpu.memory_space<vmem>>, vector<16xf32>,
    %swap3A_394 = vector.shape_cast %swap3A_393 : vector<16xf32> to vector<16xf32>
    %swap3A_395 = vector.shape_cast %broadcast_in_dim3A_0 : vector<16xf32> to vector<16xf32>
    tpu.vector_store %arg9[%swap3A_392], %swap3A_395 {strides = array<i32>} : memref<5120xf32, #tpu.memory_space<vmem>>, vector<16xf32>,
    %swap3A_396 = arith.constant 1584 : index
    %swap3A_397 = tpu.vector_load %arg9[%swap3A_396] {strides = array<i32>} : memref<5120xf32, #tpu.memory_space<vmem>>, vector<16xf32>,
    %swap3A_398 = vector.shape_cast %swap3A_397 : vector<16xf32> to vector<16xf32>
    %swap3A_399 = vector.shape_cast %broadcast_in_dim3A_0 : vector<16xf32> to vector<16xf32>
    tpu.vector_store %arg9[%swap3A_396], %swap3A_399 {strides = array<i32>} : memref<5120xf32, #tpu.memory_space<vmem>>, vector<16xf32>,
    %swap3A_400 = arith.constant 1600 : index
    %swap3A_401 = tpu.vector_load %arg9[%swap3A_400] {strides = array<i32>} : memref<5120xf32, #tpu.memory_space<vmem>>, vector<16xf32>,
    %swap3A_402 = vector.shape_cast %swap3A_401 : vector<16xf32> to vector<16xf32>
    %swap3A_403 = vector.shape_cast %broadcast_in_dim3A_0 : vector<16xf32> to vector<16xf32>
    tpu.vector_store %arg9[%swap3A_400], %swap3A_403 {strides = array<i32>} : memref<5120xf32, #tpu.memory_space<vmem>>, vector<16xf32>,
    %swap3A_404 = arith.constant 1616 : index
    %swap3A_405 = tpu.vector_load %arg9[%swap3A_404] {strides = array<i32>} : memref<5120xf32, #tpu.memory_space<vmem>>, vector<16xf32>,
    %swap3A_406 = vector.shape_cast %swap3A_405 : vector<16xf32> to vector<16xf32>
    %swap3A_407 = vector.shape_cast %broadcast_in_dim3A_0 : vector<16xf32> to vector<16xf32>
    tpu.vector_store %arg9[%swap3A_404], %swap3A_407 {strides = array<i32>} : memref<5120xf32, #tpu.memory_space<vmem>>, vector<16xf32>,
    %swap3A_408 = arith.constant 1632 : index
    %swap3A_409 = tpu.vector_load %arg9[%swap3A_408] {strides = array<i32>} : memref<5120xf32, #tpu.memory_space<vmem>>, vector<16xf32>,
    %swap3A_410 = vector.shape_cast %swap3A_409 : vector<16xf32> to vector<16xf32>
    %swap3A_411 = vector.shape_cast %broadcast_in_dim3A_0 : vector<16xf32> to vector<16xf32>
    tpu.vector_store %arg9[%swap3A_408], %swap3A_411 {strides = array<i32>} : memref<5120xf32, #tpu.memory_space<vmem>>, vector<16xf32>,
    %swap3A_412 = arith.constant 1648 : index
    %swap3A_413 = tpu.vector_load %arg9[%swap3A_412] {strides = array<i32>} : memref<5120xf32, #tpu.memory_space<vmem>>, vector<16xf32>,
    %swap3A_414 = vector.shape_cast %swap3A_413 : vector<16xf32> to vector<16xf32>
    %swap3A_415 = vector.shape_cast %broadcast_in_dim3A_0 : vector<16xf32> to vector<16xf32>
    tpu.vector_store %arg9[%swap3A_412], %swap3A_415 {strides = array<i32>} : memref<5120xf32, #tpu.memory_space<vmem>>, vector<16xf32>,
    %swap3A_416 = arith.constant 1664 : index
    %swap3A_417 = tpu.vector_load %arg9[%swap3A_416] {strides = array<i32>} : memref<5120xf32, #tpu.memory_space<vmem>>, vector<16xf32>,
    %swap3A_418 = vector.shape_cast %swap3A_417 : vector<16xf32> to vector<16xf32>
    %swap3A_419 = vector.shape_cast %broadcast_in_dim3A_0 : vector<16xf32> to vector<16xf32>
    tpu.vector_store %arg9[%swap3A_416], %swap3A_419 {strides = array<i32>} : memref<5120xf32, #tpu.memory_space<vmem>>, vector<16xf32>,
    %swap3A_420 = arith.constant 1680 : index
    %swap3A_421 = tpu.vector_load %arg9[%swap3A_420] {strides = array<i32>} : memref<5120xf32, #tpu.memory_space<vmem>>, vector<16xf32>,
    %swap3A_422 = vector.shape_cast %swap3A_421 : vector<16xf32> to vector<16xf32>
    %swap3A_423 = vector.shape_cast %broadcast_in_dim3A_0 : vector<16xf32> to vector<16xf32>
    tpu.vector_store %arg9[%swap3A_420], %swap3A_423 {strides = array<i32>} : memref<5120xf32, #tpu.memory_space<vmem>>, vector<16xf32>,
    %swap3A_424 = arith.constant 1696 : index
    %swap3A_425 = tpu.vector_load %arg9[%swap3A_424] {strides = array<i32>} : memref<5120xf32, #tpu.memory_space<vmem>>, vector<16xf32>,
    %swap3A_426 = vector.shape_cast %swap3A_425 : vector<16xf32> to vector<16xf32>
    %swap3A_427 = vector.shape_cast %broadcast_in_dim3A_0 : vector<16xf32> to vector<16xf32>
    tpu.vector_store %arg9[%swap3A_424], %swap3A_427 {strides = array<i32>} : memref<5120xf32, #tpu.memory_space<vmem>>, vector<16xf32>,
    %swap3A_428 = arith.constant 1712 : index
    %swap3A_429 = tpu.vector_load %arg9[%swap3A_428] {strides = array<i32>} : memref<5120xf32, #tpu.memory_space<vmem>>, vector<16xf32>,
    %swap3A_430 = vector.shape_cast %swap3A_429 : vector<16xf32> to vector<16xf32>
    %swap3A_431 = vector.shape_cast %broadcast_in_dim3A_0 : vector<16xf32> to vector<16xf32>
    tpu.vector_store %arg9[%swap3A_428], %swap3A_431 {strides = array<i32>} : memref<5120xf32, #tpu.memory_space<vmem>>, vector<16xf32>,
    %swap3A_432 = arith.constant 1728 : index
    %swap3A_433 = tpu.vector_load %arg9[%swap3A_432] {strides = array<i32>} : memref<5120xf32, #tpu.memory_space<vmem>>, vector<16xf32>,
    %swap3A_434 = vector.shape_cast %swap3A_433 : vector<16xf32> to vector<16xf32>
    %swap3A_435 = vector.shape_cast %broadcast_in_dim3A_0 : vector<16xf32> to vector<16xf32>
    tpu.vector_store %arg9[%swap3A_432], %swap3A_435 {strides = array<i32>} : memref<5120xf32, #tpu.memory_space<vmem>>, vector<16xf32>,
    %swap3A_436 = arith.constant 1744 : index
    %swap3A_437 = tpu.vector_load %arg9[%swap3A_436] {strides = array<i32>} : memref<5120xf32, #tpu.memory_space<vmem>>, vector<16xf32>,
    %swap3A_438 = vector.shape_cast %swap3A_437 : vector<16xf32> to vector<16xf32>
    %swap3A_439 = vector.shape_cast %broadcast_in_dim3A_0 : vector<16xf32> to vector<16xf32>
    tpu.vector_store %arg9[%swap3A_436], %swap3A_439 {strides = array<i32>} : memref<5120xf32, #tpu.memory_space<vmem>>, vector<16xf32>,
    %swap3A_440 = arith.constant 1760 : index
    %swap3A_441 = tpu.vector_load %arg9[%swap3A_440] {strides = array<i32>} : memref<5120xf32, #tpu.memory_space<vmem>>, vector<16xf32>,
    %swap3A_442 = vector.shape_cast %swap3A_441 : vector<16xf32> to vector<16xf32>
    %swap3A_443 = vector.shape_cast %broadcast_in_dim3A_0 : vector<16xf32> to vector<16xf32>
    tpu.vector_store %arg9[%swap3A_440], %swap3A_443 {strides = array<i32>} : memref<5120xf32, #tpu.memory_space<vmem>>, vector<16xf32>,
    %swap3A_444 = arith.constant 1776 : index
    %swap3A_445 = tpu.vector_load %arg9[%swap3A_444] {strides = array<i32>} : memref<5120xf32, #tpu.memory_space<vmem>>, vector<16xf32>,
    %swap3A_446 = vector.shape_cast %swap3A_445 : vector<16xf32> to vector<16xf32>
    %swap3A_447 = vector.shape_cast %broadcast_in_dim3A_0 : vector<16xf32> to vector<16xf32>
    tpu.vector_store %arg9[%swap3A_444], %swap3A_447 {strides = array<i32>} : memref<5120xf32, #tpu.memory_space<vmem>>, vector<16xf32>,
    %swap3A_448 = arith.constant 1792 : index
    %swap3A_449 = tpu.vector_load %arg9[%swap3A_448] {strides = array<i32>} : memref<5120xf32, #tpu.memory_space<vmem>>, vector<16xf32>,
    %swap3A_450 = vector.shape_cast %swap3A_449 : vector<16xf32> to vector<16xf32>
    %swap3A_451 = vector.shape_cast %broadcast_in_dim3A_0 : vector<16xf32> to vector<16xf32>
    tpu.vector_store %arg9[%swap3A_448], %swap3A_451 {strides = array<i32>} : memref<5120xf32, #tpu.memory_space<vmem>>, vector<16xf32>,
    %swap3A_452 = arith.constant 1808 : index
    %swap3A_453 = tpu.vector_load %arg9[%swap3A_452] {strides = array<i32>} : memref<5120xf32, #tpu.memory_space<vmem>>, vector<16xf32>,
    %swap3A_454 = vector.shape_cast %swap3A_453 : vector<16xf32> to vector<16xf32>
    %swap3A_455 = vector.shape_cast %broadcast_in_dim3A_0 : vector<16xf32> to vector<16xf32>
    tpu.vector_store %arg9[%swap3A_452], %swap3A_455 {strides = array<i32>} : memref<5120xf32, #tpu.memory_space<vmem>>, vector<16xf32>,
    %swap3A_456 = arith.constant 1824 : index
    %swap3A_457 = tpu.vector_load %arg9[%swap3A_456] {strides = array<i32>} : memref<5120xf32, #tpu.memory_space<vmem>>, vector<16xf32>,
    %swap3A_458 = vector.shape_cast %swap3A_457 : vector<16xf32> to vector<16xf32>
    %swap3A_459 = vector.shape_cast %broadcast_in_dim3A_0 : vector<16xf32> to vector<16xf32>
    tpu.vector_store %arg9[%swap3A_456], %swap3A_459 {strides = array<i32>} : memref<5120xf32, #tpu.memory_space<vmem>>, vector<16xf32>,
    %swap3A_460 = arith.constant 1840 : index
    %swap3A_461 = tpu.vector_load %arg9[%swap3A_460] {strides = array<i32>} : memref<5120xf32, #tpu.memory_space<vmem>>, vector<16xf32>,
    %swap3A_462 = vector.shape_cast %swap3A_461 : vector<16xf32> to vector<16xf32>
    %swap3A_463 = vector.shape_cast %broadcast_in_dim3A_0 : vector<16xf32> to vector<16xf32>
    tpu.vector_store %arg9[%swap3A_460], %swap3A_463 {strides = array<i32>} : memref<5120xf32, #tpu.memory_space<vmem>>, vector<16xf32>,
    %swap3A_464 = arith.constant 1856 : index
    %swap3A_465 = tpu.vector_load %arg9[%swap3A_464] {strides = array<i32>} : memref<5120xf32, #tpu.memory_space<vmem>>, vector<16xf32>,
    %swap3A_466 = vector.shape_cast %swap3A_465 : vector<16xf32> to vector<16xf32>
    %swap3A_467 = vector.shape_cast %broadcast_in_dim3A_0 : vector<16xf32> to vector<16xf32>
    tpu.vector_store %arg9[%swap3A_464], %swap3A_467 {strides = array<i32>} : memref<5120xf32, #tpu.memory_space<vmem>>, vector<16xf32>,
    %swap3A_468 = arith.constant 1872 : index
    %swap3A_469 = tpu.vector_load %arg9[%swap3A_468] {strides = array<i32>} : memref<5120xf32, #tpu.memory_space<vmem>>, vector<16xf32>,
    %swap3A_470 = vector.shape_cast %swap3A_469 : vector<16xf32> to vector<16xf32>
    %swap3A_471 = vector.shape_cast %broadcast_in_dim3A_0 : vector<16xf32> to vector<16xf32>
    tpu.vector_store %arg9[%swap3A_468], %swap3A_471 {strides = array<i32>} : memref<5120xf32, #tpu.memory_space<vmem>>, vector<16xf32>,
    %swap3A_472 = arith.constant 1888 : index
    %swap3A_473 = tpu.vector_load %arg9[%swap3A_472] {strides = array<i32>} : memref<5120xf32, #tpu.memory_space<vmem>>, vector<16xf32>,
    %swap3A_474 = vector.shape_cast %swap3A_473 : vector<16xf32> to vector<16xf32>
    %swap3A_475 = vector.shape_cast %broadcast_in_dim3A_0 : vector<16xf32> to vector<16xf32>
    tpu.vector_store %arg9[%swap3A_472], %swap3A_475 {strides = array<i32>} : memref<5120xf32, #tpu.memory_space<vmem>>, vector<16xf32>,
    %swap3A_476 = arith.constant 1904 : index
    %swap3A_477 = tpu.vector_load %arg9[%swap3A_476] {strides = array<i32>} : memref<5120xf32, #tpu.memory_space<vmem>>, vector<16xf32>,
    %swap3A_478 = vector.shape_cast %swap3A_477 : vector<16xf32> to vector<16xf32>
    %swap3A_479 = vector.shape_cast %broadcast_in_dim3A_0 : vector<16xf32> to vector<16xf32>
    tpu.vector_store %arg9[%swap3A_476], %swap3A_479 {strides = array<i32>} : memref<5120xf32, #tpu.memory_space<vmem>>, vector<16xf32>,
    %swap3A_480 = arith.constant 1920 : index
    %swap3A_481 = tpu.vector_load %arg9[%swap3A_480] {strides = array<i32>} : memref<5120xf32, #tpu.memory_space<vmem>>, vector<16xf32>,
    %swap3A_482 = vector.shape_cast %swap3A_481 : vector<16xf32> to vector<16xf32>
    %swap3A_483 = vector.shape_cast %broadcast_in_dim3A_0 : vector<16xf32> to vector<16xf32>
    tpu.vector_store %arg9[%swap3A_480], %swap3A_483 {strides = array<i32>} : memref<5120xf32, #tpu.memory_space<vmem>>, vector<16xf32>,
    %swap3A_484 = arith.constant 1936 : index
    %swap3A_485 = tpu.vector_load %arg9[%swap3A_484] {strides = array<i32>} : memref<5120xf32, #tpu.memory_space<vmem>>, vector<16xf32>,
    %swap3A_486 = vector.shape_cast %swap3A_485 : vector<16xf32> to vector<16xf32>
    %swap3A_487 = vector.shape_cast %broadcast_in_dim3A_0 : vector<16xf32> to vector<16xf32>
    tpu.vector_store %arg9[%swap3A_484], %swap3A_487 {strides = array<i32>} : memref<5120xf32, #tpu.memory_space<vmem>>, vector<16xf32>,
    %swap3A_488 = arith.constant 1952 : index
    %swap3A_489 = tpu.vector_load %arg9[%swap3A_488] {strides = array<i32>} : memref<5120xf32, #tpu.memory_space<vmem>>, vector<16xf32>,
    %swap3A_490 = vector.shape_cast %swap3A_489 : vector<16xf32> to vector<16xf32>
    %swap3A_491 = vector.shape_cast %broadcast_in_dim3A_0 : vector<16xf32> to vector<16xf32>
    tpu.vector_store %arg9[%swap3A_488], %swap3A_491 {strides = array<i32>} : memref<5120xf32, #tpu.memory_space<vmem>>, vector<16xf32>,
    %swap3A_492 = arith.constant 1968 : index
    %swap3A_493 = tpu.vector_load %arg9[%swap3A_492] {strides = array<i32>} : memref<5120xf32, #tpu.memory_space<vmem>>, vector<16xf32>,
    %swap3A_494 = vector.shape_cast %swap3A_493 : vector<16xf32> to vector<16xf32>
    %swap3A_495 = vector.shape_cast %broadcast_in_dim3A_0 : vector<16xf32> to vector<16xf32>
    tpu.vector_store %arg9[%swap3A_492], %swap3A_495 {strides = array<i32>} : memref<5120xf32, #tpu.memory_space<vmem>>, vector<16xf32>,
    %swap3A_496 = arith.constant 1984 : index
    %swap3A_497 = tpu.vector_load %arg9[%swap3A_496] {strides = array<i32>} : memref<5120xf32, #tpu.memory_space<vmem>>, vector<16xf32>,
    %swap3A_498 = vector.shape_cast %swap3A_497 : vector<16xf32> to vector<16xf32>
    %swap3A_499 = vector.shape_cast %broadcast_in_dim3A_0 : vector<16xf32> to vector<16xf32>
    tpu.vector_store %arg9[%swap3A_496], %swap3A_499 {strides = array<i32>} : memref<5120xf32, #tpu.memory_space<vmem>>, vector<16xf32>,
    %swap3A_500 = arith.constant 2000 : index
    %swap3A_501 = tpu.vector_load %arg9[%swap3A_500] {strides = array<i32>} : memref<5120xf32, #tpu.memory_space<vmem>>, vector<16xf32>,
    %swap3A_502 = vector.shape_cast %swap3A_501 : vector<16xf32> to vector<16xf32>
    %swap3A_503 = vector.shape_cast %broadcast_in_dim3A_0 : vector<16xf32> to vector<16xf32>
    tpu.vector_store %arg9[%swap3A_500], %swap3A_503 {strides = array<i32>} : memref<5120xf32, #tpu.memory_space<vmem>>, vector<16xf32>,
    %swap3A_504 = arith.constant 2016 : index
    %swap3A_505 = tpu.vector_load %arg9[%swap3A_504] {strides = array<i32>} : memref<5120xf32, #tpu.memory_space<vmem>>, vector<16xf32>,
    %swap3A_506 = vector.shape_cast %swap3A_505 : vector<16xf32> to vector<16xf32>
    %swap3A_507 = vector.shape_cast %broadcast_in_dim3A_0 : vector<16xf32> to vector<16xf32>
    tpu.vector_store %arg9[%swap3A_504], %swap3A_507 {strides = array<i32>} : memref<5120xf32, #tpu.memory_space<vmem>>, vector<16xf32>,
    %swap3A_508 = arith.constant 2032 : index
    %swap3A_509 = tpu.vector_load %arg9[%swap3A_508] {strides = array<i32>} : memref<5120xf32, #tpu.memory_space<vmem>>, vector<16xf32>,
    %swap3A_510 = vector.shape_cast %swap3A_509 : vector<16xf32> to vector<16xf32>
    %swap3A_511 = vector.shape_cast %broadcast_in_dim3A_0 : vector<16xf32> to vector<16xf32>
    tpu.vector_store %arg9[%swap3A_508], %swap3A_511 {strides = array<i32>} : memref<5120xf32, #tpu.memory_space<vmem>>, vector<16xf32>,
    %swap3A_512 = arith.constant 2048 : index
    %swap3A_513 = tpu.vector_load %arg9[%swap3A_512] {strides = array<i32>} : memref<5120xf32, #tpu.memory_space<vmem>>, vector<16xf32>,
    %swap3A_514 = vector.shape_cast %swap3A_513 : vector<16xf32> to vector<16xf32>
    %swap3A_515 = vector.shape_cast %broadcast_in_dim3A_0 : vector<16xf32> to vector<16xf32>
    tpu.vector_store %arg9[%swap3A_512], %swap3A_515 {strides = array<i32>} : memref<5120xf32, #tpu.memory_space<vmem>>, vector<16xf32>,
    %swap3A_516 = arith.constant 2064 : index
    %swap3A_517 = tpu.vector_load %arg9[%swap3A_516] {strides = array<i32>} : memref<5120xf32, #tpu.memory_space<vmem>>, vector<16xf32>,
    %swap3A_518 = vector.shape_cast %swap3A_517 : vector<16xf32> to vector<16xf32>
    %swap3A_519 = vector.shape_cast %broadcast_in_dim3A_0 : vector<16xf32> to vector<16xf32>
    tpu.vector_store %arg9[%swap3A_516], %swap3A_519 {strides = array<i32>} : memref<5120xf32, #tpu.memory_space<vmem>>, vector<16xf32>,
    %swap3A_520 = arith.constant 2080 : index
    %swap3A_521 = tpu.vector_load %arg9[%swap3A_520] {strides = array<i32>} : memref<5120xf32, #tpu.memory_space<vmem>>, vector<16xf32>,
    %swap3A_522 = vector.shape_cast %swap3A_521 : vector<16xf32> to vector<16xf32>
    %swap3A_523 = vector.shape_cast %broadcast_in_dim3A_0 : vector<16xf32> to vector<16xf32>
    tpu.vector_store %arg9[%swap3A_520], %swap3A_523 {strides = array<i32>} : memref<5120xf32, #tpu.memory_space<vmem>>, vector<16xf32>,
    %swap3A_524 = arith.constant 2096 : index
    %swap3A_525 = tpu.vector_load %arg9[%swap3A_524] {strides = array<i32>} : memref<5120xf32, #tpu.memory_space<vmem>>, vector<16xf32>,
    %swap3A_526 = vector.shape_cast %swap3A_525 : vector<16xf32> to vector<16xf32>
    %swap3A_527 = vector.shape_cast %broadcast_in_dim3A_0 : vector<16xf32> to vector<16xf32>
    tpu.vector_store %arg9[%swap3A_524], %swap3A_527 {strides = array<i32>} : memref<5120xf32, #tpu.memory_space<vmem>>, vector<16xf32>,
    %swap3A_528 = arith.constant 2112 : index
    %swap3A_529 = tpu.vector_load %arg9[%swap3A_528] {strides = array<i32>} : memref<5120xf32, #tpu.memory_space<vmem>>, vector<16xf32>,
    %swap3A_530 = vector.shape_cast %swap3A_529 : vector<16xf32> to vector<16xf32>
    %swap3A_531 = vector.shape_cast %broadcast_in_dim3A_0 : vector<16xf32> to vector<16xf32>
    tpu.vector_store %arg9[%swap3A_528], %swap3A_531 {strides = array<i32>} : memref<5120xf32, #tpu.memory_space<vmem>>, vector<16xf32>,
    %swap3A_532 = arith.constant 2128 : index
    %swap3A_533 = tpu.vector_load %arg9[%swap3A_532] {strides = array<i32>} : memref<5120xf32, #tpu.memory_space<vmem>>, vector<16xf32>,
    %swap3A_534 = vector.shape_cast %swap3A_533 : vector<16xf32> to vector<16xf32>
    %swap3A_535 = vector.shape_cast %broadcast_in_dim3A_0 : vector<16xf32> to vector<16xf32>
    tpu.vector_store %arg9[%swap3A_532], %swap3A_535 {strides = array<i32>} : memref<5120xf32, #tpu.memory_space<vmem>>, vector<16xf32>,
    %swap3A_536 = arith.constant 2144 : index
    %swap3A_537 = tpu.vector_load %arg9[%swap3A_536] {strides = array<i32>} : memref<5120xf32, #tpu.memory_space<vmem>>, vector<16xf32>,
    %swap3A_538 = vector.shape_cast %swap3A_537 : vector<16xf32> to vector<16xf32>
    %swap3A_539 = vector.shape_cast %broadcast_in_dim3A_0 : vector<16xf32> to vector<16xf32>
    tpu.vector_store %arg9[%swap3A_536], %swap3A_539 {strides = array<i32>} : memref<5120xf32, #tpu.memory_space<vmem>>, vector<16xf32>,
    %swap3A_540 = arith.constant 2160 : index
    %swap3A_541 = tpu.vector_load %arg9[%swap3A_540] {strides = array<i32>} : memref<5120xf32, #tpu.memory_space<vmem>>, vector<16xf32>,
    %swap3A_542 = vector.shape_cast %swap3A_541 : vector<16xf32> to vector<16xf32>
    %swap3A_543 = vector.shape_cast %broadcast_in_dim3A_0 : vector<16xf32> to vector<16xf32>
    tpu.vector_store %arg9[%swap3A_540], %swap3A_543 {strides = array<i32>} : memref<5120xf32, #tpu.memory_space<vmem>>, vector<16xf32>,
    %swap3A_544 = arith.constant 2176 : index
    %swap3A_545 = tpu.vector_load %arg9[%swap3A_544] {strides = array<i32>} : memref<5120xf32, #tpu.memory_space<vmem>>, vector<16xf32>,
    %swap3A_546 = vector.shape_cast %swap3A_545 : vector<16xf32> to vector<16xf32>
    %swap3A_547 = vector.shape_cast %broadcast_in_dim3A_0 : vector<16xf32> to vector<16xf32>
    tpu.vector_store %arg9[%swap3A_544], %swap3A_547 {strides = array<i32>} : memref<5120xf32, #tpu.memory_space<vmem>>, vector<16xf32>,
    %swap3A_548 = arith.constant 2192 : index
    %swap3A_549 = tpu.vector_load %arg9[%swap3A_548] {strides = array<i32>} : memref<5120xf32, #tpu.memory_space<vmem>>, vector<16xf32>,
    %swap3A_550 = vector.shape_cast %swap3A_549 : vector<16xf32> to vector<16xf32>
    %swap3A_551 = vector.shape_cast %broadcast_in_dim3A_0 : vector<16xf32> to vector<16xf32>
    tpu.vector_store %arg9[%swap3A_548], %swap3A_551 {strides = array<i32>} : memref<5120xf32, #tpu.memory_space<vmem>>, vector<16xf32>,
    %swap3A_552 = arith.constant 2208 : index
    %swap3A_553 = tpu.vector_load %arg9[%swap3A_552] {strides = array<i32>} : memref<5120xf32, #tpu.memory_space<vmem>>, vector<16xf32>,
    %swap3A_554 = vector.shape_cast %swap3A_553 : vector<16xf32> to vector<16xf32>
    %swap3A_555 = vector.shape_cast %broadcast_in_dim3A_0 : vector<16xf32> to vector<16xf32>
    tpu.vector_store %arg9[%swap3A_552], %swap3A_555 {strides = array<i32>} : memref<5120xf32, #tpu.memory_space<vmem>>, vector<16xf32>,
    %swap3A_556 = arith.constant 2224 : index
    %swap3A_557 = tpu.vector_load %arg9[%swap3A_556] {strides = array<i32>} : memref<5120xf32, #tpu.memory_space<vmem>>, vector<16xf32>,
    %swap3A_558 = vector.shape_cast %swap3A_557 : vector<16xf32> to vector<16xf32>
    %swap3A_559 = vector.shape_cast %broadcast_in_dim3A_0 : vector<16xf32> to vector<16xf32>
    tpu.vector_store %arg9[%swap3A_556], %swap3A_559 {strides = array<i32>} : memref<5120xf32, #tpu.memory_space<vmem>>, vector<16xf32>,
    %swap3A_560 = arith.constant 2240 : index
    %swap3A_561 = tpu.vector_load %arg9[%swap3A_560] {strides = array<i32>} : memref<5120xf32, #tpu.memory_space<vmem>>, vector<16xf32>,
    %swap3A_562 = vector.shape_cast %swap3A_561 : vector<16xf32> to vector<16xf32>
    %swap3A_563 = vector.shape_cast %broadcast_in_dim3A_0 : vector<16xf32> to vector<16xf32>
    tpu.vector_store %arg9[%swap3A_560], %swap3A_563 {strides = array<i32>} : memref<5120xf32, #tpu.memory_space<vmem>>, vector<16xf32>,
    %swap3A_564 = arith.constant 2256 : index
    %swap3A_565 = tpu.vector_load %arg9[%swap3A_564] {strides = array<i32>} : memref<5120xf32, #tpu.memory_space<vmem>>, vector<16xf32>,
    %swap3A_566 = vector.shape_cast %swap3A_565 : vector<16xf32> to vector<16xf32>
    %swap3A_567 = vector.shape_cast %broadcast_in_dim3A_0 : vector<16xf32> to vector<16xf32>
    tpu.vector_store %arg9[%swap3A_564], %swap3A_567 {strides = array<i32>} : memref<5120xf32, #tpu.memory_space<vmem>>, vector<16xf32>,
    %swap3A_568 = arith.constant 2272 : index
    %swap3A_569 = tpu.vector_load %arg9[%swap3A_568] {strides = array<i32>} : memref<5120xf32, #tpu.memory_space<vmem>>, vector<16xf32>,
    %swap3A_570 = vector.shape_cast %swap3A_569 : vector<16xf32> to vector<16xf32>
    %swap3A_571 = vector.shape_cast %broadcast_in_dim3A_0 : vector<16xf32> to vector<16xf32>
    tpu.vector_store %arg9[%swap3A_568], %swap3A_571 {strides = array<i32>} : memref<5120xf32, #tpu.memory_space<vmem>>, vector<16xf32>,
    %swap3A_572 = arith.constant 2288 : index
    %swap3A_573 = tpu.vector_load %arg9[%swap3A_572] {strides = array<i32>} : memref<5120xf32, #tpu.memory_space<vmem>>, vector<16xf32>,
    %swap3A_574 = vector.shape_cast %swap3A_573 : vector<16xf32> to vector<16xf32>
    %swap3A_575 = vector.shape_cast %broadcast_in_dim3A_0 : vector<16xf32> to vector<16xf32>
    tpu.vector_store %arg9[%swap3A_572], %swap3A_575 {strides = array<i32>} : memref<5120xf32, #tpu.memory_space<vmem>>, vector<16xf32>,
    %swap3A_576 = arith.constant 2304 : index
    %swap3A_577 = tpu.vector_load %arg9[%swap3A_576] {strides = array<i32>} : memref<5120xf32, #tpu.memory_space<vmem>>, vector<16xf32>,
    %swap3A_578 = vector.shape_cast %swap3A_577 : vector<16xf32> to vector<16xf32>
    %swap3A_579 = vector.shape_cast %broadcast_in_dim3A_0 : vector<16xf32> to vector<16xf32>
    tpu.vector_store %arg9[%swap3A_576], %swap3A_579 {strides = array<i32>} : memref<5120xf32, #tpu.memory_space<vmem>>, vector<16xf32>,
    %swap3A_580 = arith.constant 2320 : index
    %swap3A_581 = tpu.vector_load %arg9[%swap3A_580] {strides = array<i32>} : memref<5120xf32, #tpu.memory_space<vmem>>, vector<16xf32>,
    %swap3A_582 = vector.shape_cast %swap3A_581 : vector<16xf32> to vector<16xf32>
    %swap3A_583 = vector.shape_cast %broadcast_in_dim3A_0 : vector<16xf32> to vector<16xf32>
    tpu.vector_store %arg9[%swap3A_580], %swap3A_583 {strides = array<i32>} : memref<5120xf32, #tpu.memory_space<vmem>>, vector<16xf32>,
    %swap3A_584 = arith.constant 2336 : index
    %swap3A_585 = tpu.vector_load %arg9[%swap3A_584] {strides = array<i32>} : memref<5120xf32, #tpu.memory_space<vmem>>, vector<16xf32>,
    %swap3A_586 = vector.shape_cast %swap3A_585 : vector<16xf32> to vector<16xf32>
    %swap3A_587 = vector.shape_cast %broadcast_in_dim3A_0 : vector<16xf32> to vector<16xf32>
    tpu.vector_store %arg9[%swap3A_584], %swap3A_587 {strides = array<i32>} : memref<5120xf32, #tpu.memory_space<vmem>>, vector<16xf32>,
    %swap3A_588 = arith.constant 2352 : index
    %swap3A_589 = tpu.vector_load %arg9[%swap3A_588] {strides = array<i32>} : memref<5120xf32, #tpu.memory_space<vmem>>, vector<16xf32>,
    %swap3A_590 = vector.shape_cast %swap3A_589 : vector<16xf32> to vector<16xf32>
    %swap3A_591 = vector.shape_cast %broadcast_in_dim3A_0 : vector<16xf32> to vector<16xf32>
    tpu.vector_store %arg9[%swap3A_588], %swap3A_591 {strides = array<i32>} : memref<5120xf32, #tpu.memory_space<vmem>>, vector<16xf32>,
    %swap3A_592 = arith.constant 2368 : index
    %swap3A_593 = tpu.vector_load %arg9[%swap3A_592] {strides = array<i32>} : memref<5120xf32, #tpu.memory_space<vmem>>, vector<16xf32>,
    %swap3A_594 = vector.shape_cast %swap3A_593 : vector<16xf32> to vector<16xf32>
    %swap3A_595 = vector.shape_cast %broadcast_in_dim3A_0 : vector<16xf32> to vector<16xf32>
    tpu.vector_store %arg9[%swap3A_592], %swap3A_595 {strides = array<i32>} : memref<5120xf32, #tpu.memory_space<vmem>>, vector<16xf32>,
    %swap3A_596 = arith.constant 2384 : index
    %swap3A_597 = tpu.vector_load %arg9[%swap3A_596] {strides = array<i32>} : memref<5120xf32, #tpu.memory_space<vmem>>, vector<16xf32>,
    %swap3A_598 = vector.shape_cast %swap3A_597 : vector<16xf32> to vector<16xf32>
    %swap3A_599 = vector.shape_cast %broadcast_in_dim3A_0 : vector<16xf32> to vector<16xf32>
    tpu.vector_store %arg9[%swap3A_596], %swap3A_599 {strides = array<i32>} : memref<5120xf32, #tpu.memory_space<vmem>>, vector<16xf32>,
    %swap3A_600 = arith.constant 2400 : index
    %swap3A_601 = tpu.vector_load %arg9[%swap3A_600] {strides = array<i32>} : memref<5120xf32, #tpu.memory_space<vmem>>, vector<16xf32>,
    %swap3A_602 = vector.shape_cast %swap3A_601 : vector<16xf32> to vector<16xf32>
    %swap3A_603 = vector.shape_cast %broadcast_in_dim3A_0 : vector<16xf32> to vector<16xf32>
    tpu.vector_store %arg9[%swap3A_600], %swap3A_603 {strides = array<i32>} : memref<5120xf32, #tpu.memory_space<vmem>>, vector<16xf32>,
    %swap3A_604 = arith.constant 2416 : index
    %swap3A_605 = tpu.vector_load %arg9[%swap3A_604] {strides = array<i32>} : memref<5120xf32, #tpu.memory_space<vmem>>, vector<16xf32>,
    %swap3A_606 = vector.shape_cast %swap3A_605 : vector<16xf32> to vector<16xf32>
    %swap3A_607 = vector.shape_cast %broadcast_in_dim3A_0 : vector<16xf32> to vector<16xf32>
    tpu.vector_store %arg9[%swap3A_604], %swap3A_607 {strides = array<i32>} : memref<5120xf32, #tpu.memory_space<vmem>>, vector<16xf32>,
    %swap3A_608 = arith.constant 2432 : index
    %swap3A_609 = tpu.vector_load %arg9[%swap3A_608] {strides = array<i32>} : memref<5120xf32, #tpu.memory_space<vmem>>, vector<16xf32>,
    %swap3A_610 = vector.shape_cast %swap3A_609 : vector<16xf32> to vector<16xf32>
    %swap3A_611 = vector.shape_cast %broadcast_in_dim3A_0 : vector<16xf32> to vector<16xf32>
    tpu.vector_store %arg9[%swap3A_608], %swap3A_611 {strides = array<i32>} : memref<5120xf32, #tpu.memory_space<vmem>>, vector<16xf32>,
    %swap3A_612 = arith.constant 2448 : index
    %swap3A_613 = tpu.vector_load %arg9[%swap3A_612] {strides = array<i32>} : memref<5120xf32, #tpu.memory_space<vmem>>, vector<16xf32>,
    %swap3A_614 = vector.shape_cast %swap3A_613 : vector<16xf32> to vector<16xf32>
    %swap3A_615 = vector.shape_cast %broadcast_in_dim3A_0 : vector<16xf32> to vector<16xf32>
    tpu.vector_store %arg9[%swap3A_612], %swap3A_615 {strides = array<i32>} : memref<5120xf32, #tpu.memory_space<vmem>>, vector<16xf32>,
    %swap3A_616 = arith.constant 2464 : index
    %swap3A_617 = tpu.vector_load %arg9[%swap3A_616] {strides = array<i32>} : memref<5120xf32, #tpu.memory_space<vmem>>, vector<16xf32>,
    %swap3A_618 = vector.shape_cast %swap3A_617 : vector<16xf32> to vector<16xf32>
    %swap3A_619 = vector.shape_cast %broadcast_in_dim3A_0 : vector<16xf32> to vector<16xf32>
    tpu.vector_store %arg9[%swap3A_616], %swap3A_619 {strides = array<i32>} : memref<5120xf32, #tpu.memory_space<vmem>>, vector<16xf32>,
    %swap3A_620 = arith.constant 2480 : index
    %swap3A_621 = tpu.vector_load %arg9[%swap3A_620] {strides = array<i32>} : memref<5120xf32, #tpu.memory_space<vmem>>, vector<16xf32>,
    %swap3A_622 = vector.shape_cast %swap3A_621 : vector<16xf32> to vector<16xf32>
    %swap3A_623 = vector.shape_cast %broadcast_in_dim3A_0 : vector<16xf32> to vector<16xf32>
    tpu.vector_store %arg9[%swap3A_620], %swap3A_623 {strides = array<i32>} : memref<5120xf32, #tpu.memory_space<vmem>>, vector<16xf32>,
    %swap3A_624 = arith.constant 2496 : index
    %swap3A_625 = tpu.vector_load %arg9[%swap3A_624] {strides = array<i32>} : memref<5120xf32, #tpu.memory_space<vmem>>, vector<16xf32>,
    %swap3A_626 = vector.shape_cast %swap3A_625 : vector<16xf32> to vector<16xf32>
    %swap3A_627 = vector.shape_cast %broadcast_in_dim3A_0 : vector<16xf32> to vector<16xf32>
    tpu.vector_store %arg9[%swap3A_624], %swap3A_627 {strides = array<i32>} : memref<5120xf32, #tpu.memory_space<vmem>>, vector<16xf32>,
    %swap3A_628 = arith.constant 2512 : index
    %swap3A_629 = tpu.vector_load %arg9[%swap3A_628] {strides = array<i32>} : memref<5120xf32, #tpu.memory_space<vmem>>, vector<16xf32>,
    %swap3A_630 = vector.shape_cast %swap3A_629 : vector<16xf32> to vector<16xf32>
    %swap3A_631 = vector.shape_cast %broadcast_in_dim3A_0 : vector<16xf32> to vector<16xf32>
    tpu.vector_store %arg9[%swap3A_628], %swap3A_631 {strides = array<i32>} : memref<5120xf32, #tpu.memory_space<vmem>>, vector<16xf32>,
    %swap3A_632 = arith.constant 2528 : index
    %swap3A_633 = tpu.vector_load %arg9[%swap3A_632] {strides = array<i32>} : memref<5120xf32, #tpu.memory_space<vmem>>, vector<16xf32>,
    %swap3A_634 = vector.shape_cast %swap3A_633 : vector<16xf32> to vector<16xf32>
    %swap3A_635 = vector.shape_cast %broadcast_in_dim3A_0 : vector<16xf32> to vector<16xf32>
    tpu.vector_store %arg9[%swap3A_632], %swap3A_635 {strides = array<i32>} : memref<5120xf32, #tpu.memory_space<vmem>>, vector<16xf32>,
    %swap3A_636 = arith.constant 2544 : index
    %swap3A_637 = tpu.vector_load %arg9[%swap3A_636] {strides = array<i32>} : memref<5120xf32, #tpu.memory_space<vmem>>, vector<16xf32>,
    %swap3A_638 = vector.shape_cast %swap3A_637 : vector<16xf32> to vector<16xf32>
    %swap3A_639 = vector.shape_cast %broadcast_in_dim3A_0 : vector<16xf32> to vector<16xf32>
    tpu.vector_store %arg9[%swap3A_636], %swap3A_639 {strides = array<i32>} : memref<5120xf32, #tpu.memory_space<vmem>>, vector<16xf32>,
    %swap3A_640 = arith.constant 2560 : index
    %swap3A_641 = tpu.vector_load %arg9[%swap3A_640] {strides = array<i32>} : memref<5120xf32, #tpu.memory_space<vmem>>, vector<16xf32>,
    %swap3A_642 = vector.shape_cast %swap3A_641 : vector<16xf32> to vector<16xf32>
    %swap3A_643 = vector.shape_cast %broadcast_in_dim3A_0 : vector<16xf32> to vector<16xf32>
    tpu.vector_store %arg9[%swap3A_640], %swap3A_643 {strides = array<i32>} : memref<5120xf32, #tpu.memory_space<vmem>>, vector<16xf32>,
    %swap3A_644 = arith.constant 2576 : index
    %swap3A_645 = tpu.vector_load %arg9[%swap3A_644] {strides = array<i32>} : memref<5120xf32, #tpu.memory_space<vmem>>, vector<16xf32>,
    %swap3A_646 = vector.shape_cast %swap3A_645 : vector<16xf32> to vector<16xf32>
    %swap3A_647 = vector.shape_cast %broadcast_in_dim3A_0 : vector<16xf32> to vector<16xf32>
    tpu.vector_store %arg9[%swap3A_644], %swap3A_647 {strides = array<i32>} : memref<5120xf32, #tpu.memory_space<vmem>>, vector<16xf32>,
    %swap3A_648 = arith.constant 2592 : index
    %swap3A_649 = tpu.vector_load %arg9[%swap3A_648] {strides = array<i32>} : memref<5120xf32, #tpu.memory_space<vmem>>, vector<16xf32>,
    %swap3A_650 = vector.shape_cast %swap3A_649 : vector<16xf32> to vector<16xf32>
    %swap3A_651 = vector.shape_cast %broadcast_in_dim3A_0 : vector<16xf32> to vector<16xf32>
    tpu.vector_store %arg9[%swap3A_648], %swap3A_651 {strides = array<i32>} : memref<5120xf32, #tpu.memory_space<vmem>>, vector<16xf32>,
    %swap3A_652 = arith.constant 2608 : index
    %swap3A_653 = tpu.vector_load %arg9[%swap3A_652] {strides = array<i32>} : memref<5120xf32, #tpu.memory_space<vmem>>, vector<16xf32>,
    %swap3A_654 = vector.shape_cast %swap3A_653 : vector<16xf32> to vector<16xf32>
    %swap3A_655 = vector.shape_cast %broadcast_in_dim3A_0 : vector<16xf32> to vector<16xf32>
    tpu.vector_store %arg9[%swap3A_652], %swap3A_655 {strides = array<i32>} : memref<5120xf32, #tpu.memory_space<vmem>>, vector<16xf32>,
    %swap3A_656 = arith.constant 2624 : index
    %swap3A_657 = tpu.vector_load %arg9[%swap3A_656] {strides = array<i32>} : memref<5120xf32, #tpu.memory_space<vmem>>, vector<16xf32>,
    %swap3A_658 = vector.shape_cast %swap3A_657 : vector<16xf32> to vector<16xf32>
    %swap3A_659 = vector.shape_cast %broadcast_in_dim3A_0 : vector<16xf32> to vector<16xf32>
    tpu.vector_store %arg9[%swap3A_656], %swap3A_659 {strides = array<i32>} : memref<5120xf32, #tpu.memory_space<vmem>>, vector<16xf32>,
    %swap3A_660 = arith.constant 2640 : index
    %swap3A_661 = tpu.vector_load %arg9[%swap3A_660] {strides = array<i32>} : memref<5120xf32, #tpu.memory_space<vmem>>, vector<16xf32>,
    %swap3A_662 = vector.shape_cast %swap3A_661 : vector<16xf32> to vector<16xf32>
    %swap3A_663 = vector.shape_cast %broadcast_in_dim3A_0 : vector<16xf32> to vector<16xf32>
    tpu.vector_store %arg9[%swap3A_660], %swap3A_663 {strides = array<i32>} : memref<5120xf32, #tpu.memory_space<vmem>>, vector<16xf32>,
    %swap3A_664 = arith.constant 2656 : index
    %swap3A_665 = tpu.vector_load %arg9[%swap3A_664] {strides = array<i32>} : memref<5120xf32, #tpu.memory_space<vmem>>, vector<16xf32>,
    %swap3A_666 = vector.shape_cast %swap3A_665 : vector<16xf32> to vector<16xf32>
    %swap3A_667 = vector.shape_cast %broadcast_in_dim3A_0 : vector<16xf32> to vector<16xf32>
    tpu.vector_store %arg9[%swap3A_664], %swap3A_667 {strides = array<i32>} : memref<5120xf32, #tpu.memory_space<vmem>>, vector<16xf32>,
    %swap3A_668 = arith.constant 2672 : index
    %swap3A_669 = tpu.vector_load %arg9[%swap3A_668] {strides = array<i32>} : memref<5120xf32, #tpu.memory_space<vmem>>, vector<16xf32>,
    %swap3A_670 = vector.shape_cast %swap3A_669 : vector<16xf32> to vector<16xf32>
    %swap3A_671 = vector.shape_cast %broadcast_in_dim3A_0 : vector<16xf32> to vector<16xf32>
    tpu.vector_store %arg9[%swap3A_668], %swap3A_671 {strides = array<i32>} : memref<5120xf32, #tpu.memory_space<vmem>>, vector<16xf32>,
    %swap3A_672 = arith.constant 2688 : index
    %swap3A_673 = tpu.vector_load %arg9[%swap3A_672] {strides = array<i32>} : memref<5120xf32, #tpu.memory_space<vmem>>, vector<16xf32>,
    %swap3A_674 = vector.shape_cast %swap3A_673 : vector<16xf32> to vector<16xf32>
    %swap3A_675 = vector.shape_cast %broadcast_in_dim3A_0 : vector<16xf32> to vector<16xf32>
    tpu.vector_store %arg9[%swap3A_672], %swap3A_675 {strides = array<i32>} : memref<5120xf32, #tpu.memory_space<vmem>>, vector<16xf32>,
    %swap3A_676 = arith.constant 2704 : index
    %swap3A_677 = tpu.vector_load %arg9[%swap3A_676] {strides = array<i32>} : memref<5120xf32, #tpu.memory_space<vmem>>, vector<16xf32>,
    %swap3A_678 = vector.shape_cast %swap3A_677 : vector<16xf32> to vector<16xf32>
    %swap3A_679 = vector.shape_cast %broadcast_in_dim3A_0 : vector<16xf32> to vector<16xf32>
    tpu.vector_store %arg9[%swap3A_676], %swap3A_679 {strides = array<i32>} : memref<5120xf32, #tpu.memory_space<vmem>>, vector<16xf32>,
    %swap3A_680 = arith.constant 2720 : index
    %swap3A_681 = tpu.vector_load %arg9[%swap3A_680] {strides = array<i32>} : memref<5120xf32, #tpu.memory_space<vmem>>, vector<16xf32>,
    %swap3A_682 = vector.shape_cast %swap3A_681 : vector<16xf32> to vector<16xf32>
    %swap3A_683 = vector.shape_cast %broadcast_in_dim3A_0 : vector<16xf32> to vector<16xf32>
    tpu.vector_store %arg9[%swap3A_680], %swap3A_683 {strides = array<i32>} : memref<5120xf32, #tpu.memory_space<vmem>>, vector<16xf32>,
    %swap3A_684 = arith.constant 2736 : index
    %swap3A_685 = tpu.vector_load %arg9[%swap3A_684] {strides = array<i32>} : memref<5120xf32, #tpu.memory_space<vmem>>, vector<16xf32>,
    %swap3A_686 = vector.shape_cast %swap3A_685 : vector<16xf32> to vector<16xf32>
    %swap3A_687 = vector.shape_cast %broadcast_in_dim3A_0 : vector<16xf32> to vector<16xf32>
    tpu.vector_store %arg9[%swap3A_684], %swap3A_687 {strides = array<i32>} : memref<5120xf32, #tpu.memory_space<vmem>>, vector<16xf32>,
    %swap3A_688 = arith.constant 2752 : index
    %swap3A_689 = tpu.vector_load %arg9[%swap3A_688] {strides = array<i32>} : memref<5120xf32, #tpu.memory_space<vmem>>, vector<16xf32>,
    %swap3A_690 = vector.shape_cast %swap3A_689 : vector<16xf32> to vector<16xf32>
    %swap3A_691 = vector.shape_cast %broadcast_in_dim3A_0 : vector<16xf32> to vector<16xf32>
    tpu.vector_store %arg9[%swap3A_688], %swap3A_691 {strides = array<i32>} : memref<5120xf32, #tpu.memory_space<vmem>>, vector<16xf32>,
    %swap3A_692 = arith.constant 2768 : index
    %swap3A_693 = tpu.vector_load %arg9[%swap3A_692] {strides = array<i32>} : memref<5120xf32, #tpu.memory_space<vmem>>, vector<16xf32>,
    %swap3A_694 = vector.shape_cast %swap3A_693 : vector<16xf32> to vector<16xf32>
    %swap3A_695 = vector.shape_cast %broadcast_in_dim3A_0 : vector<16xf32> to vector<16xf32>
    tpu.vector_store %arg9[%swap3A_692], %swap3A_695 {strides = array<i32>} : memref<5120xf32, #tpu.memory_space<vmem>>, vector<16xf32>,
    %swap3A_696 = arith.constant 2784 : index
    %swap3A_697 = tpu.vector_load %arg9[%swap3A_696] {strides = array<i32>} : memref<5120xf32, #tpu.memory_space<vmem>>, vector<16xf32>,
    %swap3A_698 = vector.shape_cast %swap3A_697 : vector<16xf32> to vector<16xf32>
    %swap3A_699 = vector.shape_cast %broadcast_in_dim3A_0 : vector<16xf32> to vector<16xf32>
    tpu.vector_store %arg9[%swap3A_696], %swap3A_699 {strides = array<i32>} : memref<5120xf32, #tpu.memory_space<vmem>>, vector<16xf32>,
    %swap3A_700 = arith.constant 2800 : index
    %swap3A_701 = tpu.vector_load %arg9[%swap3A_700] {strides = array<i32>} : memref<5120xf32, #tpu.memory_space<vmem>>, vector<16xf32>,
    %swap3A_702 = vector.shape_cast %swap3A_701 : vector<16xf32> to vector<16xf32>
    %swap3A_703 = vector.shape_cast %broadcast_in_dim3A_0 : vector<16xf32> to vector<16xf32>
    tpu.vector_store %arg9[%swap3A_700], %swap3A_703 {strides = array<i32>} : memref<5120xf32, #tpu.memory_space<vmem>>, vector<16xf32>,
    %swap3A_704 = arith.constant 2816 : index
    %swap3A_705 = tpu.vector_load %arg9[%swap3A_704] {strides = array<i32>} : memref<5120xf32, #tpu.memory_space<vmem>>, vector<16xf32>,
    %swap3A_706 = vector.shape_cast %swap3A_705 : vector<16xf32> to vector<16xf32>
    %swap3A_707 = vector.shape_cast %broadcast_in_dim3A_0 : vector<16xf32> to vector<16xf32>
    tpu.vector_store %arg9[%swap3A_704], %swap3A_707 {strides = array<i32>} : memref<5120xf32, #tpu.memory_space<vmem>>, vector<16xf32>,
    %swap3A_708 = arith.constant 2832 : index
    %swap3A_709 = tpu.vector_load %arg9[%swap3A_708] {strides = array<i32>} : memref<5120xf32, #tpu.memory_space<vmem>>, vector<16xf32>,
    %swap3A_710 = vector.shape_cast %swap3A_709 : vector<16xf32> to vector<16xf32>
    %swap3A_711 = vector.shape_cast %broadcast_in_dim3A_0 : vector<16xf32> to vector<16xf32>
    tpu.vector_store %arg9[%swap3A_708], %swap3A_711 {strides = array<i32>} : memref<5120xf32, #tpu.memory_space<vmem>>, vector<16xf32>,
    %swap3A_712 = arith.constant 2848 : index
    %swap3A_713 = tpu.vector_load %arg9[%swap3A_712] {strides = array<i32>} : memref<5120xf32, #tpu.memory_space<vmem>>, vector<16xf32>,
    %swap3A_714 = vector.shape_cast %swap3A_713 : vector<16xf32> to vector<16xf32>
    %swap3A_715 = vector.shape_cast %broadcast_in_dim3A_0 : vector<16xf32> to vector<16xf32>
    tpu.vector_store %arg9[%swap3A_712], %swap3A_715 {strides = array<i32>} : memref<5120xf32, #tpu.memory_space<vmem>>, vector<16xf32>,
    %swap3A_716 = arith.constant 2864 : index
    %swap3A_717 = tpu.vector_load %arg9[%swap3A_716] {strides = array<i32>} : memref<5120xf32, #tpu.memory_space<vmem>>, vector<16xf32>,
    %swap3A_718 = vector.shape_cast %swap3A_717 : vector<16xf32> to vector<16xf32>
    %swap3A_719 = vector.shape_cast %broadcast_in_dim3A_0 : vector<16xf32> to vector<16xf32>
    tpu.vector_store %arg9[%swap3A_716], %swap3A_719 {strides = array<i32>} : memref<5120xf32, #tpu.memory_space<vmem>>, vector<16xf32>,
    %swap3A_720 = arith.constant 2880 : index
    %swap3A_721 = tpu.vector_load %arg9[%swap3A_720] {strides = array<i32>} : memref<5120xf32, #tpu.memory_space<vmem>>, vector<16xf32>,
    %swap3A_722 = vector.shape_cast %swap3A_721 : vector<16xf32> to vector<16xf32>
    %swap3A_723 = vector.shape_cast %broadcast_in_dim3A_0 : vector<16xf32> to vector<16xf32>
    tpu.vector_store %arg9[%swap3A_720], %swap3A_723 {strides = array<i32>} : memref<5120xf32, #tpu.memory_space<vmem>>, vector<16xf32>,
    %swap3A_724 = arith.constant 2896 : index
    %swap3A_725 = tpu.vector_load %arg9[%swap3A_724] {strides = array<i32>} : memref<5120xf32, #tpu.memory_space<vmem>>, vector<16xf32>,
    %swap3A_726 = vector.shape_cast %swap3A_725 : vector<16xf32> to vector<16xf32>
    %swap3A_727 = vector.shape_cast %broadcast_in_dim3A_0 : vector<16xf32> to vector<16xf32>
    tpu.vector_store %arg9[%swap3A_724], %swap3A_727 {strides = array<i32>} : memref<5120xf32, #tpu.memory_space<vmem>>, vector<16xf32>,
    %swap3A_728 = arith.constant 2912 : index
    %swap3A_729 = tpu.vector_load %arg9[%swap3A_728] {strides = array<i32>} : memref<5120xf32, #tpu.memory_space<vmem>>, vector<16xf32>,
    %swap3A_730 = vector.shape_cast %swap3A_729 : vector<16xf32> to vector<16xf32>
    %swap3A_731 = vector.shape_cast %broadcast_in_dim3A_0 : vector<16xf32> to vector<16xf32>
    tpu.vector_store %arg9[%swap3A_728], %swap3A_731 {strides = array<i32>} : memref<5120xf32, #tpu.memory_space<vmem>>, vector<16xf32>,
    %swap3A_732 = arith.constant 2928 : index
    %swap3A_733 = tpu.vector_load %arg9[%swap3A_732] {strides = array<i32>} : memref<5120xf32, #tpu.memory_space<vmem>>, vector<16xf32>,
    %swap3A_734 = vector.shape_cast %swap3A_733 : vector<16xf32> to vector<16xf32>
    %swap3A_735 = vector.shape_cast %broadcast_in_dim3A_0 : vector<16xf32> to vector<16xf32>
    tpu.vector_store %arg9[%swap3A_732], %swap3A_735 {strides = array<i32>} : memref<5120xf32, #tpu.memory_space<vmem>>, vector<16xf32>,
    %swap3A_736 = arith.constant 2944 : index
    %swap3A_737 = tpu.vector_load %arg9[%swap3A_736] {strides = array<i32>} : memref<5120xf32, #tpu.memory_space<vmem>>, vector<16xf32>,
    %swap3A_738 = vector.shape_cast %swap3A_737 : vector<16xf32> to vector<16xf32>
    %swap3A_739 = vector.shape_cast %broadcast_in_dim3A_0 : vector<16xf32> to vector<16xf32>
    tpu.vector_store %arg9[%swap3A_736], %swap3A_739 {strides = array<i32>} : memref<5120xf32, #tpu.memory_space<vmem>>, vector<16xf32>,
    %swap3A_740 = arith.constant 2960 : index
    %swap3A_741 = tpu.vector_load %arg9[%swap3A_740] {strides = array<i32>} : memref<5120xf32, #tpu.memory_space<vmem>>, vector<16xf32>,
    %swap3A_742 = vector.shape_cast %swap3A_741 : vector<16xf32> to vector<16xf32>
    %swap3A_743 = vector.shape_cast %broadcast_in_dim3A_0 : vector<16xf32> to vector<16xf32>
    tpu.vector_store %arg9[%swap3A_740], %swap3A_743 {strides = array<i32>} : memref<5120xf32, #tpu.memory_space<vmem>>, vector<16xf32>,
    %swap3A_744 = arith.constant 2976 : index
    %swap3A_745 = tpu.vector_load %arg9[%swap3A_744] {strides = array<i32>} : memref<5120xf32, #tpu.memory_space<vmem>>, vector<16xf32>,
    %swap3A_746 = vector.shape_cast %swap3A_745 : vector<16xf32> to vector<16xf32>
    %swap3A_747 = vector.shape_cast %broadcast_in_dim3A_0 : vector<16xf32> to vector<16xf32>
    tpu.vector_store %arg9[%swap3A_744], %swap3A_747 {strides = array<i32>} : memref<5120xf32, #tpu.memory_space<vmem>>, vector<16xf32>,
    %swap3A_748 = arith.constant 2992 : index
    %swap3A_749 = tpu.vector_load %arg9[%swap3A_748] {strides = array<i32>} : memref<5120xf32, #tpu.memory_space<vmem>>, vector<16xf32>,
    %swap3A_750 = vector.shape_cast %swap3A_749 : vector<16xf32> to vector<16xf32>
    %swap3A_751 = vector.shape_cast %broadcast_in_dim3A_0 : vector<16xf32> to vector<16xf32>
    tpu.vector_store %arg9[%swap3A_748], %swap3A_751 {strides = array<i32>} : memref<5120xf32, #tpu.memory_space<vmem>>, vector<16xf32>,
    %swap3A_752 = arith.constant 3008 : index
    %swap3A_753 = tpu.vector_load %arg9[%swap3A_752] {strides = array<i32>} : memref<5120xf32, #tpu.memory_space<vmem>>, vector<16xf32>,
    %swap3A_754 = vector.shape_cast %swap3A_753 : vector<16xf32> to vector<16xf32>
    %swap3A_755 = vector.shape_cast %broadcast_in_dim3A_0 : vector<16xf32> to vector<16xf32>
    tpu.vector_store %arg9[%swap3A_752], %swap3A_755 {strides = array<i32>} : memref<5120xf32, #tpu.memory_space<vmem>>, vector<16xf32>,
    %swap3A_756 = arith.constant 3024 : index
    %swap3A_757 = tpu.vector_load %arg9[%swap3A_756] {strides = array<i32>} : memref<5120xf32, #tpu.memory_space<vmem>>, vector<16xf32>,
    %swap3A_758 = vector.shape_cast %swap3A_757 : vector<16xf32> to vector<16xf32>
    %swap3A_759 = vector.shape_cast %broadcast_in_dim3A_0 : vector<16xf32> to vector<16xf32>
    tpu.vector_store %arg9[%swap3A_756], %swap3A_759 {strides = array<i32>} : memref<5120xf32, #tpu.memory_space<vmem>>, vector<16xf32>,
    %swap3A_760 = arith.constant 3040 : index
    %swap3A_761 = tpu.vector_load %arg9[%swap3A_760] {strides = array<i32>} : memref<5120xf32, #tpu.memory_space<vmem>>, vector<16xf32>,
    %swap3A_762 = vector.shape_cast %swap3A_761 : vector<16xf32> to vector<16xf32>
    %swap3A_763 = vector.shape_cast %broadcast_in_dim3A_0 : vector<16xf32> to vector<16xf32>
    tpu.vector_store %arg9[%swap3A_760], %swap3A_763 {strides = array<i32>} : memref<5120xf32, #tpu.memory_space<vmem>>, vector<16xf32>,
    %swap3A_764 = arith.constant 3056 : index
    %swap3A_765 = tpu.vector_load %arg9[%swap3A_764] {strides = array<i32>} : memref<5120xf32, #tpu.memory_space<vmem>>, vector<16xf32>,
    %swap3A_766 = vector.shape_cast %swap3A_765 : vector<16xf32> to vector<16xf32>
    %swap3A_767 = vector.shape_cast %broadcast_in_dim3A_0 : vector<16xf32> to vector<16xf32>
    tpu.vector_store %arg9[%swap3A_764], %swap3A_767 {strides = array<i32>} : memref<5120xf32, #tpu.memory_space<vmem>>, vector<16xf32>,
    %swap3A_768 = arith.constant 3072 : index
    %swap3A_769 = tpu.vector_load %arg9[%swap3A_768] {strides = array<i32>} : memref<5120xf32, #tpu.memory_space<vmem>>, vector<16xf32>,
    %swap3A_770 = vector.shape_cast %swap3A_769 : vector<16xf32> to vector<16xf32>
    %swap3A_771 = vector.shape_cast %broadcast_in_dim3A_0 : vector<16xf32> to vector<16xf32>
    tpu.vector_store %arg9[%swap3A_768], %swap3A_771 {strides = array<i32>} : memref<5120xf32, #tpu.memory_space<vmem>>, vector<16xf32>,
    %swap3A_772 = arith.constant 3088 : index
    %swap3A_773 = tpu.vector_load %arg9[%swap3A_772] {strides = array<i32>} : memref<5120xf32, #tpu.memory_space<vmem>>, vector<16xf32>,
    %swap3A_774 = vector.shape_cast %swap3A_773 : vector<16xf32> to vector<16xf32>
    %swap3A_775 = vector.shape_cast %broadcast_in_dim3A_0 : vector<16xf32> to vector<16xf32>
    tpu.vector_store %arg9[%swap3A_772], %swap3A_775 {strides = array<i32>} : memref<5120xf32, #tpu.memory_space<vmem>>, vector<16xf32>,
    %swap3A_776 = arith.constant 3104 : index
    %swap3A_777 = tpu.vector_load %arg9[%swap3A_776] {strides = array<i32>} : memref<5120xf32, #tpu.memory_space<vmem>>, vector<16xf32>,
    %swap3A_778 = vector.shape_cast %swap3A_777 : vector<16xf32> to vector<16xf32>
    %swap3A_779 = vector.shape_cast %broadcast_in_dim3A_0 : vector<16xf32> to vector<16xf32>
    tpu.vector_store %arg9[%swap3A_776], %swap3A_779 {strides = array<i32>} : memref<5120xf32, #tpu.memory_space<vmem>>, vector<16xf32>,
    %swap3A_780 = arith.constant 3120 : index
    %swap3A_781 = tpu.vector_load %arg9[%swap3A_780] {strides = array<i32>} : memref<5120xf32, #tpu.memory_space<vmem>>, vector<16xf32>,
    %swap3A_782 = vector.shape_cast %swap3A_781 : vector<16xf32> to vector<16xf32>
    %swap3A_783 = vector.shape_cast %broadcast_in_dim3A_0 : vector<16xf32> to vector<16xf32>
    tpu.vector_store %arg9[%swap3A_780], %swap3A_783 {strides = array<i32>} : memref<5120xf32, #tpu.memory_space<vmem>>, vector<16xf32>,
    %swap3A_784 = arith.constant 3136 : index
    %swap3A_785 = tpu.vector_load %arg9[%swap3A_784] {strides = array<i32>} : memref<5120xf32, #tpu.memory_space<vmem>>, vector<16xf32>,
    %swap3A_786 = vector.shape_cast %swap3A_785 : vector<16xf32> to vector<16xf32>
    %swap3A_787 = vector.shape_cast %broadcast_in_dim3A_0 : vector<16xf32> to vector<16xf32>
    tpu.vector_store %arg9[%swap3A_784], %swap3A_787 {strides = array<i32>} : memref<5120xf32, #tpu.memory_space<vmem>>, vector<16xf32>,
    %swap3A_788 = arith.constant 3152 : index
    %swap3A_789 = tpu.vector_load %arg9[%swap3A_788] {strides = array<i32>} : memref<5120xf32, #tpu.memory_space<vmem>>, vector<16xf32>,
    %swap3A_790 = vector.shape_cast %swap3A_789 : vector<16xf32> to vector<16xf32>
    %swap3A_791 = vector.shape_cast %broadcast_in_dim3A_0 : vector<16xf32> to vector<16xf32>
    tpu.vector_store %arg9[%swap3A_788], %swap3A_791 {strides = array<i32>} : memref<5120xf32, #tpu.memory_space<vmem>>, vector<16xf32>,
    %swap3A_792 = arith.constant 3168 : index
    %swap3A_793 = tpu.vector_load %arg9[%swap3A_792] {strides = array<i32>} : memref<5120xf32, #tpu.memory_space<vmem>>, vector<16xf32>,
    %swap3A_794 = vector.shape_cast %swap3A_793 : vector<16xf32> to vector<16xf32>
    %swap3A_795 = vector.shape_cast %broadcast_in_dim3A_0 : vector<16xf32> to vector<16xf32>
    tpu.vector_store %arg9[%swap3A_792], %swap3A_795 {strides = array<i32>} : memref<5120xf32, #tpu.memory_space<vmem>>, vector<16xf32>,
    %swap3A_796 = arith.constant 3184 : index
    %swap3A_797 = tpu.vector_load %arg9[%swap3A_796] {strides = array<i32>} : memref<5120xf32, #tpu.memory_space<vmem>>, vector<16xf32>,
    %swap3A_798 = vector.shape_cast %swap3A_797 : vector<16xf32> to vector<16xf32>
    %swap3A_799 = vector.shape_cast %broadcast_in_dim3A_0 : vector<16xf32> to vector<16xf32>
    tpu.vector_store %arg9[%swap3A_796], %swap3A_799 {strides = array<i32>} : memref<5120xf32, #tpu.memory_space<vmem>>, vector<16xf32>,
    %swap3A_800 = arith.constant 3200 : index
    %swap3A_801 = tpu.vector_load %arg9[%swap3A_800] {strides = array<i32>} : memref<5120xf32, #tpu.memory_space<vmem>>, vector<16xf32>,
    %swap3A_802 = vector.shape_cast %swap3A_801 : vector<16xf32> to vector<16xf32>
    %swap3A_803 = vector.shape_cast %broadcast_in_dim3A_0 : vector<16xf32> to vector<16xf32>
    tpu.vector_store %arg9[%swap3A_800], %swap3A_803 {strides = array<i32>} : memref<5120xf32, #tpu.memory_space<vmem>>, vector<16xf32>,
    %swap3A_804 = arith.constant 3216 : index
    %swap3A_805 = tpu.vector_load %arg9[%swap3A_804] {strides = array<i32>} : memref<5120xf32, #tpu.memory_space<vmem>>, vector<16xf32>,
    %swap3A_806 = vector.shape_cast %swap3A_805 : vector<16xf32> to vector<16xf32>
    %swap3A_807 = vector.shape_cast %broadcast_in_dim3A_0 : vector<16xf32> to vector<16xf32>
    tpu.vector_store %arg9[%swap3A_804], %swap3A_807 {strides = array<i32>} : memref<5120xf32, #tpu.memory_space<vmem>>, vector<16xf32>,
    %swap3A_808 = arith.constant 3232 : index
    %swap3A_809 = tpu.vector_load %arg9[%swap3A_808] {strides = array<i32>} : memref<5120xf32, #tpu.memory_space<vmem>>, vector<16xf32>,
    %swap3A_810 = vector.shape_cast %swap3A_809 : vector<16xf32> to vector<16xf32>
    %swap3A_811 = vector.shape_cast %broadcast_in_dim3A_0 : vector<16xf32> to vector<16xf32>
    tpu.vector_store %arg9[%swap3A_808], %swap3A_811 {strides = array<i32>} : memref<5120xf32, #tpu.memory_space<vmem>>, vector<16xf32>,
    %swap3A_812 = arith.constant 3248 : index
    %swap3A_813 = tpu.vector_load %arg9[%swap3A_812] {strides = array<i32>} : memref<5120xf32, #tpu.memory_space<vmem>>, vector<16xf32>,
    %swap3A_814 = vector.shape_cast %swap3A_813 : vector<16xf32> to vector<16xf32>
    %swap3A_815 = vector.shape_cast %broadcast_in_dim3A_0 : vector<16xf32> to vector<16xf32>
    tpu.vector_store %arg9[%swap3A_812], %swap3A_815 {strides = array<i32>} : memref<5120xf32, #tpu.memory_space<vmem>>, vector<16xf32>,
    %swap3A_816 = arith.constant 3264 : index
    %swap3A_817 = tpu.vector_load %arg9[%swap3A_816] {strides = array<i32>} : memref<5120xf32, #tpu.memory_space<vmem>>, vector<16xf32>,
    %swap3A_818 = vector.shape_cast %swap3A_817 : vector<16xf32> to vector<16xf32>
    %swap3A_819 = vector.shape_cast %broadcast_in_dim3A_0 : vector<16xf32> to vector<16xf32>
    tpu.vector_store %arg9[%swap3A_816], %swap3A_819 {strides = array<i32>} : memref<5120xf32, #tpu.memory_space<vmem>>, vector<16xf32>,
    %swap3A_820 = arith.constant 3280 : index
    %swap3A_821 = tpu.vector_load %arg9[%swap3A_820] {strides = array<i32>} : memref<5120xf32, #tpu.memory_space<vmem>>, vector<16xf32>,
    %swap3A_822 = vector.shape_cast %swap3A_821 : vector<16xf32> to vector<16xf32>
    %swap3A_823 = vector.shape_cast %broadcast_in_dim3A_0 : vector<16xf32> to vector<16xf32>
    tpu.vector_store %arg9[%swap3A_820], %swap3A_823 {strides = array<i32>} : memref<5120xf32, #tpu.memory_space<vmem>>, vector<16xf32>,
    %swap3A_824 = arith.constant 3296 : index
    %swap3A_825 = tpu.vector_load %arg9[%swap3A_824] {strides = array<i32>} : memref<5120xf32, #tpu.memory_space<vmem>>, vector<16xf32>,
    %swap3A_826 = vector.shape_cast %swap3A_825 : vector<16xf32> to vector<16xf32>
    %swap3A_827 = vector.shape_cast %broadcast_in_dim3A_0 : vector<16xf32> to vector<16xf32>
    tpu.vector_store %arg9[%swap3A_824], %swap3A_827 {strides = array<i32>} : memref<5120xf32, #tpu.memory_space<vmem>>, vector<16xf32>,
    %swap3A_828 = arith.constant 3312 : index
    %swap3A_829 = tpu.vector_load %arg9[%swap3A_828] {strides = array<i32>} : memref<5120xf32, #tpu.memory_space<vmem>>, vector<16xf32>,
    %swap3A_830 = vector.shape_cast %swap3A_829 : vector<16xf32> to vector<16xf32>
    %swap3A_831 = vector.shape_cast %broadcast_in_dim3A_0 : vector<16xf32> to vector<16xf32>
    tpu.vector_store %arg9[%swap3A_828], %swap3A_831 {strides = array<i32>} : memref<5120xf32, #tpu.memory_space<vmem>>, vector<16xf32>,
    %swap3A_832 = arith.constant 3328 : index
    %swap3A_833 = tpu.vector_load %arg9[%swap3A_832] {strides = array<i32>} : memref<5120xf32, #tpu.memory_space<vmem>>, vector<16xf32>,
    %swap3A_834 = vector.shape_cast %swap3A_833 : vector<16xf32> to vector<16xf32>
    %swap3A_835 = vector.shape_cast %broadcast_in_dim3A_0 : vector<16xf32> to vector<16xf32>
    tpu.vector_store %arg9[%swap3A_832], %swap3A_835 {strides = array<i32>} : memref<5120xf32, #tpu.memory_space<vmem>>, vector<16xf32>,
    %swap3A_836 = arith.constant 3344 : index
    %swap3A_837 = tpu.vector_load %arg9[%swap3A_836] {strides = array<i32>} : memref<5120xf32, #tpu.memory_space<vmem>>, vector<16xf32>,
    %swap3A_838 = vector.shape_cast %swap3A_837 : vector<16xf32> to vector<16xf32>
    %swap3A_839 = vector.shape_cast %broadcast_in_dim3A_0 : vector<16xf32> to vector<16xf32>
    tpu.vector_store %arg9[%swap3A_836], %swap3A_839 {strides = array<i32>} : memref<5120xf32, #tpu.memory_space<vmem>>, vector<16xf32>,
    %swap3A_840 = arith.constant 3360 : index
    %swap3A_841 = tpu.vector_load %arg9[%swap3A_840] {strides = array<i32>} : memref<5120xf32, #tpu.memory_space<vmem>>, vector<16xf32>,
    %swap3A_842 = vector.shape_cast %swap3A_841 : vector<16xf32> to vector<16xf32>
    %swap3A_843 = vector.shape_cast %broadcast_in_dim3A_0 : vector<16xf32> to vector<16xf32>
    tpu.vector_store %arg9[%swap3A_840], %swap3A_843 {strides = array<i32>} : memref<5120xf32, #tpu.memory_space<vmem>>, vector<16xf32>,
    %swap3A_844 = arith.constant 3376 : index
    %swap3A_845 = tpu.vector_load %arg9[%swap3A_844] {strides = array<i32>} : memref<5120xf32, #tpu.memory_space<vmem>>, vector<16xf32>,
    %swap3A_846 = vector.shape_cast %swap3A_845 : vector<16xf32> to vector<16xf32>
    %swap3A_847 = vector.shape_cast %broadcast_in_dim3A_0 : vector<16xf32> to vector<16xf32>
    tpu.vector_store %arg9[%swap3A_844], %swap3A_847 {strides = array<i32>} : memref<5120xf32, #tpu.memory_space<vmem>>, vector<16xf32>,
    %swap3A_848 = arith.constant 3392 : index
    %swap3A_849 = tpu.vector_load %arg9[%swap3A_848] {strides = array<i32>} : memref<5120xf32, #tpu.memory_space<vmem>>, vector<16xf32>,
    %swap3A_850 = vector.shape_cast %swap3A_849 : vector<16xf32> to vector<16xf32>
    %swap3A_851 = vector.shape_cast %broadcast_in_dim3A_0 : vector<16xf32> to vector<16xf32>
    tpu.vector_store %arg9[%swap3A_848], %swap3A_851 {strides = array<i32>} : memref<5120xf32, #tpu.memory_space<vmem>>, vector<16xf32>,
    %swap3A_852 = arith.constant 3408 : index
    %swap3A_853 = tpu.vector_load %arg9[%swap3A_852] {strides = array<i32>} : memref<5120xf32, #tpu.memory_space<vmem>>, vector<16xf32>,
    %swap3A_854 = vector.shape_cast %swap3A_853 : vector<16xf32> to vector<16xf32>
    %swap3A_855 = vector.shape_cast %broadcast_in_dim3A_0 : vector<16xf32> to vector<16xf32>
    tpu.vector_store %arg9[%swap3A_852], %swap3A_855 {strides = array<i32>} : memref<5120xf32, #tpu.memory_space<vmem>>, vector<16xf32>,
    %swap3A_856 = arith.constant 3424 : index
    %swap3A_857 = tpu.vector_load %arg9[%swap3A_856] {strides = array<i32>} : memref<5120xf32, #tpu.memory_space<vmem>>, vector<16xf32>,
    %swap3A_858 = vector.shape_cast %swap3A_857 : vector<16xf32> to vector<16xf32>
    %swap3A_859 = vector.shape_cast %broadcast_in_dim3A_0 : vector<16xf32> to vector<16xf32>
    tpu.vector_store %arg9[%swap3A_856], %swap3A_859 {strides = array<i32>} : memref<5120xf32, #tpu.memory_space<vmem>>, vector<16xf32>,
    %swap3A_860 = arith.constant 3440 : index
    %swap3A_861 = tpu.vector_load %arg9[%swap3A_860] {strides = array<i32>} : memref<5120xf32, #tpu.memory_space<vmem>>, vector<16xf32>,
    %swap3A_862 = vector.shape_cast %swap3A_861 : vector<16xf32> to vector<16xf32>
    %swap3A_863 = vector.shape_cast %broadcast_in_dim3A_0 : vector<16xf32> to vector<16xf32>
    tpu.vector_store %arg9[%swap3A_860], %swap3A_863 {strides = array<i32>} : memref<5120xf32, #tpu.memory_space<vmem>>, vector<16xf32>,
    %swap3A_864 = arith.constant 3456 : index
    %swap3A_865 = tpu.vector_load %arg9[%swap3A_864] {strides = array<i32>} : memref<5120xf32, #tpu.memory_space<vmem>>, vector<16xf32>,
    %swap3A_866 = vector.shape_cast %swap3A_865 : vector<16xf32> to vector<16xf32>
    %swap3A_867 = vector.shape_cast %broadcast_in_dim3A_0 : vector<16xf32> to vector<16xf32>
    tpu.vector_store %arg9[%swap3A_864], %swap3A_867 {strides = array<i32>} : memref<5120xf32, #tpu.memory_space<vmem>>, vector<16xf32>,
    %swap3A_868 = arith.constant 3472 : index
    %swap3A_869 = tpu.vector_load %arg9[%swap3A_868] {strides = array<i32>} : memref<5120xf32, #tpu.memory_space<vmem>>, vector<16xf32>,
    %swap3A_870 = vector.shape_cast %swap3A_869 : vector<16xf32> to vector<16xf32>
    %swap3A_871 = vector.shape_cast %broadcast_in_dim3A_0 : vector<16xf32> to vector<16xf32>
    tpu.vector_store %arg9[%swap3A_868], %swap3A_871 {strides = array<i32>} : memref<5120xf32, #tpu.memory_space<vmem>>, vector<16xf32>,
    %swap3A_872 = arith.constant 3488 : index
    %swap3A_873 = tpu.vector_load %arg9[%swap3A_872] {strides = array<i32>} : memref<5120xf32, #tpu.memory_space<vmem>>, vector<16xf32>,
    %swap3A_874 = vector.shape_cast %swap3A_873 : vector<16xf32> to vector<16xf32>
    %swap3A_875 = vector.shape_cast %broadcast_in_dim3A_0 : vector<16xf32> to vector<16xf32>
    tpu.vector_store %arg9[%swap3A_872], %swap3A_875 {strides = array<i32>} : memref<5120xf32, #tpu.memory_space<vmem>>, vector<16xf32>,
    %swap3A_876 = arith.constant 3504 : index
    %swap3A_877 = tpu.vector_load %arg9[%swap3A_876] {strides = array<i32>} : memref<5120xf32, #tpu.memory_space<vmem>>, vector<16xf32>,
    %swap3A_878 = vector.shape_cast %swap3A_877 : vector<16xf32> to vector<16xf32>
    %swap3A_879 = vector.shape_cast %broadcast_in_dim3A_0 : vector<16xf32> to vector<16xf32>
    tpu.vector_store %arg9[%swap3A_876], %swap3A_879 {strides = array<i32>} : memref<5120xf32, #tpu.memory_space<vmem>>, vector<16xf32>,
    %swap3A_880 = arith.constant 3520 : index
    %swap3A_881 = tpu.vector_load %arg9[%swap3A_880] {strides = array<i32>} : memref<5120xf32, #tpu.memory_space<vmem>>, vector<16xf32>,
    %swap3A_882 = vector.shape_cast %swap3A_881 : vector<16xf32> to vector<16xf32>
    %swap3A_883 = vector.shape_cast %broadcast_in_dim3A_0 : vector<16xf32> to vector<16xf32>
    tpu.vector_store %arg9[%swap3A_880], %swap3A_883 {strides = array<i32>} : memref<5120xf32, #tpu.memory_space<vmem>>, vector<16xf32>,
    %swap3A_884 = arith.constant 3536 : index
    %swap3A_885 = tpu.vector_load %arg9[%swap3A_884] {strides = array<i32>} : memref<5120xf32, #tpu.memory_space<vmem>>, vector<16xf32>,
    %swap3A_886 = vector.shape_cast %swap3A_885 : vector<16xf32> to vector<16xf32>
    %swap3A_887 = vector.shape_cast %broadcast_in_dim3A_0 : vector<16xf32> to vector<16xf32>
    tpu.vector_store %arg9[%swap3A_884], %swap3A_887 {strides = array<i32>} : memref<5120xf32, #tpu.memory_space<vmem>>, vector<16xf32>,
    %swap3A_888 = arith.constant 3552 : index
    %swap3A_889 = tpu.vector_load %arg9[%swap3A_888] {strides = array<i32>} : memref<5120xf32, #tpu.memory_space<vmem>>, vector<16xf32>,
    %swap3A_890 = vector.shape_cast %swap3A_889 : vector<16xf32> to vector<16xf32>
    %swap3A_891 = vector.shape_cast %broadcast_in_dim3A_0 : vector<16xf32> to vector<16xf32>
    tpu.vector_store %arg9[%swap3A_888], %swap3A_891 {strides = array<i32>} : memref<5120xf32, #tpu.memory_space<vmem>>, vector<16xf32>,
    %swap3A_892 = arith.constant 3568 : index
    %swap3A_893 = tpu.vector_load %arg9[%swap3A_892] {strides = array<i32>} : memref<5120xf32, #tpu.memory_space<vmem>>, vector<16xf32>,
    %swap3A_894 = vector.shape_cast %swap3A_893 : vector<16xf32> to vector<16xf32>
    %swap3A_895 = vector.shape_cast %broadcast_in_dim3A_0 : vector<16xf32> to vector<16xf32>
    tpu.vector_store %arg9[%swap3A_892], %swap3A_895 {strides = array<i32>} : memref<5120xf32, #tpu.memory_space<vmem>>, vector<16xf32>,
    %swap3A_896 = arith.constant 3584 : index
    %swap3A_897 = tpu.vector_load %arg9[%swap3A_896] {strides = array<i32>} : memref<5120xf32, #tpu.memory_space<vmem>>, vector<16xf32>,
    %swap3A_898 = vector.shape_cast %swap3A_897 : vector<16xf32> to vector<16xf32>
    %swap3A_899 = vector.shape_cast %broadcast_in_dim3A_0 : vector<16xf32> to vector<16xf32>
    tpu.vector_store %arg9[%swap3A_896], %swap3A_899 {strides = array<i32>} : memref<5120xf32, #tpu.memory_space<vmem>>, vector<16xf32>,
    %swap3A_900 = arith.constant 3600 : index
    %swap3A_901 = tpu.vector_load %arg9[%swap3A_900] {strides = array<i32>} : memref<5120xf32, #tpu.memory_space<vmem>>, vector<16xf32>,
    %swap3A_902 = vector.shape_cast %swap3A_901 : vector<16xf32> to vector<16xf32>
    %swap3A_903 = vector.shape_cast %broadcast_in_dim3A_0 : vector<16xf32> to vector<16xf32>
    tpu.vector_store %arg9[%swap3A_900], %swap3A_903 {strides = array<i32>} : memref<5120xf32, #tpu.memory_space<vmem>>, vector<16xf32>,
    %swap3A_904 = arith.constant 3616 : index
    %swap3A_905 = tpu.vector_load %arg9[%swap3A_904] {strides = array<i32>} : memref<5120xf32, #tpu.memory_space<vmem>>, vector<16xf32>,
    %swap3A_906 = vector.shape_cast %swap3A_905 : vector<16xf32> to vector<16xf32>
    %swap3A_907 = vector.shape_cast %broadcast_in_dim3A_0 : vector<16xf32> to vector<16xf32>
    tpu.vector_store %arg9[%swap3A_904], %swap3A_907 {strides = array<i32>} : memref<5120xf32, #tpu.memory_space<vmem>>, vector<16xf32>,
    %swap3A_908 = arith.constant 3632 : index
    %swap3A_909 = tpu.vector_load %arg9[%swap3A_908] {strides = array<i32>} : memref<5120xf32, #tpu.memory_space<vmem>>, vector<16xf32>,
    %swap3A_910 = vector.shape_cast %swap3A_909 : vector<16xf32> to vector<16xf32>
    %swap3A_911 = vector.shape_cast %broadcast_in_dim3A_0 : vector<16xf32> to vector<16xf32>
    tpu.vector_store %arg9[%swap3A_908], %swap3A_911 {strides = array<i32>} : memref<5120xf32, #tpu.memory_space<vmem>>, vector<16xf32>,
    %swap3A_912 = arith.constant 3648 : index
    %swap3A_913 = tpu.vector_load %arg9[%swap3A_912] {strides = array<i32>} : memref<5120xf32, #tpu.memory_space<vmem>>, vector<16xf32>,
    %swap3A_914 = vector.shape_cast %swap3A_913 : vector<16xf32> to vector<16xf32>
    %swap3A_915 = vector.shape_cast %broadcast_in_dim3A_0 : vector<16xf32> to vector<16xf32>
    tpu.vector_store %arg9[%swap3A_912], %swap3A_915 {strides = array<i32>} : memref<5120xf32, #tpu.memory_space<vmem>>, vector<16xf32>,
    %swap3A_916 = arith.constant 3664 : index
    %swap3A_917 = tpu.vector_load %arg9[%swap3A_916] {strides = array<i32>} : memref<5120xf32, #tpu.memory_space<vmem>>, vector<16xf32>,
    %swap3A_918 = vector.shape_cast %swap3A_917 : vector<16xf32> to vector<16xf32>
    %swap3A_919 = vector.shape_cast %broadcast_in_dim3A_0 : vector<16xf32> to vector<16xf32>
    tpu.vector_store %arg9[%swap3A_916], %swap3A_919 {strides = array<i32>} : memref<5120xf32, #tpu.memory_space<vmem>>, vector<16xf32>,
    %swap3A_920 = arith.constant 3680 : index
    %swap3A_921 = tpu.vector_load %arg9[%swap3A_920] {strides = array<i32>} : memref<5120xf32, #tpu.memory_space<vmem>>, vector<16xf32>,
    %swap3A_922 = vector.shape_cast %swap3A_921 : vector<16xf32> to vector<16xf32>
    %swap3A_923 = vector.shape_cast %broadcast_in_dim3A_0 : vector<16xf32> to vector<16xf32>
    tpu.vector_store %arg9[%swap3A_920], %swap3A_923 {strides = array<i32>} : memref<5120xf32, #tpu.memory_space<vmem>>, vector<16xf32>,
    %swap3A_924 = arith.constant 3696 : index
    %swap3A_925 = tpu.vector_load %arg9[%swap3A_924] {strides = array<i32>} : memref<5120xf32, #tpu.memory_space<vmem>>, vector<16xf32>,
    %swap3A_926 = vector.shape_cast %swap3A_925 : vector<16xf32> to vector<16xf32>
    %swap3A_927 = vector.shape_cast %broadcast_in_dim3A_0 : vector<16xf32> to vector<16xf32>
    tpu.vector_store %arg9[%swap3A_924], %swap3A_927 {strides = array<i32>} : memref<5120xf32, #tpu.memory_space<vmem>>, vector<16xf32>,
    %swap3A_928 = arith.constant 3712 : index
    %swap3A_929 = tpu.vector_load %arg9[%swap3A_928] {strides = array<i32>} : memref<5120xf32, #tpu.memory_space<vmem>>, vector<16xf32>,
    %swap3A_930 = vector.shape_cast %swap3A_929 : vector<16xf32> to vector<16xf32>
    %swap3A_931 = vector.shape_cast %broadcast_in_dim3A_0 : vector<16xf32> to vector<16xf32>
    tpu.vector_store %arg9[%swap3A_928], %swap3A_931 {strides = array<i32>} : memref<5120xf32, #tpu.memory_space<vmem>>, vector<16xf32>,
    %swap3A_932 = arith.constant 3728 : index
    %swap3A_933 = tpu.vector_load %arg9[%swap3A_932] {strides = array<i32>} : memref<5120xf32, #tpu.memory_space<vmem>>, vector<16xf32>,
    %swap3A_934 = vector.shape_cast %swap3A_933 : vector<16xf32> to vector<16xf32>
    %swap3A_935 = vector.shape_cast %broadcast_in_dim3A_0 : vector<16xf32> to vector<16xf32>
    tpu.vector_store %arg9[%swap3A_932], %swap3A_935 {strides = array<i32>} : memref<5120xf32, #tpu.memory_space<vmem>>, vector<16xf32>,
    %swap3A_936 = arith.constant 3744 : index
    %swap3A_937 = tpu.vector_load %arg9[%swap3A_936] {strides = array<i32>} : memref<5120xf32, #tpu.memory_space<vmem>>, vector<16xf32>,
    %swap3A_938 = vector.shape_cast %swap3A_937 : vector<16xf32> to vector<16xf32>
    %swap3A_939 = vector.shape_cast %broadcast_in_dim3A_0 : vector<16xf32> to vector<16xf32>
    tpu.vector_store %arg9[%swap3A_936], %swap3A_939 {strides = array<i32>} : memref<5120xf32, #tpu.memory_space<vmem>>, vector<16xf32>,
    %swap3A_940 = arith.constant 3760 : index
    %swap3A_941 = tpu.vector_load %arg9[%swap3A_940] {strides = array<i32>} : memref<5120xf32, #tpu.memory_space<vmem>>, vector<16xf32>,
    %swap3A_942 = vector.shape_cast %swap3A_941 : vector<16xf32> to vector<16xf32>
    %swap3A_943 = vector.shape_cast %broadcast_in_dim3A_0 : vector<16xf32> to vector<16xf32>
    tpu.vector_store %arg9[%swap3A_940], %swap3A_943 {strides = array<i32>} : memref<5120xf32, #tpu.memory_space<vmem>>, vector<16xf32>,
    %swap3A_944 = arith.constant 3776 : index
    %swap3A_945 = tpu.vector_load %arg9[%swap3A_944] {strides = array<i32>} : memref<5120xf32, #tpu.memory_space<vmem>>, vector<16xf32>,
    %swap3A_946 = vector.shape_cast %swap3A_945 : vector<16xf32> to vector<16xf32>
    %swap3A_947 = vector.shape_cast %broadcast_in_dim3A_0 : vector<16xf32> to vector<16xf32>
    tpu.vector_store %arg9[%swap3A_944], %swap3A_947 {strides = array<i32>} : memref<5120xf32, #tpu.memory_space<vmem>>, vector<16xf32>,
    %swap3A_948 = arith.constant 3792 : index
    %swap3A_949 = tpu.vector_load %arg9[%swap3A_948] {strides = array<i32>} : memref<5120xf32, #tpu.memory_space<vmem>>, vector<16xf32>,
    %swap3A_950 = vector.shape_cast %swap3A_949 : vector<16xf32> to vector<16xf32>
    %swap3A_951 = vector.shape_cast %broadcast_in_dim3A_0 : vector<16xf32> to vector<16xf32>
    tpu.vector_store %arg9[%swap3A_948], %swap3A_951 {strides = array<i32>} : memref<5120xf32, #tpu.memory_space<vmem>>, vector<16xf32>,
    %swap3A_952 = arith.constant 3808 : index
    %swap3A_953 = tpu.vector_load %arg9[%swap3A_952] {strides = array<i32>} : memref<5120xf32, #tpu.memory_space<vmem>>, vector<16xf32>,
    %swap3A_954 = vector.shape_cast %swap3A_953 : vector<16xf32> to vector<16xf32>
    %swap3A_955 = vector.shape_cast %broadcast_in_dim3A_0 : vector<16xf32> to vector<16xf32>
    tpu.vector_store %arg9[%swap3A_952], %swap3A_955 {strides = array<i32>} : memref<5120xf32, #tpu.memory_space<vmem>>, vector<16xf32>,
    %swap3A_956 = arith.constant 3824 : index
    %swap3A_957 = tpu.vector_load %arg9[%swap3A_956] {strides = array<i32>} : memref<5120xf32, #tpu.memory_space<vmem>>, vector<16xf32>,
    %swap3A_958 = vector.shape_cast %swap3A_957 : vector<16xf32> to vector<16xf32>
    %swap3A_959 = vector.shape_cast %broadcast_in_dim3A_0 : vector<16xf32> to vector<16xf32>
    tpu.vector_store %arg9[%swap3A_956], %swap3A_959 {strides = array<i32>} : memref<5120xf32, #tpu.memory_space<vmem>>, vector<16xf32>,
    %swap3A_960 = arith.constant 3840 : index
    %swap3A_961 = tpu.vector_load %arg9[%swap3A_960] {strides = array<i32>} : memref<5120xf32, #tpu.memory_space<vmem>>, vector<16xf32>,
    %swap3A_962 = vector.shape_cast %swap3A_961 : vector<16xf32> to vector<16xf32>
    %swap3A_963 = vector.shape_cast %broadcast_in_dim3A_0 : vector<16xf32> to vector<16xf32>
    tpu.vector_store %arg9[%swap3A_960], %swap3A_963 {strides = array<i32>} : memref<5120xf32, #tpu.memory_space<vmem>>, vector<16xf32>,
    %swap3A_964 = arith.constant 3856 : index
    %swap3A_965 = tpu.vector_load %arg9[%swap3A_964] {strides = array<i32>} : memref<5120xf32, #tpu.memory_space<vmem>>, vector<16xf32>,
    %swap3A_966 = vector.shape_cast %swap3A_965 : vector<16xf32> to vector<16xf32>
    %swap3A_967 = vector.shape_cast %broadcast_in_dim3A_0 : vector<16xf32> to vector<16xf32>
    tpu.vector_store %arg9[%swap3A_964], %swap3A_967 {strides = array<i32>} : memref<5120xf32, #tpu.memory_space<vmem>>, vector<16xf32>,
    %swap3A_968 = arith.constant 3872 : index
    %swap3A_969 = tpu.vector_load %arg9[%swap3A_968] {strides = array<i32>} : memref<5120xf32, #tpu.memory_space<vmem>>, vector<16xf32>,
    %swap3A_970 = vector.shape_cast %swap3A_969 : vector<16xf32> to vector<16xf32>
    %swap3A_971 = vector.shape_cast %broadcast_in_dim3A_0 : vector<16xf32> to vector<16xf32>
    tpu.vector_store %arg9[%swap3A_968], %swap3A_971 {strides = array<i32>} : memref<5120xf32, #tpu.memory_space<vmem>>, vector<16xf32>,
    %swap3A_972 = arith.constant 3888 : index
    %swap3A_973 = tpu.vector_load %arg9[%swap3A_972] {strides = array<i32>} : memref<5120xf32, #tpu.memory_space<vmem>>, vector<16xf32>,
    %swap3A_974 = vector.shape_cast %swap3A_973 : vector<16xf32> to vector<16xf32>
    %swap3A_975 = vector.shape_cast %broadcast_in_dim3A_0 : vector<16xf32> to vector<16xf32>
    tpu.vector_store %arg9[%swap3A_972], %swap3A_975 {strides = array<i32>} : memref<5120xf32, #tpu.memory_space<vmem>>, vector<16xf32>,
    %swap3A_976 = arith.constant 3904 : index
    %swap3A_977 = tpu.vector_load %arg9[%swap3A_976] {strides = array<i32>} : memref<5120xf32, #tpu.memory_space<vmem>>, vector<16xf32>,
    %swap3A_978 = vector.shape_cast %swap3A_977 : vector<16xf32> to vector<16xf32>
    %swap3A_979 = vector.shape_cast %broadcast_in_dim3A_0 : vector<16xf32> to vector<16xf32>
    tpu.vector_store %arg9[%swap3A_976], %swap3A_979 {strides = array<i32>} : memref<5120xf32, #tpu.memory_space<vmem>>, vector<16xf32>,
    %swap3A_980 = arith.constant 3920 : index
    %swap3A_981 = tpu.vector_load %arg9[%swap3A_980] {strides = array<i32>} : memref<5120xf32, #tpu.memory_space<vmem>>, vector<16xf32>,
    %swap3A_982 = vector.shape_cast %swap3A_981 : vector<16xf32> to vector<16xf32>
    %swap3A_983 = vector.shape_cast %broadcast_in_dim3A_0 : vector<16xf32> to vector<16xf32>
    tpu.vector_store %arg9[%swap3A_980], %swap3A_983 {strides = array<i32>} : memref<5120xf32, #tpu.memory_space<vmem>>, vector<16xf32>,
    %swap3A_984 = arith.constant 3936 : index
    %swap3A_985 = tpu.vector_load %arg9[%swap3A_984] {strides = array<i32>} : memref<5120xf32, #tpu.memory_space<vmem>>, vector<16xf32>,
    %swap3A_986 = vector.shape_cast %swap3A_985 : vector<16xf32> to vector<16xf32>
    %swap3A_987 = vector.shape_cast %broadcast_in_dim3A_0 : vector<16xf32> to vector<16xf32>
    tpu.vector_store %arg9[%swap3A_984], %swap3A_987 {strides = array<i32>} : memref<5120xf32, #tpu.memory_space<vmem>>, vector<16xf32>,
    %swap3A_988 = arith.constant 3952 : index
    %swap3A_989 = tpu.vector_load %arg9[%swap3A_988] {strides = array<i32>} : memref<5120xf32, #tpu.memory_space<vmem>>, vector<16xf32>,
    %swap3A_990 = vector.shape_cast %swap3A_989 : vector<16xf32> to vector<16xf32>
    %swap3A_991 = vector.shape_cast %broadcast_in_dim3A_0 : vector<16xf32> to vector<16xf32>
    tpu.vector_store %arg9[%swap3A_988], %swap3A_991 {strides = array<i32>} : memref<5120xf32, #tpu.memory_space<vmem>>, vector<16xf32>,
    %swap3A_992 = arith.constant 3968 : index
    %swap3A_993 = tpu.vector_load %arg9[%swap3A_992] {strides = array<i32>} : memref<5120xf32, #tpu.memory_space<vmem>>, vector<16xf32>,
    %swap3A_994 = vector.shape_cast %swap3A_993 : vector<16xf32> to vector<16xf32>
    %swap3A_995 = vector.shape_cast %broadcast_in_dim3A_0 : vector<16xf32> to vector<16xf32>
    tpu.vector_store %arg9[%swap3A_992], %swap3A_995 {strides = array<i32>} : memref<5120xf32, #tpu.memory_space<vmem>>, vector<16xf32>,
    %swap3A_996 = arith.constant 3984 : index
    %swap3A_997 = tpu.vector_load %arg9[%swap3A_996] {strides = array<i32>} : memref<5120xf32, #tpu.memory_space<vmem>>, vector<16xf32>,
    %swap3A_998 = vector.shape_cast %swap3A_997 : vector<16xf32> to vector<16xf32>
    %swap3A_999 = vector.shape_cast %broadcast_in_dim3A_0 : vector<16xf32> to vector<16xf32>
    tpu.vector_store %arg9[%swap3A_996], %swap3A_999 {strides = array<i32>} : memref<5120xf32, #tpu.memory_space<vmem>>, vector<16xf32>,
    %swap3A_1000 = arith.constant 4000 : index
    %swap3A_1001 = tpu.vector_load %arg9[%swap3A_1000] {strides = array<i32>} : memref<5120xf32, #tpu.memory_space<vmem>>, vector<16xf32>,
    %swap3A_1002 = vector.shape_cast %swap3A_1001 : vector<16xf32> to vector<16xf32>
    %swap3A_1003 = vector.shape_cast %broadcast_in_dim3A_0 : vector<16xf32> to vector<16xf32>
    tpu.vector_store %arg9[%swap3A_1000], %swap3A_1003 {strides = array<i32>} : memref<5120xf32, #tpu.memory_space<vmem>>, vector<16xf32>,
    %swap3A_1004 = arith.constant 4016 : index
    %swap3A_1005 = tpu.vector_load %arg9[%swap3A_1004] {strides = array<i32>} : memref<5120xf32, #tpu.memory_space<vmem>>, vector<16xf32>,
    %swap3A_1006 = vector.shape_cast %swap3A_1005 : vector<16xf32> to vector<16xf32>
    %swap3A_1007 = vector.shape_cast %broadcast_in_dim3A_0 : vector<16xf32> to vector<16xf32>
    tpu.vector_store %arg9[%swap3A_1004], %swap3A_1007 {strides = array<i32>} : memref<5120xf32, #tpu.memory_space<vmem>>, vector<16xf32>,
    %swap3A_1008 = arith.constant 4032 : index
    %swap3A_1009 = tpu.vector_load %arg9[%swap3A_1008] {strides = array<i32>} : memref<5120xf32, #tpu.memory_space<vmem>>, vector<16xf32>,
    %swap3A_1010 = vector.shape_cast %swap3A_1009 : vector<16xf32> to vector<16xf32>
    %swap3A_1011 = vector.shape_cast %broadcast_in_dim3A_0 : vector<16xf32> to vector<16xf32>
    tpu.vector_store %arg9[%swap3A_1008], %swap3A_1011 {strides = array<i32>} : memref<5120xf32, #tpu.memory_space<vmem>>, vector<16xf32>,
    %swap3A_1012 = arith.constant 4048 : index
    %swap3A_1013 = tpu.vector_load %arg9[%swap3A_1012] {strides = array<i32>} : memref<5120xf32, #tpu.memory_space<vmem>>, vector<16xf32>,
    %swap3A_1014 = vector.shape_cast %swap3A_1013 : vector<16xf32> to vector<16xf32>
    %swap3A_1015 = vector.shape_cast %broadcast_in_dim3A_0 : vector<16xf32> to vector<16xf32>
    tpu.vector_store %arg9[%swap3A_1012], %swap3A_1015 {strides = array<i32>} : memref<5120xf32, #tpu.memory_space<vmem>>, vector<16xf32>,
    %swap3A_1016 = arith.constant 4064 : index
    %swap3A_1017 = tpu.vector_load %arg9[%swap3A_1016] {strides = array<i32>} : memref<5120xf32, #tpu.memory_space<vmem>>, vector<16xf32>,
    %swap3A_1018 = vector.shape_cast %swap3A_1017 : vector<16xf32> to vector<16xf32>
    %swap3A_1019 = vector.shape_cast %broadcast_in_dim3A_0 : vector<16xf32> to vector<16xf32>
    tpu.vector_store %arg9[%swap3A_1016], %swap3A_1019 {strides = array<i32>} : memref<5120xf32, #tpu.memory_space<vmem>>, vector<16xf32>,
    %swap3A_1020 = arith.constant 4080 : index
    %swap3A_1021 = tpu.vector_load %arg9[%swap3A_1020] {strides = array<i32>} : memref<5120xf32, #tpu.memory_space<vmem>>, vector<16xf32>,
    %swap3A_1022 = vector.shape_cast %swap3A_1021 : vector<16xf32> to vector<16xf32>
    %swap3A_1023 = vector.shape_cast %broadcast_in_dim3A_0 : vector<16xf32> to vector<16xf32>
    tpu.vector_store %arg9[%swap3A_1020], %swap3A_1023 {strides = array<i32>} : memref<5120xf32, #tpu.memory_space<vmem>>, vector<16xf32>,
    %swap3A_1024 = arith.constant 4096 : index
    %swap3A_1025 = tpu.vector_load %arg9[%swap3A_1024] {strides = array<i32>} : memref<5120xf32, #tpu.memory_space<vmem>>, vector<16xf32>,
    %swap3A_1026 = vector.shape_cast %swap3A_1025 : vector<16xf32> to vector<16xf32>
    %swap3A_1027 = vector.shape_cast %broadcast_in_dim3A_0 : vector<16xf32> to vector<16xf32>
    tpu.vector_store %arg9[%swap3A_1024], %swap3A_1027 {strides = array<i32>} : memref<5120xf32, #tpu.memory_space<vmem>>, vector<16xf32>,
    %swap3A_1028 = arith.constant 4112 : index
    %swap3A_1029 = tpu.vector_load %arg9[%swap3A_1028] {strides = array<i32>} : memref<5120xf32, #tpu.memory_space<vmem>>, vector<16xf32>,
    %swap3A_1030 = vector.shape_cast %swap3A_1029 : vector<16xf32> to vector<16xf32>
    %swap3A_1031 = vector.shape_cast %broadcast_in_dim3A_0 : vector<16xf32> to vector<16xf32>
    tpu.vector_store %arg9[%swap3A_1028], %swap3A_1031 {strides = array<i32>} : memref<5120xf32, #tpu.memory_space<vmem>>, vector<16xf32>,
    %swap3A_1032 = arith.constant 4128 : index
    %swap3A_1033 = tpu.vector_load %arg9[%swap3A_1032] {strides = array<i32>} : memref<5120xf32, #tpu.memory_space<vmem>>, vector<16xf32>,
    %swap3A_1034 = vector.shape_cast %swap3A_1033 : vector<16xf32> to vector<16xf32>
    %swap3A_1035 = vector.shape_cast %broadcast_in_dim3A_0 : vector<16xf32> to vector<16xf32>
    tpu.vector_store %arg9[%swap3A_1032], %swap3A_1035 {strides = array<i32>} : memref<5120xf32, #tpu.memory_space<vmem>>, vector<16xf32>,
    %swap3A_1036 = arith.constant 4144 : index
    %swap3A_1037 = tpu.vector_load %arg9[%swap3A_1036] {strides = array<i32>} : memref<5120xf32, #tpu.memory_space<vmem>>, vector<16xf32>,
    %swap3A_1038 = vector.shape_cast %swap3A_1037 : vector<16xf32> to vector<16xf32>
    %swap3A_1039 = vector.shape_cast %broadcast_in_dim3A_0 : vector<16xf32> to vector<16xf32>
    tpu.vector_store %arg9[%swap3A_1036], %swap3A_1039 {strides = array<i32>} : memref<5120xf32, #tpu.memory_space<vmem>>, vector<16xf32>,
    %swap3A_1040 = arith.constant 4160 : index
    %swap3A_1041 = tpu.vector_load %arg9[%swap3A_1040] {strides = array<i32>} : memref<5120xf32, #tpu.memory_space<vmem>>, vector<16xf32>,
    %swap3A_1042 = vector.shape_cast %swap3A_1041 : vector<16xf32> to vector<16xf32>
    %swap3A_1043 = vector.shape_cast %broadcast_in_dim3A_0 : vector<16xf32> to vector<16xf32>
    tpu.vector_store %arg9[%swap3A_1040], %swap3A_1043 {strides = array<i32>} : memref<5120xf32, #tpu.memory_space<vmem>>, vector<16xf32>,
    %swap3A_1044 = arith.constant 4176 : index
    %swap3A_1045 = tpu.vector_load %arg9[%swap3A_1044] {strides = array<i32>} : memref<5120xf32, #tpu.memory_space<vmem>>, vector<16xf32>,
    %swap3A_1046 = vector.shape_cast %swap3A_1045 : vector<16xf32> to vector<16xf32>
    %swap3A_1047 = vector.shape_cast %broadcast_in_dim3A_0 : vector<16xf32> to vector<16xf32>
    tpu.vector_store %arg9[%swap3A_1044], %swap3A_1047 {strides = array<i32>} : memref<5120xf32, #tpu.memory_space<vmem>>, vector<16xf32>,
    %swap3A_1048 = arith.constant 4192 : index
    %swap3A_1049 = tpu.vector_load %arg9[%swap3A_1048] {strides = array<i32>} : memref<5120xf32, #tpu.memory_space<vmem>>, vector<16xf32>,
    %swap3A_1050 = vector.shape_cast %swap3A_1049 : vector<16xf32> to vector<16xf32>
    %swap3A_1051 = vector.shape_cast %broadcast_in_dim3A_0 : vector<16xf32> to vector<16xf32>
    tpu.vector_store %arg9[%swap3A_1048], %swap3A_1051 {strides = array<i32>} : memref<5120xf32, #tpu.memory_space<vmem>>, vector<16xf32>,
    %swap3A_1052 = arith.constant 4208 : index
    %swap3A_1053 = tpu.vector_load %arg9[%swap3A_1052] {strides = array<i32>} : memref<5120xf32, #tpu.memory_space<vmem>>, vector<16xf32>,
    %swap3A_1054 = vector.shape_cast %swap3A_1053 : vector<16xf32> to vector<16xf32>
    %swap3A_1055 = vector.shape_cast %broadcast_in_dim3A_0 : vector<16xf32> to vector<16xf32>
    tpu.vector_store %arg9[%swap3A_1052], %swap3A_1055 {strides = array<i32>} : memref<5120xf32, #tpu.memory_space<vmem>>, vector<16xf32>,
    %swap3A_1056 = arith.constant 4224 : index
    %swap3A_1057 = tpu.vector_load %arg9[%swap3A_1056] {strides = array<i32>} : memref<5120xf32, #tpu.memory_space<vmem>>, vector<16xf32>,
    %swap3A_1058 = vector.shape_cast %swap3A_1057 : vector<16xf32> to vector<16xf32>
    %swap3A_1059 = vector.shape_cast %broadcast_in_dim3A_0 : vector<16xf32> to vector<16xf32>
    tpu.vector_store %arg9[%swap3A_1056], %swap3A_1059 {strides = array<i32>} : memref<5120xf32, #tpu.memory_space<vmem>>, vector<16xf32>,
    %swap3A_1060 = arith.constant 4240 : index
    %swap3A_1061 = tpu.vector_load %arg9[%swap3A_1060] {strides = array<i32>} : memref<5120xf32, #tpu.memory_space<vmem>>, vector<16xf32>,
    %swap3A_1062 = vector.shape_cast %swap3A_1061 : vector<16xf32> to vector<16xf32>
    %swap3A_1063 = vector.shape_cast %broadcast_in_dim3A_0 : vector<16xf32> to vector<16xf32>
    tpu.vector_store %arg9[%swap3A_1060], %swap3A_1063 {strides = array<i32>} : memref<5120xf32, #tpu.memory_space<vmem>>, vector<16xf32>,
    %swap3A_1064 = arith.constant 4256 : index
    %swap3A_1065 = tpu.vector_load %arg9[%swap3A_1064] {strides = array<i32>} : memref<5120xf32, #tpu.memory_space<vmem>>, vector<16xf32>,
    %swap3A_1066 = vector.shape_cast %swap3A_1065 : vector<16xf32> to vector<16xf32>
    %swap3A_1067 = vector.shape_cast %broadcast_in_dim3A_0 : vector<16xf32> to vector<16xf32>
    tpu.vector_store %arg9[%swap3A_1064], %swap3A_1067 {strides = array<i32>} : memref<5120xf32, #tpu.memory_space<vmem>>, vector<16xf32>,
    %swap3A_1068 = arith.constant 4272 : index
    %swap3A_1069 = tpu.vector_load %arg9[%swap3A_1068] {strides = array<i32>} : memref<5120xf32, #tpu.memory_space<vmem>>, vector<16xf32>,
    %swap3A_1070 = vector.shape_cast %swap3A_1069 : vector<16xf32> to vector<16xf32>
    %swap3A_1071 = vector.shape_cast %broadcast_in_dim3A_0 : vector<16xf32> to vector<16xf32>
    tpu.vector_store %arg9[%swap3A_1068], %swap3A_1071 {strides = array<i32>} : memref<5120xf32, #tpu.memory_space<vmem>>, vector<16xf32>,
    %swap3A_1072 = arith.constant 4288 : index
    %swap3A_1073 = tpu.vector_load %arg9[%swap3A_1072] {strides = array<i32>} : memref<5120xf32, #tpu.memory_space<vmem>>, vector<16xf32>,
    %swap3A_1074 = vector.shape_cast %swap3A_1073 : vector<16xf32> to vector<16xf32>
    %swap3A_1075 = vector.shape_cast %broadcast_in_dim3A_0 : vector<16xf32> to vector<16xf32>
    tpu.vector_store %arg9[%swap3A_1072], %swap3A_1075 {strides = array<i32>} : memref<5120xf32, #tpu.memory_space<vmem>>, vector<16xf32>,
    %swap3A_1076 = arith.constant 4304 : index
    %swap3A_1077 = tpu.vector_load %arg9[%swap3A_1076] {strides = array<i32>} : memref<5120xf32, #tpu.memory_space<vmem>>, vector<16xf32>,
    %swap3A_1078 = vector.shape_cast %swap3A_1077 : vector<16xf32> to vector<16xf32>
    %swap3A_1079 = vector.shape_cast %broadcast_in_dim3A_0 : vector<16xf32> to vector<16xf32>
    tpu.vector_store %arg9[%swap3A_1076], %swap3A_1079 {strides = array<i32>} : memref<5120xf32, #tpu.memory_space<vmem>>, vector<16xf32>,
    %swap3A_1080 = arith.constant 4320 : index
    %swap3A_1081 = tpu.vector_load %arg9[%swap3A_1080] {strides = array<i32>} : memref<5120xf32, #tpu.memory_space<vmem>>, vector<16xf32>,
    %swap3A_1082 = vector.shape_cast %swap3A_1081 : vector<16xf32> to vector<16xf32>
    %swap3A_1083 = vector.shape_cast %broadcast_in_dim3A_0 : vector<16xf32> to vector<16xf32>
    tpu.vector_store %arg9[%swap3A_1080], %swap3A_1083 {strides = array<i32>} : memref<5120xf32, #tpu.memory_space<vmem>>, vector<16xf32>,
    %swap3A_1084 = arith.constant 4336 : index
    %swap3A_1085 = tpu.vector_load %arg9[%swap3A_1084] {strides = array<i32>} : memref<5120xf32, #tpu.memory_space<vmem>>, vector<16xf32>,
    %swap3A_1086 = vector.shape_cast %swap3A_1085 : vector<16xf32> to vector<16xf32>
    %swap3A_1087 = vector.shape_cast %broadcast_in_dim3A_0 : vector<16xf32> to vector<16xf32>
    tpu.vector_store %arg9[%swap3A_1084], %swap3A_1087 {strides = array<i32>} : memref<5120xf32, #tpu.memory_space<vmem>>, vector<16xf32>,
    %swap3A_1088 = arith.constant 4352 : index
    %swap3A_1089 = tpu.vector_load %arg9[%swap3A_1088] {strides = array<i32>} : memref<5120xf32, #tpu.memory_space<vmem>>, vector<16xf32>,
    %swap3A_1090 = vector.shape_cast %swap3A_1089 : vector<16xf32> to vector<16xf32>
    %swap3A_1091 = vector.shape_cast %broadcast_in_dim3A_0 : vector<16xf32> to vector<16xf32>
    tpu.vector_store %arg9[%swap3A_1088], %swap3A_1091 {strides = array<i32>} : memref<5120xf32, #tpu.memory_space<vmem>>, vector<16xf32>,
    %swap3A_1092 = arith.constant 4368 : index
    %swap3A_1093 = tpu.vector_load %arg9[%swap3A_1092] {strides = array<i32>} : memref<5120xf32, #tpu.memory_space<vmem>>, vector<16xf32>,
    %swap3A_1094 = vector.shape_cast %swap3A_1093 : vector<16xf32> to vector<16xf32>
    %swap3A_1095 = vector.shape_cast %broadcast_in_dim3A_0 : vector<16xf32> to vector<16xf32>
    tpu.vector_store %arg9[%swap3A_1092], %swap3A_1095 {strides = array<i32>} : memref<5120xf32, #tpu.memory_space<vmem>>, vector<16xf32>,
    %swap3A_1096 = arith.constant 4384 : index
    %swap3A_1097 = tpu.vector_load %arg9[%swap3A_1096] {strides = array<i32>} : memref<5120xf32, #tpu.memory_space<vmem>>, vector<16xf32>,
    %swap3A_1098 = vector.shape_cast %swap3A_1097 : vector<16xf32> to vector<16xf32>
    %swap3A_1099 = vector.shape_cast %broadcast_in_dim3A_0 : vector<16xf32> to vector<16xf32>
    tpu.vector_store %arg9[%swap3A_1096], %swap3A_1099 {strides = array<i32>} : memref<5120xf32, #tpu.memory_space<vmem>>, vector<16xf32>,
    %swap3A_1100 = arith.constant 4400 : index
    %swap3A_1101 = tpu.vector_load %arg9[%swap3A_1100] {strides = array<i32>} : memref<5120xf32, #tpu.memory_space<vmem>>, vector<16xf32>,
    %swap3A_1102 = vector.shape_cast %swap3A_1101 : vector<16xf32> to vector<16xf32>
    %swap3A_1103 = vector.shape_cast %broadcast_in_dim3A_0 : vector<16xf32> to vector<16xf32>
    tpu.vector_store %arg9[%swap3A_1100], %swap3A_1103 {strides = array<i32>} : memref<5120xf32, #tpu.memory_space<vmem>>, vector<16xf32>,
    %swap3A_1104 = arith.constant 4416 : index
    %swap3A_1105 = tpu.vector_load %arg9[%swap3A_1104] {strides = array<i32>} : memref<5120xf32, #tpu.memory_space<vmem>>, vector<16xf32>,
    %swap3A_1106 = vector.shape_cast %swap3A_1105 : vector<16xf32> to vector<16xf32>
    %swap3A_1107 = vector.shape_cast %broadcast_in_dim3A_0 : vector<16xf32> to vector<16xf32>
    tpu.vector_store %arg9[%swap3A_1104], %swap3A_1107 {strides = array<i32>} : memref<5120xf32, #tpu.memory_space<vmem>>, vector<16xf32>,
    %swap3A_1108 = arith.constant 4432 : index
    %swap3A_1109 = tpu.vector_load %arg9[%swap3A_1108] {strides = array<i32>} : memref<5120xf32, #tpu.memory_space<vmem>>, vector<16xf32>,
    %swap3A_1110 = vector.shape_cast %swap3A_1109 : vector<16xf32> to vector<16xf32>
    %swap3A_1111 = vector.shape_cast %broadcast_in_dim3A_0 : vector<16xf32> to vector<16xf32>
    tpu.vector_store %arg9[%swap3A_1108], %swap3A_1111 {strides = array<i32>} : memref<5120xf32, #tpu.memory_space<vmem>>, vector<16xf32>,
    %swap3A_1112 = arith.constant 4448 : index
    %swap3A_1113 = tpu.vector_load %arg9[%swap3A_1112] {strides = array<i32>} : memref<5120xf32, #tpu.memory_space<vmem>>, vector<16xf32>,
    %swap3A_1114 = vector.shape_cast %swap3A_1113 : vector<16xf32> to vector<16xf32>
    %swap3A_1115 = vector.shape_cast %broadcast_in_dim3A_0 : vector<16xf32> to vector<16xf32>
    tpu.vector_store %arg9[%swap3A_1112], %swap3A_1115 {strides = array<i32>} : memref<5120xf32, #tpu.memory_space<vmem>>, vector<16xf32>,
    %swap3A_1116 = arith.constant 4464 : index
    %swap3A_1117 = tpu.vector_load %arg9[%swap3A_1116] {strides = array<i32>} : memref<5120xf32, #tpu.memory_space<vmem>>, vector<16xf32>,
    %swap3A_1118 = vector.shape_cast %swap3A_1117 : vector<16xf32> to vector<16xf32>
    %swap3A_1119 = vector.shape_cast %broadcast_in_dim3A_0 : vector<16xf32> to vector<16xf32>
    tpu.vector_store %arg9[%swap3A_1116], %swap3A_1119 {strides = array<i32>} : memref<5120xf32, #tpu.memory_space<vmem>>, vector<16xf32>,
    %swap3A_1120 = arith.constant 4480 : index
    %swap3A_1121 = tpu.vector_load %arg9[%swap3A_1120] {strides = array<i32>} : memref<5120xf32, #tpu.memory_space<vmem>>, vector<16xf32>,
    %swap3A_1122 = vector.shape_cast %swap3A_1121 : vector<16xf32> to vector<16xf32>
    %swap3A_1123 = vector.shape_cast %broadcast_in_dim3A_0 : vector<16xf32> to vector<16xf32>
    tpu.vector_store %arg9[%swap3A_1120], %swap3A_1123 {strides = array<i32>} : memref<5120xf32, #tpu.memory_space<vmem>>, vector<16xf32>,
    %swap3A_1124 = arith.constant 4496 : index
    %swap3A_1125 = tpu.vector_load %arg9[%swap3A_1124] {strides = array<i32>} : memref<5120xf32, #tpu.memory_space<vmem>>, vector<16xf32>,
    %swap3A_1126 = vector.shape_cast %swap3A_1125 : vector<16xf32> to vector<16xf32>
    %swap3A_1127 = vector.shape_cast %broadcast_in_dim3A_0 : vector<16xf32> to vector<16xf32>
    tpu.vector_store %arg9[%swap3A_1124], %swap3A_1127 {strides = array<i32>} : memref<5120xf32, #tpu.memory_space<vmem>>, vector<16xf32>,
    %swap3A_1128 = arith.constant 4512 : index
    %swap3A_1129 = tpu.vector_load %arg9[%swap3A_1128] {strides = array<i32>} : memref<5120xf32, #tpu.memory_space<vmem>>, vector<16xf32>,
    %swap3A_1130 = vector.shape_cast %swap3A_1129 : vector<16xf32> to vector<16xf32>
    %swap3A_1131 = vector.shape_cast %broadcast_in_dim3A_0 : vector<16xf32> to vector<16xf32>
    tpu.vector_store %arg9[%swap3A_1128], %swap3A_1131 {strides = array<i32>} : memref<5120xf32, #tpu.memory_space<vmem>>, vector<16xf32>,
    %swap3A_1132 = arith.constant 4528 : index
    %swap3A_1133 = tpu.vector_load %arg9[%swap3A_1132] {strides = array<i32>} : memref<5120xf32, #tpu.memory_space<vmem>>, vector<16xf32>,
    %swap3A_1134 = vector.shape_cast %swap3A_1133 : vector<16xf32> to vector<16xf32>
    %swap3A_1135 = vector.shape_cast %broadcast_in_dim3A_0 : vector<16xf32> to vector<16xf32>
    tpu.vector_store %arg9[%swap3A_1132], %swap3A_1135 {strides = array<i32>} : memref<5120xf32, #tpu.memory_space<vmem>>, vector<16xf32>,
    %swap3A_1136 = arith.constant 4544 : index
    %swap3A_1137 = tpu.vector_load %arg9[%swap3A_1136] {strides = array<i32>} : memref<5120xf32, #tpu.memory_space<vmem>>, vector<16xf32>,
    %swap3A_1138 = vector.shape_cast %swap3A_1137 : vector<16xf32> to vector<16xf32>
    %swap3A_1139 = vector.shape_cast %broadcast_in_dim3A_0 : vector<16xf32> to vector<16xf32>
    tpu.vector_store %arg9[%swap3A_1136], %swap3A_1139 {strides = array<i32>} : memref<5120xf32, #tpu.memory_space<vmem>>, vector<16xf32>,
    %swap3A_1140 = arith.constant 4560 : index
    %swap3A_1141 = tpu.vector_load %arg9[%swap3A_1140] {strides = array<i32>} : memref<5120xf32, #tpu.memory_space<vmem>>, vector<16xf32>,
    %swap3A_1142 = vector.shape_cast %swap3A_1141 : vector<16xf32> to vector<16xf32>
    %swap3A_1143 = vector.shape_cast %broadcast_in_dim3A_0 : vector<16xf32> to vector<16xf32>
    tpu.vector_store %arg9[%swap3A_1140], %swap3A_1143 {strides = array<i32>} : memref<5120xf32, #tpu.memory_space<vmem>>, vector<16xf32>,
    %swap3A_1144 = arith.constant 4576 : index
    %swap3A_1145 = tpu.vector_load %arg9[%swap3A_1144] {strides = array<i32>} : memref<5120xf32, #tpu.memory_space<vmem>>, vector<16xf32>,
    %swap3A_1146 = vector.shape_cast %swap3A_1145 : vector<16xf32> to vector<16xf32>
    %swap3A_1147 = vector.shape_cast %broadcast_in_dim3A_0 : vector<16xf32> to vector<16xf32>
    tpu.vector_store %arg9[%swap3A_1144], %swap3A_1147 {strides = array<i32>} : memref<5120xf32, #tpu.memory_space<vmem>>, vector<16xf32>,
    %swap3A_1148 = arith.constant 4592 : index
    %swap3A_1149 = tpu.vector_load %arg9[%swap3A_1148] {strides = array<i32>} : memref<5120xf32, #tpu.memory_space<vmem>>, vector<16xf32>,
    %swap3A_1150 = vector.shape_cast %swap3A_1149 : vector<16xf32> to vector<16xf32>
    %swap3A_1151 = vector.shape_cast %broadcast_in_dim3A_0 : vector<16xf32> to vector<16xf32>
    tpu.vector_store %arg9[%swap3A_1148], %swap3A_1151 {strides = array<i32>} : memref<5120xf32, #tpu.memory_space<vmem>>, vector<16xf32>,
    %swap3A_1152 = arith.constant 4608 : index
    %swap3A_1153 = tpu.vector_load %arg9[%swap3A_1152] {strides = array<i32>} : memref<5120xf32, #tpu.memory_space<vmem>>, vector<16xf32>,
    %swap3A_1154 = vector.shape_cast %swap3A_1153 : vector<16xf32> to vector<16xf32>
    %swap3A_1155 = vector.shape_cast %broadcast_in_dim3A_0 : vector<16xf32> to vector<16xf32>
    tpu.vector_store %arg9[%swap3A_1152], %swap3A_1155 {strides = array<i32>} : memref<5120xf32, #tpu.memory_space<vmem>>, vector<16xf32>,
    %swap3A_1156 = arith.constant 4624 : index
    %swap3A_1157 = tpu.vector_load %arg9[%swap3A_1156] {strides = array<i32>} : memref<5120xf32, #tpu.memory_space<vmem>>, vector<16xf32>,
    %swap3A_1158 = vector.shape_cast %swap3A_1157 : vector<16xf32> to vector<16xf32>
    %swap3A_1159 = vector.shape_cast %broadcast_in_dim3A_0 : vector<16xf32> to vector<16xf32>
    tpu.vector_store %arg9[%swap3A_1156], %swap3A_1159 {strides = array<i32>} : memref<5120xf32, #tpu.memory_space<vmem>>, vector<16xf32>,
    %swap3A_1160 = arith.constant 4640 : index
    %swap3A_1161 = tpu.vector_load %arg9[%swap3A_1160] {strides = array<i32>} : memref<5120xf32, #tpu.memory_space<vmem>>, vector<16xf32>,
    %swap3A_1162 = vector.shape_cast %swap3A_1161 : vector<16xf32> to vector<16xf32>
    %swap3A_1163 = vector.shape_cast %broadcast_in_dim3A_0 : vector<16xf32> to vector<16xf32>
    tpu.vector_store %arg9[%swap3A_1160], %swap3A_1163 {strides = array<i32>} : memref<5120xf32, #tpu.memory_space<vmem>>, vector<16xf32>,
    %swap3A_1164 = arith.constant 4656 : index
    %swap3A_1165 = tpu.vector_load %arg9[%swap3A_1164] {strides = array<i32>} : memref<5120xf32, #tpu.memory_space<vmem>>, vector<16xf32>,
    %swap3A_1166 = vector.shape_cast %swap3A_1165 : vector<16xf32> to vector<16xf32>
    %swap3A_1167 = vector.shape_cast %broadcast_in_dim3A_0 : vector<16xf32> to vector<16xf32>
    tpu.vector_store %arg9[%swap3A_1164], %swap3A_1167 {strides = array<i32>} : memref<5120xf32, #tpu.memory_space<vmem>>, vector<16xf32>,
    %swap3A_1168 = arith.constant 4672 : index
    %swap3A_1169 = tpu.vector_load %arg9[%swap3A_1168] {strides = array<i32>} : memref<5120xf32, #tpu.memory_space<vmem>>, vector<16xf32>,
    %swap3A_1170 = vector.shape_cast %swap3A_1169 : vector<16xf32> to vector<16xf32>
    %swap3A_1171 = vector.shape_cast %broadcast_in_dim3A_0 : vector<16xf32> to vector<16xf32>
    tpu.vector_store %arg9[%swap3A_1168], %swap3A_1171 {strides = array<i32>} : memref<5120xf32, #tpu.memory_space<vmem>>, vector<16xf32>,
    %swap3A_1172 = arith.constant 4688 : index
    %swap3A_1173 = tpu.vector_load %arg9[%swap3A_1172] {strides = array<i32>} : memref<5120xf32, #tpu.memory_space<vmem>>, vector<16xf32>,
    %swap3A_1174 = vector.shape_cast %swap3A_1173 : vector<16xf32> to vector<16xf32>
    %swap3A_1175 = vector.shape_cast %broadcast_in_dim3A_0 : vector<16xf32> to vector<16xf32>
    tpu.vector_store %arg9[%swap3A_1172], %swap3A_1175 {strides = array<i32>} : memref<5120xf32, #tpu.memory_space<vmem>>, vector<16xf32>,
    %swap3A_1176 = arith.constant 4704 : index
    %swap3A_1177 = tpu.vector_load %arg9[%swap3A_1176] {strides = array<i32>} : memref<5120xf32, #tpu.memory_space<vmem>>, vector<16xf32>,
    %swap3A_1178 = vector.shape_cast %swap3A_1177 : vector<16xf32> to vector<16xf32>
    %swap3A_1179 = vector.shape_cast %broadcast_in_dim3A_0 : vector<16xf32> to vector<16xf32>
    tpu.vector_store %arg9[%swap3A_1176], %swap3A_1179 {strides = array<i32>} : memref<5120xf32, #tpu.memory_space<vmem>>, vector<16xf32>,
    %swap3A_1180 = arith.constant 4720 : index
    %swap3A_1181 = tpu.vector_load %arg9[%swap3A_1180] {strides = array<i32>} : memref<5120xf32, #tpu.memory_space<vmem>>, vector<16xf32>,
    %swap3A_1182 = vector.shape_cast %swap3A_1181 : vector<16xf32> to vector<16xf32>
    %swap3A_1183 = vector.shape_cast %broadcast_in_dim3A_0 : vector<16xf32> to vector<16xf32>
    tpu.vector_store %arg9[%swap3A_1180], %swap3A_1183 {strides = array<i32>} : memref<5120xf32, #tpu.memory_space<vmem>>, vector<16xf32>,
    %swap3A_1184 = arith.constant 4736 : index
    %swap3A_1185 = tpu.vector_load %arg9[%swap3A_1184] {strides = array<i32>} : memref<5120xf32, #tpu.memory_space<vmem>>, vector<16xf32>,
    %swap3A_1186 = vector.shape_cast %swap3A_1185 : vector<16xf32> to vector<16xf32>
    %swap3A_1187 = vector.shape_cast %broadcast_in_dim3A_0 : vector<16xf32> to vector<16xf32>
    tpu.vector_store %arg9[%swap3A_1184], %swap3A_1187 {strides = array<i32>} : memref<5120xf32, #tpu.memory_space<vmem>>, vector<16xf32>,
    %swap3A_1188 = arith.constant 4752 : index
    %swap3A_1189 = tpu.vector_load %arg9[%swap3A_1188] {strides = array<i32>} : memref<5120xf32, #tpu.memory_space<vmem>>, vector<16xf32>,
    %swap3A_1190 = vector.shape_cast %swap3A_1189 : vector<16xf32> to vector<16xf32>
    %swap3A_1191 = vector.shape_cast %broadcast_in_dim3A_0 : vector<16xf32> to vector<16xf32>
    tpu.vector_store %arg9[%swap3A_1188], %swap3A_1191 {strides = array<i32>} : memref<5120xf32, #tpu.memory_space<vmem>>, vector<16xf32>,
    %swap3A_1192 = arith.constant 4768 : index
    %swap3A_1193 = tpu.vector_load %arg9[%swap3A_1192] {strides = array<i32>} : memref<5120xf32, #tpu.memory_space<vmem>>, vector<16xf32>,
    %swap3A_1194 = vector.shape_cast %swap3A_1193 : vector<16xf32> to vector<16xf32>
    %swap3A_1195 = vector.shape_cast %broadcast_in_dim3A_0 : vector<16xf32> to vector<16xf32>
    tpu.vector_store %arg9[%swap3A_1192], %swap3A_1195 {strides = array<i32>} : memref<5120xf32, #tpu.memory_space<vmem>>, vector<16xf32>,
    %swap3A_1196 = arith.constant 4784 : index
    %swap3A_1197 = tpu.vector_load %arg9[%swap3A_1196] {strides = array<i32>} : memref<5120xf32, #tpu.memory_space<vmem>>, vector<16xf32>,
    %swap3A_1198 = vector.shape_cast %swap3A_1197 : vector<16xf32> to vector<16xf32>
    %swap3A_1199 = vector.shape_cast %broadcast_in_dim3A_0 : vector<16xf32> to vector<16xf32>
    tpu.vector_store %arg9[%swap3A_1196], %swap3A_1199 {strides = array<i32>} : memref<5120xf32, #tpu.memory_space<vmem>>, vector<16xf32>,
    %swap3A_1200 = arith.constant 4800 : index
    %swap3A_1201 = tpu.vector_load %arg9[%swap3A_1200] {strides = array<i32>} : memref<5120xf32, #tpu.memory_space<vmem>>, vector<16xf32>,
    %swap3A_1202 = vector.shape_cast %swap3A_1201 : vector<16xf32> to vector<16xf32>
    %swap3A_1203 = vector.shape_cast %broadcast_in_dim3A_0 : vector<16xf32> to vector<16xf32>
    tpu.vector_store %arg9[%swap3A_1200], %swap3A_1203 {strides = array<i32>} : memref<5120xf32, #tpu.memory_space<vmem>>, vector<16xf32>,
    %swap3A_1204 = arith.constant 4816 : index
    %swap3A_1205 = tpu.vector_load %arg9[%swap3A_1204] {strides = array<i32>} : memref<5120xf32, #tpu.memory_space<vmem>>, vector<16xf32>,
    %swap3A_1206 = vector.shape_cast %swap3A_1205 : vector<16xf32> to vector<16xf32>
    %swap3A_1207 = vector.shape_cast %broadcast_in_dim3A_0 : vector<16xf32> to vector<16xf32>
    tpu.vector_store %arg9[%swap3A_1204], %swap3A_1207 {strides = array<i32>} : memref<5120xf32, #tpu.memory_space<vmem>>, vector<16xf32>,
    %swap3A_1208 = arith.constant 4832 : index
    %swap3A_1209 = tpu.vector_load %arg9[%swap3A_1208] {strides = array<i32>} : memref<5120xf32, #tpu.memory_space<vmem>>, vector<16xf32>,
    %swap3A_1210 = vector.shape_cast %swap3A_1209 : vector<16xf32> to vector<16xf32>
    %swap3A_1211 = vector.shape_cast %broadcast_in_dim3A_0 : vector<16xf32> to vector<16xf32>
    tpu.vector_store %arg9[%swap3A_1208], %swap3A_1211 {strides = array<i32>} : memref<5120xf32, #tpu.memory_space<vmem>>, vector<16xf32>,
    %swap3A_1212 = arith.constant 4848 : index
    %swap3A_1213 = tpu.vector_load %arg9[%swap3A_1212] {strides = array<i32>} : memref<5120xf32, #tpu.memory_space<vmem>>, vector<16xf32>,
    %swap3A_1214 = vector.shape_cast %swap3A_1213 : vector<16xf32> to vector<16xf32>
    %swap3A_1215 = vector.shape_cast %broadcast_in_dim3A_0 : vector<16xf32> to vector<16xf32>
    tpu.vector_store %arg9[%swap3A_1212], %swap3A_1215 {strides = array<i32>} : memref<5120xf32, #tpu.memory_space<vmem>>, vector<16xf32>,
    %swap3A_1216 = arith.constant 4864 : index
    %swap3A_1217 = tpu.vector_load %arg9[%swap3A_1216] {strides = array<i32>} : memref<5120xf32, #tpu.memory_space<vmem>>, vector<16xf32>,
    %swap3A_1218 = vector.shape_cast %swap3A_1217 : vector<16xf32> to vector<16xf32>
    %swap3A_1219 = vector.shape_cast %broadcast_in_dim3A_0 : vector<16xf32> to vector<16xf32>
    tpu.vector_store %arg9[%swap3A_1216], %swap3A_1219 {strides = array<i32>} : memref<5120xf32, #tpu.memory_space<vmem>>, vector<16xf32>,
    %swap3A_1220 = arith.constant 4880 : index
    %swap3A_1221 = tpu.vector_load %arg9[%swap3A_1220] {strides = array<i32>} : memref<5120xf32, #tpu.memory_space<vmem>>, vector<16xf32>,
    %swap3A_1222 = vector.shape_cast %swap3A_1221 : vector<16xf32> to vector<16xf32>
    %swap3A_1223 = vector.shape_cast %broadcast_in_dim3A_0 : vector<16xf32> to vector<16xf32>
    tpu.vector_store %arg9[%swap3A_1220], %swap3A_1223 {strides = array<i32>} : memref<5120xf32, #tpu.memory_space<vmem>>, vector<16xf32>,
    %swap3A_1224 = arith.constant 4896 : index
    %swap3A_1225 = tpu.vector_load %arg9[%swap3A_1224] {strides = array<i32>} : memref<5120xf32, #tpu.memory_space<vmem>>, vector<16xf32>,
    %swap3A_1226 = vector.shape_cast %swap3A_1225 : vector<16xf32> to vector<16xf32>
    %swap3A_1227 = vector.shape_cast %broadcast_in_dim3A_0 : vector<16xf32> to vector<16xf32>
    tpu.vector_store %arg9[%swap3A_1224], %swap3A_1227 {strides = array<i32>} : memref<5120xf32, #tpu.memory_space<vmem>>, vector<16xf32>,
    %swap3A_1228 = arith.constant 4912 : index
    %swap3A_1229 = tpu.vector_load %arg9[%swap3A_1228] {strides = array<i32>} : memref<5120xf32, #tpu.memory_space<vmem>>, vector<16xf32>,
    %swap3A_1230 = vector.shape_cast %swap3A_1229 : vector<16xf32> to vector<16xf32>
    %swap3A_1231 = vector.shape_cast %broadcast_in_dim3A_0 : vector<16xf32> to vector<16xf32>
    tpu.vector_store %arg9[%swap3A_1228], %swap3A_1231 {strides = array<i32>} : memref<5120xf32, #tpu.memory_space<vmem>>, vector<16xf32>,
    %swap3A_1232 = arith.constant 4928 : index
    %swap3A_1233 = tpu.vector_load %arg9[%swap3A_1232] {strides = array<i32>} : memref<5120xf32, #tpu.memory_space<vmem>>, vector<16xf32>,
    %swap3A_1234 = vector.shape_cast %swap3A_1233 : vector<16xf32> to vector<16xf32>
    %swap3A_1235 = vector.shape_cast %broadcast_in_dim3A_0 : vector<16xf32> to vector<16xf32>
    tpu.vector_store %arg9[%swap3A_1232], %swap3A_1235 {strides = array<i32>} : memref<5120xf32, #tpu.memory_space<vmem>>, vector<16xf32>,
    %swap3A_1236 = arith.constant 4944 : index
    %swap3A_1237 = tpu.vector_load %arg9[%swap3A_1236] {strides = array<i32>} : memref<5120xf32, #tpu.memory_space<vmem>>, vector<16xf32>,
    %swap3A_1238 = vector.shape_cast %swap3A_1237 : vector<16xf32> to vector<16xf32>
    %swap3A_1239 = vector.shape_cast %broadcast_in_dim3A_0 : vector<16xf32> to vector<16xf32>
    tpu.vector_store %arg9[%swap3A_1236], %swap3A_1239 {strides = array<i32>} : memref<5120xf32, #tpu.memory_space<vmem>>, vector<16xf32>,
    %swap3A_1240 = arith.constant 4960 : index
    %swap3A_1241 = tpu.vector_load %arg9[%swap3A_1240] {strides = array<i32>} : memref<5120xf32, #tpu.memory_space<vmem>>, vector<16xf32>,
    %swap3A_1242 = vector.shape_cast %swap3A_1241 : vector<16xf32> to vector<16xf32>
    %swap3A_1243 = vector.shape_cast %broadcast_in_dim3A_0 : vector<16xf32> to vector<16xf32>
    tpu.vector_store %arg9[%swap3A_1240], %swap3A_1243 {strides = array<i32>} : memref<5120xf32, #tpu.memory_space<vmem>>, vector<16xf32>,
    %swap3A_1244 = arith.constant 4976 : index
    %swap3A_1245 = tpu.vector_load %arg9[%swap3A_1244] {strides = array<i32>} : memref<5120xf32, #tpu.memory_space<vmem>>, vector<16xf32>,
    %swap3A_1246 = vector.shape_cast %swap3A_1245 : vector<16xf32> to vector<16xf32>
    %swap3A_1247 = vector.shape_cast %broadcast_in_dim3A_0 : vector<16xf32> to vector<16xf32>
    tpu.vector_store %arg9[%swap3A_1244], %swap3A_1247 {strides = array<i32>} : memref<5120xf32, #tpu.memory_space<vmem>>, vector<16xf32>,
    %swap3A_1248 = arith.constant 4992 : index
    %swap3A_1249 = tpu.vector_load %arg9[%swap3A_1248] {strides = array<i32>} : memref<5120xf32, #tpu.memory_space<vmem>>, vector<16xf32>,
    %swap3A_1250 = vector.shape_cast %swap3A_1249 : vector<16xf32> to vector<16xf32>
    %swap3A_1251 = vector.shape_cast %broadcast_in_dim3A_0 : vector<16xf32> to vector<16xf32>
    tpu.vector_store %arg9[%swap3A_1248], %swap3A_1251 {strides = array<i32>} : memref<5120xf32, #tpu.memory_space<vmem>>, vector<16xf32>,
    %swap3A_1252 = arith.constant 5008 : index
    %swap3A_1253 = tpu.vector_load %arg9[%swap3A_1252] {strides = array<i32>} : memref<5120xf32, #tpu.memory_space<vmem>>, vector<16xf32>,
    %swap3A_1254 = vector.shape_cast %swap3A_1253 : vector<16xf32> to vector<16xf32>
    %swap3A_1255 = vector.shape_cast %broadcast_in_dim3A_0 : vector<16xf32> to vector<16xf32>
    tpu.vector_store %arg9[%swap3A_1252], %swap3A_1255 {strides = array<i32>} : memref<5120xf32, #tpu.memory_space<vmem>>, vector<16xf32>,
    %swap3A_1256 = arith.constant 5024 : index
    %swap3A_1257 = tpu.vector_load %arg9[%swap3A_1256] {strides = array<i32>} : memref<5120xf32, #tpu.memory_space<vmem>>, vector<16xf32>,
    %swap3A_1258 = vector.shape_cast %swap3A_1257 : vector<16xf32> to vector<16xf32>
    %swap3A_1259 = vector.shape_cast %broadcast_in_dim3A_0 : vector<16xf32> to vector<16xf32>
    tpu.vector_store %arg9[%swap3A_1256], %swap3A_1259 {strides = array<i32>} : memref<5120xf32, #tpu.memory_space<vmem>>, vector<16xf32>,
    %swap3A_1260 = arith.constant 5040 : index
    %swap3A_1261 = tpu.vector_load %arg9[%swap3A_1260] {strides = array<i32>} : memref<5120xf32, #tpu.memory_space<vmem>>, vector<16xf32>,
    %swap3A_1262 = vector.shape_cast %swap3A_1261 : vector<16xf32> to vector<16xf32>
    %swap3A_1263 = vector.shape_cast %broadcast_in_dim3A_0 : vector<16xf32> to vector<16xf32>
    tpu.vector_store %arg9[%swap3A_1260], %swap3A_1263 {strides = array<i32>} : memref<5120xf32, #tpu.memory_space<vmem>>, vector<16xf32>,
    %swap3A_1264 = arith.constant 5056 : index
    %swap3A_1265 = tpu.vector_load %arg9[%swap3A_1264] {strides = array<i32>} : memref<5120xf32, #tpu.memory_space<vmem>>, vector<16xf32>,
    %swap3A_1266 = vector.shape_cast %swap3A_1265 : vector<16xf32> to vector<16xf32>
    %swap3A_1267 = vector.shape_cast %broadcast_in_dim3A_0 : vector<16xf32> to vector<16xf32>
    tpu.vector_store %arg9[%swap3A_1264], %swap3A_1267 {strides = array<i32>} : memref<5120xf32, #tpu.memory_space<vmem>>, vector<16xf32>,
    %swap3A_1268 = arith.constant 5072 : index
    %swap3A_1269 = tpu.vector_load %arg9[%swap3A_1268] {strides = array<i32>} : memref<5120xf32, #tpu.memory_space<vmem>>, vector<16xf32>,
    %swap3A_1270 = vector.shape_cast %swap3A_1269 : vector<16xf32> to vector<16xf32>
    %swap3A_1271 = vector.shape_cast %broadcast_in_dim3A_0 : vector<16xf32> to vector<16xf32>
    tpu.vector_store %arg9[%swap3A_1268], %swap3A_1271 {strides = array<i32>} : memref<5120xf32, #tpu.memory_space<vmem>>, vector<16xf32>,
    %swap3A_1272 = arith.constant 5088 : index
    %swap3A_1273 = tpu.vector_load %arg9[%swap3A_1272] {strides = array<i32>} : memref<5120xf32, #tpu.memory_space<vmem>>, vector<16xf32>,
    %swap3A_1274 = vector.shape_cast %swap3A_1273 : vector<16xf32> to vector<16xf32>
    %swap3A_1275 = vector.shape_cast %broadcast_in_dim3A_0 : vector<16xf32> to vector<16xf32>
    tpu.vector_store %arg9[%swap3A_1272], %swap3A_1275 {strides = array<i32>} : memref<5120xf32, #tpu.memory_space<vmem>>, vector<16xf32>,
    %swap3A_1276 = arith.constant 5104 : index
    %swap3A_1277 = tpu.vector_load %arg9[%swap3A_1276] {strides = array<i32>} : memref<5120xf32, #tpu.memory_space<vmem>>, vector<16xf32>,
    %swap3A_1278 = vector.shape_cast %swap3A_1277 : vector<16xf32> to vector<16xf32>
    %swap3A_1279 = vector.shape_cast %broadcast_in_dim3A_0 : vector<16xf32> to vector<16xf32>
    tpu.vector_store %arg9[%swap3A_1276], %swap3A_1279 {strides = array<i32>} : memref<5120xf32, #tpu.memory_space<vmem>>, vector<16xf32>,
    %add3A = arith.constant 1.000000e+00 : f32
    %add3A_1280 = vector.broadcast %add3A : f32 to vector<16xf32>
    %add3A_1281 = arith.addf %broadcast_in_dim3A_0, %add3A_1280 : vector<16xf32>
    %swap3A_1282 = arith.constant 0 : index
    %swap3A_1283 = tpu.vector_load %arg8[%swap3A_1282] {strides = array<i32>} : memref<128xf32, #tpu.memory_space<vmem>>, vector<16xf32>,
    %swap3A_1284 = vector.shape_cast %swap3A_1283 : vector<16xf32> to vector<16xf32>
    %swap3A_1285 = vector.shape_cast %add3A_1281 : vector<16xf32> to vector<16xf32>
    tpu.vector_store %arg8[%swap3A_1282], %swap3A_1285 {strides = array<i32>} : memref<128xf32, #tpu.memory_space<vmem>>, vector<16xf32>,
    %add3A_1286 = arith.constant 1.000000e+00 : f32
    %add3A_1287 = vector.broadcast %add3A_1286 : f32 to vector<16xf32>
    %add3A_1288 = arith.addf %broadcast_in_dim3A_0, %add3A_1287 : vector<16xf32>
    %swap3A_1289 = arith.constant 16 : index
    %swap3A_1290 = tpu.vector_load %arg8[%swap3A_1289] {strides = array<i32>} : memref<128xf32, #tpu.memory_space<vmem>>, vector<16xf32>,
    %swap3A_1291 = vector.shape_cast %swap3A_1290 : vector<16xf32> to vector<16xf32>
    %swap3A_1292 = vector.shape_cast %add3A_1288 : vector<16xf32> to vector<16xf32>
    tpu.vector_store %arg8[%swap3A_1289], %swap3A_1292 {strides = array<i32>} : memref<128xf32, #tpu.memory_space<vmem>>, vector<16xf32>,
    %add3A_1293 = arith.constant 1.000000e+00 : f32
    %add3A_1294 = vector.broadcast %add3A_1293 : f32 to vector<16xf32>
    %add3A_1295 = arith.addf %broadcast_in_dim3A_0, %add3A_1294 : vector<16xf32>
    %swap3A_1296 = arith.constant 32 : index
    %swap3A_1297 = tpu.vector_load %arg8[%swap3A_1296] {strides = array<i32>} : memref<128xf32, #tpu.memory_space<vmem>>, vector<16xf32>,
    %swap3A_1298 = vector.shape_cast %swap3A_1297 : vector<16xf32> to vector<16xf32>
    %swap3A_1299 = vector.shape_cast %add3A_1295 : vector<16xf32> to vector<16xf32>
    tpu.vector_store %arg8[%swap3A_1296], %swap3A_1299 {strides = array<i32>} : memref<128xf32, #tpu.memory_space<vmem>>, vector<16xf32>,
    %add3A_1300 = arith.constant 1.000000e+00 : f32
    %add3A_1301 = vector.broadcast %add3A_1300 : f32 to vector<16xf32>
    %add3A_1302 = arith.addf %broadcast_in_dim3A_0, %add3A_1301 : vector<16xf32>
    %swap3A_1303 = arith.constant 48 : index
    %swap3A_1304 = tpu.vector_load %arg8[%swap3A_1303] {strides = array<i32>} : memref<128xf32, #tpu.memory_space<vmem>>, vector<16xf32>,
    %swap3A_1305 = vector.shape_cast %swap3A_1304 : vector<16xf32> to vector<16xf32>
    %swap3A_1306 = vector.shape_cast %add3A_1302 : vector<16xf32> to vector<16xf32>
    tpu.vector_store %arg8[%swap3A_1303], %swap3A_1306 {strides = array<i32>} : memref<128xf32, #tpu.memory_space<vmem>>, vector<16xf32>,
    %add3A_1307 = arith.constant 1.000000e+00 : f32
    %add3A_1308 = vector.broadcast %add3A_1307 : f32 to vector<16xf32>
    %add3A_1309 = arith.addf %broadcast_in_dim3A_0, %add3A_1308 : vector<16xf32>
    %swap3A_1310 = arith.constant 64 : index
    %swap3A_1311 = tpu.vector_load %arg8[%swap3A_1310] {strides = array<i32>} : memref<128xf32, #tpu.memory_space<vmem>>, vector<16xf32>,
    %swap3A_1312 = vector.shape_cast %swap3A_1311 : vector<16xf32> to vector<16xf32>
    %swap3A_1313 = vector.shape_cast %add3A_1309 : vector<16xf32> to vector<16xf32>
    tpu.vector_store %arg8[%swap3A_1310], %swap3A_1313 {strides = array<i32>} : memref<128xf32, #tpu.memory_space<vmem>>, vector<16xf32>,
    %add3A_1314 = arith.constant 1.000000e+00 : f32
    %add3A_1315 = vector.broadcast %add3A_1314 : f32 to vector<16xf32>
    %add3A_1316 = arith.addf %broadcast_in_dim3A_0, %add3A_1315 : vector<16xf32>
    %swap3A_1317 = arith.constant 80 : index
    %swap3A_1318 = tpu.vector_load %arg8[%swap3A_1317] {strides = array<i32>} : memref<128xf32, #tpu.memory_space<vmem>>, vector<16xf32>,
    %swap3A_1319 = vector.shape_cast %swap3A_1318 : vector<16xf32> to vector<16xf32>
    %swap3A_1320 = vector.shape_cast %add3A_1316 : vector<16xf32> to vector<16xf32>
    tpu.vector_store %arg8[%swap3A_1317], %swap3A_1320 {strides = array<i32>} : memref<128xf32, #tpu.memory_space<vmem>>, vector<16xf32>,
    %add3A_1321 = arith.constant 1.000000e+00 : f32
    %add3A_1322 = vector.broadcast %add3A_1321 : f32 to vector<16xf32>
    %add3A_1323 = arith.addf %broadcast_in_dim3A_0, %add3A_1322 : vector<16xf32>
    %swap3A_1324 = arith.constant 96 : index
    %swap3A_1325 = tpu.vector_load %arg8[%swap3A_1324] {strides = array<i32>} : memref<128xf32, #tpu.memory_space<vmem>>, vector<16xf32>,
    %swap3A_1326 = vector.shape_cast %swap3A_1325 : vector<16xf32> to vector<16xf32>
    %swap3A_1327 = vector.shape_cast %add3A_1323 : vector<16xf32> to vector<16xf32>
    tpu.vector_store %arg8[%swap3A_1324], %swap3A_1327 {strides = array<i32>} : memref<128xf32, #tpu.memory_space<vmem>>, vector<16xf32>,
    %add3A_1328 = arith.constant 1.000000e+00 : f32
    %add3A_1329 = vector.broadcast %add3A_1328 : f32 to vector<16xf32>
    %add3A_1330 = arith.addf %broadcast_in_dim3A_0, %add3A_1329 : vector<16xf32>
    %swap3A_1331 = arith.constant 112 : index
    %swap3A_1332 = tpu.vector_load %arg8[%swap3A_1331] {strides = array<i32>} : memref<128xf32, #tpu.memory_space<vmem>>, vector<16xf32>,
    %swap3A_1333 = vector.shape_cast %swap3A_1332 : vector<16xf32> to vector<16xf32>
    %swap3A_1334 = vector.shape_cast %add3A_1330 : vector<16xf32> to vector<16xf32>
    tpu.vector_store %arg8[%swap3A_1331], %swap3A_1334 {strides = array<i32>} : memref<128xf32, #tpu.memory_space<vmem>>, vector<16xf32>,
    %mul3A = arith.constant 81920 : i32
    %mul3A_1335 = arith.muli %arg0, %mul3A : i32
    %mul3A_1336 = arith.constant 5120 : i32
    %mul3A_1337 = arith.muli %arg1, %mul3A_1336 : i32
    %add3A_1338 = arith.addi %mul3A_1335, %mul3A_1337 : i32
    %add3A_1339 = arith.constant 0 : i32
    %add3A_1340 = arith.addi %add3A_1338, %add3A_1339 : i32
    %dma_start3A = tpu.memref_slice %arg2[%add3A_1340] : memref<163840xi32, #tpu.memory_space<hbm>> -> memref<128xi32, #tpu.memory_space<hbm>>
    %dma_start3A_1341 = tpu.memref_slice %arg2[%add3A_1340] : memref<163840xi32, #tpu.memory_space<hbm>> -> memref<128xi32, #tpu.memory_space<hbm>>
    tpu.enqueue_dma source(%dma_start3A_1341 : memref<128xi32, #tpu.memory_space<hbm>>) target(%arg4 : memref<128xi32, #tpu.memory_space<vmem>>) target_semaphore(%arg11 : memref<!tpu.dma_semaphore, #tpu.memory_space<semaphore_mem>>)
    %mul3A_1342 = arith.constant 81920 : i32
    %mul3A_1343 = arith.muli %arg0, %mul3A_1342 : i32
    %mul3A_1344 = arith.constant 5120 : i32
    %mul3A_1345 = arith.muli %arg1, %mul3A_1344 : i32
    %add3A_1346 = arith.addi %mul3A_1343, %mul3A_1345 : i32
    %add3A_1347 = arith.constant 128 : i32
    %add3A_1348 = arith.addi %add3A_1346, %add3A_1347 : i32
    %dma_start3A_1349 = tpu.memref_slice %arg2[%add3A_1348] : memref<163840xi32, #tpu.memory_space<hbm>> -> memref<128xi32, #tpu.memory_space<hbm>>
    %dma_start3A_1350 = tpu.memref_slice %arg2[%add3A_1348] : memref<163840xi32, #tpu.memory_space<hbm>> -> memref<128xi32, #tpu.memory_space<hbm>>
    tpu.enqueue_dma source(%dma_start3A_1350 : memref<128xi32, #tpu.memory_space<hbm>>) target(%arg5 : memref<128xi32, #tpu.memory_space<vmem>>) target_semaphore(%arg12 : memref<!tpu.dma_semaphore, #tpu.memory_space<semaphore_mem>>)
    %mul3A_1351 = arith.constant 81920 : i32
    %mul3A_1352 = arith.muli %arg0, %mul3A_1351 : i32
    %mul3A_1353 = arith.constant 5120 : i32
    %mul3A_1354 = arith.muli %arg1, %mul3A_1353 : i32
    %add3A_1355 = arith.addi %mul3A_1352, %mul3A_1354 : i32
    %add3A_1356 = arith.constant 256 : i32
    %add3A_1357 = arith.addi %add3A_1355, %add3A_1356 : i32
    %dma_start3A_1358 = tpu.memref_slice %arg2[%add3A_1357] : memref<163840xi32, #tpu.memory_space<hbm>> -> memref<128xi32, #tpu.memory_space<hbm>>
    %dma_start3A_1359 = tpu.memref_slice %arg2[%add3A_1357] : memref<163840xi32, #tpu.memory_space<hbm>> -> memref<128xi32, #tpu.memory_space<hbm>>
    tpu.enqueue_dma source(%dma_start3A_1359 : memref<128xi32, #tpu.memory_space<hbm>>) target(%arg6 : memref<128xi32, #tpu.memory_space<vmem>>) target_semaphore(%arg13 : memref<!tpu.dma_semaphore, #tpu.memory_space<semaphore_mem>>)
    %mul3A_1360 = arith.constant 640 : i32
    %mul3A_1361 = arith.muli %arg1, %mul3A_1360 : i32
    %mul3A_1362 = arith.constant 8 : i32
    %mul3A_1363 = arith.muli %mul3A_1361, %mul3A_1362 : i32
    "tpu.region"() ({
      %run_scoped3A = tpu.sem_alloc : memref<!tpu.dma_semaphore, #tpu.memory_space<semaphore_mem>>
      %dma_start3A_1470 = tpu.memref_slice %arg10[%mul3A_1363] : memref<81920xf32, #tpu.memory_space<vmem_shared>> -> memref<5120xf32, #tpu.memory_space<vmem_shared>>
      %dma_start3A_1471 = tpu.memref_slice %arg10[%mul3A_1363] : memref<81920xf32, #tpu.memory_space<vmem_shared>> -> memref<5120xf32, #tpu.memory_space<vmem_shared>>
      tpu.enqueue_dma source(%arg9 : memref<5120xf32, #tpu.memory_space<vmem>>) target(%dma_start3A_1471 : memref<5120xf32, #tpu.memory_space<vmem_shared>>) target_semaphore(%run_scoped3A : memref<!tpu.dma_semaphore, #tpu.memory_space<semaphore_mem>>)
      %dma_wait3A_1472 = tpu.memref_slice %arg10[%mul3A_1363] : memref<81920xf32, #tpu.memory_space<vmem_shared>> -> memref<5120xf32, #tpu.memory_space<vmem_shared>>
      %dma_wait3A_1473 = tpu.memref_slice %arg10[%mul3A_1363] : memref<81920xf32, #tpu.memory_space<vmem_shared>> -> memref<5120xf32, #tpu.memory_space<vmem_shared>>
      tpu.wait_dma2 semaphore(%run_scoped3A : memref<!tpu.dma_semaphore, #tpu.memory_space<semaphore_mem>>) src(%arg9 : memref<5120xf32, #tpu.memory_space<vmem>>) dst(%dma_wait3A_1473 : memref<5120xf32, #tpu.memory_space<vmem_shared>>)
      tpu.yield
    }) : () -> ()
    %barrier3A = arith.constant 0 : index
    tpu.barrier barrier_id(%barrier3A)
    %iota3A = tpu.iota {dimensions = array<i32: 0>} : vector<16xi32>
    %and3A = arith.constant 7 : i32
    %and3A_1364 = vector.broadcast %and3A : i32 to vector<16xi32>
    %and3A_1365 = arith.andi %iota3A, %and3A_1364 : vector<16xi32>
    %scan3A = arith.constant 0 : i32
    %scan3A_1366 = arith.constant 13 : i32
    %scan3A_1367 = arith.addi %scan3A, %scan3A_1366 : i32
    %scan3A_1368 = arith.constant 1 : i32
    scf.for %scan3A_1470 = %scan3A to %scan3A_1367 step %scan3A_1368  : i32 {
      %mul3A_1471 = arith.constant 3 : i32
      %mul3A_1472 = arith.muli %scan3A_1470, %mul3A_1471 : i32
      %add3A_1473 = arith.constant 0 : i32
      %add3A_1474 = arith.addi %mul3A_1472, %add3A_1473 : i32
      %mul3A_1475 = arith.constant 81920 : i32
      %mul3A_1476 = arith.muli %arg0, %mul3A_1475 : i32
      %mul3A_1477 = arith.constant 5120 : i32
      %mul3A_1478 = arith.muli %arg1, %mul3A_1477 : i32
      %add3A_1479 = arith.addi %mul3A_1476, %mul3A_1478 : i32
      %mul3A_1480 = arith.constant 128 : i32
      %mul3A_1481 = arith.muli %add3A_1474, %mul3A_1480 : i32
      %add3A_1482 = arith.addi %add3A_1479, %mul3A_1481 : i32
      %dma_wait3A_1483 = tpu.memref_slice %arg2[%add3A_1482] : memref<163840xi32, #tpu.memory_space<hbm>> -> memref<128xi32, #tpu.memory_space<hbm>>
      %dma_wait3A_1484 = tpu.memref_slice %arg2[%add3A_1482] : memref<163840xi32, #tpu.memory_space<hbm>> -> memref<128xi32, #tpu.memory_space<hbm>>
      tpu.wait_dma2 semaphore(%arg11 : memref<!tpu.dma_semaphore, #tpu.memory_space<semaphore_mem>>) src(%dma_wait3A_1484 : memref<128xi32, #tpu.memory_space<hbm>>) dst(%arg4 : memref<128xi32, #tpu.memory_space<vmem>>)
      %get3A_1485 = arith.constant 0 : index
      %get3A_1486 = tpu.vector_load %arg4[%get3A_1485] {strides = array<i32>} : memref<128xi32, #tpu.memory_space<vmem>>, vector<16xi32>,
      %get3A_1487 = vector.shape_cast %get3A_1486 : vector<16xi32> to vector<16xi32>
      %mul3A_1488 = arith.constant 8 : i32
      %mul3A_1489 = vector.broadcast %mul3A_1488 : i32 to vector<16xi32>
      %mul3A_1490 = arith.muli %get3A_1487, %mul3A_1489 : vector<16xi32>
      %add3A_1491 = arith.addi %mul3A_1490, %and3A_1365 : vector<16xi32>
      %swap3A_1492 = arith.constant 0 : index
      %swap3A_1493 = tpu.vector_load %arg7[%swap3A_1492] {strides = array<i32>} : memref<128xi32, #tpu.memory_space<vmem>>, vector<16xi32>,
      %swap3A_1494 = vector.shape_cast %swap3A_1493 : vector<16xi32> to vector<16xi32>
      %swap3A_1495 = vector.shape_cast %add3A_1491 : vector<16xi32> to vector<16xi32>
      tpu.vector_store %arg7[%swap3A_1492], %swap3A_1495 {strides = array<i32>} : memref<128xi32, #tpu.memory_space<vmem>>, vector<16xi32>,
      %get3A_1496 = arith.constant 16 : index
      %get3A_1497 = tpu.vector_load %arg4[%get3A_1496] {strides = array<i32>} : memref<128xi32, #tpu.memory_space<vmem>>, vector<16xi32>,
      %get3A_1498 = vector.shape_cast %get3A_1497 : vector<16xi32> to vector<16xi32>
      %mul3A_1499 = arith.constant 8 : i32
      %mul3A_1500 = vector.broadcast %mul3A_1499 : i32 to vector<16xi32>
      %mul3A_1501 = arith.muli %get3A_1498, %mul3A_1500 : vector<16xi32>
      %add3A_1502 = arith.addi %mul3A_1501, %and3A_1365 : vector<16xi32>
      %swap3A_1503 = arith.constant 16 : index
      %swap3A_1504 = tpu.vector_load %arg7[%swap3A_1503] {strides = array<i32>} : memref<128xi32, #tpu.memory_space<vmem>>, vector<16xi32>,
      %swap3A_1505 = vector.shape_cast %swap3A_1504 : vector<16xi32> to vector<16xi32>
      %swap3A_1506 = vector.shape_cast %add3A_1502 : vector<16xi32> to vector<16xi32>
      tpu.vector_store %arg7[%swap3A_1503], %swap3A_1506 {strides = array<i32>} : memref<128xi32, #tpu.memory_space<vmem>>, vector<16xi32>,
      %get3A_1507 = arith.constant 32 : index
      %get3A_1508 = tpu.vector_load %arg4[%get3A_1507] {strides = array<i32>} : memref<128xi32, #tpu.memory_space<vmem>>, vector<16xi32>,
      %get3A_1509 = vector.shape_cast %get3A_1508 : vector<16xi32> to vector<16xi32>
      %mul3A_1510 = arith.constant 8 : i32
      %mul3A_1511 = vector.broadcast %mul3A_1510 : i32 to vector<16xi32>
      %mul3A_1512 = arith.muli %get3A_1509, %mul3A_1511 : vector<16xi32>
      %add3A_1513 = arith.addi %mul3A_1512, %and3A_1365 : vector<16xi32>
      %swap3A_1514 = arith.constant 32 : index
      %swap3A_1515 = tpu.vector_load %arg7[%swap3A_1514] {strides = array<i32>} : memref<128xi32, #tpu.memory_space<vmem>>, vector<16xi32>,
      %swap3A_1516 = vector.shape_cast %swap3A_1515 : vector<16xi32> to vector<16xi32>
      %swap3A_1517 = vector.shape_cast %add3A_1513 : vector<16xi32> to vector<16xi32>
      tpu.vector_store %arg7[%swap3A_1514], %swap3A_1517 {strides = array<i32>} : memref<128xi32, #tpu.memory_space<vmem>>, vector<16xi32>,
      %get3A_1518 = arith.constant 48 : index
      %get3A_1519 = tpu.vector_load %arg4[%get3A_1518] {strides = array<i32>} : memref<128xi32, #tpu.memory_space<vmem>>, vector<16xi32>,
      %get3A_1520 = vector.shape_cast %get3A_1519 : vector<16xi32> to vector<16xi32>
      %mul3A_1521 = arith.constant 8 : i32
      %mul3A_1522 = vector.broadcast %mul3A_1521 : i32 to vector<16xi32>
      %mul3A_1523 = arith.muli %get3A_1520, %mul3A_1522 : vector<16xi32>
      %add3A_1524 = arith.addi %mul3A_1523, %and3A_1365 : vector<16xi32>
      %swap3A_1525 = arith.constant 48 : index
      %swap3A_1526 = tpu.vector_load %arg7[%swap3A_1525] {strides = array<i32>} : memref<128xi32, #tpu.memory_space<vmem>>, vector<16xi32>,
      %swap3A_1527 = vector.shape_cast %swap3A_1526 : vector<16xi32> to vector<16xi32>
      %swap3A_1528 = vector.shape_cast %add3A_1524 : vector<16xi32> to vector<16xi32>
      tpu.vector_store %arg7[%swap3A_1525], %swap3A_1528 {strides = array<i32>} : memref<128xi32, #tpu.memory_space<vmem>>, vector<16xi32>,
      %get3A_1529 = arith.constant 64 : index
      %get3A_1530 = tpu.vector_load %arg4[%get3A_1529] {strides = array<i32>} : memref<128xi32, #tpu.memory_space<vmem>>, vector<16xi32>,
      %get3A_1531 = vector.shape_cast %get3A_1530 : vector<16xi32> to vector<16xi32>
      %mul3A_1532 = arith.constant 8 : i32
      %mul3A_1533 = vector.broadcast %mul3A_1532 : i32 to vector<16xi32>
      %mul3A_1534 = arith.muli %get3A_1531, %mul3A_1533 : vector<16xi32>
      %add3A_1535 = arith.addi %mul3A_1534, %and3A_1365 : vector<16xi32>
      %swap3A_1536 = arith.constant 64 : index
      %swap3A_1537 = tpu.vector_load %arg7[%swap3A_1536] {strides = array<i32>} : memref<128xi32, #tpu.memory_space<vmem>>, vector<16xi32>,
      %swap3A_1538 = vector.shape_cast %swap3A_1537 : vector<16xi32> to vector<16xi32>
      %swap3A_1539 = vector.shape_cast %add3A_1535 : vector<16xi32> to vector<16xi32>
      tpu.vector_store %arg7[%swap3A_1536], %swap3A_1539 {strides = array<i32>} : memref<128xi32, #tpu.memory_space<vmem>>, vector<16xi32>,
      %get3A_1540 = arith.constant 80 : index
      %get3A_1541 = tpu.vector_load %arg4[%get3A_1540] {strides = array<i32>} : memref<128xi32, #tpu.memory_space<vmem>>, vector<16xi32>,
      %get3A_1542 = vector.shape_cast %get3A_1541 : vector<16xi32> to vector<16xi32>
      %mul3A_1543 = arith.constant 8 : i32
      %mul3A_1544 = vector.broadcast %mul3A_1543 : i32 to vector<16xi32>
      %mul3A_1545 = arith.muli %get3A_1542, %mul3A_1544 : vector<16xi32>
      %add3A_1546 = arith.addi %mul3A_1545, %and3A_1365 : vector<16xi32>
      %swap3A_1547 = arith.constant 80 : index
      %swap3A_1548 = tpu.vector_load %arg7[%swap3A_1547] {strides = array<i32>} : memref<128xi32, #tpu.memory_space<vmem>>, vector<16xi32>,
      %swap3A_1549 = vector.shape_cast %swap3A_1548 : vector<16xi32> to vector<16xi32>
      %swap3A_1550 = vector.shape_cast %add3A_1546 : vector<16xi32> to vector<16xi32>
      tpu.vector_store %arg7[%swap3A_1547], %swap3A_1550 {strides = array<i32>} : memref<128xi32, #tpu.memory_space<vmem>>, vector<16xi32>,
      %get3A_1551 = arith.constant 96 : index
      %get3A_1552 = tpu.vector_load %arg4[%get3A_1551] {strides = array<i32>} : memref<128xi32, #tpu.memory_space<vmem>>, vector<16xi32>,
      %get3A_1553 = vector.shape_cast %get3A_1552 : vector<16xi32> to vector<16xi32>
      %mul3A_1554 = arith.constant 8 : i32
      %mul3A_1555 = vector.broadcast %mul3A_1554 : i32 to vector<16xi32>
      %mul3A_1556 = arith.muli %get3A_1553, %mul3A_1555 : vector<16xi32>
      %add3A_1557 = arith.addi %mul3A_1556, %and3A_1365 : vector<16xi32>
      %swap3A_1558 = arith.constant 96 : index
      %swap3A_1559 = tpu.vector_load %arg7[%swap3A_1558] {strides = array<i32>} : memref<128xi32, #tpu.memory_space<vmem>>, vector<16xi32>,
      %swap3A_1560 = vector.shape_cast %swap3A_1559 : vector<16xi32> to vector<16xi32>
      %swap3A_1561 = vector.shape_cast %add3A_1557 : vector<16xi32> to vector<16xi32>
      tpu.vector_store %arg7[%swap3A_1558], %swap3A_1561 {strides = array<i32>} : memref<128xi32, #tpu.memory_space<vmem>>, vector<16xi32>,
      %get3A_1562 = arith.constant 112 : index
      %get3A_1563 = tpu.vector_load %arg4[%get3A_1562] {strides = array<i32>} : memref<128xi32, #tpu.memory_space<vmem>>, vector<16xi32>,
      %get3A_1564 = vector.shape_cast %get3A_1563 : vector<16xi32> to vector<16xi32>
      %mul3A_1565 = arith.constant 8 : i32
      %mul3A_1566 = vector.broadcast %mul3A_1565 : i32 to vector<16xi32>
      %mul3A_1567 = arith.muli %get3A_1564, %mul3A_1566 : vector<16xi32>
      %add3A_1568 = arith.addi %mul3A_1567, %and3A_1365 : vector<16xi32>
      %swap3A_1569 = arith.constant 112 : index
      %swap3A_1570 = tpu.vector_load %arg7[%swap3A_1569] {strides = array<i32>} : memref<128xi32, #tpu.memory_space<vmem>>, vector<16xi32>,
      %swap3A_1571 = vector.shape_cast %swap3A_1570 : vector<16xi32> to vector<16xi32>
      %swap3A_1572 = vector.shape_cast %add3A_1568 : vector<16xi32> to vector<16xi32>
      tpu.vector_store %arg7[%swap3A_1569], %swap3A_1572 {strides = array<i32>} : memref<128xi32, #tpu.memory_space<vmem>>, vector<16xi32>,
      %add3A_1573 = arith.constant 3 : i32
      %add3A_1574 = arith.addi %add3A_1474, %add3A_1573 : i32
      %lt3A = arith.constant 40 : i32
      %lt3A_1575 = arith.cmpi slt, %add3A_1574, %lt3A : i32
      %convert_element_type3A = arith.extui %lt3A_1575 : i1 to i32
      %cond3A = arith.constant 0 : i32
      %cond3A_1576 = arith.cmpi ne, %convert_element_type3A, %cond3A : i32
      scf.if %cond3A_1576 {
        %add3A_1795 = arith.constant 3 : i32
        %add3A_1796 = arith.addi %add3A_1474, %add3A_1795 : i32
        %mul3A_1797 = arith.constant 81920 : i32
        %mul3A_1798 = arith.muli %arg0, %mul3A_1797 : i32
        %mul3A_1799 = arith.constant 5120 : i32
        %mul3A_1800 = arith.muli %arg1, %mul3A_1799 : i32
        %add3A_1801 = arith.addi %mul3A_1798, %mul3A_1800 : i32
        %mul3A_1802 = arith.constant 128 : i32
        %mul3A_1803 = arith.muli %add3A_1796, %mul3A_1802 : i32
        %add3A_1804 = arith.addi %add3A_1801, %mul3A_1803 : i32
        %dma_start3A_1805 = tpu.memref_slice %arg2[%add3A_1804] : memref<163840xi32, #tpu.memory_space<hbm>> -> memref<128xi32, #tpu.memory_space<hbm>>
        %dma_start3A_1806 = tpu.memref_slice %arg2[%add3A_1804] : memref<163840xi32, #tpu.memory_space<hbm>> -> memref<128xi32, #tpu.memory_space<hbm>>
        tpu.enqueue_dma source(%dma_start3A_1806 : memref<128xi32, #tpu.memory_space<hbm>>) target(%arg4 : memref<128xi32, #tpu.memory_space<vmem>>) target_semaphore(%arg11 : memref<!tpu.dma_semaphore, #tpu.memory_space<semaphore_mem>>)
      } else {
      }
      "tpu.region"() ({
        %run_scoped3A = tpu.sem_alloc : memref<!tpu.dma_semaphore, #tpu.memory_space<semaphore_mem>>
        %dma_start3A_1795 = arith.constant 0 : i32
        %dma_start3A_1796 = tpu.memref_slice %arg10[%dma_start3A_1795] : memref<81920xf32, #tpu.memory_space<vmem_shared>> -> memref<81920xf32, #tpu.memory_space<vmem_shared>>
        tpu.enqueue_indirect_dma source(%arg8 : memref<128xf32, #tpu.memory_space<vmem>>) target(%dma_start3A_1796 : memref<81920xf32, #tpu.memory_space<vmem_shared>>) offsets(%arg7 : memref<128xi32, #tpu.memory_space<vmem>>) semaphore(%run_scoped3A : memref<!tpu.dma_semaphore, #tpu.memory_space<semaphore_mem>>) {add = true}
        %dma_wait3A_1797 = arith.constant 0 : i32
        %dma_wait3A_1798 = tpu.memref_slice %arg10[%dma_wait3A_1797] : memref<81920xf32, #tpu.memory_space<vmem_shared>> -> memref<81920xf32, #tpu.memory_space<vmem_shared>>
        tpu.wait_indirect_dma semaphore(%run_scoped3A : memref<!tpu.dma_semaphore, #tpu.memory_space<semaphore_mem>>) src(%arg8 : memref<128xf32, #tpu.memory_space<vmem>>) dst(%dma_wait3A_1798 : memref<81920xf32, #tpu.memory_space<vmem_shared>>)
        tpu.yield
      }) : () -> ()
      %mul3A_1577 = arith.constant 3 : i32
      %mul3A_1578 = arith.muli %scan3A_1470, %mul3A_1577 : i32
      %add3A_1579 = arith.constant 1 : i32
      %add3A_1580 = arith.addi %mul3A_1578, %add3A_1579 : i32
      %mul3A_1581 = arith.constant 81920 : i32
      %mul3A_1582 = arith.muli %arg0, %mul3A_1581 : i32
      %mul3A_1583 = arith.constant 5120 : i32
      %mul3A_1584 = arith.muli %arg1, %mul3A_1583 : i32
      %add3A_1585 = arith.addi %mul3A_1582, %mul3A_1584 : i32
      %mul3A_1586 = arith.constant 128 : i32
      %mul3A_1587 = arith.muli %add3A_1580, %mul3A_1586 : i32
      %add3A_1588 = arith.addi %add3A_1585, %mul3A_1587 : i32
      %dma_wait3A_1589 = tpu.memref_slice %arg2[%add3A_1588] : memref<163840xi32, #tpu.memory_space<hbm>> -> memref<128xi32, #tpu.memory_space<hbm>>
      %dma_wait3A_1590 = tpu.memref_slice %arg2[%add3A_1588] : memref<163840xi32, #tpu.memory_space<hbm>> -> memref<128xi32, #tpu.memory_space<hbm>>
      tpu.wait_dma2 semaphore(%arg12 : memref<!tpu.dma_semaphore, #tpu.memory_space<semaphore_mem>>) src(%dma_wait3A_1590 : memref<128xi32, #tpu.memory_space<hbm>>) dst(%arg5 : memref<128xi32, #tpu.memory_space<vmem>>)
      %get3A_1591 = arith.constant 0 : index
      %get3A_1592 = tpu.vector_load %arg5[%get3A_1591] {strides = array<i32>} : memref<128xi32, #tpu.memory_space<vmem>>, vector<16xi32>,
      %get3A_1593 = vector.shape_cast %get3A_1592 : vector<16xi32> to vector<16xi32>
      %mul3A_1594 = arith.constant 8 : i32
      %mul3A_1595 = vector.broadcast %mul3A_1594 : i32 to vector<16xi32>
      %mul3A_1596 = arith.muli %get3A_1593, %mul3A_1595 : vector<16xi32>
      %add3A_1597 = arith.addi %mul3A_1596, %and3A_1365 : vector<16xi32>
      %swap3A_1598 = arith.constant 0 : index
      %swap3A_1599 = tpu.vector_load %arg7[%swap3A_1598] {strides = array<i32>} : memref<128xi32, #tpu.memory_space<vmem>>, vector<16xi32>,
      %swap3A_1600 = vector.shape_cast %swap3A_1599 : vector<16xi32> to vector<16xi32>
      %swap3A_1601 = vector.shape_cast %add3A_1597 : vector<16xi32> to vector<16xi32>
      tpu.vector_store %arg7[%swap3A_1598], %swap3A_1601 {strides = array<i32>} : memref<128xi32, #tpu.memory_space<vmem>>, vector<16xi32>,
      %get3A_1602 = arith.constant 16 : index
      %get3A_1603 = tpu.vector_load %arg5[%get3A_1602] {strides = array<i32>} : memref<128xi32, #tpu.memory_space<vmem>>, vector<16xi32>,
      %get3A_1604 = vector.shape_cast %get3A_1603 : vector<16xi32> to vector<16xi32>
      %mul3A_1605 = arith.constant 8 : i32
      %mul3A_1606 = vector.broadcast %mul3A_1605 : i32 to vector<16xi32>
      %mul3A_1607 = arith.muli %get3A_1604, %mul3A_1606 : vector<16xi32>
      %add3A_1608 = arith.addi %mul3A_1607, %and3A_1365 : vector<16xi32>
      %swap3A_1609 = arith.constant 16 : index
      %swap3A_1610 = tpu.vector_load %arg7[%swap3A_1609] {strides = array<i32>} : memref<128xi32, #tpu.memory_space<vmem>>, vector<16xi32>,
      %swap3A_1611 = vector.shape_cast %swap3A_1610 : vector<16xi32> to vector<16xi32>
      %swap3A_1612 = vector.shape_cast %add3A_1608 : vector<16xi32> to vector<16xi32>
      tpu.vector_store %arg7[%swap3A_1609], %swap3A_1612 {strides = array<i32>} : memref<128xi32, #tpu.memory_space<vmem>>, vector<16xi32>,
      %get3A_1613 = arith.constant 32 : index
      %get3A_1614 = tpu.vector_load %arg5[%get3A_1613] {strides = array<i32>} : memref<128xi32, #tpu.memory_space<vmem>>, vector<16xi32>,
      %get3A_1615 = vector.shape_cast %get3A_1614 : vector<16xi32> to vector<16xi32>
      %mul3A_1616 = arith.constant 8 : i32
      %mul3A_1617 = vector.broadcast %mul3A_1616 : i32 to vector<16xi32>
      %mul3A_1618 = arith.muli %get3A_1615, %mul3A_1617 : vector<16xi32>
      %add3A_1619 = arith.addi %mul3A_1618, %and3A_1365 : vector<16xi32>
      %swap3A_1620 = arith.constant 32 : index
      %swap3A_1621 = tpu.vector_load %arg7[%swap3A_1620] {strides = array<i32>} : memref<128xi32, #tpu.memory_space<vmem>>, vector<16xi32>,
      %swap3A_1622 = vector.shape_cast %swap3A_1621 : vector<16xi32> to vector<16xi32>
      %swap3A_1623 = vector.shape_cast %add3A_1619 : vector<16xi32> to vector<16xi32>
      tpu.vector_store %arg7[%swap3A_1620], %swap3A_1623 {strides = array<i32>} : memref<128xi32, #tpu.memory_space<vmem>>, vector<16xi32>,
      %get3A_1624 = arith.constant 48 : index
      %get3A_1625 = tpu.vector_load %arg5[%get3A_1624] {strides = array<i32>} : memref<128xi32, #tpu.memory_space<vmem>>, vector<16xi32>,
      %get3A_1626 = vector.shape_cast %get3A_1625 : vector<16xi32> to vector<16xi32>
      %mul3A_1627 = arith.constant 8 : i32
      %mul3A_1628 = vector.broadcast %mul3A_1627 : i32 to vector<16xi32>
      %mul3A_1629 = arith.muli %get3A_1626, %mul3A_1628 : vector<16xi32>
      %add3A_1630 = arith.addi %mul3A_1629, %and3A_1365 : vector<16xi32>
      %swap3A_1631 = arith.constant 48 : index
      %swap3A_1632 = tpu.vector_load %arg7[%swap3A_1631] {strides = array<i32>} : memref<128xi32, #tpu.memory_space<vmem>>, vector<16xi32>,
      %swap3A_1633 = vector.shape_cast %swap3A_1632 : vector<16xi32> to vector<16xi32>
      %swap3A_1634 = vector.shape_cast %add3A_1630 : vector<16xi32> to vector<16xi32>
      tpu.vector_store %arg7[%swap3A_1631], %swap3A_1634 {strides = array<i32>} : memref<128xi32, #tpu.memory_space<vmem>>, vector<16xi32>,
      %get3A_1635 = arith.constant 64 : index
      %get3A_1636 = tpu.vector_load %arg5[%get3A_1635] {strides = array<i32>} : memref<128xi32, #tpu.memory_space<vmem>>, vector<16xi32>,
      %get3A_1637 = vector.shape_cast %get3A_1636 : vector<16xi32> to vector<16xi32>
      %mul3A_1638 = arith.constant 8 : i32
      %mul3A_1639 = vector.broadcast %mul3A_1638 : i32 to vector<16xi32>
      %mul3A_1640 = arith.muli %get3A_1637, %mul3A_1639 : vector<16xi32>
      %add3A_1641 = arith.addi %mul3A_1640, %and3A_1365 : vector<16xi32>
      %swap3A_1642 = arith.constant 64 : index
      %swap3A_1643 = tpu.vector_load %arg7[%swap3A_1642] {strides = array<i32>} : memref<128xi32, #tpu.memory_space<vmem>>, vector<16xi32>,
      %swap3A_1644 = vector.shape_cast %swap3A_1643 : vector<16xi32> to vector<16xi32>
      %swap3A_1645 = vector.shape_cast %add3A_1641 : vector<16xi32> to vector<16xi32>
      tpu.vector_store %arg7[%swap3A_1642], %swap3A_1645 {strides = array<i32>} : memref<128xi32, #tpu.memory_space<vmem>>, vector<16xi32>,
      %get3A_1646 = arith.constant 80 : index
      %get3A_1647 = tpu.vector_load %arg5[%get3A_1646] {strides = array<i32>} : memref<128xi32, #tpu.memory_space<vmem>>, vector<16xi32>,
      %get3A_1648 = vector.shape_cast %get3A_1647 : vector<16xi32> to vector<16xi32>
      %mul3A_1649 = arith.constant 8 : i32
      %mul3A_1650 = vector.broadcast %mul3A_1649 : i32 to vector<16xi32>
      %mul3A_1651 = arith.muli %get3A_1648, %mul3A_1650 : vector<16xi32>
      %add3A_1652 = arith.addi %mul3A_1651, %and3A_1365 : vector<16xi32>
      %swap3A_1653 = arith.constant 80 : index
      %swap3A_1654 = tpu.vector_load %arg7[%swap3A_1653] {strides = array<i32>} : memref<128xi32, #tpu.memory_space<vmem>>, vector<16xi32>,
      %swap3A_1655 = vector.shape_cast %swap3A_1654 : vector<16xi32> to vector<16xi32>
      %swap3A_1656 = vector.shape_cast %add3A_1652 : vector<16xi32> to vector<16xi32>
      tpu.vector_store %arg7[%swap3A_1653], %swap3A_1656 {strides = array<i32>} : memref<128xi32, #tpu.memory_space<vmem>>, vector<16xi32>,
      %get3A_1657 = arith.constant 96 : index
      %get3A_1658 = tpu.vector_load %arg5[%get3A_1657] {strides = array<i32>} : memref<128xi32, #tpu.memory_space<vmem>>, vector<16xi32>,
      %get3A_1659 = vector.shape_cast %get3A_1658 : vector<16xi32> to vector<16xi32>
      %mul3A_1660 = arith.constant 8 : i32
      %mul3A_1661 = vector.broadcast %mul3A_1660 : i32 to vector<16xi32>
      %mul3A_1662 = arith.muli %get3A_1659, %mul3A_1661 : vector<16xi32>
      %add3A_1663 = arith.addi %mul3A_1662, %and3A_1365 : vector<16xi32>
      %swap3A_1664 = arith.constant 96 : index
      %swap3A_1665 = tpu.vector_load %arg7[%swap3A_1664] {strides = array<i32>} : memref<128xi32, #tpu.memory_space<vmem>>, vector<16xi32>,
      %swap3A_1666 = vector.shape_cast %swap3A_1665 : vector<16xi32> to vector<16xi32>
      %swap3A_1667 = vector.shape_cast %add3A_1663 : vector<16xi32> to vector<16xi32>
      tpu.vector_store %arg7[%swap3A_1664], %swap3A_1667 {strides = array<i32>} : memref<128xi32, #tpu.memory_space<vmem>>, vector<16xi32>,
      %get3A_1668 = arith.constant 112 : index
      %get3A_1669 = tpu.vector_load %arg5[%get3A_1668] {strides = array<i32>} : memref<128xi32, #tpu.memory_space<vmem>>, vector<16xi32>,
      %get3A_1670 = vector.shape_cast %get3A_1669 : vector<16xi32> to vector<16xi32>
      %mul3A_1671 = arith.constant 8 : i32
      %mul3A_1672 = vector.broadcast %mul3A_1671 : i32 to vector<16xi32>
      %mul3A_1673 = arith.muli %get3A_1670, %mul3A_1672 : vector<16xi32>
      %add3A_1674 = arith.addi %mul3A_1673, %and3A_1365 : vector<16xi32>
      %swap3A_1675 = arith.constant 112 : index
      %swap3A_1676 = tpu.vector_load %arg7[%swap3A_1675] {strides = array<i32>} : memref<128xi32, #tpu.memory_space<vmem>>, vector<16xi32>,
      %swap3A_1677 = vector.shape_cast %swap3A_1676 : vector<16xi32> to vector<16xi32>
      %swap3A_1678 = vector.shape_cast %add3A_1674 : vector<16xi32> to vector<16xi32>
      tpu.vector_store %arg7[%swap3A_1675], %swap3A_1678 {strides = array<i32>} : memref<128xi32, #tpu.memory_space<vmem>>, vector<16xi32>,
      %add3A_1679 = arith.constant 3 : i32
      %add3A_1680 = arith.addi %add3A_1580, %add3A_1679 : i32
      %lt3A_1681 = arith.constant 40 : i32
      %lt3A_1682 = arith.cmpi slt, %add3A_1680, %lt3A_1681 : i32
      %convert_element_type3A_1683 = arith.extui %lt3A_1682 : i1 to i32
      %cond3A_1684 = arith.constant 0 : i32
      %cond3A_1685 = arith.cmpi ne, %convert_element_type3A_1683, %cond3A_1684 : i32
      scf.if %cond3A_1685 {
        %add3A_1795 = arith.constant 3 : i32
        %add3A_1796 = arith.addi %add3A_1580, %add3A_1795 : i32
        %mul3A_1797 = arith.constant 81920 : i32
        %mul3A_1798 = arith.muli %arg0, %mul3A_1797 : i32
        %mul3A_1799 = arith.constant 5120 : i32
        %mul3A_1800 = arith.muli %arg1, %mul3A_1799 : i32
        %add3A_1801 = arith.addi %mul3A_1798, %mul3A_1800 : i32
        %mul3A_1802 = arith.constant 128 : i32
        %mul3A_1803 = arith.muli %add3A_1796, %mul3A_1802 : i32
        %add3A_1804 = arith.addi %add3A_1801, %mul3A_1803 : i32
        %dma_start3A_1805 = tpu.memref_slice %arg2[%add3A_1804] : memref<163840xi32, #tpu.memory_space<hbm>> -> memref<128xi32, #tpu.memory_space<hbm>>
        %dma_start3A_1806 = tpu.memref_slice %arg2[%add3A_1804] : memref<163840xi32, #tpu.memory_space<hbm>> -> memref<128xi32, #tpu.memory_space<hbm>>
        tpu.enqueue_dma source(%dma_start3A_1806 : memref<128xi32, #tpu.memory_space<hbm>>) target(%arg5 : memref<128xi32, #tpu.memory_space<vmem>>) target_semaphore(%arg12 : memref<!tpu.dma_semaphore, #tpu.memory_space<semaphore_mem>>)
      } else {
      }
      "tpu.region"() ({
        %run_scoped3A = tpu.sem_alloc : memref<!tpu.dma_semaphore, #tpu.memory_space<semaphore_mem>>
        %dma_start3A_1795 = arith.constant 0 : i32
        %dma_start3A_1796 = tpu.memref_slice %arg10[%dma_start3A_1795] : memref<81920xf32, #tpu.memory_space<vmem_shared>> -> memref<81920xf32, #tpu.memory_space<vmem_shared>>
        tpu.enqueue_indirect_dma source(%arg8 : memref<128xf32, #tpu.memory_space<vmem>>) target(%dma_start3A_1796 : memref<81920xf32, #tpu.memory_space<vmem_shared>>) offsets(%arg7 : memref<128xi32, #tpu.memory_space<vmem>>) semaphore(%run_scoped3A : memref<!tpu.dma_semaphore, #tpu.memory_space<semaphore_mem>>) {add = true}
        %dma_wait3A_1797 = arith.constant 0 : i32
        %dma_wait3A_1798 = tpu.memref_slice %arg10[%dma_wait3A_1797] : memref<81920xf32, #tpu.memory_space<vmem_shared>> -> memref<81920xf32, #tpu.memory_space<vmem_shared>>
        tpu.wait_indirect_dma semaphore(%run_scoped3A : memref<!tpu.dma_semaphore, #tpu.memory_space<semaphore_mem>>) src(%arg8 : memref<128xf32, #tpu.memory_space<vmem>>) dst(%dma_wait3A_1798 : memref<81920xf32, #tpu.memory_space<vmem_shared>>)
        tpu.yield
      }) : () -> ()
      %mul3A_1686 = arith.constant 3 : i32
      %mul3A_1687 = arith.muli %scan3A_1470, %mul3A_1686 : i32
      %add3A_1688 = arith.constant 2 : i32
      %add3A_1689 = arith.addi %mul3A_1687, %add3A_1688 : i32
      %mul3A_1690 = arith.constant 81920 : i32
      %mul3A_1691 = arith.muli %arg0, %mul3A_1690 : i32
      %mul3A_1692 = arith.constant 5120 : i32
      %mul3A_1693 = arith.muli %arg1, %mul3A_1692 : i32
      %add3A_1694 = arith.addi %mul3A_1691, %mul3A_1693 : i32
      %mul3A_1695 = arith.constant 128 : i32
      %mul3A_1696 = arith.muli %add3A_1689, %mul3A_1695 : i32
      %add3A_1697 = arith.addi %add3A_1694, %mul3A_1696 : i32
      %dma_wait3A_1698 = tpu.memref_slice %arg2[%add3A_1697] : memref<163840xi32, #tpu.memory_space<hbm>> -> memref<128xi32, #tpu.memory_space<hbm>>
      %dma_wait3A_1699 = tpu.memref_slice %arg2[%add3A_1697] : memref<163840xi32, #tpu.memory_space<hbm>> -> memref<128xi32, #tpu.memory_space<hbm>>
      tpu.wait_dma2 semaphore(%arg13 : memref<!tpu.dma_semaphore, #tpu.memory_space<semaphore_mem>>) src(%dma_wait3A_1699 : memref<128xi32, #tpu.memory_space<hbm>>) dst(%arg6 : memref<128xi32, #tpu.memory_space<vmem>>)
      %get3A_1700 = arith.constant 0 : index
      %get3A_1701 = tpu.vector_load %arg6[%get3A_1700] {strides = array<i32>} : memref<128xi32, #tpu.memory_space<vmem>>, vector<16xi32>,
      %get3A_1702 = vector.shape_cast %get3A_1701 : vector<16xi32> to vector<16xi32>
      %mul3A_1703 = arith.constant 8 : i32
      %mul3A_1704 = vector.broadcast %mul3A_1703 : i32 to vector<16xi32>
      %mul3A_1705 = arith.muli %get3A_1702, %mul3A_1704 : vector<16xi32>
      %add3A_1706 = arith.addi %mul3A_1705, %and3A_1365 : vector<16xi32>
      %swap3A_1707 = arith.constant 0 : index
      %swap3A_1708 = tpu.vector_load %arg7[%swap3A_1707] {strides = array<i32>} : memref<128xi32, #tpu.memory_space<vmem>>, vector<16xi32>,
      %swap3A_1709 = vector.shape_cast %swap3A_1708 : vector<16xi32> to vector<16xi32>
      %swap3A_1710 = vector.shape_cast %add3A_1706 : vector<16xi32> to vector<16xi32>
      tpu.vector_store %arg7[%swap3A_1707], %swap3A_1710 {strides = array<i32>} : memref<128xi32, #tpu.memory_space<vmem>>, vector<16xi32>,
      %get3A_1711 = arith.constant 16 : index
      %get3A_1712 = tpu.vector_load %arg6[%get3A_1711] {strides = array<i32>} : memref<128xi32, #tpu.memory_space<vmem>>, vector<16xi32>,
      %get3A_1713 = vector.shape_cast %get3A_1712 : vector<16xi32> to vector<16xi32>
      %mul3A_1714 = arith.constant 8 : i32
      %mul3A_1715 = vector.broadcast %mul3A_1714 : i32 to vector<16xi32>
      %mul3A_1716 = arith.muli %get3A_1713, %mul3A_1715 : vector<16xi32>
      %add3A_1717 = arith.addi %mul3A_1716, %and3A_1365 : vector<16xi32>
      %swap3A_1718 = arith.constant 16 : index
      %swap3A_1719 = tpu.vector_load %arg7[%swap3A_1718] {strides = array<i32>} : memref<128xi32, #tpu.memory_space<vmem>>, vector<16xi32>,
      %swap3A_1720 = vector.shape_cast %swap3A_1719 : vector<16xi32> to vector<16xi32>
      %swap3A_1721 = vector.shape_cast %add3A_1717 : vector<16xi32> to vector<16xi32>
      tpu.vector_store %arg7[%swap3A_1718], %swap3A_1721 {strides = array<i32>} : memref<128xi32, #tpu.memory_space<vmem>>, vector<16xi32>,
      %get3A_1722 = arith.constant 32 : index
      %get3A_1723 = tpu.vector_load %arg6[%get3A_1722] {strides = array<i32>} : memref<128xi32, #tpu.memory_space<vmem>>, vector<16xi32>,
      %get3A_1724 = vector.shape_cast %get3A_1723 : vector<16xi32> to vector<16xi32>
      %mul3A_1725 = arith.constant 8 : i32
      %mul3A_1726 = vector.broadcast %mul3A_1725 : i32 to vector<16xi32>
      %mul3A_1727 = arith.muli %get3A_1724, %mul3A_1726 : vector<16xi32>
      %add3A_1728 = arith.addi %mul3A_1727, %and3A_1365 : vector<16xi32>
      %swap3A_1729 = arith.constant 32 : index
      %swap3A_1730 = tpu.vector_load %arg7[%swap3A_1729] {strides = array<i32>} : memref<128xi32, #tpu.memory_space<vmem>>, vector<16xi32>,
      %swap3A_1731 = vector.shape_cast %swap3A_1730 : vector<16xi32> to vector<16xi32>
      %swap3A_1732 = vector.shape_cast %add3A_1728 : vector<16xi32> to vector<16xi32>
      tpu.vector_store %arg7[%swap3A_1729], %swap3A_1732 {strides = array<i32>} : memref<128xi32, #tpu.memory_space<vmem>>, vector<16xi32>,
      %get3A_1733 = arith.constant 48 : index
      %get3A_1734 = tpu.vector_load %arg6[%get3A_1733] {strides = array<i32>} : memref<128xi32, #tpu.memory_space<vmem>>, vector<16xi32>,
      %get3A_1735 = vector.shape_cast %get3A_1734 : vector<16xi32> to vector<16xi32>
      %mul3A_1736 = arith.constant 8 : i32
      %mul3A_1737 = vector.broadcast %mul3A_1736 : i32 to vector<16xi32>
      %mul3A_1738 = arith.muli %get3A_1735, %mul3A_1737 : vector<16xi32>
      %add3A_1739 = arith.addi %mul3A_1738, %and3A_1365 : vector<16xi32>
      %swap3A_1740 = arith.constant 48 : index
      %swap3A_1741 = tpu.vector_load %arg7[%swap3A_1740] {strides = array<i32>} : memref<128xi32, #tpu.memory_space<vmem>>, vector<16xi32>,
      %swap3A_1742 = vector.shape_cast %swap3A_1741 : vector<16xi32> to vector<16xi32>
      %swap3A_1743 = vector.shape_cast %add3A_1739 : vector<16xi32> to vector<16xi32>
      tpu.vector_store %arg7[%swap3A_1740], %swap3A_1743 {strides = array<i32>} : memref<128xi32, #tpu.memory_space<vmem>>, vector<16xi32>,
      %get3A_1744 = arith.constant 64 : index
      %get3A_1745 = tpu.vector_load %arg6[%get3A_1744] {strides = array<i32>} : memref<128xi32, #tpu.memory_space<vmem>>, vector<16xi32>,
      %get3A_1746 = vector.shape_cast %get3A_1745 : vector<16xi32> to vector<16xi32>
      %mul3A_1747 = arith.constant 8 : i32
      %mul3A_1748 = vector.broadcast %mul3A_1747 : i32 to vector<16xi32>
      %mul3A_1749 = arith.muli %get3A_1746, %mul3A_1748 : vector<16xi32>
      %add3A_1750 = arith.addi %mul3A_1749, %and3A_1365 : vector<16xi32>
      %swap3A_1751 = arith.constant 64 : index
      %swap3A_1752 = tpu.vector_load %arg7[%swap3A_1751] {strides = array<i32>} : memref<128xi32, #tpu.memory_space<vmem>>, vector<16xi32>,
      %swap3A_1753 = vector.shape_cast %swap3A_1752 : vector<16xi32> to vector<16xi32>
      %swap3A_1754 = vector.shape_cast %add3A_1750 : vector<16xi32> to vector<16xi32>
      tpu.vector_store %arg7[%swap3A_1751], %swap3A_1754 {strides = array<i32>} : memref<128xi32, #tpu.memory_space<vmem>>, vector<16xi32>,
      %get3A_1755 = arith.constant 80 : index
      %get3A_1756 = tpu.vector_load %arg6[%get3A_1755] {strides = array<i32>} : memref<128xi32, #tpu.memory_space<vmem>>, vector<16xi32>,
      %get3A_1757 = vector.shape_cast %get3A_1756 : vector<16xi32> to vector<16xi32>
      %mul3A_1758 = arith.constant 8 : i32
      %mul3A_1759 = vector.broadcast %mul3A_1758 : i32 to vector<16xi32>
      %mul3A_1760 = arith.muli %get3A_1757, %mul3A_1759 : vector<16xi32>
      %add3A_1761 = arith.addi %mul3A_1760, %and3A_1365 : vector<16xi32>
      %swap3A_1762 = arith.constant 80 : index
      %swap3A_1763 = tpu.vector_load %arg7[%swap3A_1762] {strides = array<i32>} : memref<128xi32, #tpu.memory_space<vmem>>, vector<16xi32>,
      %swap3A_1764 = vector.shape_cast %swap3A_1763 : vector<16xi32> to vector<16xi32>
      %swap3A_1765 = vector.shape_cast %add3A_1761 : vector<16xi32> to vector<16xi32>
      tpu.vector_store %arg7[%swap3A_1762], %swap3A_1765 {strides = array<i32>} : memref<128xi32, #tpu.memory_space<vmem>>, vector<16xi32>,
      %get3A_1766 = arith.constant 96 : index
      %get3A_1767 = tpu.vector_load %arg6[%get3A_1766] {strides = array<i32>} : memref<128xi32, #tpu.memory_space<vmem>>, vector<16xi32>,
      %get3A_1768 = vector.shape_cast %get3A_1767 : vector<16xi32> to vector<16xi32>
      %mul3A_1769 = arith.constant 8 : i32
      %mul3A_1770 = vector.broadcast %mul3A_1769 : i32 to vector<16xi32>
      %mul3A_1771 = arith.muli %get3A_1768, %mul3A_1770 : vector<16xi32>
      %add3A_1772 = arith.addi %mul3A_1771, %and3A_1365 : vector<16xi32>
      %swap3A_1773 = arith.constant 96 : index
      %swap3A_1774 = tpu.vector_load %arg7[%swap3A_1773] {strides = array<i32>} : memref<128xi32, #tpu.memory_space<vmem>>, vector<16xi32>,
      %swap3A_1775 = vector.shape_cast %swap3A_1774 : vector<16xi32> to vector<16xi32>
      %swap3A_1776 = vector.shape_cast %add3A_1772 : vector<16xi32> to vector<16xi32>
      tpu.vector_store %arg7[%swap3A_1773], %swap3A_1776 {strides = array<i32>} : memref<128xi32, #tpu.memory_space<vmem>>, vector<16xi32>,
      %get3A_1777 = arith.constant 112 : index
      %get3A_1778 = tpu.vector_load %arg6[%get3A_1777] {strides = array<i32>} : memref<128xi32, #tpu.memory_space<vmem>>, vector<16xi32>,
      %get3A_1779 = vector.shape_cast %get3A_1778 : vector<16xi32> to vector<16xi32>
      %mul3A_1780 = arith.constant 8 : i32
      %mul3A_1781 = vector.broadcast %mul3A_1780 : i32 to vector<16xi32>
      %mul3A_1782 = arith.muli %get3A_1779, %mul3A_1781 : vector<16xi32>
      %add3A_1783 = arith.addi %mul3A_1782, %and3A_1365 : vector<16xi32>
      %swap3A_1784 = arith.constant 112 : index
      %swap3A_1785 = tpu.vector_load %arg7[%swap3A_1784] {strides = array<i32>} : memref<128xi32, #tpu.memory_space<vmem>>, vector<16xi32>,
      %swap3A_1786 = vector.shape_cast %swap3A_1785 : vector<16xi32> to vector<16xi32>
      %swap3A_1787 = vector.shape_cast %add3A_1783 : vector<16xi32> to vector<16xi32>
      tpu.vector_store %arg7[%swap3A_1784], %swap3A_1787 {strides = array<i32>} : memref<128xi32, #tpu.memory_space<vmem>>, vector<16xi32>,
      %add3A_1788 = arith.constant 3 : i32
      %add3A_1789 = arith.addi %add3A_1689, %add3A_1788 : i32
      %lt3A_1790 = arith.constant 40 : i32
      %lt3A_1791 = arith.cmpi slt, %add3A_1789, %lt3A_1790 : i32
      %convert_element_type3A_1792 = arith.extui %lt3A_1791 : i1 to i32
      %cond3A_1793 = arith.constant 0 : i32
      %cond3A_1794 = arith.cmpi ne, %convert_element_type3A_1792, %cond3A_1793 : i32
      scf.if %cond3A_1794 {
        %add3A_1795 = arith.constant 3 : i32
        %add3A_1796 = arith.addi %add3A_1689, %add3A_1795 : i32
        %mul3A_1797 = arith.constant 81920 : i32
        %mul3A_1798 = arith.muli %arg0, %mul3A_1797 : i32
        %mul3A_1799 = arith.constant 5120 : i32
        %mul3A_1800 = arith.muli %arg1, %mul3A_1799 : i32
        %add3A_1801 = arith.addi %mul3A_1798, %mul3A_1800 : i32
        %mul3A_1802 = arith.constant 128 : i32
        %mul3A_1803 = arith.muli %add3A_1796, %mul3A_1802 : i32
        %add3A_1804 = arith.addi %add3A_1801, %mul3A_1803 : i32
        %dma_start3A_1805 = tpu.memref_slice %arg2[%add3A_1804] : memref<163840xi32, #tpu.memory_space<hbm>> -> memref<128xi32, #tpu.memory_space<hbm>>
        %dma_start3A_1806 = tpu.memref_slice %arg2[%add3A_1804] : memref<163840xi32, #tpu.memory_space<hbm>> -> memref<128xi32, #tpu.memory_space<hbm>>
        tpu.enqueue_dma source(%dma_start3A_1806 : memref<128xi32, #tpu.memory_space<hbm>>) target(%arg6 : memref<128xi32, #tpu.memory_space<vmem>>) target_semaphore(%arg13 : memref<!tpu.dma_semaphore, #tpu.memory_space<semaphore_mem>>)
      } else {
      }
      "tpu.region"() ({
        %run_scoped3A = tpu.sem_alloc : memref<!tpu.dma_semaphore, #tpu.memory_space<semaphore_mem>>
        %dma_start3A_1795 = arith.constant 0 : i32
        %dma_start3A_1796 = tpu.memref_slice %arg10[%dma_start3A_1795] : memref<81920xf32, #tpu.memory_space<vmem_shared>> -> memref<81920xf32, #tpu.memory_space<vmem_shared>>
        tpu.enqueue_indirect_dma source(%arg8 : memref<128xf32, #tpu.memory_space<vmem>>) target(%dma_start3A_1796 : memref<81920xf32, #tpu.memory_space<vmem_shared>>) offsets(%arg7 : memref<128xi32, #tpu.memory_space<vmem>>) semaphore(%run_scoped3A : memref<!tpu.dma_semaphore, #tpu.memory_space<semaphore_mem>>) {add = true}
        %dma_wait3A_1797 = arith.constant 0 : i32
        %dma_wait3A_1798 = tpu.memref_slice %arg10[%dma_wait3A_1797] : memref<81920xf32, #tpu.memory_space<vmem_shared>> -> memref<81920xf32, #tpu.memory_space<vmem_shared>>
        tpu.wait_indirect_dma semaphore(%run_scoped3A : memref<!tpu.dma_semaphore, #tpu.memory_space<semaphore_mem>>) src(%arg8 : memref<128xf32, #tpu.memory_space<vmem>>) dst(%dma_wait3A_1798 : memref<81920xf32, #tpu.memory_space<vmem_shared>>)
        tpu.yield
      }) : () -> ()
    }
    %scan3A_1369 = arith.constant 13 : i32
    %mul3A_1370 = arith.constant 81920 : i32
    %mul3A_1371 = arith.muli %arg0, %mul3A_1370 : i32
    %mul3A_1372 = arith.constant 5120 : i32
    %mul3A_1373 = arith.muli %arg1, %mul3A_1372 : i32
    %add3A_1374 = arith.addi %mul3A_1371, %mul3A_1373 : i32
    %add3A_1375 = arith.constant 4992 : i32
    %add3A_1376 = arith.addi %add3A_1374, %add3A_1375 : i32
    %dma_wait3A = tpu.memref_slice %arg2[%add3A_1376] : memref<163840xi32, #tpu.memory_space<hbm>> -> memref<128xi32, #tpu.memory_space<hbm>>
    %dma_wait3A_1377 = tpu.memref_slice %arg2[%add3A_1376] : memref<163840xi32, #tpu.memory_space<hbm>> -> memref<128xi32, #tpu.memory_space<hbm>>
    tpu.wait_dma2 semaphore(%arg11 : memref<!tpu.dma_semaphore, #tpu.memory_space<semaphore_mem>>) src(%dma_wait3A_1377 : memref<128xi32, #tpu.memory_space<hbm>>) dst(%arg4 : memref<128xi32, #tpu.memory_space<vmem>>)
    %get3A = arith.constant 0 : index
    %get3A_1378 = tpu.vector_load %arg4[%get3A] {strides = array<i32>} : memref<128xi32, #tpu.memory_space<vmem>>, vector<16xi32>,
    %get3A_1379 = vector.shape_cast %get3A_1378 : vector<16xi32> to vector<16xi32>
    %mul3A_1380 = arith.constant 8 : i32
    %mul3A_1381 = vector.broadcast %mul3A_1380 : i32 to vector<16xi32>
    %mul3A_1382 = arith.muli %get3A_1379, %mul3A_1381 : vector<16xi32>
    %add3A_1383 = arith.addi %mul3A_1382, %and3A_1365 : vector<16xi32>
    %swap3A_1384 = arith.constant 0 : index
    %swap3A_1385 = tpu.vector_load %arg7[%swap3A_1384] {strides = array<i32>} : memref<128xi32, #tpu.memory_space<vmem>>, vector<16xi32>,
    %swap3A_1386 = vector.shape_cast %swap3A_1385 : vector<16xi32> to vector<16xi32>
    %swap3A_1387 = vector.shape_cast %add3A_1383 : vector<16xi32> to vector<16xi32>
    tpu.vector_store %arg7[%swap3A_1384], %swap3A_1387 {strides = array<i32>} : memref<128xi32, #tpu.memory_space<vmem>>, vector<16xi32>,
    %get3A_1388 = arith.constant 16 : index
    %get3A_1389 = tpu.vector_load %arg4[%get3A_1388] {strides = array<i32>} : memref<128xi32, #tpu.memory_space<vmem>>, vector<16xi32>,
    %get3A_1390 = vector.shape_cast %get3A_1389 : vector<16xi32> to vector<16xi32>
    %mul3A_1391 = arith.constant 8 : i32
    %mul3A_1392 = vector.broadcast %mul3A_1391 : i32 to vector<16xi32>
    %mul3A_1393 = arith.muli %get3A_1390, %mul3A_1392 : vector<16xi32>
    %add3A_1394 = arith.addi %mul3A_1393, %and3A_1365 : vector<16xi32>
    %swap3A_1395 = arith.constant 16 : index
    %swap3A_1396 = tpu.vector_load %arg7[%swap3A_1395] {strides = array<i32>} : memref<128xi32, #tpu.memory_space<vmem>>, vector<16xi32>,
    %swap3A_1397 = vector.shape_cast %swap3A_1396 : vector<16xi32> to vector<16xi32>
    %swap3A_1398 = vector.shape_cast %add3A_1394 : vector<16xi32> to vector<16xi32>
    tpu.vector_store %arg7[%swap3A_1395], %swap3A_1398 {strides = array<i32>} : memref<128xi32, #tpu.memory_space<vmem>>, vector<16xi32>,
    %get3A_1399 = arith.constant 32 : index
    %get3A_1400 = tpu.vector_load %arg4[%get3A_1399] {strides = array<i32>} : memref<128xi32, #tpu.memory_space<vmem>>, vector<16xi32>,
    %get3A_1401 = vector.shape_cast %get3A_1400 : vector<16xi32> to vector<16xi32>
    %mul3A_1402 = arith.constant 8 : i32
    %mul3A_1403 = vector.broadcast %mul3A_1402 : i32 to vector<16xi32>
    %mul3A_1404 = arith.muli %get3A_1401, %mul3A_1403 : vector<16xi32>
    %add3A_1405 = arith.addi %mul3A_1404, %and3A_1365 : vector<16xi32>
    %swap3A_1406 = arith.constant 32 : index
    %swap3A_1407 = tpu.vector_load %arg7[%swap3A_1406] {strides = array<i32>} : memref<128xi32, #tpu.memory_space<vmem>>, vector<16xi32>,
    %swap3A_1408 = vector.shape_cast %swap3A_1407 : vector<16xi32> to vector<16xi32>
    %swap3A_1409 = vector.shape_cast %add3A_1405 : vector<16xi32> to vector<16xi32>
    tpu.vector_store %arg7[%swap3A_1406], %swap3A_1409 {strides = array<i32>} : memref<128xi32, #tpu.memory_space<vmem>>, vector<16xi32>,
    %get3A_1410 = arith.constant 48 : index
    %get3A_1411 = tpu.vector_load %arg4[%get3A_1410] {strides = array<i32>} : memref<128xi32, #tpu.memory_space<vmem>>, vector<16xi32>,
    %get3A_1412 = vector.shape_cast %get3A_1411 : vector<16xi32> to vector<16xi32>
    %mul3A_1413 = arith.constant 8 : i32
    %mul3A_1414 = vector.broadcast %mul3A_1413 : i32 to vector<16xi32>
    %mul3A_1415 = arith.muli %get3A_1412, %mul3A_1414 : vector<16xi32>
    %add3A_1416 = arith.addi %mul3A_1415, %and3A_1365 : vector<16xi32>
    %swap3A_1417 = arith.constant 48 : index
    %swap3A_1418 = tpu.vector_load %arg7[%swap3A_1417] {strides = array<i32>} : memref<128xi32, #tpu.memory_space<vmem>>, vector<16xi32>,
    %swap3A_1419 = vector.shape_cast %swap3A_1418 : vector<16xi32> to vector<16xi32>
    %swap3A_1420 = vector.shape_cast %add3A_1416 : vector<16xi32> to vector<16xi32>
    tpu.vector_store %arg7[%swap3A_1417], %swap3A_1420 {strides = array<i32>} : memref<128xi32, #tpu.memory_space<vmem>>, vector<16xi32>,
    %get3A_1421 = arith.constant 64 : index
    %get3A_1422 = tpu.vector_load %arg4[%get3A_1421] {strides = array<i32>} : memref<128xi32, #tpu.memory_space<vmem>>, vector<16xi32>,
    %get3A_1423 = vector.shape_cast %get3A_1422 : vector<16xi32> to vector<16xi32>
    %mul3A_1424 = arith.constant 8 : i32
    %mul3A_1425 = vector.broadcast %mul3A_1424 : i32 to vector<16xi32>
    %mul3A_1426 = arith.muli %get3A_1423, %mul3A_1425 : vector<16xi32>
    %add3A_1427 = arith.addi %mul3A_1426, %and3A_1365 : vector<16xi32>
    %swap3A_1428 = arith.constant 64 : index
    %swap3A_1429 = tpu.vector_load %arg7[%swap3A_1428] {strides = array<i32>} : memref<128xi32, #tpu.memory_space<vmem>>, vector<16xi32>,
    %swap3A_1430 = vector.shape_cast %swap3A_1429 : vector<16xi32> to vector<16xi32>
    %swap3A_1431 = vector.shape_cast %add3A_1427 : vector<16xi32> to vector<16xi32>
    tpu.vector_store %arg7[%swap3A_1428], %swap3A_1431 {strides = array<i32>} : memref<128xi32, #tpu.memory_space<vmem>>, vector<16xi32>,
    %get3A_1432 = arith.constant 80 : index
    %get3A_1433 = tpu.vector_load %arg4[%get3A_1432] {strides = array<i32>} : memref<128xi32, #tpu.memory_space<vmem>>, vector<16xi32>,
    %get3A_1434 = vector.shape_cast %get3A_1433 : vector<16xi32> to vector<16xi32>
    %mul3A_1435 = arith.constant 8 : i32
    %mul3A_1436 = vector.broadcast %mul3A_1435 : i32 to vector<16xi32>
    %mul3A_1437 = arith.muli %get3A_1434, %mul3A_1436 : vector<16xi32>
    %add3A_1438 = arith.addi %mul3A_1437, %and3A_1365 : vector<16xi32>
    %swap3A_1439 = arith.constant 80 : index
    %swap3A_1440 = tpu.vector_load %arg7[%swap3A_1439] {strides = array<i32>} : memref<128xi32, #tpu.memory_space<vmem>>, vector<16xi32>,
    %swap3A_1441 = vector.shape_cast %swap3A_1440 : vector<16xi32> to vector<16xi32>
    %swap3A_1442 = vector.shape_cast %add3A_1438 : vector<16xi32> to vector<16xi32>
    tpu.vector_store %arg7[%swap3A_1439], %swap3A_1442 {strides = array<i32>} : memref<128xi32, #tpu.memory_space<vmem>>, vector<16xi32>,
    %get3A_1443 = arith.constant 96 : index
    %get3A_1444 = tpu.vector_load %arg4[%get3A_1443] {strides = array<i32>} : memref<128xi32, #tpu.memory_space<vmem>>, vector<16xi32>,
    %get3A_1445 = vector.shape_cast %get3A_1444 : vector<16xi32> to vector<16xi32>
    %mul3A_1446 = arith.constant 8 : i32
    %mul3A_1447 = vector.broadcast %mul3A_1446 : i32 to vector<16xi32>
    %mul3A_1448 = arith.muli %get3A_1445, %mul3A_1447 : vector<16xi32>
    %add3A_1449 = arith.addi %mul3A_1448, %and3A_1365 : vector<16xi32>
    %swap3A_1450 = arith.constant 96 : index
    %swap3A_1451 = tpu.vector_load %arg7[%swap3A_1450] {strides = array<i32>} : memref<128xi32, #tpu.memory_space<vmem>>, vector<16xi32>,
    %swap3A_1452 = vector.shape_cast %swap3A_1451 : vector<16xi32> to vector<16xi32>
    %swap3A_1453 = vector.shape_cast %add3A_1449 : vector<16xi32> to vector<16xi32>
    tpu.vector_store %arg7[%swap3A_1450], %swap3A_1453 {strides = array<i32>} : memref<128xi32, #tpu.memory_space<vmem>>, vector<16xi32>,
    %get3A_1454 = arith.constant 112 : index
    %get3A_1455 = tpu.vector_load %arg4[%get3A_1454] {strides = array<i32>} : memref<128xi32, #tpu.memory_space<vmem>>, vector<16xi32>,
    %get3A_1456 = vector.shape_cast %get3A_1455 : vector<16xi32> to vector<16xi32>
    %mul3A_1457 = arith.constant 8 : i32
    %mul3A_1458 = vector.broadcast %mul3A_1457 : i32 to vector<16xi32>
    %mul3A_1459 = arith.muli %get3A_1456, %mul3A_1458 : vector<16xi32>
    %add3A_1460 = arith.addi %mul3A_1459, %and3A_1365 : vector<16xi32>
    %swap3A_1461 = arith.constant 112 : index
    %swap3A_1462 = tpu.vector_load %arg7[%swap3A_1461] {strides = array<i32>} : memref<128xi32, #tpu.memory_space<vmem>>, vector<16xi32>,
    %swap3A_1463 = vector.shape_cast %swap3A_1462 : vector<16xi32> to vector<16xi32>
    %swap3A_1464 = vector.shape_cast %add3A_1460 : vector<16xi32> to vector<16xi32>
    tpu.vector_store %arg7[%swap3A_1461], %swap3A_1464 {strides = array<i32>} : memref<128xi32, #tpu.memory_space<vmem>>, vector<16xi32>,
    "tpu.region"() ({
      %run_scoped3A = tpu.sem_alloc : memref<!tpu.dma_semaphore, #tpu.memory_space<semaphore_mem>>
      %dma_start3A_1470 = arith.constant 0 : i32
      %dma_start3A_1471 = tpu.memref_slice %arg10[%dma_start3A_1470] : memref<81920xf32, #tpu.memory_space<vmem_shared>> -> memref<81920xf32, #tpu.memory_space<vmem_shared>>
      tpu.enqueue_indirect_dma source(%arg8 : memref<128xf32, #tpu.memory_space<vmem>>) target(%dma_start3A_1471 : memref<81920xf32, #tpu.memory_space<vmem_shared>>) offsets(%arg7 : memref<128xi32, #tpu.memory_space<vmem>>) semaphore(%run_scoped3A : memref<!tpu.dma_semaphore, #tpu.memory_space<semaphore_mem>>) {add = true}
      %dma_wait3A_1472 = arith.constant 0 : i32
      %dma_wait3A_1473 = tpu.memref_slice %arg10[%dma_wait3A_1472] : memref<81920xf32, #tpu.memory_space<vmem_shared>> -> memref<81920xf32, #tpu.memory_space<vmem_shared>>
      tpu.wait_indirect_dma semaphore(%run_scoped3A : memref<!tpu.dma_semaphore, #tpu.memory_space<semaphore_mem>>) src(%arg8 : memref<128xf32, #tpu.memory_space<vmem>>) dst(%dma_wait3A_1473 : memref<81920xf32, #tpu.memory_space<vmem_shared>>)
      tpu.yield
    }) : () -> ()
    %barrier3A_1465 = arith.constant 0 : index
    tpu.barrier barrier_id(%barrier3A_1465)
    %mul3A_1466 = arith.constant 5120 : i32
    %mul3A_1467 = arith.muli %arg1, %mul3A_1466 : i32
    "tpu.region"() ({
      %run_scoped3A = tpu.sem_alloc : memref<!tpu.dma_semaphore, #tpu.memory_space<semaphore_mem>>
      %dma_start3A_1470 = tpu.memref_slice %arg10[%mul3A_1467] : memref<81920xf32, #tpu.memory_space<vmem_shared>> -> memref<5120xf32, #tpu.memory_space<vmem_shared>>
      %dma_start3A_1471 = tpu.memref_slice %arg10[%mul3A_1467] : memref<81920xf32, #tpu.memory_space<vmem_shared>> -> memref<5120xf32, #tpu.memory_space<vmem_shared>>
      tpu.enqueue_dma source(%dma_start3A_1471 : memref<5120xf32, #tpu.memory_space<vmem_shared>>) target(%arg9 : memref<5120xf32, #tpu.memory_space<vmem>>) target_semaphore(%run_scoped3A : memref<!tpu.dma_semaphore, #tpu.memory_space<semaphore_mem>>)
      %dma_wait3A_1472 = tpu.memref_slice %arg10[%mul3A_1467] : memref<81920xf32, #tpu.memory_space<vmem_shared>> -> memref<5120xf32, #tpu.memory_space<vmem_shared>>
      %dma_wait3A_1473 = tpu.memref_slice %arg10[%mul3A_1467] : memref<81920xf32, #tpu.memory_space<vmem_shared>> -> memref<5120xf32, #tpu.memory_space<vmem_shared>>
      tpu.wait_dma2 semaphore(%run_scoped3A : memref<!tpu.dma_semaphore, #tpu.memory_space<semaphore_mem>>) src(%dma_wait3A_1473 : memref<5120xf32, #tpu.memory_space<vmem_shared>>) dst(%arg9 : memref<5120xf32, #tpu.memory_space<vmem>>)
      tpu.yield
    }) : () -> ()
    %mul3A_1468 = arith.constant 5120 : i32
    %mul3A_1469 = arith.muli %arg1, %mul3A_1468 : i32
    "tpu.region"() ({
      %run_scoped3A = tpu.sem_alloc : memref<!tpu.dma_semaphore, #tpu.memory_space<semaphore_mem>>
      %dma_start3A_1470 = tpu.memref_slice %arg3[%arg0, %mul3A_1469] : memref<2x81920xf32, #tpu.memory_space<hbm>> -> memref<1x5120xf32, #tpu.memory_space<hbm>>
      %dma_start3A_1471 = tpu.memref_squeeze %dma_start3A_1470 : memref<1x5120xf32, #tpu.memory_space<hbm>> -> memref<5120xf32, #tpu.memory_space<hbm>>
      %dma_start3A_1472 = tpu.memref_slice %arg3[%arg0, %mul3A_1469] : memref<2x81920xf32, #tpu.memory_space<hbm>> -> memref<1x5120xf32, #tpu.memory_space<hbm>>
      %dma_start3A_1473 = tpu.memref_squeeze %dma_start3A_1472 : memref<1x5120xf32, #tpu.memory_space<hbm>> -> memref<5120xf32, #tpu.memory_space<hbm>>
      tpu.enqueue_dma source(%arg9 : memref<5120xf32, #tpu.memory_space<vmem>>) target(%dma_start3A_1473 : memref<5120xf32, #tpu.memory_space<hbm>>) target_semaphore(%run_scoped3A : memref<!tpu.dma_semaphore, #tpu.memory_space<semaphore_mem>>)
      %dma_wait3A_1474 = tpu.memref_slice %arg3[%arg0, %mul3A_1469] : memref<2x81920xf32, #tpu.memory_space<hbm>> -> memref<1x5120xf32, #tpu.memory_space<hbm>>
      %dma_wait3A_1475 = tpu.memref_squeeze %dma_wait3A_1474 : memref<1x5120xf32, #tpu.memory_space<hbm>> -> memref<5120xf32, #tpu.memory_space<hbm>>
      %dma_wait3A_1476 = tpu.memref_slice %arg3[%arg0, %mul3A_1469] : memref<2x81920xf32, #tpu.memory_space<hbm>> -> memref<1x5120xf32, #tpu.memory_space<hbm>>
      %dma_wait3A_1477 = tpu.memref_squeeze %dma_wait3A_1476 : memref<1x5120xf32, #tpu.memory_space<hbm>> -> memref<5120xf32, #tpu.memory_space<hbm>>
      tpu.wait_dma2 semaphore(%run_scoped3A : memref<!tpu.dma_semaphore, #tpu.memory_space<semaphore_mem>>) src(%arg9 : memref<5120xf32, #tpu.memory_space<vmem>>) dst(%dma_wait3A_1477 : memref<5120xf32, #tpu.memory_space<hbm>>)
      tpu.yield
    }) : () -> ()
    return
  }
}

module attributes {stable_mosaic.version = 14 : i64} {
  func.func @_tc_prep_body(%arg0: i32, %arg1: memref<256x256xf32, #tpu.memory_space<vmem>>, %arg2: memref<256x256xf32, #tpu.memory_space<vmem>>, %arg3: memref<1x256xf32, #tpu.memory_space<vmem>>, %arg4: memref<256x256xf32, #tpu.memory_space<vmem>>, %arg5: memref<1x256xf32, #tpu.memory_space<vmem>>, %arg6: memref<2x256x8xf32, #tpu.memory_space<vmem>>, %arg7: memref<4x256x128xf32, #tpu.memory_space<vmem>>) attributes {dimension_semantics = [#tpu.dimension_semantics<arbitrary>], iteration_bounds = array<i64: 40>, scalar_prefetch = 0 : i64, scratch_operands = 0 : i64, tpu.core_type = #tpu.core_type<tc>, window_params = [{transform_indices = @transform_0, window_bounds = array<i64: 256, 256>}, {pipeline_mode = #tpu.pipeline_mode<synchronous>, transform_indices = @transform_1, window_bounds = array<i64: 256, 256>}, {pipeline_mode = #tpu.pipeline_mode<synchronous>, transform_indices = @transform_2, window_bounds = array<i64: 1, 256>}, {pipeline_mode = #tpu.pipeline_mode<synchronous>, transform_indices = @transform_3, window_bounds = array<i64: 256, 256>}, {pipeline_mode = #tpu.pipeline_mode<synchronous>, transform_indices = @transform_4, window_bounds = array<i64: 1, 256>}, {transform_indices = @transform_5, window_bounds = array<i64: 2, 256, 8>}, {transform_indices = @transform_6, window_bounds = array<i64: 4, 256, 128>}]} {
    %get3A = arith.constant 0 : index
    %get3A_0 = arith.constant 0 : index
    %get3A_1 = vector.load %arg1[%get3A, %get3A_0] : memref<256x256xf32, #tpu.memory_space<vmem>>, vector<256x256xf32>
    %get3A_2 = arith.constant 0 : index
    %get3A_3 = arith.constant 0 : index
    %get3A_4 = vector.load %arg2[%get3A_2, %get3A_3] : memref<256x256xf32, #tpu.memory_space<vmem>>, vector<256x256xf32>
    %dot_general3A = arith.constant dense<0.000000e+00> : vector<256x256xf32>
    %dot_general3A_5 = tpu.matmul %get3A_1, %get3A_4, %dot_general3A {dimension_numbers = #tpu.dot_dimension_numbers<[1], [1], [0], [0], [0, 0, 1, 0], [], []>, precision = #tpu.contract_precision<fp32>, transpose_lhs_hint = false} : vector<256x256xf32>, vector<256x256xf32>, vector<256x256xf32> -> vector<256x256xf32>
    %get3A_6 = arith.constant 0 : index
    %get3A_7 = arith.constant 0 : index
    %get3A_8 = vector.load %arg3[%get3A_6, %get3A_7] : memref<1x256xf32, #tpu.memory_space<vmem>>, vector<1x256xf32>
    %add3A = vector.broadcast %get3A_8 : vector<1x256xf32> to vector<256x256xf32>
    %add3A_9 = arith.addf %dot_general3A_5, %add3A : vector<256x256xf32>
    %get3A_10 = arith.constant 0 : index
    %get3A_11 = arith.constant 0 : index
    %get3A_12 = vector.load %arg4[%get3A_10, %get3A_11] : memref<256x256xf32, #tpu.memory_space<vmem>>, vector<256x256xf32>
    %dot_general3A_13 = arith.constant dense<0.000000e+00> : vector<256x256xf32>
    %dot_general3A_14 = tpu.matmul %get3A_1, %get3A_12, %dot_general3A_13 {dimension_numbers = #tpu.dot_dimension_numbers<[1], [1], [0], [0], [0, 0, 1, 0], [], []>, precision = #tpu.contract_precision<fp32>, transpose_lhs_hint = false} : vector<256x256xf32>, vector<256x256xf32>, vector<256x256xf32> -> vector<256x256xf32>
    %get3A_15 = arith.constant 0 : index
    %get3A_16 = arith.constant 0 : index
    %get3A_17 = vector.load %arg5[%get3A_15, %get3A_16] : memref<1x256xf32, #tpu.memory_space<vmem>>, vector<1x256xf32>
    %add3A_18 = vector.broadcast %get3A_17 : vector<1x256xf32> to vector<256x256xf32>
    %add3A_19 = arith.addf %dot_general3A_14, %add3A_18 : vector<256x256xf32>
    %mul3A = arith.mulf %add3A_19, %add3A_19 : vector<256x256xf32>
    %reduce_sum3A = arith.constant dense<0.000000e+00> : vector<256xf32>
    %reduce_sum3A_20 = vector.multi_reduction <add>, %mul3A, %reduce_sum3A [1] : vector<256x256xf32> to vector<256xf32>
    %broadcast_in_dim3A = vector.shape_cast %reduce_sum3A_20 : vector<256xf32> to vector<256x1xf32>
    %sqrt3A = math.sqrt %broadcast_in_dim3A : vector<256x1xf32>
    %max3A = arith.constant 9.99999996E-13 : f32
    %max3A_21 = vector.broadcast %max3A : f32 to vector<256x1xf32>
    %max3A_22 = arith.maximumf %sqrt3A, %max3A_21 : vector<256x1xf32>
    %div3A = vector.broadcast %max3A_22 : vector<256x1xf32> to vector<256x256xf32>
    %div3A_23 = arith.divf %add3A_19, %div3A : vector<256x256xf32>
    %mul3A_24 = arith.constant 1.800000e+00 : f32
    %mul3A_25 = vector.broadcast %mul3A_24 : f32 to vector<256x256xf32>
    %mul3A_26 = arith.mulf %div3A_23, %mul3A_25 : vector<256x256xf32>
    %get3A_27 = arith.constant 0 : index
    %get3A_28 = arith.constant 0 : index
    %get3A_29 = arith.constant 0 : index
    %get3A_30 = vector.load %arg6[%get3A_27, %get3A_28, %get3A_29] : memref<2x256x8xf32, #tpu.memory_space<vmem>>, vector<2x256x8xf32>
    %reduce_sum3A_31 = arith.constant dense<0.000000e+00> : vector<256xf32>
    %reduce_sum3A_32 = vector.multi_reduction <add>, %get3A_30, %reduce_sum3A_31 [0, 2] : vector<2x256x8xf32> to vector<256xf32>
    %reshape3A = vector.shape_cast %reduce_sum3A_32 : vector<256xf32> to vector<256x1xf32>
    %add3A_33 = arith.constant 1.000000e+00 : f32
    %add3A_34 = vector.broadcast %add3A_33 : f32 to vector<256x1xf32>
    %add3A_35 = arith.addf %reshape3A, %add3A_34 : vector<256x1xf32>
    %rsqrt3A = math.rsqrt %add3A_35 : vector<256x1xf32>
    %mul3A_36 = arith.constant 256 : i32
    %mul3A_37 = arith.muli %arg0, %mul3A_36 : i32
    %iota3A = tpu.iota {dimensions = array<i32: 0>} : vector<256x1xi32>
    %add3A_38 = vector.broadcast %mul3A_37 : i32 to vector<256x1xi32>
    %add3A_39 = arith.addi %add3A_38, %iota3A : vector<256x1xi32>
    %lt3A = arith.constant 10000 : i32
    %lt3A_40 = vector.broadcast %lt3A : i32 to vector<256x1xi32>
    %lt3A_41 = arith.cmpi slt, %add3A_39, %lt3A_40 : vector<256x1xi32>
    %convert_element_type3A = arith.extui %lt3A_41 : vector<256x1xi1> to vector<256x1xi32>
    %convert_element_type3A_42 = arith.sitofp %convert_element_type3A : vector<256x1xi32> to vector<256x1xf32>
    %mul3A_43 = arith.mulf %rsqrt3A, %convert_element_type3A_42 : vector<256x1xf32>
    %mul3A_44 = vector.broadcast %mul3A_43 : vector<256x1xf32> to vector<256x256xf32>
    %mul3A_45 = arith.mulf %add3A_9, %mul3A_44 : vector<256x256xf32>
    %mul3A_46 = vector.broadcast %mul3A_43 : vector<256x1xf32> to vector<256x256xf32>
    %mul3A_47 = arith.mulf %mul3A_26, %mul3A_46 : vector<256x256xf32>
    %slice3A = vector.extract_strided_slice %mul3A_45 {offsets = [0, 0], sizes = [256, 128], strides = [1, 1]} : vector<256x256xf32> to vector<256x128xf32>
    %swap3A = arith.constant 0 : index
    %swap3A_48 = arith.constant 0 : index
    %swap3A_49 = arith.constant 0 : index
    %swap3A_50 = vector.load %arg7[%swap3A, %swap3A_48, %swap3A_49] : memref<4x256x128xf32, #tpu.memory_space<vmem>>, vector<1x256x128xf32>
    %swap3A_51 = vector.shape_cast %swap3A_50 : vector<1x256x128xf32> to vector<256x128xf32>
    %swap3A_52 = vector.shape_cast %slice3A : vector<256x128xf32> to vector<1x256x128xf32>
    tpu.vector_store %arg7[%swap3A, %swap3A_48, %swap3A_49], %swap3A_52 {strides = array<i32>} : memref<4x256x128xf32, #tpu.memory_space<vmem>>, vector<1x256x128xf32>,
    %slice3A_53 = vector.extract_strided_slice %mul3A_45 {offsets = [0, 128], sizes = [256, 128], strides = [1, 1]} : vector<256x256xf32> to vector<256x128xf32>
    %swap3A_54 = arith.constant 1 : index
    %swap3A_55 = arith.constant 0 : index
    %swap3A_56 = arith.constant 0 : index
    %swap3A_57 = vector.load %arg7[%swap3A_54, %swap3A_55, %swap3A_56] : memref<4x256x128xf32, #tpu.memory_space<vmem>>, vector<1x256x128xf32>
    %swap3A_58 = vector.shape_cast %swap3A_57 : vector<1x256x128xf32> to vector<256x128xf32>
    %swap3A_59 = vector.shape_cast %slice3A_53 : vector<256x128xf32> to vector<1x256x128xf32>
    tpu.vector_store %arg7[%swap3A_54, %swap3A_55, %swap3A_56], %swap3A_59 {strides = array<i32>} : memref<4x256x128xf32, #tpu.memory_space<vmem>>, vector<1x256x128xf32>,
    %slice3A_60 = vector.extract_strided_slice %mul3A_47 {offsets = [0, 0], sizes = [256, 128], strides = [1, 1]} : vector<256x256xf32> to vector<256x128xf32>
    %swap3A_61 = arith.constant 2 : index
    %swap3A_62 = arith.constant 0 : index
    %swap3A_63 = arith.constant 0 : index
    %swap3A_64 = vector.load %arg7[%swap3A_61, %swap3A_62, %swap3A_63] : memref<4x256x128xf32, #tpu.memory_space<vmem>>, vector<1x256x128xf32>
    %swap3A_65 = vector.shape_cast %swap3A_64 : vector<1x256x128xf32> to vector<256x128xf32>
    %swap3A_66 = vector.shape_cast %slice3A_60 : vector<256x128xf32> to vector<1x256x128xf32>
    tpu.vector_store %arg7[%swap3A_61, %swap3A_62, %swap3A_63], %swap3A_66 {strides = array<i32>} : memref<4x256x128xf32, #tpu.memory_space<vmem>>, vector<1x256x128xf32>,
    %slice3A_67 = vector.extract_strided_slice %mul3A_47 {offsets = [0, 128], sizes = [256, 128], strides = [1, 1]} : vector<256x256xf32> to vector<256x128xf32>
    %swap3A_68 = arith.constant 3 : index
    %swap3A_69 = arith.constant 0 : index
    %swap3A_70 = arith.constant 0 : index
    %swap3A_71 = vector.load %arg7[%swap3A_68, %swap3A_69, %swap3A_70] : memref<4x256x128xf32, #tpu.memory_space<vmem>>, vector<1x256x128xf32>
    %swap3A_72 = vector.shape_cast %swap3A_71 : vector<1x256x128xf32> to vector<256x128xf32>
    %swap3A_73 = vector.shape_cast %slice3A_67 : vector<256x128xf32> to vector<1x256x128xf32>
    tpu.vector_store %arg7[%swap3A_68, %swap3A_69, %swap3A_70], %swap3A_73 {strides = array<i32>} : memref<4x256x128xf32, #tpu.memory_space<vmem>>, vector<1x256x128xf32>,
    return
  }
  func.func @transform_0(%arg0: i32) -> (i32, i32) {
    %c0_i32 = arith.constant 0 : i32
    %c0_i32_0 = arith.constant 0 : i32
    return %arg0, %c0_i32 : i32, i32
  }
  func.func @transform_1(%arg0: i32) -> (i32, i32) {
    %c0_i32 = arith.constant 0 : i32
    %c0_i32_0 = arith.constant 0 : i32
    %c0_i32_1 = arith.constant 0 : i32
    return %c0_i32, %c0_i32_0 : i32, i32
  }
  func.func @transform_2(%arg0: i32) -> (i32, i32) {
    %c0_i32 = arith.constant 0 : i32
    %c0_i32_0 = arith.constant 0 : i32
    %c0_i32_1 = arith.constant 0 : i32
    return %c0_i32, %c0_i32_0 : i32, i32
  }
  func.func @transform_3(%arg0: i32) -> (i32, i32) {
    %c0_i32 = arith.constant 0 : i32
    %c0_i32_0 = arith.constant 0 : i32
    %c0_i32_1 = arith.constant 0 : i32
    return %c0_i32, %c0_i32_0 : i32, i32
  }
  func.func @transform_4(%arg0: i32) -> (i32, i32) {
    %c0_i32 = arith.constant 0 : i32
    %c0_i32_0 = arith.constant 0 : i32
    %c0_i32_1 = arith.constant 0 : i32
    return %c0_i32, %c0_i32_0 : i32, i32
  }
  func.func @transform_5(%arg0: i32) -> (i32, i32, i32) {
    %c0_i32 = arith.constant 0 : i32
    %c0_i32_0 = arith.constant 0 : i32
    %c0_i32_1 = arith.constant 0 : i32
    return %c0_i32, %arg0, %c0_i32_0 : i32, i32, i32
  }
  func.func @transform_6(%arg0: i32) -> (i32, i32, i32) {
    %c0_i32 = arith.constant 0 : i32
    %c0_i32_0 = arith.constant 0 : i32
    %c0_i32_1 = arith.constant 0 : i32
    return %c0_i32, %arg0, %c0_i32_0 : i32, i32, i32
  }
}

module attributes {stable_mosaic.version = 14 : i64} {
  func.func @_tc_final_body(%arg0: i32, %arg1: memref<4x256x128xf32, #tpu.memory_space<vmem>>, %arg2: memref<2x256x8xf32, #tpu.memory_space<vmem>>, %arg3: memref<256x256xf32, #tpu.memory_space<vmem>>, %arg4: memref<256x256xf32, #tpu.memory_space<vmem>>) attributes {dimension_semantics = [#tpu.dimension_semantics<arbitrary>], iteration_bounds = array<i64: 40>, scalar_prefetch = 0 : i64, scratch_operands = 0 : i64, tpu.core_type = #tpu.core_type<tc>, window_params = [{transform_indices = @transform_0, window_bounds = array<i64: 4, 256, 128>}, {transform_indices = @transform_1, window_bounds = array<i64: 2, 256, 8>}, {transform_indices = @transform_2, window_bounds = array<i64: 256, 256>}, {transform_indices = @transform_3, window_bounds = array<i64: 256, 256>}]} {
    %get3A = arith.constant 0 : index
    %get3A_0 = arith.constant 0 : index
    %get3A_1 = arith.constant 0 : index
    %get3A_2 = vector.load %arg2[%get3A, %get3A_0, %get3A_1] : memref<2x256x8xf32, #tpu.memory_space<vmem>>, vector<2x256x8xf32>
    %reduce_sum3A = arith.constant dense<0.000000e+00> : vector<256xf32>
    %reduce_sum3A_3 = vector.multi_reduction <add>, %get3A_2, %reduce_sum3A [0, 2] : vector<2x256x8xf32> to vector<256xf32>
    %reshape3A = vector.shape_cast %reduce_sum3A_3 : vector<256xf32> to vector<256x1xf32>
    %add3A = arith.constant 1.000000e+00 : f32
    %add3A_4 = vector.broadcast %add3A : f32 to vector<256x1xf32>
    %add3A_5 = arith.addf %reshape3A, %add3A_4 : vector<256x1xf32>
    %rsqrt3A = math.rsqrt %add3A_5 : vector<256x1xf32>
    %get3A_6 = arith.constant 0 : index
    %get3A_7 = arith.constant 0 : index
    %get3A_8 = arith.constant 0 : index
    %get3A_9 = vector.load %arg1[%get3A_6, %get3A_7, %get3A_8] : memref<4x256x128xf32, #tpu.memory_space<vmem>>, vector<1x256x128xf32>
    %get3A_10 = vector.shape_cast %get3A_9 : vector<1x256x128xf32> to vector<256x128xf32>
    %get3A_11 = arith.constant 1 : index
    %get3A_12 = arith.constant 0 : index
    %get3A_13 = arith.constant 0 : index
    %get3A_14 = vector.load %arg1[%get3A_11, %get3A_12, %get3A_13] : memref<4x256x128xf32, #tpu.memory_space<vmem>>, vector<1x256x128xf32>
    %get3A_15 = vector.shape_cast %get3A_14 : vector<1x256x128xf32> to vector<256x128xf32>
    %concatenate3A = tpu.concatenate %get3A_10, %get3A_15 in 1 : vector<256x128xf32>, vector<256x128xf32> -> vector<256x256xf32>
    %mul3A = vector.broadcast %rsqrt3A : vector<256x1xf32> to vector<256x256xf32>
    %mul3A_16 = arith.mulf %concatenate3A, %mul3A : vector<256x256xf32>
    %swap3A = arith.constant 0 : index
    %swap3A_17 = arith.constant 0 : index
    %swap3A_18 = vector.load %arg4[%swap3A, %swap3A_17] : memref<256x256xf32, #tpu.memory_space<vmem>>, vector<256x256xf32>
    tpu.vector_store %arg4[%swap3A, %swap3A_17], %mul3A_16 {strides = array<i32>} : memref<256x256xf32, #tpu.memory_space<vmem>>, vector<256x256xf32>,
    %get3A_19 = arith.constant 2 : index
    %get3A_20 = arith.constant 0 : index
    %get3A_21 = arith.constant 0 : index
    %get3A_22 = vector.load %arg1[%get3A_19, %get3A_20, %get3A_21] : memref<4x256x128xf32, #tpu.memory_space<vmem>>, vector<1x256x128xf32>
    %get3A_23 = vector.shape_cast %get3A_22 : vector<1x256x128xf32> to vector<256x128xf32>
    %get3A_24 = arith.constant 3 : index
    %get3A_25 = arith.constant 0 : index
    %get3A_26 = arith.constant 0 : index
    %get3A_27 = vector.load %arg1[%get3A_24, %get3A_25, %get3A_26] : memref<4x256x128xf32, #tpu.memory_space<vmem>>, vector<1x256x128xf32>
    %get3A_28 = vector.shape_cast %get3A_27 : vector<1x256x128xf32> to vector<256x128xf32>
    %concatenate3A_29 = tpu.concatenate %get3A_23, %get3A_28 in 1 : vector<256x128xf32>, vector<256x128xf32> -> vector<256x256xf32>
    %mul3A_30 = vector.broadcast %rsqrt3A : vector<256x1xf32> to vector<256x256xf32>
    %mul3A_31 = arith.mulf %concatenate3A_29, %mul3A_30 : vector<256x256xf32>
    %swap3A_32 = arith.constant 0 : index
    %swap3A_33 = arith.constant 0 : index
    %swap3A_34 = vector.load %arg3[%swap3A_32, %swap3A_33] : memref<256x256xf32, #tpu.memory_space<vmem>>, vector<256x256xf32>
    tpu.vector_store %arg3[%swap3A_32, %swap3A_33], %mul3A_31 {strides = array<i32>} : memref<256x256xf32, #tpu.memory_space<vmem>>, vector<256x256xf32>,
    return
  }
  func.func @transform_0(%arg0: i32) -> (i32, i32, i32) {
    %c0_i32 = arith.constant 0 : i32
    %c0_i32_0 = arith.constant 0 : i32
    %c0_i32_1 = arith.constant 0 : i32
    return %c0_i32, %arg0, %c0_i32_0 : i32, i32, i32
  }
  func.func @transform_1(%arg0: i32) -> (i32, i32, i32) {
    %c0_i32 = arith.constant 0 : i32
    %c0_i32_0 = arith.constant 0 : i32
    %c0_i32_1 = arith.constant 0 : i32
    return %c0_i32, %arg0, %c0_i32_0 : i32, i32, i32
  }
  func.func @transform_2(%arg0: i32) -> (i32, i32) {
    %c0_i32 = arith.constant 0 : i32
    %c0_i32_0 = arith.constant 0 : i32
    return %arg0, %c0_i32 : i32, i32
  }
  func.func @transform_3(%arg0: i32) -> (i32, i32) {
    %c0_i32 = arith.constant 0 : i32
    %c0_i32_0 = arith.constant 0 : i32
    return %arg0, %c0_i32 : i32, i32
  }
}

</mosaic_0001>

<sc_bundles>
// kernel: kernel.6.cloned.1.call-start
scs
__scs_entry_jumppad:
0x0: {  	(pc) =	sbr.rel $0x88, $3  }
0x1: {  	(tag) =	ssettag $0x0;
	lr =	simm.s32 $0x1  }
0x2: {  	[smem:$0x3F9B] =	sst lr;
	_ =	strace $0xD0000000  }
0x3: {  	_ = 	snop  }
0x4: {  	_ = 	snop  }
0x5: {  	_ = 	snop  }
0x6: {  	_ = 	snop  }
0x7: {  	_ = 	snop  }
__scs_overlays_trampoline_lowered:
0x8: {  	[smem:$0x3FAA] =	sst s0  }
0x9: {  	[smem:$0x3FAB] =	sst s1  }
0xa: {  	[smem:$0x3FAC] =	sst s2  }
0xb: {  	[smem:$0x3FAD] =	sst s3  }
0xc: {  	[smem:$0x3FAE] =	sst s4  }
0xd: {  	[smem:$0x3FAF] =	sst s5  }
0xe: {  	[smem:$0x3FB0] =	sst s6  }
0xf: {  	[smem:$0x3FB1] =	sst s7  }
0x10: {  	[smem:$0x3FB2] =	sst s8  }
0x11: {  	[smem:$0x3FB3] =	sst s9;
	s0 =	simm.s32 @!p0 $0x0  }
0x12: {  	s1 =	sld [smem:$0x3F99];
	s0 =	simm.s32 @p0 $0x1  }
0x13: {  	[smem:$0x3FB4] =	sst s0;
	s0 =	simm.s32 @!p1 $0x0  }
0x14: {  	s2 =	sld [smem:$0x3F98];
	s0 =	simm.s32 @p1 $0x1  }
0x15: {  	[smem:$0x3FB5] =	sst s0;
	s0 =	simm.s32 @!p2 $0x0  }
0x16: {  	s3 =	sld [smem:$0x3FDB];
	s0 =	simm.s32 @p2 $0x1  }
0x17: {  	s4 =	simm.s32 $0x1BF5;
	[smem:$0x3FB7] =	sst s0  }
0x18: {  	s0 =	sld [smem:$0x3F9A];
	_ =	swait.ge [sflag:s4], $0x0  }
0x19: {  	s7 =	sld [smem:$0x3F9B]  }
0x1a: {  	s8 =	sadd.s32 $0xFFFFE003, lr  }
0x1b: {  	s9 =	sadd.s32 $0xFFFFFEF7, lr;
	s5 =	simm.s32 $0xFFFFFFFF;
	p2 =	slt.u32 s8, $0xFFFFF086  }
0x1c: {  	p1 =	slt.u32 s9, $0xF7A;
	s5 =	simm.s32 @!p2 $0x0  }
0x1d: {  	s5 =	simm.s32 @p1 $0x1;
	p0 =	seq.s32 s7, s2  }
0x1e: {  	s7 =	smul.u32 @!p0 $0xF7A, s2;
	p2 =	seq.s32 @!p0 s5, $0x0  }
0x1f: {  	s9 =	smul.u32 $0xF7A, s1;
	s8 =	simm.s32 @!p0 $0x1BF5;
	p2 =	por !p2, p0  }
0x20: {  	[sflag:s8] =	ssyncset.s32 @!p0 $0xFFFFF086;
	s6 =	sadd.s32 @!p0 s3, s7;
	s7 =	simm.s32 @!p0 $0x108  }
0x21: {  	s3 =	sadd.s32 s3, s9;
	s6 =	sadd.s32 @!p0 $0x88, s6;
	s7 =	simm.s32 @p2 $0x1082  }
0x22: {  	[simem:s7], [sflag:s8] =	dma.local @!p0 [hbm:s6], $0xF7A  }
0x23: {  	s9 =	sor.u32 $0xD0000000, s2;
	s6 =	simm.s32 $0x108;
	_ =	swait.ge @!p0 [sflag:s8], $0x0  }
0x24: {  	s3 =	sadd.s32 $0x88, s3;
	s6 =	simm.s32 @!p1 $0x1082;
	[sflag:s4] =	ssyncset.s32 $0xFFFFF086  }
0x25: {  	[simem:s6], [sflag:s4] =	dma.local [hbm:s3], $0xF7A  }
0x26: {  	[smem:$0x3F9B] =	sst s1;
	(tag) =	ssettag s2;
	_ =	strace s9  }
0x27: {  	s1 =	sld [smem:$0x3FAB]  }
0x28: {  	s2 =	sld [smem:$0x3FAC]  }
0x29: {  	s4 =	sld [smem:$0x3FAE]  }
0x2a: {  	p0 =	seq.s32 s5, $0x0;
	s5 =	sld [smem:$0x3FAF]  }
0x2b: {  	s6 =	sld [smem:$0x3FB0]  }
0x2c: {  	s7 =	sld [smem:$0x3FB1]  }
0x2d: {  	s3 =	simm.s32 $0x108;
	s8 =	sld [smem:$0x3FB2]  }
0x2e: {  	s3 =	simm.s32 @!p0 $0x1082;
	s9 =	sld [smem:$0x3FB3]  }
0x2f: {  	lr =	sadd.s32 s0, s3;
	s0 =	sld [smem:$0x3FAA]  }
0x30: {  	s3 =	sld [smem:$0x3FAD]  }
0x31: {  	[smem:$0x3FB6] =	sst s10  }
0x32: {  	s10 =	sld [smem:$0x3FB4];
	_ =	sdelay $0x3  }
0x33: {  	p0 =	seq.s32 s10, $0x1;
	s10 =	sld [smem:$0x3FB6];
	_ =	sdelay $0x3  }
0x34: {  	[smem:$0x3FB6] =	sst s10  }
0x35: {  	s10 =	sld [smem:$0x3FB5];
	_ =	sdelay $0x3  }
0x36: {  	p1 =	seq.s32 s10, $0x1;
	s10 =	sld [smem:$0x3FB6];
	_ =	sdelay $0x3  }
0x37: {  	[smem:$0x3FB6] =	sst s10  }
0x38: {  	s10 =	sld [smem:$0x3FB7]  }
0x39: {  	_ = 	snop;
	(pc) =	sbr.ind lr, $3  }
0x3a: {  	_ = 	snop  }
0x3b: {  	_ = 	snop  }
0x3c: {  	p2 =	seq.s32 s10, $0x1;
	s10 =	sld [smem:$0x3FB6]  }
0x3d: {  	_ =	shalt  }
0x3e: {  	_ =	shalt  }
0x3f: {  	_ =	shalt  }
0x40: {  	_ =	shalt  }
0x41: {  	_ =	shalt  }
0x42: {  	_ =	shalt  }
0x43: {  	_ =	shalt  }
0x44: {  	_ =	shalt  }
0x45: {  	_ =	shalt  }
0x46: {  	_ =	shalt  }
0x47: {  	_ =	shalt  }
0x48: {  	_ =	shalt  }
0x49: {  	_ =	shalt  }
0x4a: {  	_ =	shalt  }
0x4b: {  	_ =	shalt  }
0x4c: {  	_ =	shalt  }
0x4d: {  	_ =	shalt  }
0x4e: {  	_ =	shalt  }
0x4f: {  	_ =	shalt  }
0x50: {  	_ =	shalt  }
0x51: {  	_ =	shalt  }
0x52: {  	_ =	shalt  }
0x53: {  	_ =	shalt  }
0x54: {  	_ =	shalt  }
0x55: {  	_ =	shalt  }
0x56: {  	_ =	shalt  }
0x57: {  	_ =	shalt  }
0x58: {  	_ =	shalt  }
0x59: {  	_ =	shalt  }
0x5a: {  	_ =	shalt  }
0x5b: {  	_ =	shalt  }
0x5c: {  	_ =	shalt  }
0x5d: {  	_ =	shalt  }
0x5e: {  	_ =	shalt  }
0x5f: {  	_ =	shalt  }
0x60: {  	_ =	shalt  }
0x61: {  	_ =	shalt  }
0x62: {  	_ =	shalt  }
0x63: {  	_ =	shalt  }
0x64: {  	_ =	shalt  }
0x65: {  	_ =	shalt  }
0x66: {  	_ =	shalt  }
0x67: {  	_ =	shalt  }
0x68: {  	_ =	shalt  }
0x69: {  	_ =	shalt  }
0x6a: {  	_ =	shalt  }
0x6b: {  	_ =	shalt  }
0x6c: {  	_ =	shalt  }
0x6d: {  	_ =	shalt  }
0x6e: {  	_ =	shalt  }
0x6f: {  	_ =	shalt  }
0x70: {  	_ =	shalt  }
0x71: {  	_ =	shalt  }
0x72: {  	_ =	shalt  }
0x73: {  	_ =	shalt  }
0x74: {  	_ =	shalt  }
0x75: {  	_ =	shalt  }
0x76: {  	_ =	shalt  }
0x77: {  	_ =	shalt  }
0x78: {  	_ =	shalt  }
0x79: {  	_ =	shalt  }
0x7a: {  	_ =	shalt  }
0x7b: {  	_ =	shalt  }
0x7c: {  	_ =	shalt  }
0x7d: {  	_ =	shalt  }
0x7e: {  	_ =	shalt  }
0x7f: {  	_ =	shalt  }
0x80: {  	_ =	shalt  }
0x81: {  	_ =	shalt  }
0x82: {  	_ =	shalt  }
0x83: {  	_ =	shalt  }
0x84: {  	_ =	shalt  }
0x85: {  	_ =	shalt  }
0x86: {  	_ =	shalt  }
0x87: {  	_ =	shalt  }
.Lfunc_end0:
.L_simem_size_0:
called_computation_lowered:
.L_overlay_start_0:
0x88: {  	s2 =	sld [smem:$0x3FD9]  }
0x89: {  	s3 =	sld [smem:$0x3FFE];
	_ =	sdelay $0x1  }
0x8a: {  	s1 =	srdreg.scid  }
0x8b: {  	s0 =	sand.u32 $0x1, s1  }
0x8c: {  	s16 =	sshll.u32 s0, $0xA;
	s2 =	sadd.s32 s3, s2  }
0x8d: {  	s2 =	sadd.s32 s2, s16  }
0x8e: {  	[smem:$0x3FC2] =	sst s2  }
0x8f: {  	_ = 	snop  }
0x90: {  	(tm) =	ssettm $0x1  }
0x91: {  	s17 =	sld [smem:$0x3FFB];
	_ =	sdelay $0x3  }
0x92: {  	_ =	strace s17  }
0x93: {  	s2 =	sld [smem:$0x3FFC];
	_ =	sdelay $0x3  }
0x94: {  	_ =	strace s2  }
0x95: {  	s2 =	sld [smem:$0x3FFD];
	_ =	sdelay $0x3  }
0x96: {  	_ =	strace s2  }
0x97: {  	_ =	strace $0x8FFFFFFF  }
0x98: {  	s18 =	sld [smem:$0x3FDB];
	_ =	sdelay $0x1  }
0x99: {  	s19 =	simm.s32 $_scs_section_size  }
0x9a: {  	s4 =	simm.s32 $_size__tile_overlayer_lowered;
	s5 =	simm.s32 $_tile_overlayer_lowered  }
0x9b: {  	s22 =	simm.s32 $0x1BFF;
	s21 =	sshll.u32 s5, $0x1;
	s2 =	sadd.s32 s19, s18  }
0x9c: {  	s6 =	simm.s32 $0x0;
	s20 =	sshll.u32 s4, $0x1;
	s4 =	sadd.s32 s21, s2  }
0x9d: {  	[timem:s6], [sflag:s22] =	dma.local [hbm:s4], s20  }
0x9e: {  	_ =	swait.ge [sflag:s22], s20  }
0x9f: {  	s3 =	ssub.s32 $0x0, s20;
	[sflag:s22] =	ssyncset.done $0x0  }
0xa0: {  	[sflag:s22] =	ssyncadd.s32 s3;
	_ =	sdelay $0x1  }
0xa1: {  	s23 =	simm.s32 $0x1B8B  }
0xa2: {  	_ =	swait.ge [sflag:s23], $0x1  }
0xa3: {  	[sflag:s23] =	ssyncset.done $0x0  }
0xa4: {  	s25 =	simm.s32 $0x1B8E;
	s24 =	sld [smem:$0x3FFE];
	[sflag:s23] =	ssyncadd.s32 $0xFFFFFFFF  }
0xa5: {  	s26 =	simm.s32 $execute0_lowered;
	[smem:$0x3FD2] =	sst s25  }
0xa6: {  	s4 =	sshll.u32 s26, $0x1;
	_ =	strace $0x80000046;
	[dreg:$0x1] =	wrdreg $0xFFFFFFFF  }
0xa7: {  	s28 =	simm.s32 $_size_execute0_lowered;
	s2 =	sadd.s32 s2, s4;
	[dreg:$0x0] =	wrdreg $0x0  }
0xa8: {  	s4 =	sshll.u32 s28, $0x1;
	[dreg:$0x2] =	wrdreg s2  }
0xa9: {  	[dreg:$0x3] =	wrdreg s4  }
0xaa: {  	[dreg:$0x4] =	wrdreg $0xC0  }
0xab: {  	_ =	task [dreg:s6], $0x5FFFF  }
0xac: {  	[dreg:$0x1] =	wrdreg $0xFFFFFFFF  }
0xad: {  	[dreg:$0x0] =	wrdreg $0x60  }
0xae: {  	[dreg:$0x2] =	wrdreg s24  }
0xaf: {  	[dreg:$0x3] =	wrdreg $0x16800  }
0xb0: {  	[dreg:$0x4] =	wrdreg $0x9  }
0xb1: {  	_ =	task.clear_ibuf [dreg:s6], $0x5FFFF;
	_ =	strace $0x90000046  }
0xb2: {  	s29 =	simm.s32 $0x9;
	_ =	strace $0x80000048  }
0xb3: {  	_ =	swait.ge [sflag:s29], $0x1  }
0xb4: {  	[sflag:s29] =	ssyncadd.s32 $0xFFFFFFFF  }
0xb5: {  	_ =	strace $0x90000048  }
0xb6: {  	_ =	sfence  }
0xb7: {  	s30 =	sld [smem:$0x0];
	_ =	sdelay $0x2  }
0xb8: {  	s31 =	sshll.u32 s1, $0xD;
	s1 =	sshrl.u32 s1, $0x2  }
0xb9: {  	s3 =	sand.u32 $0x4000, s31;
	s1 =	sadd.s32 s1, s30  }
0xba: {  	s0 =	sor.u32 s3, s0;
	s1 =	sshll.u32 s1, $0x11  }
0xbb: {  	s0 =	sor.u32 s1, s0  }
0xbc: {  	s0 =	sadd.s32 $0x8F2B, s0  }
0xbd: {  	[sflag:s0] =	ssyncadd.remote.s32 $0x1  }
0xbe: {  	_ =	sfence.sel $0xFFFF  }
0xbf: {  	[dreg:$0x0] =	wrdreg $0xFFFFFFFF;
	(pc) =	sbr.abs _section_cstart, $3  }
0xc0: {  	[dreg:$0x1] =	wrdreg $0xFFFFFFFF  }
0xc1: {  	_ =	task.clear_ibuf [dreg:s6], $0x2FFFF;
	_ =	strace $0x9FFFFFFF  }
0xc2: {  	(tm) =	ssettm $0x7FFFFFFF  }
0xc3: {  	_ =	shalt  }
tec
execute0_lowered:
.L_overlay_start_1:
0x0: {  	(tag) =	ssettag $0x1  }
0x1: {  	s4 =	rddreg [dreg:$0x0];
	s1 =	srdreg.scid  }
0x2: {  	s0 =	stileid.u32;
	s2 =	rddreg [dreg:$0x1];
	s3 =	simm.s32 $0x0  }
0x3: {  	s15 =	simm.s32 $0x280;
	s16 =	simm.s32 $0x4;
	s17 =	simm.s32 $0x1  }
0x4: {  	s18 =	simm.s32 $0x180;
	s19 =	simm.s32 $0x200;
	s20 =	simm.s32 $0x2  }
0x5: {  	s21 =	simm.s32 $0x3;
	s22 =	simm.s32 $0x0;
	s6 =	smul.u32 $0x2800, s0  }
0x6: {  	s5 =	sand.u32 $0x1, s1;
	s1 =	rddreg [dreg:$0x2];
	s8 =	smul.u32 $0x1400, s0  }
0x7: {  	[smem:$0x7FF] =	sst s3;
	s12 =	sadd.s32 $0x1600, s4;
	s7 =	smul.u32 $0x14000, s5  }
0x8: {  	_ =	strace $0x80000047;
	s9 =	sshll.u32 s5, $0x7;
	s5 =	ssub.s32 $0x2, s5  }
0x9: {  	s6 =	sor.u32 s9, s6;
	s25 =	sshrl.u32 s5, $0x1;
	s10 =	sadd.s32 s8, s7  }
0xa: {  	s6 =	sshrl.u32 s6, $0x3;
	s13 =	ssub.s32 s5, s25;
	s7 =	sadd.s32 s8, s2  }
0xb: {  	s26 =	sshrl.u32 s10, $0x3;
	s11 =	sadd.s32 s6, s4;
	s9 =	smax.u32 s13, $0x1  }
0xc: {  	s28 =	sor.u32 $0x280, s10;
	s29 =	sor.u32 $0x200, s10;
	s14 =	sor.u32 $0x180, s10  }
0xd: {  	s13 =	simm.s32 $0x80;
	s4 =	sadd.s32 s12, s26;
	s8 =	sadd.s32 $0x6600, s11  }
0xe: {  	s11 =	sshrl.u32 s28, $0x3;
	s30 =	sshrl.u32 s29, $0x3;
	s31 =	sshrl.u32 s14, $0x3  }
0xf: {  	v2 =	vlaneseq.u32;
	s14 =	simm.s32 $0x100;
	s5 =	sadd.s32 $0x10, s4;
	s6 =	sadd.s32 $0x20, s4  }
0x10: {  	v0 =	vimm.f32 $0.0e+00;
	v1 =	vimm.f32 $1.000000000e+00;
	v2 =	vand.u32 $0x7, v2;
	s10 =	sadd.s32 s11, s12;
	s11 =	sadd.s32 s30, s12;
	s12 =	sadd.s32 s31, s12  }
.LBB2_1:
0x11: {  	[tilespmem:$0x280] =	vst v0  }
0x12: {  	[tilespmem:$0x290] =	vst v0  }
0x13: {  	[tilespmem:$0x2A0] =	vst v0  }
0x14: {  	[tilespmem:$0x2B0] =	vst v0  }
0x15: {  	[tilespmem:$0x2C0] =	vst v0  }
0x16: {  	[tilespmem:$0x2D0] =	vst v0  }
0x17: {  	[tilespmem:$0x2E0] =	vst v0  }
0x18: {  	[tilespmem:$0x2F0] =	vst v0  }
0x19: {  	[tilespmem:$0x300] =	vst v0  }
0x1a: {  	[tilespmem:$0x310] =	vst v0  }
0x1b: {  	[tilespmem:$0x320] =	vst v0  }
0x1c: {  	[tilespmem:$0x330] =	vst v0  }
0x1d: {  	[tilespmem:$0x340] =	vst v0  }
0x1e: {  	[tilespmem:$0x350] =	vst v0  }
0x1f: {  	[tilespmem:$0x360] =	vst v0  }
0x20: {  	[tilespmem:$0x370] =	vst v0  }
0x21: {  	[tilespmem:$0x380] =	vst v0  }
0x22: {  	[tilespmem:$0x390] =	vst v0  }
0x23: {  	[tilespmem:$0x3A0] =	vst v0  }
0x24: {  	[tilespmem:$0x3B0] =	vst v0  }
0x25: {  	[tilespmem:$0x3C0] =	vst v0  }
0x26: {  	[tilespmem:$0x3D0] =	vst v0  }
0x27: {  	[tilespmem:$0x3E0] =	vst v0  }
0x28: {  	[tilespmem:$0x3F0] =	vst v0  }
0x29: {  	[tilespmem:$0x400] =	vst v0  }
0x2a: {  	[tilespmem:$0x410] =	vst v0  }
0x2b: {  	[tilespmem:$0x420] =	vst v0  }
0x2c: {  	[tilespmem:$0x430] =	vst v0  }
0x2d: {  	[tilespmem:$0x440] =	vst v0  }
0x2e: {  	[tilespmem:$0x450] =	vst v0  }
0x2f: {  	[tilespmem:$0x460] =	vst v0  }
0x30: {  	[tilespmem:$0x470] =	vst v0  }
0x31: {  	[tilespmem:$0x480] =	vst v0  }
0x32: {  	[tilespmem:$0x490] =	vst v0  }
0x33: {  	[tilespmem:$0x4A0] =	vst v0  }
0x34: {  	[tilespmem:$0x4B0] =	vst v0  }
0x35: {  	[tilespmem:$0x4C0] =	vst v0  }
0x36: {  	[tilespmem:$0x4D0] =	vst v0  }
0x37: {  	[tilespmem:$0x4E0] =	vst v0  }
0x38: {  	[tilespmem:$0x4F0] =	vst v0  }
0x39: {  	[tilespmem:$0x500] =	vst v0  }
0x3a: {  	[tilespmem:$0x510] =	vst v0  }
0x3b: {  	[tilespmem:$0x520] =	vst v0  }
0x3c: {  	[tilespmem:$0x530] =	vst v0  }
0x3d: {  	[tilespmem:$0x540] =	vst v0  }
0x3e: {  	[tilespmem:$0x550] =	vst v0  }
0x3f: {  	[tilespmem:$0x560] =	vst v0  }
0x40: {  	[tilespmem:$0x570] =	vst v0  }
0x41: {  	[tilespmem:$0x580] =	vst v0  }
0x42: {  	[tilespmem:$0x590] =	vst v0  }
0x43: {  	[tilespmem:$0x5A0] =	vst v0  }
0x44: {  	[tilespmem:$0x5B0] =	vst v0  }
0x45: {  	[tilespmem:$0x5C0] =	vst v0  }
0x46: {  	[tilespmem:$0x5D0] =	vst v0  }
0x47: {  	[tilespmem:$0x5E0] =	vst v0  }
0x48: {  	[tilespmem:$0x5F0] =	vst v0  }
0x49: {  	[tilespmem:$0x600] =	vst v0  }
0x4a: {  	[tilespmem:$0x610] =	vst v0  }
0x4b: {  	[tilespmem:$0x620] =	vst v0  }
0x4c: {  	[tilespmem:$0x630] =	vst v0  }
0x4d: {  	[tilespmem:$0x640] =	vst v0  }
0x4e: {  	[tilespmem:$0x650] =	vst v0  }
0x4f: {  	[tilespmem:$0x660] =	vst v0  }
0x50: {  	[tilespmem:$0x670] =	vst v0  }
0x51: {  	[tilespmem:$0x680] =	vst v0  }
0x52: {  	[tilespmem:$0x690] =	vst v0  }
0x53: {  	[tilespmem:$0x6A0] =	vst v0  }
0x54: {  	[tilespmem:$0x6B0] =	vst v0  }
0x55: {  	[tilespmem:$0x6C0] =	vst v0  }
0x56: {  	[tilespmem:$0x6D0] =	vst v0  }
0x57: {  	[tilespmem:$0x6E0] =	vst v0  }
0x58: {  	[tilespmem:$0x6F0] =	vst v0  }
0x59: {  	[tilespmem:$0x700] =	vst v0  }
0x5a: {  	[tilespmem:$0x710] =	vst v0  }
0x5b: {  	[tilespmem:$0x720] =	vst v0  }
0x5c: {  	[tilespmem:$0x730] =	vst v0  }
0x5d: {  	[tilespmem:$0x740] =	vst v0  }
0x5e: {  	[tilespmem:$0x750] =	vst v0  }
0x5f: {  	[tilespmem:$0x760] =	vst v0  }
0x60: {  	[tilespmem:$0x770] =	vst v0  }
0x61: {  	[tilespmem:$0x780] =	vst v0  }
0x62: {  	[tilespmem:$0x790] =	vst v0  }
0x63: {  	[tilespmem:$0x7A0] =	vst v0  }
0x64: {  	[tilespmem:$0x7B0] =	vst v0  }
0x65: {  	[tilespmem:$0x7C0] =	vst v0  }
0x66: {  	[tilespmem:$0x7D0] =	vst v0  }
0x67: {  	[tilespmem:$0x7E0] =	vst v0  }
0x68: {  	[tilespmem:$0x7F0] =	vst v0  }
0x69: {  	[tilespmem:$0x800] =	vst v0  }
0x6a: {  	[tilespmem:$0x810] =	vst v0  }
0x6b: {  	[tilespmem:$0x820] =	vst v0  }
0x6c: {  	[tilespmem:$0x830] =	vst v0  }
0x6d: {  	[tilespmem:$0x840] =	vst v0  }
0x6e: {  	[tilespmem:$0x850] =	vst v0  }
0x6f: {  	[tilespmem:$0x860] =	vst v0  }
0x70: {  	[tilespmem:$0x870] =	vst v0  }
0x71: {  	[tilespmem:$0x880] =	vst v0  }
0x72: {  	[tilespmem:$0x890] =	vst v0  }
0x73: {  	[tilespmem:$0x8A0] =	vst v0  }
0x74: {  	[tilespmem:$0x8B0] =	vst v0  }
0x75: {  	[tilespmem:$0x8C0] =	vst v0  }
0x76: {  	[tilespmem:$0x8D0] =	vst v0  }
0x77: {  	[tilespmem:$0x8E0] =	vst v0  }
0x78: {  	[tilespmem:$0x8F0] =	vst v0  }
0x79: {  	[tilespmem:$0x900] =	vst v0  }
0x7a: {  	[tilespmem:$0x910] =	vst v0  }
0x7b: {  	[tilespmem:$0x920] =	vst v0  }
0x7c: {  	[tilespmem:$0x930] =	vst v0  }
0x7d: {  	[tilespmem:$0x940] =	vst v0  }
0x7e: {  	[tilespmem:$0x950] =	vst v0  }
0x7f: {  	[tilespmem:$0x960] =	vst v0  }
0x80: {  	[tilespmem:$0x970] =	vst v0  }
0x81: {  	[tilespmem:$0x980] =	vst v0  }
0x82: {  	[tilespmem:$0x990] =	vst v0  }
0x83: {  	[tilespmem:$0x9A0] =	vst v0  }
0x84: {  	[tilespmem:$0x9B0] =	vst v0  }
0x85: {  	[tilespmem:$0x9C0] =	vst v0  }
0x86: {  	[tilespmem:$0x9D0] =	vst v0  }
0x87: {  	[tilespmem:$0x9E0] =	vst v0  }
0x88: {  	[tilespmem:$0x9F0] =	vst v0  }
0x89: {  	[tilespmem:$0xA00] =	vst v0  }
0x8a: {  	[tilespmem:$0xA10] =	vst v0  }
0x8b: {  	[tilespmem:$0xA20] =	vst v0  }
0x8c: {  	[tilespmem:$0xA30] =	vst v0  }
0x8d: {  	[tilespmem:$0xA40] =	vst v0  }
0x8e: {  	[tilespmem:$0xA50] =	vst v0  }
0x8f: {  	[tilespmem:$0xA60] =	vst v0  }
0x90: {  	[tilespmem:$0xA70] =	vst v0  }
0x91: {  	[tilespmem:$0xA80] =	vst v0  }
0x92: {  	[tilespmem:$0xA90] =	vst v0  }
0x93: {  	[tilespmem:$0xAA0] =	vst v0  }
0x94: {  	[tilespmem:$0xAB0] =	vst v0  }
0x95: {  	[tilespmem:$0xAC0] =	vst v0  }
0x96: {  	[tilespmem:$0xAD0] =	vst v0  }
0x97: {  	[tilespmem:$0xAE0] =	vst v0  }
0x98: {  	[tilespmem:$0xAF0] =	vst v0  }
0x99: {  	[tilespmem:$0xB00] =	vst v0  }
0x9a: {  	[tilespmem:$0xB10] =	vst v0  }
0x9b: {  	[tilespmem:$0xB20] =	vst v0  }
0x9c: {  	[tilespmem:$0xB30] =	vst v0  }
0x9d: {  	[tilespmem:$0xB40] =	vst v0  }
0x9e: {  	[tilespmem:$0xB50] =	vst v0  }
0x9f: {  	[tilespmem:$0xB60] =	vst v0  }
0xa0: {  	[tilespmem:$0xB70] =	vst v0  }
0xa1: {  	[tilespmem:$0xB80] =	vst v0  }
0xa2: {  	[tilespmem:$0xB90] =	vst v0  }
0xa3: {  	[tilespmem:$0xBA0] =	vst v0  }
0xa4: {  	[tilespmem:$0xBB0] =	vst v0  }
0xa5: {  	[tilespmem:$0xBC0] =	vst v0  }
0xa6: {  	[tilespmem:$0xBD0] =	vst v0  }
0xa7: {  	[tilespmem:$0xBE0] =	vst v0  }
0xa8: {  	[tilespmem:$0xBF0] =	vst v0  }
0xa9: {  	[tilespmem:$0xC00] =	vst v0  }
0xaa: {  	[tilespmem:$0xC10] =	vst v0  }
0xab: {  	[tilespmem:$0xC20] =	vst v0  }
0xac: {  	[tilespmem:$0xC30] =	vst v0  }
0xad: {  	[tilespmem:$0xC40] =	vst v0  }
0xae: {  	[tilespmem:$0xC50] =	vst v0  }
0xaf: {  	[tilespmem:$0xC60] =	vst v0  }
0xb0: {  	[tilespmem:$0xC70] =	vst v0  }
0xb1: {  	[tilespmem:$0xC80] =	vst v0  }
0xb2: {  	[tilespmem:$0xC90] =	vst v0  }
0xb3: {  	[tilespmem:$0xCA0] =	vst v0  }
0xb4: {  	[tilespmem:$0xCB0] =	vst v0  }
0xb5: {  	[tilespmem:$0xCC0] =	vst v0  }
0xb6: {  	[tilespmem:$0xCD0] =	vst v0  }
0xb7: {  	[tilespmem:$0xCE0] =	vst v0  }
0xb8: {  	[tilespmem:$0xCF0] =	vst v0  }
0xb9: {  	[tilespmem:$0xD00] =	vst v0  }
0xba: {  	[tilespmem:$0xD10] =	vst v0  }
0xbb: {  	[tilespmem:$0xD20] =	vst v0  }
0xbc: {  	[tilespmem:$0xD30] =	vst v0  }
0xbd: {  	[tilespmem:$0xD40] =	vst v0  }
0xbe: {  	[tilespmem:$0xD50] =	vst v0  }
0xbf: {  	[tilespmem:$0xD60] =	vst v0  }
0xc0: {  	[tilespmem:$0xD70] =	vst v0  }
0xc1: {  	[tilespmem:$0xD80] =	vst v0  }
0xc2: {  	[tilespmem:$0xD90] =	vst v0  }
0xc3: {  	[tilespmem:$0xDA0] =	vst v0  }
0xc4: {  	[tilespmem:$0xDB0] =	vst v0  }
0xc5: {  	[tilespmem:$0xDC0] =	vst v0  }
0xc6: {  	[tilespmem:$0xDD0] =	vst v0  }
0xc7: {  	[tilespmem:$0xDE0] =	vst v0  }
0xc8: {  	[tilespmem:$0xDF0] =	vst v0  }
0xc9: {  	[tilespmem:$0xE00] =	vst v0  }
0xca: {  	[tilespmem:$0xE10] =	vst v0  }
0xcb: {  	[tilespmem:$0xE20] =	vst v0  }
0xcc: {  	[tilespmem:$0xE30] =	vst v0  }
0xcd: {  	[tilespmem:$0xE40] =	vst v0  }
0xce: {  	[tilespmem:$0xE50] =	vst v0  }
0xcf: {  	[tilespmem:$0xE60] =	vst v0  }
0xd0: {  	[tilespmem:$0xE70] =	vst v0  }
0xd1: {  	[tilespmem:$0xE80] =	vst v0  }
0xd2: {  	[tilespmem:$0xE90] =	vst v0  }
0xd3: {  	[tilespmem:$0xEA0] =	vst v0  }
0xd4: {  	[tilespmem:$0xEB0] =	vst v0  }
0xd5: {  	[tilespmem:$0xEC0] =	vst v0  }
0xd6: {  	[tilespmem:$0xED0] =	vst v0  }
0xd7: {  	[tilespmem:$0xEE0] =	vst v0  }
0xd8: {  	[tilespmem:$0xEF0] =	vst v0  }
0xd9: {  	[tilespmem:$0xF00] =	vst v0  }
0xda: {  	[tilespmem:$0xF10] =	vst v0  }
0xdb: {  	[tilespmem:$0xF20] =	vst v0  }
0xdc: {  	[tilespmem:$0xF30] =	vst v0  }
0xdd: {  	[tilespmem:$0xF40] =	vst v0  }
0xde: {  	[tilespmem:$0xF50] =	vst v0  }
0xdf: {  	[tilespmem:$0xF60] =	vst v0  }
0xe0: {  	[tilespmem:$0xF70] =	vst v0  }
0xe1: {  	[tilespmem:$0xF80] =	vst v0  }
0xe2: {  	[tilespmem:$0xF90] =	vst v0  }
0xe3: {  	[tilespmem:$0xFA0] =	vst v0  }
0xe4: {  	[tilespmem:$0xFB0] =	vst v0  }
0xe5: {  	[tilespmem:$0xFC0] =	vst v0  }
0xe6: {  	[tilespmem:$0xFD0] =	vst v0  }
0xe7: {  	[tilespmem:$0xFE0] =	vst v0  }
0xe8: {  	[tilespmem:$0xFF0] =	vst v0  }
0xe9: {  	[tilespmem:$0x1000] =	vst v0  }
0xea: {  	[tilespmem:$0x1010] =	vst v0  }
0xeb: {  	[tilespmem:$0x1020] =	vst v0  }
0xec: {  	[tilespmem:$0x1030] =	vst v0  }
0xed: {  	[tilespmem:$0x1040] =	vst v0  }
0xee: {  	[tilespmem:$0x1050] =	vst v0  }
0xef: {  	[tilespmem:$0x1060] =	vst v0  }
0xf0: {  	[tilespmem:$0x1070] =	vst v0  }
0xf1: {  	[tilespmem:$0x1080] =	vst v0  }
0xf2: {  	[tilespmem:$0x1090] =	vst v0  }
0xf3: {  	[tilespmem:$0x10A0] =	vst v0  }
0xf4: {  	[tilespmem:$0x10B0] =	vst v0  }
0xf5: {  	[tilespmem:$0x10C0] =	vst v0  }
0xf6: {  	[tilespmem:$0x10D0] =	vst v0  }
0xf7: {  	[tilespmem:$0x10E0] =	vst v0  }
0xf8: {  	[tilespmem:$0x10F0] =	vst v0  }
0xf9: {  	[tilespmem:$0x1100] =	vst v0  }
0xfa: {  	[tilespmem:$0x1110] =	vst v0  }
0xfb: {  	[tilespmem:$0x1120] =	vst v0  }
0xfc: {  	[tilespmem:$0x1130] =	vst v0  }
0xfd: {  	[tilespmem:$0x1140] =	vst v0  }
0xfe: {  	[tilespmem:$0x1150] =	vst v0  }
0xff: {  	[tilespmem:$0x1160] =	vst v0  }
0x100: {  	[tilespmem:$0x1170] =	vst v0  }
0x101: {  	[tilespmem:$0x1180] =	vst v0  }
0x102: {  	[tilespmem:$0x1190] =	vst v0  }
0x103: {  	[tilespmem:$0x11A0] =	vst v0  }
0x104: {  	[tilespmem:$0x11B0] =	vst v0  }
0x105: {  	[tilespmem:$0x11C0] =	vst v0  }
0x106: {  	[tilespmem:$0x11D0] =	vst v0  }
0x107: {  	[tilespmem:$0x11E0] =	vst v0  }
0x108: {  	[tilespmem:$0x11F0] =	vst v0  }
0x109: {  	[tilespmem:$0x1200] =	vst v0  }
0x10a: {  	[tilespmem:$0x1210] =	vst v0  }
0x10b: {  	[tilespmem:$0x1220] =	vst v0  }
0x10c: {  	[tilespmem:$0x1230] =	vst v0  }
0x10d: {  	[tilespmem:$0x1240] =	vst v0  }
0x10e: {  	[tilespmem:$0x1250] =	vst v0  }
0x10f: {  	[tilespmem:$0x1260] =	vst v0  }
0x110: {  	[tilespmem:$0x1270] =	vst v0  }
0x111: {  	[tilespmem:$0x1280] =	vst v0  }
0x112: {  	[tilespmem:$0x1290] =	vst v0  }
0x113: {  	[tilespmem:$0x12A0] =	vst v0  }
0x114: {  	[tilespmem:$0x12B0] =	vst v0  }
0x115: {  	[tilespmem:$0x12C0] =	vst v0  }
0x116: {  	[tilespmem:$0x12D0] =	vst v0  }
0x117: {  	[tilespmem:$0x12E0] =	vst v0  }
0x118: {  	[tilespmem:$0x12F0] =	vst v0  }
0x119: {  	[tilespmem:$0x1300] =	vst v0  }
0x11a: {  	[tilespmem:$0x1310] =	vst v0  }
0x11b: {  	[tilespmem:$0x1320] =	vst v0  }
0x11c: {  	[tilespmem:$0x1330] =	vst v0  }
0x11d: {  	[tilespmem:$0x1340] =	vst v0  }
0x11e: {  	[tilespmem:$0x1350] =	vst v0  }
0x11f: {  	[tilespmem:$0x1360] =	vst v0  }
0x120: {  	[tilespmem:$0x1370] =	vst v0  }
0x121: {  	[tilespmem:$0x1380] =	vst v0  }
0x122: {  	[tilespmem:$0x1390] =	vst v0  }
0x123: {  	[tilespmem:$0x13A0] =	vst v0  }
0x124: {  	[tilespmem:$0x13B0] =	vst v0  }
0x125: {  	[tilespmem:$0x13C0] =	vst v0  }
0x126: {  	[tilespmem:$0x13D0] =	vst v0  }
0x127: {  	[tilespmem:$0x13E0] =	vst v0  }
0x128: {  	[tilespmem:$0x13F0] =	vst v0  }
0x129: {  	[tilespmem:$0x1400] =	vst v0  }
0x12a: {  	[tilespmem:$0x1410] =	vst v0  }
0x12b: {  	[tilespmem:$0x1420] =	vst v0  }
0x12c: {  	[tilespmem:$0x1430] =	vst v0  }
0x12d: {  	[tilespmem:$0x1440] =	vst v0  }
0x12e: {  	[tilespmem:$0x1450] =	vst v0  }
0x12f: {  	[tilespmem:$0x1460] =	vst v0  }
0x130: {  	[tilespmem:$0x1470] =	vst v0  }
0x131: {  	[tilespmem:$0x1480] =	vst v0  }
0x132: {  	[tilespmem:$0x1490] =	vst v0  }
0x133: {  	[tilespmem:$0x14A0] =	vst v0  }
0x134: {  	[tilespmem:$0x14B0] =	vst v0  }
0x135: {  	[tilespmem:$0x14C0] =	vst v0  }
0x136: {  	[tilespmem:$0x14D0] =	vst v0  }
0x137: {  	[tilespmem:$0x14E0] =	vst v0  }
0x138: {  	[tilespmem:$0x14F0] =	vst v0  }
0x139: {  	[tilespmem:$0x1500] =	vst v0  }
0x13a: {  	[tilespmem:$0x1510] =	vst v0  }
0x13b: {  	[tilespmem:$0x1520] =	vst v0  }
0x13c: {  	[tilespmem:$0x1530] =	vst v0  }
0x13d: {  	[tilespmem:$0x1540] =	vst v0  }
0x13e: {  	[tilespmem:$0x1550] =	vst v0  }
0x13f: {  	[tilespmem:$0x1560] =	vst v0  }
0x140: {  	[tilespmem:$0x1570] =	vst v0  }
0x141: {  	[tilespmem:$0x1580] =	vst v0  }
0x142: {  	[tilespmem:$0x1590] =	vst v0  }
0x143: {  	[tilespmem:$0x15A0] =	vst v0  }
0x144: {  	[tilespmem:$0x15B0] =	vst v0  }
0x145: {  	[tilespmem:$0x15C0] =	vst v0  }
0x146: {  	[tilespmem:$0x15D0] =	vst v0  }
0x147: {  	[tilespmem:$0x15E0] =	vst v0  }
0x148: {  	[tilespmem:$0x15F0] =	vst v0  }
0x149: {  	[tilespmem:$0x1600] =	vst v0  }
0x14a: {  	[tilespmem:$0x1610] =	vst v0  }
0x14b: {  	[tilespmem:$0x1620] =	vst v0  }
0x14c: {  	[tilespmem:$0x1630] =	vst v0  }
0x14d: {  	[tilespmem:$0x1640] =	vst v0  }
0x14e: {  	[tilespmem:$0x1650] =	vst v0  }
0x14f: {  	[tilespmem:$0x1660] =	vst v0  }
0x150: {  	[tilespmem:$0x1670] =	vst v0  }
0x151: {  	[tilespmem:$0x200] =	vst v1  }
0x152: {  	[tilespmem:$0x210] =	vst v1  }
0x153: {  	[tilespmem:$0x220] =	vst v1  }
0x154: {  	[tilespmem:$0x230] =	vst v1  }
0x155: {  	[tilespmem:$0x240] =	vst v1  }
0x156: {  	[tilespmem:$0x250] =	vst v1  }
0x157: {  	[tilespmem:$0x260] =	vst v1  }
0x158: {  	[tilespmem:$0x270] =	vst v1  }
0x159: {  	[tilespmem:s3], [sflag:$0x1] =	stream.linear.gather [hbm4b:s4+s3], $0x80, $0x38;
	[tilespmem:$0x2A80] =	vst v63  }
0x15a: {  	_ = 	snop  }
0x15b: {  	[tilespmem:s13], [sflag:$0x2] =	stream.linear.gather [hbm4b:s5+s3], $0x80, $0x38;
	[tilespmem:$0x2A80] =	vst v63  }
0x15c: {  	_ = 	snop  }
0x15d: {  	[tilespmem:s14], [sflag:$0x3] =	stream.linear.gather [hbm4b:s6+s3], $0x80, $0x38;
	[tilespmem:$0x2A80] =	vst v63  }
0x15e: {  	_ = 	snop  }
0x15f: {  	[spmem:s7] =	stream.linear.scatter [tilespmem:s15], [sflag:$0x4], $0x1400, $0x38;
	[tilespmem:$0x2A80] =	vst v63  }
0x160: {  	_ =	swait.ge [sflag:s16], $0x1400  }
0x161: {  	[sflag:s16] =	ssyncset.done $0x0  }
0x162: {  	[sflag:s16] =	ssyncadd.s32 $0xFFFFEC00  }
0x163: {  	[bflag:$0x0] =	sbarrier.arrive $0xFFFF  }
0x164: {  	_ =	swait.ge [sflag:s17], $0x80  }
0x165: {  	[sflag:s17] =	ssyncset.done $0x0  }
0x166: {  	[sflag:s17] =	ssyncadd.s32 $0xFFFFFF80  }
0x167: {  	v3 =	vld [tilespmem:$0x70]  }
0x168: {  	v4 =	vld [tilespmem:$0x60]  }
0x169: {  	v5 =	vld [tilespmem:$0x20]  }
0x16a: {  	v6 =	vld [tilespmem:$0x30]  }
0x16b: {  	v7 =	vld [tilespmem:$0x50]  }
0x16c: {  	v9 =	vld [tilespmem:$0x10];
	v3 =	vshll.u32 v3, $0x3  }
0x16d: {  	v8 =	vld [tilespmem:$0x40];
	v4 =	vshll.u32 v4, $0x3;
	v3 =	vor.u32 v2, v3  }
0x16e: {  	v10 =	vld [tilespmem:$0x0];
	v5 =	vshll.u32 v5, $0x3;
	v4 =	vor.u32 v2, v4;
	[tilespmem:$0x1F0] =	vst v3  }
0x16f: {  	v3 =	vor.u32 v2, v5;
	v5 =	vshll.u32 v6, $0x3;
	[tilespmem:$0x1E0] =	vst v4  }
0x170: {  	v4 =	vshll.u32 v7, $0x3;
	[tilespmem:$0x1A0] =	vst v3;
	v3 =	vor.u32 v2, v5  }
0x171: {  	v4 =	vor.u32 v2, v4;
	v5 =	vshll.u32 v9, $0x3;
	[tilespmem:$0x1B0] =	vst v3  }
0x172: {  	v3 =	vshll.u32 v8, $0x3;
	[tilespmem:$0x1D0] =	vst v4;
	v5 =	vor.u32 v2, v5  }
0x173: {  	v4 =	vshll.u32 v10, $0x3;
	v3 =	vor.u32 v2, v3;
	[tilespmem:$0x190] =	vst v5  }
0x174: {  	[tilespmem:$0x1C0] =	vst v3;
	v3 =	vor.u32 v2, v4  }
0x175: {  	s23 =	sadd.s32 $0x0, s12;
	[tilespmem:$0x180] =	vst v3  }
0x176: {  	[tilespmem:s3], [sflag:$0x1] =	stream.linear.gather [hbm4b:s23+s3], $0x80, $0x38;
	[tilespmem:$0x2A80] =	vst v63  }
0x177: {  	_ = 	snop  }
0x178: {  	[spmem:s2] =	stream.indirect.scatter.add.f32 [tilespmem:s19], [sflag:$0x4], $0x1, s18, s13, $0xb8;
	[tilespmem:$0x2A80] =	vst v63  }
0x179: {  	_ =	swait.ge [sflag:s16], $0x80  }
0x17a: {  	[sflag:s16] =	ssyncset.done $0x0  }
0x17b: {  	[sflag:s16] =	ssyncadd.s32 $0xFFFFFF80  }
0x17c: {  	_ =	swait.ge [sflag:s20], $0x80  }
0x17d: {  	[sflag:s20] =	ssyncset.done $0x0  }
0x17e: {  	[sflag:s20] =	ssyncadd.s32 $0xFFFFFF80  }
0x17f: {  	v4 =	vld [tilespmem:$0xF0]  }
0x180: {  	s24 =	simm.s32 $0x30;
	s23 =	simm.s32 $0x0;
	v3 =	vld [tilespmem:$0xB0]  }
.LBB2_2:
0x181: {  	v5 =	vld [tilespmem:$0xE0];
	s25 =	smov.u32 s24;
	s24 =	sadd.s32 $0x30, s24  }
0x182: {  	p0 =	sne.s32 s24, $0x270;
	v6 =	vld [tilespmem:$0xC0]  }
0x183: {  	v7 =	vld [tilespmem:$0x80]  }
0x184: {  	v8 =	vld [tilespmem:$0xA0];
	v4 =	vshll.u32 v4, $0x3  }
0x185: {  	v9 =	vld [tilespmem:$0x90]  }
0x186: {  	v4 =	vor.u32 v2, v4;
	v10 =	vld [tilespmem:$0xD0];
	v5 =	vshll.u32 v5, $0x3  }
0x187: {  	v3 =	vshll.u32 v3, $0x3;
	v6 =	vshll.u32 v6, $0x3;
	v5 =	vor.u32 v2, v5;
	[tilespmem:$0x1F0] =	vst v4  }
0x188: {  	v3 =	vor.u32 v2, v3;
	v4 =	vor.u32 v2, v6;
	[tilespmem:$0x1E0] =	vst v5  }
0x189: {  	v5 =	vshll.u32 v7, $0x3;
	v6 =	vshll.u32 v8, $0x3;
	[tilespmem:$0x1B0] =	vst v3  }
0x18a: {  	v3 =	vor.u32 v2, v5;
	v5 =	vshll.u32 v9, $0x3;
	v6 =	vor.u32 v2, v6;
	[tilespmem:$0x1C0] =	vst v4  }
0x18b: {  	[tilespmem:$0x180] =	vst v3;
	v3 =	vor.u32 v2, v5;
	v4 =	vshll.u32 v10, $0x3  }
0x18c: {  	[tilespmem:$0x190] =	vst v3;
	v3 =	vor.u32 v2, v4  }
0x18d: {  	p1 =	seq.s32 s23, $0x240;
	[tilespmem:$0x1D0] =	vst v3  }
0x18e: {  	s28 =	sadd.s32 @!p1 s23, s11;
	s26 =	simm.s32 @!p1 $0x0;
	s29 =	simm.s32 @!p1 $0x80;
	[tilespmem:$0x1A0] =	vst v6  }
0x18f: {  	[tilespmem:s29], [sflag:$0x2] =	stream.linear.gather @!p1 [hbm4b:s28+s26], $0x80, $0x38;
	[tilespmem:$0x2A80] =	vst v63  }
0x190: {  	_ = 	snop  }
0x191: {  	[spmem:s2] =	stream.indirect.scatter.add.f32 [tilespmem:s19], [sflag:$0x4], $0x1, s18, s13, $0xb8;
	[tilespmem:$0x2A80] =	vst v63  }
0x192: {  	_ =	swait.ge [sflag:s16], $0x80  }
0x193: {  	[sflag:s16] =	ssyncset.done $0x0  }
0x194: {  	[sflag:s16] =	ssyncadd.s32 $0xFFFFFF80  }
0x195: {  	_ =	swait.ge [sflag:s21], $0x80  }
0x196: {  	[sflag:s21] =	ssyncset.done $0x0  }
0x197: {  	[sflag:s21] =	ssyncadd.s32 $0xFFFFFF80  }
0x198: {  	v3 =	vld [tilespmem:$0x100]  }
0x199: {  	v4 =	vld [tilespmem:$0x110]  }
0x19a: {  	v5 =	vld [tilespmem:$0x150]  }
0x19b: {  	v6 =	vld [tilespmem:$0x140]  }
0x19c: {  	v7 =	vld [tilespmem:$0x130]  }
0x19d: {  	v3 =	vshll.u32 v3, $0x3;
	v8 =	vld [tilespmem:$0x120]  }
0x19e: {  	v3 =	vor.u32 v2, v3;
	v4 =	vshll.u32 v4, $0x3;
	v9 =	vld [tilespmem:$0x170]  }
0x19f: {  	[tilespmem:$0x180] =	vst v3;
	v3 =	vor.u32 v2, v4;
	v4 =	vshll.u32 v5, $0x3;
	v5 =	vld [tilespmem:$0x160]  }
0x1a0: {  	[tilespmem:$0x190] =	vst v3;
	v3 =	vshll.u32 v6, $0x3;
	v4 =	vor.u32 v2, v4  }
0x1a1: {  	v6 =	vshll.u32 v7, $0x3;
	v3 =	vor.u32 v2, v3;
	[tilespmem:$0x1D0] =	vst v4  }
0x1a2: {  	v4 =	vshll.u32 v8, $0x3;
	v6 =	vor.u32 v2, v6;
	[tilespmem:$0x1C0] =	vst v3  }
0x1a3: {  	v3 =	vor.u32 v2, v4;
	[tilespmem:$0x1B0] =	vst v6;
	v4 =	vshll.u32 v9, $0x3  }
0x1a4: {  	[tilespmem:$0x1A0] =	vst v3;
	v3 =	vshll.u32 v5, $0x3;
	v4 =	vor.u32 v2, v4  }
0x1a5: {  	v3 =	vor.u32 v2, v3;
	[tilespmem:$0x1F0] =	vst v4  }
0x1a6: {  	s28 =	sadd.s32 @!p1 s23, s10;
	s29 =	simm.s32 @!p1 $0x100;
	s23 =	smov.u32 s25;
	[tilespmem:$0x1E0] =	vst v3  }
0x1a7: {  	[tilespmem:s29], [sflag:$0x3] =	stream.linear.gather @!p1 [hbm4b:s28+s26], $0x80, $0x38;
	[tilespmem:$0x2A80] =	vst v63  }
0x1a8: {  	_ = 	snop  }
0x1a9: {  	[spmem:s2] =	stream.indirect.scatter.add.f32 [tilespmem:s19], [sflag:$0x4], $0x1, s18, s13, $0xb8;
	[tilespmem:$0x2A80] =	vst v63  }
0x1aa: {  	_ =	swait.ge [sflag:s16], $0x80  }
0x1ab: {  	[sflag:s16] =	ssyncset.done $0x0  }
0x1ac: {  	[sflag:s16] =	ssyncadd.s32 $0xFFFFFF80  }
0x1ad: {  	_ =	swait.ge [sflag:s17], $0x80  }
0x1ae: {  	[sflag:s17] =	ssyncset.done $0x0  }
0x1af: {  	[sflag:s17] =	ssyncadd.s32 $0xFFFFFF80  }
0x1b0: {  	v3 =	vld [tilespmem:$0x70]  }
0x1b1: {  	v4 =	vld [tilespmem:$0x60]  }
0x1b2: {  	v5 =	vld [tilespmem:$0x20]  }
0x1b3: {  	v6 =	vld [tilespmem:$0x30]  }
0x1b4: {  	v7 =	vld [tilespmem:$0x50]  }
0x1b5: {  	v8 =	vld [tilespmem:$0x40];
	v3 =	vshll.u32 v3, $0x3  }
0x1b6: {  	v9 =	vld [tilespmem:$0x10];
	v4 =	vshll.u32 v4, $0x3;
	v3 =	vor.u32 v2, v3  }
0x1b7: {  	v10 =	vld [tilespmem:$0x0];
	v5 =	vshll.u32 v5, $0x3;
	v4 =	vor.u32 v2, v4;
	[tilespmem:$0x1F0] =	vst v3  }
0x1b8: {  	v3 =	vor.u32 v2, v5;
	v5 =	vshll.u32 v6, $0x3;
	[tilespmem:$0x1E0] =	vst v4  }
0x1b9: {  	[tilespmem:$0x1A0] =	vst v3;
	v3 =	vor.u32 v2, v5;
	v4 =	vshll.u32 v7, $0x3  }
0x1ba: {  	[tilespmem:$0x1B0] =	vst v3;
	v3 =	vshll.u32 v8, $0x3;
	v4 =	vor.u32 v2, v4  }
0x1bb: {  	v5 =	vshll.u32 v9, $0x3;
	v3 =	vor.u32 v2, v3;
	[tilespmem:$0x1D0] =	vst v4  }
0x1bc: {  	v4 =	vshll.u32 v10, $0x3;
	v5 =	vor.u32 v2, v5;
	[tilespmem:$0x1C0] =	vst v3  }
0x1bd: {  	v3 =	vor.u32 v2, v4;
	[tilespmem:$0x190] =	vst v5  }
0x1be: {  	s25 =	sadd.s32 s23, s12;
	[tilespmem:$0x180] =	vst v3  }
0x1bf: {  	[tilespmem:s3], [sflag:$0x1] =	stream.linear.gather [hbm4b:s25+s3], $0x80, $0x38;
	[tilespmem:$0x2A80] =	vst v63  }
0x1c0: {  	_ = 	snop  }
0x1c1: {  	[spmem:s2] =	stream.indirect.scatter.add.f32 [tilespmem:s19], [sflag:$0x4], $0x1, s18, s13, $0xb8;
	[tilespmem:$0x2A80] =	vst v63  }
0x1c2: {  	_ =	swait.ge [sflag:s16], $0x80  }
0x1c3: {  	[sflag:s16] =	ssyncset.done $0x0  }
0x1c4: {  	[sflag:s16] =	ssyncadd.s32 $0xFFFFFF80  }
.Ltmp0:
0x1c5: {  	_ =	swait.ge [sflag:s20], $0x80;
	(pc) =	sbr.rel @p0 .LBB2_2-.Ltmp0, $4  }
0x1c6: {  	[sflag:s20] =	ssyncset.done $0x0  }
0x1c7: {  	[sflag:s20] =	ssyncadd.s32 $0xFFFFFF80  }
0x1c8: {  	v4 =	vld [tilespmem:$0xF0]  }
0x1c9: {  	v3 =	vld [tilespmem:$0xB0]  }
0x1ca: {  	v5 =	vld [tilespmem:$0xE0]  }
0x1cb: {  	v6 =	vld [tilespmem:$0xC0]  }
0x1cc: {  	v7 =	vld [tilespmem:$0x80]  }
0x1cd: {  	v10 =	vld [tilespmem:$0xA0];
	v4 =	vshll.u32 v4, $0x3  }
0x1ce: {  	v8 =	vld [tilespmem:$0x90];
	v4 =	vor.u32 v2, v4;
	v3 =	vshll.u32 v3, $0x3  }
0x1cf: {  	v9 =	vld [tilespmem:$0xD0];
	v5 =	vshll.u32 v5, $0x3;
	[tilespmem:$0x1F0] =	vst v4;
	v3 =	vor.u32 v2, v3  }
0x1d0: {  	v34 =	vshll.u32 v6, $0x3;
	v5 =	vor.u32 v2, v5;
	[tilespmem:$0x1B0] =	vst v3  }
0x1d1: {  	v35 =	vshll.u32 v7, $0x3;
	v4 =	vor.u32 v2, v34;
	[tilespmem:$0x1E0] =	vst v5  }
0x1d2: {  	v38 =	vshll.u32 v10, $0x3;
	v3 =	vor.u32 v2, v35;
	[tilespmem:$0x1C0] =	vst v4  }
0x1d3: {  	v36 =	vshll.u32 v8, $0x3;
	v39 =	vor.u32 v2, v38;
	[tilespmem:$0x180] =	vst v3  }
0x1d4: {  	v37 =	vshll.u32 v9, $0x3;
	v3 =	vor.u32 v2, v36;
	[tilespmem:$0x1A0] =	vst v39  }
0x1d5: {  	p0 =	seq.s32 s23, $0x240;
	[tilespmem:$0x190] =	vst v3;
	v3 =	vor.u32 v2, v37  }
0x1d6: {  	s24 =	sadd.s32 @!p0 s23, s11;
	s25 =	simm.s32 @!p0 $0x0;
	s26 =	simm.s32 @!p0 $0x80;
	[tilespmem:$0x1D0] =	vst v3  }
0x1d7: {  	[tilespmem:s26], [sflag:$0x2] =	stream.linear.gather @!p0 [hbm4b:s24+s25], $0x80, $0x38;
	[tilespmem:$0x2A80] =	vst v63  }
0x1d8: {  	_ = 	snop  }
0x1d9: {  	[spmem:s2] =	stream.indirect.scatter.add.f32 [tilespmem:s19], [sflag:$0x4], $0x1, s18, s13, $0xb8;
	[tilespmem:$0x2A80] =	vst v63  }
0x1da: {  	_ =	swait.ge [sflag:s16], $0x80  }
0x1db: {  	[sflag:s16] =	ssyncset.done $0x0  }
0x1dc: {  	[sflag:s16] =	ssyncadd.s32 $0xFFFFFF80  }
0x1dd: {  	_ =	swait.ge [sflag:s21], $0x80  }
0x1de: {  	[sflag:s21] =	ssyncset.done $0x0  }
0x1df: {  	[sflag:s21] =	ssyncadd.s32 $0xFFFFFF80  }
0x1e0: {  	v3 =	vld [tilespmem:$0x100]  }
0x1e1: {  	v43 =	vld [tilespmem:$0x130]  }
0x1e2: {  	v40 =	vld [tilespmem:$0x110]  }
0x1e3: {  	v41 =	vld [tilespmem:$0x150]  }
0x1e4: {  	v42 =	vld [tilespmem:$0x140]  }
0x1e5: {  	v44 =	vld [tilespmem:$0x120];
	v3 =	vshll.u32 v3, $0x3  }
0x1e6: {  	v45 =	vld [tilespmem:$0x170];
	v48 =	vshll.u32 v43, $0x3;
	v3 =	vor.u32 v2, v3  }
0x1e7: {  	v47 =	vld [tilespmem:$0x160];
	v4 =	vshll.u32 v40, $0x3;
	v6 =	vor.u32 v2, v48;
	[tilespmem:$0x180] =	vst v3  }
0x1e8: {  	v46 =	vshll.u32 v41, $0x3;
	v3 =	vor.u32 v2, v4;
	[tilespmem:$0x1B0] =	vst v6  }
0x1e9: {  	v4 =	vor.u32 v2, v46;
	[tilespmem:$0x190] =	vst v3;
	v3 =	vshll.u32 v42, $0x3  }
0x1ea: {  	v49 =	vshll.u32 v44, $0x3;
	[tilespmem:$0x1D0] =	vst v4;
	v3 =	vor.u32 v2, v3  }
0x1eb: {  	v50 =	vshll.u32 v45, $0x3;
	[tilespmem:$0x1C0] =	vst v3;
	v3 =	vor.u32 v2, v49  }
0x1ec: {  	v4 =	vor.u32 v2, v50;
	[tilespmem:$0x1A0] =	vst v3;
	v3 =	vshll.u32 v47, $0x3  }
0x1ed: {  	[tilespmem:$0x1F0] =	vst v4;
	v3 =	vor.u32 v2, v3  }
0x1ee: {  	s23 =	sadd.s32 @!p0 s23, s10;
	s24 =	simm.s32 @!p0 $0x100;
	[tilespmem:$0x1E0] =	vst v3  }
0x1ef: {  	[tilespmem:s24], [sflag:$0x3] =	stream.linear.gather @!p0 [hbm4b:s23+s25], $0x80, $0x38;
	[tilespmem:$0x2A80] =	vst v63  }
0x1f0: {  	_ = 	snop  }
0x1f1: {  	[spmem:s2] =	stream.indirect.scatter.add.f32 [tilespmem:s19], [sflag:$0x4], $0x1, s18, s13, $0xb8;
	[tilespmem:$0x2A80] =	vst v63  }
0x1f2: {  	_ =	swait.ge [sflag:s16], $0x80  }
0x1f3: {  	[sflag:s16] =	ssyncset.done $0x0  }
0x1f4: {  	[sflag:s16] =	ssyncadd.s32 $0xFFFFFF80  }
0x1f5: {  	_ =	swait.ge [sflag:s17], $0x80  }
0x1f6: {  	[sflag:s17] =	ssyncset.done $0x0  }
0x1f7: {  	[sflag:s17] =	ssyncadd.s32 $0xFFFFFF80  }
0x1f8: {  	v3 =	vld [tilespmem:$0x0]  }
0x1f9: {  	v51 =	vld [tilespmem:$0x10]  }
0x1fa: {  	v52 =	vld [tilespmem:$0x20]  }
0x1fb: {  	v53 =	vld [tilespmem:$0x30]  }
0x1fc: {  	v54 =	vld [tilespmem:$0x40]  }
0x1fd: {  	v55 =	vld [tilespmem:$0x50];
	v3 =	vshll.u32 v3, $0x3  }
0x1fe: {  	v56 =	vld [tilespmem:$0x60];
	v4 =	vshll.u32 v51, $0x3;
	v3 =	vor.u32 v2, v3  }
0x1ff: {  	v58 =	vld [tilespmem:$0x70];
	v57 =	vshll.u32 v52, $0x3;
	[tilespmem:$0x180] =	vst v3;
	v3 =	vor.u32 v2, v4  }
0x200: {  	v59 =	vshll.u32 v53, $0x3;
	[tilespmem:$0x190] =	vst v3;
	v3 =	vor.u32 v2, v57  }
0x201: {  	v60 =	vshll.u32 v54, $0x3;
	[tilespmem:$0x1A0] =	vst v3;
	v3 =	vor.u32 v2, v59  }
0x202: {  	v61 =	vshll.u32 v55, $0x3;
	[tilespmem:$0x1B0] =	vst v3;
	v3 =	vor.u32 v2, v60  }
0x203: {  	v62 =	vshll.u32 v56, $0x3;
	[tilespmem:$0x1C0] =	vst v3;
	v3 =	vor.u32 v2, v61  }
0x204: {  	v63 =	vshll.u32 v58, $0x3;
	[tilespmem:$0x1D0] =	vst v3;
	v3 =	vor.u32 v2, v62  }
0x205: {  	[tilespmem:$0x1E0] =	vst v3;
	v3 =	vor.u32 v2, v63  }
0x206: {  	[tilespmem:$0x1F0] =	vst v3  }
0x207: {  	[spmem:s2] =	stream.indirect.scatter.add.f32 [tilespmem:s19], [sflag:$0x4], $0x1, s18, s13, $0xb8;
	[tilespmem:$0x2A80] =	vst v63  }
0x208: {  	_ =	swait.ge [sflag:s16], $0x80  }
0x209: {  	[sflag:s16] =	ssyncset.done $0x0  }
0x20a: {  	[sflag:s16] =	ssyncadd.s32 $0xFFFFFF80  }
0x20b: {  	[bflag:$0x0] =	sbarrier.arrive $0xFFFF  }
0x20c: {  	[tilespmem:s15], [sflag:$0x4] =	stream.linear.gather [spmem:s7], $0x1400, $0x38;
	[tilespmem:$0x2A80] =	vst v63  }
0x20d: {  	s22 =	sadd.s32 $0x1, s22;
	_ =	swait.ge [sflag:s16], $0x1400  }
0x20e: {  	p0 =	sne.s32 s22, s9;
	[sflag:s16] =	ssyncset.done $0x0  }
.Ltmp1:
0x20f: {  	[sflag:s16] =	ssyncadd.s32 $0xFFFFEC00;
	(pc) =	sbr.rel @p0 .LBB2_1-.Ltmp1, $4  }
0x210: {  	[hbm4b:s8+s13] =	stream.strided.scatter [tilespmem:s15], [sflag:$0x4], $0x1400, s14, s13, $0x38;
	[tilespmem:$0x2A80] =	vst v63  }
0x211: {  	_ =	swait.ge [sflag:s16], $0x1400  }
0x212: {  	[sflag:s16] =	ssyncset.done $0x0  }
0x213: {  	[sflag:s16] =	ssyncadd.s32 $0xFFFFEC00  }
0x214: {  	_ =	sfence.sel $0x180000  }
0x215: {  	[bflag:$0x0] =	sbarrier.arrive $0xFFFF  }
0x216: {  	p0 =	sne.s32 s0, $0x0;
	_ =	strace $0x90000047  }
0x217: {  	s0 =	sadd.s32 @!p0 $0x100000, s1;
	[bflag:$0x2] =	sbarrier.arrive $0xFFFF  }
0x218: {  	[sflag:s0] =	ssyncadd.tile.s32 @!p0 $0x1;
	_ =	shalt  }
.Lfunc_end2:
_tile_overlayer_lowered:
.L_overlay_start_2:
0x219: {  	(tag) =	ssettag $0x2  }
0x21a: {  	s0 =	rddreg [dreg:$0x0];
	s2 =	stileid.u32  }
0x21b: {  	s1 =	rddreg [dreg:$0x1];
	p0 =	sne.s32 s2, $0x0  }
0x21c: {  	s3 =	rddreg [dreg:$0x2];
	[bflag:$0x3] =	sbarrier.arrive $0xFFFF;
	s2 =	simm.s32 @!p0 $0x1C04  }
0x21d: {  	[timem:s3], [sflag:s2] =	dma.local @!p0 [hbm:s0], s1  }
0x21e: {  	s0 =	simm.s32 @!p0 $0x4  }
0x21f: {  	_ =	swait.ge @!p0 [sflag:s0], s1  }
0x220: {  	s1 =	ssub.s32 @!p0 $0x0, s1;
	[sflag:s0] =	ssyncset.done @!p0 $0x0  }
0x221: {  	[sflag:s0] =	ssyncadd.s32 @!p0 s1  }
0x222: {  	[bflag:$0x3] =	sbarrier.arrive $0xFFFF  }
0x223: {  	_ =	shalt  }

// kernel: kernel.9.cloned.1.call-start
scs
__scs_entry_jumppad:
0x0: {  	(pc) =	sbr.rel $0x88, $3  }
0x1: {  	(tag) =	ssettag $0x0;
	lr =	simm.s32 $0x1  }
0x2: {  	[smem:$0x3F9B] =	sst lr;
	_ =	strace $0xD0000000  }
0x3: {  	_ = 	snop  }
0x4: {  	_ = 	snop  }
0x5: {  	_ = 	snop  }
0x6: {  	_ = 	snop  }
0x7: {  	_ = 	snop  }
__scs_overlays_trampoline_lowered:
0x8: {  	[smem:$0x3FAA] =	sst s0  }
0x9: {  	[smem:$0x3FAB] =	sst s1  }
0xa: {  	[smem:$0x3FAC] =	sst s2  }
0xb: {  	[smem:$0x3FAD] =	sst s3  }
0xc: {  	[smem:$0x3FAE] =	sst s4  }
0xd: {  	[smem:$0x3FAF] =	sst s5  }
0xe: {  	[smem:$0x3FB0] =	sst s6  }
0xf: {  	[smem:$0x3FB1] =	sst s7  }
0x10: {  	[smem:$0x3FB2] =	sst s8  }
0x11: {  	[smem:$0x3FB3] =	sst s9;
	s0 =	simm.s32 @!p0 $0x0  }
0x12: {  	s1 =	sld [smem:$0x3F99];
	s0 =	simm.s32 @p0 $0x1  }
0x13: {  	[smem:$0x3FB4] =	sst s0;
	s0 =	simm.s32 @!p1 $0x0  }
0x14: {  	s2 =	sld [smem:$0x3F98];
	s0 =	simm.s32 @p1 $0x1  }
0x15: {  	[smem:$0x3FB5] =	sst s0;
	s0 =	simm.s32 @!p2 $0x0  }
0x16: {  	s3 =	sld [smem:$0x3FDB];
	s0 =	simm.s32 @p2 $0x1  }
0x17: {  	s4 =	simm.s32 $0x1BF5;
	[smem:$0x3FB7] =	sst s0  }
0x18: {  	s0 =	sld [smem:$0x3F9A];
	_ =	swait.ge [sflag:s4], $0x0  }
0x19: {  	s7 =	sld [smem:$0x3F9B]  }
0x1a: {  	s8 =	sadd.s32 $0xFFFFE003, lr  }
0x1b: {  	s9 =	sadd.s32 $0xFFFFFEF7, lr;
	s5 =	simm.s32 $0xFFFFFFFF;
	p2 =	slt.u32 s8, $0xFFFFF086  }
0x1c: {  	p1 =	slt.u32 s9, $0xF7A;
	s5 =	simm.s32 @!p2 $0x0  }
0x1d: {  	s5 =	simm.s32 @p1 $0x1;
	p0 =	seq.s32 s7, s2  }
0x1e: {  	s7 =	smul.u32 @!p0 $0xF7A, s2;
	p2 =	seq.s32 @!p0 s5, $0x0  }
0x1f: {  	s9 =	smul.u32 $0xF7A, s1;
	s8 =	simm.s32 @!p0 $0x1BF5;
	p2 =	por !p2, p0  }
0x20: {  	[sflag:s8] =	ssyncset.s32 @!p0 $0xFFFFF086;
	s6 =	sadd.s32 @!p0 s3, s7;
	s7 =	simm.s32 @!p0 $0x108  }
0x21: {  	s3 =	sadd.s32 s3, s9;
	s6 =	sadd.s32 @!p0 $0x88, s6;
	s7 =	simm.s32 @p2 $0x1082  }
0x22: {  	[simem:s7], [sflag:s8] =	dma.local @!p0 [hbm:s6], $0xF7A  }
0x23: {  	s9 =	sor.u32 $0xD0000000, s2;
	s6 =	simm.s32 $0x108;
	_ =	swait.ge @!p0 [sflag:s8], $0x0  }
0x24: {  	s3 =	sadd.s32 $0x88, s3;
	s6 =	simm.s32 @!p1 $0x1082;
	[sflag:s4] =	ssyncset.s32 $0xFFFFF086  }
0x25: {  	[simem:s6], [sflag:s4] =	dma.local [hbm:s3], $0xF7A  }
0x26: {  	[smem:$0x3F9B] =	sst s1;
	(tag) =	ssettag s2;
	_ =	strace s9  }
0x27: {  	s1 =	sld [smem:$0x3FAB]  }
0x28: {  	s2 =	sld [smem:$0x3FAC]  }
0x29: {  	s4 =	sld [smem:$0x3FAE]  }
0x2a: {  	p0 =	seq.s32 s5, $0x0;
	s5 =	sld [smem:$0x3FAF]  }
0x2b: {  	s6 =	sld [smem:$0x3FB0]  }
0x2c: {  	s7 =	sld [smem:$0x3FB1]  }
0x2d: {  	s3 =	simm.s32 $0x108;
	s8 =	sld [smem:$0x3FB2]  }
0x2e: {  	s3 =	simm.s32 @!p0 $0x1082;
	s9 =	sld [smem:$0x3FB3]  }
0x2f: {  	lr =	sadd.s32 s0, s3;
	s0 =	sld [smem:$0x3FAA]  }
0x30: {  	s3 =	sld [smem:$0x3FAD]  }
0x31: {  	[smem:$0x3FB6] =	sst s10  }
0x32: {  	s10 =	sld [smem:$0x3FB4];
	_ =	sdelay $0x3  }
0x33: {  	p0 =	seq.s32 s10, $0x1;
	s10 =	sld [smem:$0x3FB6];
	_ =	sdelay $0x3  }
0x34: {  	[smem:$0x3FB6] =	sst s10  }
0x35: {  	s10 =	sld [smem:$0x3FB5];
	_ =	sdelay $0x3  }
0x36: {  	p1 =	seq.s32 s10, $0x1;
	s10 =	sld [smem:$0x3FB6];
	_ =	sdelay $0x3  }
0x37: {  	[smem:$0x3FB6] =	sst s10  }
0x38: {  	s10 =	sld [smem:$0x3FB7]  }
0x39: {  	_ = 	snop;
	(pc) =	sbr.ind lr, $3  }
0x3a: {  	_ = 	snop  }
0x3b: {  	_ = 	snop  }
0x3c: {  	p2 =	seq.s32 s10, $0x1;
	s10 =	sld [smem:$0x3FB6]  }
0x3d: {  	_ =	shalt  }
0x3e: {  	_ =	shalt  }
0x3f: {  	_ =	shalt  }
0x40: {  	_ =	shalt  }
0x41: {  	_ =	shalt  }
0x42: {  	_ =	shalt  }
0x43: {  	_ =	shalt  }
0x44: {  	_ =	shalt  }
0x45: {  	_ =	shalt  }
0x46: {  	_ =	shalt  }
0x47: {  	_ =	shalt  }
0x48: {  	_ =	shalt  }
0x49: {  	_ =	shalt  }
0x4a: {  	_ =	shalt  }
0x4b: {  	_ =	shalt  }
0x4c: {  	_ =	shalt  }
0x4d: {  	_ =	shalt  }
0x4e: {  	_ =	shalt  }
0x4f: {  	_ =	shalt  }
0x50: {  	_ =	shalt  }
0x51: {  	_ =	shalt  }
0x52: {  	_ =	shalt  }
0x53: {  	_ =	shalt  }
0x54: {  	_ =	shalt  }
0x55: {  	_ =	shalt  }
0x56: {  	_ =	shalt  }
0x57: {  	_ =	shalt  }
0x58: {  	_ =	shalt  }
0x59: {  	_ =	shalt  }
0x5a: {  	_ =	shalt  }
0x5b: {  	_ =	shalt  }
0x5c: {  	_ =	shalt  }
0x5d: {  	_ =	shalt  }
0x5e: {  	_ =	shalt  }
0x5f: {  	_ =	shalt  }
0x60: {  	_ =	shalt  }
0x61: {  	_ =	shalt  }
0x62: {  	_ =	shalt  }
0x63: {  	_ =	shalt  }
0x64: {  	_ =	shalt  }
0x65: {  	_ =	shalt  }
0x66: {  	_ =	shalt  }
0x67: {  	_ =	shalt  }
0x68: {  	_ =	shalt  }
0x69: {  	_ =	shalt  }
0x6a: {  	_ =	shalt  }
0x6b: {  	_ =	shalt  }
0x6c: {  	_ =	shalt  }
0x6d: {  	_ =	shalt  }
0x6e: {  	_ =	shalt  }
0x6f: {  	_ =	shalt  }
0x70: {  	_ =	shalt  }
0x71: {  	_ =	shalt  }
0x72: {  	_ =	shalt  }
0x73: {  	_ =	shalt  }
0x74: {  	_ =	shalt  }
0x75: {  	_ =	shalt  }
0x76: {  	_ =	shalt  }
0x77: {  	_ =	shalt  }
0x78: {  	_ =	shalt  }
0x79: {  	_ =	shalt  }
0x7a: {  	_ =	shalt  }
0x7b: {  	_ =	shalt  }
0x7c: {  	_ =	shalt  }
0x7d: {  	_ =	shalt  }
0x7e: {  	_ =	shalt  }
0x7f: {  	_ =	shalt  }
0x80: {  	_ =	shalt  }
0x81: {  	_ =	shalt  }
0x82: {  	_ =	shalt  }
0x83: {  	_ =	shalt  }
0x84: {  	_ =	shalt  }
0x85: {  	_ =	shalt  }
0x86: {  	_ =	shalt  }
0x87: {  	_ =	shalt  }
.Lfunc_end0:
.L_simem_size_0:
called_computation.1_lowered:
.L_overlay_start_0:
0x88: {  	s2 =	sld [smem:$0x3FD9]  }
0x89: {  	s3 =	sld [smem:$0x3FFE];
	_ =	sdelay $0x1  }
0x8a: {  	s1 =	srdreg.scid  }
0x8b: {  	s0 =	sand.u32 $0x1, s1  }
0x8c: {  	s14 =	sshll.u32 s0, $0xA;
	s2 =	sadd.s32 s3, s2  }
0x8d: {  	s2 =	sadd.s32 s2, s14  }
0x8e: {  	[smem:$0x3FC2] =	sst s2  }
0x8f: {  	_ = 	snop  }
0x90: {  	s2 =	sld [smem:$0x3FD0];
	_ =	sdelay $0x2  }
0x91: {  	s15 =	simm.s32 $0xA;
	s4 =	simm.s32 $0x10  }
0x92: {  	[smem:s4], [sflag:s15] =	dma.local [hbm:s2], $0x1  }
0x93: {  	_ =	swait.eq [sflag:s15], $0x1  }
0x94: {  	[sflag:s15] =	ssyncset.done $0x0  }
0x95: {  	s16 =	sld [smem:$0x10];
	[sflag:s15] =	ssyncadd.s32 $0xFFFFFFFF  }
0x96: {  	s17 =	sld [smem:$0x11];
	(tm) =	ssettm $0x1  }
0x97: {  	s18 =	sld [smem:$0x3FFB];
	_ =	sdelay $0x3  }
0x98: {  	_ =	strace s18  }
0x99: {  	s4 =	sld [smem:$0x3FFC];
	_ =	sdelay $0x3  }
0x9a: {  	_ =	strace s4  }
0x9b: {  	s4 =	sld [smem:$0x3FFD];
	_ =	sdelay $0x3  }
0x9c: {  	_ =	strace s4  }
0x9d: {  	_ =	strace $0x8FFFFFFF  }
0x9e: {  	s19 =	sld [smem:$0x3FDB];
	_ =	sdelay $0x1  }
0x9f: {  	s5 =	simm.s32 $_scs_section_size  }
0xa0: {  	s6 =	simm.s32 $_size__tile_overlayer_lowered;
	s7 =	simm.s32 $_tile_overlayer_lowered  }
0xa1: {  	s22 =	simm.s32 $0x1BFF;
	s21 =	sshll.u32 s7, $0x1;
	s4 =	sadd.s32 s5, s19  }
0xa2: {  	s8 =	simm.s32 $0x0;
	s20 =	sshll.u32 s6, $0x1;
	s6 =	sadd.s32 s21, s4  }
0xa3: {  	[timem:s8], [sflag:s22] =	dma.local [hbm:s6], s20  }
0xa4: {  	_ =	swait.ge [sflag:s22], s20  }
0xa5: {  	s5 =	ssub.s32 $0x0, s20;
	[sflag:s22] =	ssyncset.done $0x0  }
0xa6: {  	[sflag:s22] =	ssyncadd.s32 s5;
	_ =	sdelay $0x1  }
0xa7: {  	s23 =	simm.s32 $0x1B8B  }
0xa8: {  	_ =	swait.ge [sflag:s23], $0x1  }
0xa9: {  	[sflag:s23] =	ssyncset.done $0x0  }
0xaa: {  	s25 =	simm.s32 $0x1B8E;
	s24 =	sld [smem:$0x3FFE];
	[sflag:s23] =	ssyncadd.s32 $0xFFFFFFFF  }
0xab: {  	s26 =	simm.s32 $execute0_lowered;
	[smem:$0x3FD2] =	sst s25  }
0xac: {  	s6 =	sshll.u32 s26, $0x1;
	_ =	strace $0x80000049;
	[dreg:$0x1] =	wrdreg $0xFFFFFFFF  }
0xad: {  	s28 =	simm.s32 $_size_execute0_lowered;
	s4 =	sadd.s32 s4, s6;
	[dreg:$0x0] =	wrdreg $0x0  }
0xae: {  	s6 =	sshll.u32 s28, $0x1;
	[dreg:$0x2] =	wrdreg s4  }
0xaf: {  	[dreg:$0x3] =	wrdreg s6  }
0xb0: {  	[dreg:$0x4] =	wrdreg $0xC0  }
0xb1: {  	_ =	task [dreg:s8], $0x5FFFF  }
0xb2: {  	[dreg:$0x1] =	wrdreg $0xFFFFFFFF  }
0xb3: {  	[dreg:$0x0] =	wrdreg $0x60  }
0xb4: {  	[dreg:$0x2] =	wrdreg s17  }
0xb5: {  	[dreg:$0x3] =	wrdreg s16  }
0xb6: {  	[dreg:$0x4] =	wrdreg s24  }
0xb7: {  	[dreg:$0x5] =	wrdreg $0xA5000  }
0xb8: {  	[dreg:$0x6] =	wrdreg $0x9  }
0xb9: {  	_ =	task.clear_ibuf [dreg:s8], $0x7FFFF;
	_ =	strace $0x90000049  }
0xba: {  	s29 =	simm.s32 $0x9;
	_ =	strace $0x8000004B  }
0xbb: {  	_ =	swait.ge [sflag:s29], $0x1  }
0xbc: {  	[sflag:s29] =	ssyncadd.s32 $0xFFFFFFFF  }
0xbd: {  	_ =	strace $0x9000004B  }
0xbe: {  	_ =	sfence  }
0xbf: {  	s30 =	sld [smem:$0x0];
	_ =	sdelay $0x2  }
0xc0: {  	s31 =	sshll.u32 s1, $0xD;
	s1 =	sshrl.u32 s1, $0x2  }
0xc1: {  	s3 =	sand.u32 $0x4000, s31;
	s1 =	sadd.s32 s1, s30  }
0xc2: {  	s0 =	sor.u32 s3, s0;
	s1 =	sshll.u32 s1, $0x11  }
0xc3: {  	s0 =	sor.u32 s1, s0  }
0xc4: {  	s0 =	sadd.s32 $0x8F2B, s0  }
0xc5: {  	[sflag:s0] =	ssyncadd.remote.s32 $0x1  }
0xc6: {  	_ =	sfence.sel $0xFFFF  }
0xc7: {  	[dreg:$0x0] =	wrdreg $0xFFFFFFFF;
	(pc) =	sbr.abs _section_cstart, $3  }
0xc8: {  	[dreg:$0x1] =	wrdreg $0xFFFFFFFF  }
0xc9: {  	_ =	task.clear_ibuf [dreg:s8], $0x2FFFF;
	_ =	strace $0x9FFFFFFF  }
0xca: {  	(tm) =	ssettm $0x7FFFFFFF  }
0xcb: {  	_ =	shalt  }
tec
execute0_lowered:
.L_overlay_start_1:
0x0: {  	(tag) =	ssettag $0x1  }
0x1: {  	s0 =	srdreg.scid  }
0x2: {  	s15 =	stileid.u32;
	s3 =	rddreg [dreg:$0x0]  }
0x3: {  	s1 =	rddreg [dreg:$0x1];
	s2 =	simm.s32 $0x0;
	s5 =	smul.u32 $0x2800, s15  }
0x4: {  	s28 =	simm.s32 $0xF;
	s4 =	sand.u32 $0x1, s0;
	s13 =	smul.u32 $0x280, s15  }
0x5: {  	[smem:$0x7FF] =	sst s2;
	s24 =	sadd.s32 $0x8, s3;
	s29 =	smul.u32 $0xA00, s15  }
0x6: {  	s25 =	sadd.s32 $0x10, s3;
	s26 =	sadd.s32 $0x18, s3;
	s0 =	smul.u32 $0x50000, s4  }
0x7: {  	s6 =	ssub.s32 $0x2, s4;
	s22 =	smul.u32 $0x5000, s4;
	s4 =	sshllo.u32 s4, $0x1  }
0x8: {  	s30 =	sadd.s32 $0x20, s3;
	s7 =	sshrl.u32 s6, $0x1;
	s11 =	smul.u32 $0x28000, s4  }
0x9: {  	s4 =	smul.u32 $0x2800, s4;
	s8 =	sadd.s32 s5, s0;
	s0 =	ssub.s32 s6, s7  }
0xa: {  	s6 =	sadd.s32 s13, s22;
	s23 =	sshrl.u32 s8, $0x3;
	s5 =	sadd.s32 s5, s11  }
0xb: {  	s17 =	sor.u32 $0x240, s8;
	s19 =	sor.u32 $0x200, s8;
	s9 =	sadd.s32 s3, s23  }
0xc: {  	s4 =	sadd.s32 s13, s4;
	s10 =	sadd.s32 s23, s24;
	[dreg:$0x5] =	wrdreg s9  }
0xd: {  	s21 =	sor.u32 $0x1C0, s8;
	s12 =	sadd.s32 s23, s25;
	[dreg:$0x6] =	wrdreg s10  }
0xe: {  	s22 =	sor.u32 $0x180, s8;
	s14 =	sadd.s32 s23, s26;
	[dreg:$0x7] =	wrdreg s12  }
0xf: {  	s0 =	smax.u32 s0, $0x1;
	s7 =	sadd.s32 s23, s30;
	[dreg:$0x8] =	wrdreg s14  }
0x10: {  	s5 =	sshrl.u32 s5, $0x3;
	s18 =	sshrl.u32 s17, $0x3;
	[dreg:$0x9] =	wrdreg s7  }
0x11: {  	s20 =	sshrl.u32 s19, $0x3;
	s23 =	sor.u32 $0x140, s8;
	s10 =	rddreg [dreg:$0x2]  }
0x12: {  	s31 =	sadd.s32 s3, s5;
	s7 =	sshrl.u32 s22, $0x3;
	s22 =	rddreg [dreg:$0x3]  }
0x13: {  	s4 =	sshll.u32 s4, $0x4;
	s9 =	sadd.s32 s5, s24;
	[dreg:$0xa] =	wrdreg s31  }
0x14: {  	s11 =	sadd.s32 s5, s25;
	s16 =	sadd.s32 s5, s26;
	[dreg:$0xb] =	wrdreg s9  }
0x15: {  	s5 =	sadd.s32 s5, s30;
	s25 =	sshrl.u32 s23, $0x3;
	[dreg:$0xc] =	wrdreg s11  }
0x16: {  	s26 =	sadd.s32 $0x28240, s8;
	s30 =	sadd.s32 $0x28200, s8;
	[dreg:$0xd] =	wrdreg s16  }
0x17: {  	s12 =	smul.u32 $0x50000, s15;
	[dreg:$0xe] =	wrdreg s5;
	s5 =	sadd.s32 s18, s3  }
0x18: {  	s24 =	sadd.s32 s7, s3;
	s7 =	sshrl.u32 s30, $0x3;
	s31 =	sadd.s32 $0x281C0, s8  }
0x19: {  	s11 =	sadd.s32 $0x28180, s8;
	s8 =	sadd.s32 $0x28140, s8;
	[dreg:$0xf] =	wrdreg s5  }
0x1a: {  	s13 =	sadd.s32 $0xF1600, s10;
	s5 =	sadd.s32 s20, s3;
	[dreg:$0x12] =	wrdreg s24  }
0x1b: {  	s7 =	sadd.s32 s7, s3;
	[dreg:$0x10] =	wrdreg s5;
	s5 =	sshrl.u32 s21, $0x3  }
0x1c: {  	s16 =	sshll.u32 s6, $0x4;
	[dreg:$0x15] =	wrdreg s7;
	s5 =	sadd.s32 s5, s3  }
0x1d: {  	s7 =	sshrl.u32 s11, $0x3;
	[dreg:$0x11] =	wrdreg s5;
	s5 =	sadd.s32 s25, s3  }
0x1e: {  	s7 =	sadd.s32 s7, s3;
	[dreg:$0x13] =	wrdreg s5;
	s5 =	sshrl.u32 s26, $0x3  }
0x1f: {  	s9 =	sshrl.u32 s31, $0x3;
	[dreg:$0x17] =	wrdreg s7;
	s5 =	sadd.s32 s5, s3  }
0x20: {  	s8 =	sshrl.u32 s8, $0x3;
	[dreg:$0x14] =	wrdreg s5;
	s5 =	sadd.s32 s9, s3  }
0x21: {  	s14 =	sshrl.u32 s12, $0x2;
	s3 =	sadd.s32 s8, s3;
	[dreg:$0x16] =	wrdreg s5  }
0x22: {  	s25 =	sadd.s32 $0x51600, s10;
	[dreg:$0x18] =	wrdreg s3;
	s5 =	sadd.s32 s14, s22  }
0x23: {  	s18 =	sadd.s32 s25, s16;
	_ =	strace $0x8000004A;
	[dreg:$0x19] =	wrdreg s5  }
0x24: {  	s19 =	smul.u32 $0x5000, s15;
	s3 =	sadd.s32 s13, s4;
	[dreg:$0x1b] =	wrdreg s18  }
0x25: {  	s17 =	sshll.u32 s15, $0x6;
	s20 =	sadd.s32 s25, s4;
	[dreg:$0x1d] =	wrdreg s3  }
0x26: {  	s23 =	sor.u32 $0x400, s19;
	s19 =	simm.s32 $0x10;
	[dreg:$0x1e] =	wrdreg s20  }
0x27: {  	s6 =	simm.s32 $0x8500;
	s21 =	sadd.s32 s1, s29;
	[smem:$0x7F8] =	sst s0  }
0x28: {  	s24 =	sadd.s32 $0x10, s21;
	s30 =	sadd.s32 $0x30, s21;
	[smem:$0x7F9] =	sst s23  }
0x29: {  	s31 =	sadd.s32 $0x40, s21;
	s26 =	sadd.s32 $0x20, s21;
	[smem:$0x7FA] =	sst s24  }
0x2a: {  	s10 =	sor.u32 $0x1C10, s17;
	s7 =	simm.s32 $0xA;
	[smem:$0x7FB] =	sst s26  }
0x2b: {  	s8 =	simm.s32 $0x2;
	s9 =	simm.s32 $0xC;
	[smem:$0x7FC] =	sst s30  }
.Ltmp0:
0x2c: {  	s14 =	simm.s32 $0x6500;
	[dreg:$0x1f] =	wrdreg s21;
	(pc) =	sbr.rel .LBB2_1-.Ltmp0, $4  }
0x2d: {  	s5 =	sadd.s32 s13, s16;
	[smem:$0x7FD] =	sst s31;
	s16 =	simm.s32 $0x400  }
0x2e: {  	s0 =	simm.s32 $0x200;
	s13 =	simm.s32 $0x480;
	s23 =	simm.s32 $0x40  }
0x2f: {  	s3 =	simm.s32 $0x4;
	s20 =	simm.s32 $0xE;
	[dreg:$0x1a] =	wrdreg s10  }
0x30: {  	s26 =	simm.s32 $0x5;
	[dreg:$0x1c] =	wrdreg s5;
	s5 =	simm.s32 $0x0  }
.LBB2_7:
0x31: {  	_ =	swait.ge [sflag:s26], $0x2000  }
0x32: {  	[sflag:s26] =	ssyncset.done $0x0  }
0x33: {  	[sflag:s26] =	ssyncadd.s32 $0xFFFFE000  }
0x34: {  	_ =	swait.ge [sflag:s28], $0x80  }
0x35: {  	[sflag:s28] =	ssyncset.done $0x0  }
0x36: {  	s13 =	simm.s32 $0x480;
	[sflag:s28] =	ssyncadd.s32 $0xFFFFFF80  }
0x37: {  	[spmem:s22] =	stream.indirect.scatter.add.f32 [tilespmem:s6], [sflag:$0x10], $0x80, s13, s23, $0xb8;
	[tilespmem:$0x1E500] =	vst v63  }
0x38: {  	_ =	swait.ge [sflag:s19], $0x2000  }
0x39: {  	[sflag:s19] =	ssyncset.done $0x0  }
0x3a: {  	[sflag:s19] =	ssyncadd.s32 $0xFFFFE000  }
0x3b: {  	[bflag:$0x0] =	sbarrier.arrive $0xFFFF  }
0x3c: {  	s0 =	sld [smem:$0x7F7]  }
0x3d: {  	s10 =	rddreg [dreg:$0x1a]  }
0x3e: {  	s4 =	rddreg [dreg:$0x1d]  }
0x3f: {  	[hbm:s4], [sflag:s10] =	dma.local [spmem:s0], $0x2800  }
0x40: {  	_ =	swait.ge [sflag:s19], $0x2800  }
0x41: {  	s5 =	sld [smem:$0x7F6]  }
0x42: {  	s31 =	sld [smem:$0x7F8];
	_ =	sdelay $0x1  }
0x43: {  	s5 =	sadd.s32 $0x1, s5  }
0x44: {  	p0 =	sne.s32 s5, s31  }
.Ltmp1:
0x45: {  	_ = 	snop;
	(pc) =	sbr.rel @!p0 .LBB2_8-.Ltmp1, $4  }
0x46: {  	[sflag:s19] =	ssyncset.done $0x0  }
0x47: {  	[sflag:s19] =	ssyncadd.s32 $0xFFFFD800  }
0x48: {  	[bflag:$0x0] =	sbarrier.arrive $0xFFFF  }
0x49: {  	s6 =	simm.s32 $0x8500;
	s0 =	simm.s32 $0x200  }
.LBB2_1:
0x4a: {  	[smem:$0x7F6] =	sst s5  }
0x4b: {  	s4 =	rddreg [dreg:$0x5]  }
0x4c: {  	s11 =	rddreg [dreg:$0x1f]  }
0x4d: {  	s15 =	rddreg [dreg:$0x6]  }
0x4e: {  	s17 =	sld [smem:$0x7FA]  }
0x4f: {  	[tilespmem:s2], [sflag:$0x6] =	stream.linear.gather [hbm4b:s4+s2], $0x40, $0x38;
	[tilespmem:$0x1E500] =	vst v63  }
0x50: {  	s12 =	simm.s32 $0x280;
	s18 =	rddreg [dreg:$0x7]  }
0x51: {  	[tilespmem:s12], [sflag:$0xB] =	stream.linear.gather [hbm4b:s11+s2], $0x80, $0x38;
	[tilespmem:$0x1E500] =	vst v63  }
0x52: {  	s5 =	simm.s32 $0x80;
	s21 =	sld [smem:$0x7FB]  }
0x53: {  	[tilespmem:s5], [sflag:$0x7] =	stream.linear.gather [hbm4b:s15+s2], $0x40, $0x38;
	[tilespmem:$0x1E500] =	vst v63  }
0x54: {  	s24 =	rddreg [dreg:$0x8];
	s11 =	simm.s32 $0x300  }
0x55: {  	[tilespmem:s11], [sflag:$0xC] =	stream.linear.gather [hbm4b:s17+s2], $0x80, $0x38;
	[tilespmem:$0x1E500] =	vst v63  }
0x56: {  	s15 =	sld [smem:$0x7FC];
	s11 =	simm.s32 $0x100  }
0x57: {  	[tilespmem:s11], [sflag:$0x8] =	stream.linear.gather [hbm4b:s18+s2], $0x40, $0x38;
	[tilespmem:$0x1E500] =	vst v63  }
0x58: {  	s12 =	simm.s32 $0x380;
	s18 =	rddreg [dreg:$0x19]  }
0x59: {  	[tilespmem:s12], [sflag:$0xD] =	stream.linear.gather [hbm4b:s21+s2], $0x80, $0x38;
	[tilespmem:$0x1E500] =	vst v63  }
0x5a: {  	s17 =	sld [smem:$0x7FD];
	s12 =	simm.s32 $0x180;
	s21 =	sshrl.u32 s18, $0x3  }
0x5b: {  	[tilespmem:s12], [sflag:$0x9] =	stream.linear.gather [hbm4b:s24+s2], $0x40, $0x38;
	[tilespmem:$0x1E500] =	vst v63  }
0x5c: {  	[smem:$0x7F7] =	sst s21  }
0x5d: {  	[tilespmem:s16], [sflag:$0xE] =	stream.linear.gather [hbm4b:s15+s2], $0x80, $0x38;
	[tilespmem:$0x1E500] =	vst v63  }
0x5e: {  	s16 =	rddreg [dreg:$0x9]  }
0x5f: {  	[tilespmem:s0], [sflag:$0xA] =	stream.linear.gather [hbm4b:s16+s2], $0x40, $0x38;
	[tilespmem:$0x1E500] =	vst v63  }
0x60: {  	s24 =	rddreg [dreg:$0x1b]  }
0x61: {  	[tilespmem:s13], [sflag:$0xF] =	stream.linear.gather [hbm4b:s17+s2], $0x80, $0x38;
	[tilespmem:$0x1E500] =	vst v63  }
0x62: {  	[spmem:s21], [sflag:s10] =	dma.local [hbm:s24], $0x2800  }
0x63: {  	_ =	swait.ge [sflag:s19], $0x2800  }
0x64: {  	[sflag:s19] =	ssyncset.done $0x0  }
0x65: {  	[sflag:s19] =	ssyncadd.s32 $0xFFFFD800  }
0x66: {  	s13 =	simm.s32 $0x6;
	[bflag:$0x0] =	sbarrier.arrive $0xFFFF  }
0x67: {  	_ =	swait.ge [sflag:s13], $0x40  }
0x68: {  	[sflag:s13] =	ssyncset.done $0x0  }
0x69: {  	s15 =	simm.s32 $0x500;
	s16 =	simm.s32 $0x7;
	[sflag:s13] =	ssyncadd.s32 $0xFFFFFFC0  }
0x6a: {  	[tilespmem:s15], [sflag:$0x1] =	stream.indirect.gather [hbm4b:s25+s23], $0x80, s2, s23, $0xb8;
	[tilespmem:$0x1E500] =	vst v63  }
0x6b: {  	_ =	swait.ge [sflag:s16], $0x40  }
0x6c: {  	[sflag:s16] =	ssyncset.done $0x0  }
0x6d: {  	s18 =	simm.s32 $0x8;
	s17 =	simm.s32 $0x2500;
	[sflag:s16] =	ssyncadd.s32 $0xFFFFFFC0  }
0x6e: {  	[tilespmem:s17], [sflag:$0x2] =	stream.indirect.gather [hbm4b:s25+s23], $0x80, s5, s23, $0xb8;
	[tilespmem:$0x1E500] =	vst v63  }
0x6f: {  	_ =	swait.ge [sflag:s18], $0x40  }
0x70: {  	[sflag:s18] =	ssyncset.done $0x0  }
0x71: {  	s21 =	simm.s32 $0x4500;
	s24 =	simm.s32 $0x9;
	[sflag:s18] =	ssyncadd.s32 $0xFFFFFFC0  }
0x72: {  	[tilespmem:s21], [sflag:$0x3] =	stream.indirect.gather [hbm4b:s25+s23], $0x80, s11, s23, $0xb8;
	[tilespmem:$0x1E500] =	vst v63  }
0x73: {  	_ =	swait.ge [sflag:s24], $0x40  }
0x74: {  	s10 =	rddreg [dreg:$0x13]  }
0x75: {  	s21 =	rddreg [dreg:$0x12]  }
0x76: {  	s31 =	simm.s32 $0x400;
	[sflag:s24] =	ssyncset.done $0x0;
	s13 =	rddreg [dreg:$0x10]  }
0x77: {  	s5 =	simm.s32 $0x0;
	s30 =	rddreg [dreg:$0xf];
	[sflag:s24] =	ssyncadd.s32 $0xFFFFFFC0  }
0x78: {  	[tilespmem:s14], [sflag:$0x4] =	stream.indirect.gather [hbm4b:s25+s23], $0x80, s12, s23, $0xb8;
	[tilespmem:$0x1E500] =	vst v63  }
0x79: {  	s24 =	simm.s32 $0x0;
	s12 =	rddreg [dreg:$0x11];
	s14 =	simm.s32 $0x6500  }
.LBB2_2:
0x7a: {  	s4 =	simm.s32 $0x1  }
0x7b: {  	_ =	swait.ge [sflag:s4], $0x2000  }
0x7c: {  	[sflag:s4] =	ssyncset.done $0x0  }
0x7d: {  	s15 =	simm.s32 $0xB;
	[sflag:s4] =	ssyncadd.s32 $0xFFFFE000  }
0x7e: {  	_ =	swait.ge [sflag:s15], $0x80  }
0x7f: {  	s16 =	simm.s32 $0x280;
	[sflag:s15] =	ssyncset.done $0x0  }
0x80: {  	s11 =	simm.s32 $0x500;
	p0 =	seq.s32 s24, $0x9B0;
	[sflag:s15] =	ssyncadd.s32 $0xFFFFFF80  }
0x81: {  	[spmem:s22] =	stream.indirect.scatter.add.f32 [tilespmem:s11], [sflag:$0x10], $0x80, s16, s23, $0xb8;
	[tilespmem:$0x1E500] =	vst v63  }
0x82: {  	s15 =	simm.s32 @!p0 $0x0;
	s16 =	sadd.s32 @!p0 $0x50, s24;
	_ =	swait.ge [sflag:s19], $0x2000  }
0x83: {  	s17 =	sadd.s32 @!p0 s29, s16;
	s16 =	sand.u32 @!p0 $0x70, s16;
	[sflag:s19] =	ssyncset.done $0x0  }
0x84: {  	s17 =	sand.u32 @!p0 $0x1FF80, s17;
	s16 =	sadd.s32 @!p0 s1, s16;
	[sflag:s19] =	ssyncadd.s32 $0xFFFFE000  }
0x85: {  	[tilespmem:s15], [sflag:$0x6] =	stream.linear.gather @!p0 [hbm4b:s10+s15], $0x40, $0x38;
	[tilespmem:$0x1E500] =	vst v63  }
0x86: {  	s16 =	sadd.s32 @!p0 s17, s16;
	s17 =	simm.s32 @!p0 $0x280  }
0x87: {  	[tilespmem:s17], [sflag:$0xB] =	stream.linear.gather @!p0 [hbm4b:s16+s15], $0x80, $0x38;
	[tilespmem:$0x1E500] =	vst v63  }
0x88: {  	_ =	swait.ge [sflag:s7], $0x40  }
0x89: {  	[sflag:s7] =	ssyncset.done $0x0  }
0x8a: {  	[sflag:s7] =	ssyncadd.s32 $0xFFFFFFC0  }
0x8b: {  	[tilespmem:s6], [sflag:$0x5] =	stream.indirect.gather [hbm4b:s25+s23], $0x80, s0, s23, $0xb8;
	[tilespmem:$0x1E500] =	vst v63  }
0x8c: {  	_ =	swait.ge [sflag:s8], $0x2000  }
0x8d: {  	[sflag:s8] =	ssyncset.done $0x0  }
0x8e: {  	[sflag:s8] =	ssyncadd.s32 $0xFFFFE000  }
0x8f: {  	_ =	swait.ge [sflag:s9], $0x80  }
0x90: {  	[sflag:s9] =	ssyncset.done $0x0  }
0x91: {  	s18 =	simm.s32 $0x2500;
	s17 =	simm.s32 $0x300;
	[sflag:s9] =	ssyncadd.s32 $0xFFFFFF80  }
0x92: {  	[spmem:s22] =	stream.indirect.scatter.add.f32 [tilespmem:s18], [sflag:$0x10], $0x80, s17, s23, $0xb8;
	[tilespmem:$0x1E500] =	vst v63  }
0x93: {  	_ =	swait.ge [sflag:s19], $0x2000  }
0x94: {  	[sflag:s19] =	ssyncset.done $0x0  }
0x95: {  	s16 =	simm.s32 @p0 $0x3;
	[sflag:s19] =	ssyncadd.s32 $0xFFFFE000  }
0x96: {  	_ =	swait.ge @p0 [sflag:s16], $0x2000  }
0x97: {  	[sflag:s16] =	ssyncset.done @p0 $0x0  }
0x98: {  	[sflag:s16] =	ssyncadd.s32 @p0 $0xFFFFE000;
	s16 =	simm.s32 @p0 $0xD  }
0x99: {  	_ =	swait.ge @p0 [sflag:s16], $0x80  }
0x9a: {  	s17 =	simm.s32 @p0 $0x380;
	[sflag:s16] =	ssyncset.done @p0 $0x0  }
0x9b: {  	s18 =	simm.s32 @p0 $0x4500;
	[sflag:s16] =	ssyncadd.s32 @p0 $0xFFFFFF80;
	s16 =	simm.s32 @p0 $0x40  }
0x9c: {  	[spmem:s22] =	stream.indirect.scatter.add.f32 @p0 [tilespmem:s18], [sflag:$0x10], $0x80, s17, s16, $0xb8;
	[tilespmem:$0x1E500] =	vst v63  }
0x9d: {  	s16 =	simm.s32 @p0 $0x10;
	s17 =	sadd.s32 @!p0 s24, s29  }
0x9e: {  	s18 =	sadd.s32 @!p0 $0x60, s24;
	_ =	swait.ge @p0 [sflag:s16], $0x2000;
	s4 =	sadd.s32 @!p0 $0x60, s17  }
0x9f: {  	s18 =	sand.u32 @!p0 $0x70, s18;
	[sflag:s16] =	ssyncset.done @p0 $0x0;
	s4 =	sand.u32 @!p0 $0x1FF80, s4  }
0xa0: {  	s18 =	sadd.s32 @!p0 s1, s18;
	[sflag:s16] =	ssyncadd.s32 @p0 $0xFFFFE000;
	s16 =	simm.s32 @!p0 $0x80  }
0xa1: {  	[tilespmem:s16], [sflag:$0x7] =	stream.linear.gather @!p0 [hbm4b:s21+s15], $0x40, $0x38;
	[tilespmem:$0x1E500] =	vst v63  }
0xa2: {  	s4 =	sadd.s32 @!p0 s4, s18;
	s18 =	simm.s32 @!p0 $0x300  }
0xa3: {  	[tilespmem:s18], [sflag:$0xC] =	stream.linear.gather @!p0 [hbm4b:s4+s15], $0x80, $0x38;
	[tilespmem:$0x1E500] =	vst v63  }
0xa4: {  	s4 =	simm.s32 @!p0 $0x6  }
0xa5: {  	_ =	swait.ge @!p0 [sflag:s4], $0x40  }
0xa6: {  	[sflag:s4] =	ssyncset.done @!p0 $0x0  }
0xa7: {  	s18 =	simm.s32 @!p0 $0x500;
	[sflag:s4] =	ssyncadd.s32 @!p0 $0xFFFFFFC0;
	s4 =	simm.s32 @!p0 $0x40  }
0xa8: {  	[tilespmem:s18], [sflag:$0x1] =	stream.indirect.gather @!p0 [hbm4b:s25+s4], $0x80, s15, s4, $0xb8;
	[tilespmem:$0x1E500] =	vst v63  }
0xa9: {  	s18 =	simm.s32 @!p0 $0x3  }
0xaa: {  	_ =	swait.ge @!p0 [sflag:s18], $0x2000  }
0xab: {  	[sflag:s18] =	ssyncset.done @!p0 $0x0  }
0xac: {  	[sflag:s18] =	ssyncadd.s32 @!p0 $0xFFFFE000;
	s18 =	simm.s32 @!p0 $0xD  }
0xad: {  	_ =	swait.ge @!p0 [sflag:s18], $0x80  }
0xae: {  	[sflag:s18] =	ssyncset.done @!p0 $0x0  }
0xaf: {  	s11 =	simm.s32 @!p0 $0x4500;
	[sflag:s18] =	ssyncadd.s32 @!p0 $0xFFFFFF80;
	s18 =	simm.s32 @!p0 $0x380  }
0xb0: {  	[spmem:s22] =	stream.indirect.scatter.add.f32 @!p0 [tilespmem:s11], [sflag:$0x10], $0x80, s18, s4, $0xb8;
	[tilespmem:$0x1E500] =	vst v63  }
0xb1: {  	s11 =	simm.s32 @!p0 $0x10  }
0xb2: {  	_ =	swait.ge @!p0 [sflag:s11], $0x2000  }
0xb3: {  	[sflag:s11] =	ssyncset.done @!p0 $0x0  }
0xb4: {  	[sflag:s11] =	ssyncadd.s32 @!p0 $0xFFFFE000;
	s11 =	simm.s32 @!p0 $0x100  }
0xb5: {  	[tilespmem:s11], [sflag:$0x8] =	stream.linear.gather @!p0 [hbm4b:s12+s15], $0x40, $0x38;
	[tilespmem:$0x1E500] =	vst v63  }
0xb6: {  	s11 =	sadd.s32 @!p0 $0x70, s24  }
0xb7: {  	s17 =	sadd.s32 @!p0 $0x70, s17;
	s11 =	sand.u32 @!p0 $0x70, s11  }
0xb8: {  	s17 =	sand.u32 @!p0 $0x1FF80, s17;
	s11 =	sadd.s32 @!p0 s1, s11  }
0xb9: {  	s11 =	sadd.s32 @!p0 s17, s11  }
0xba: {  	[tilespmem:s18], [sflag:$0xD] =	stream.linear.gather @!p0 [hbm4b:s11+s15], $0x80, $0x38;
	[tilespmem:$0x1E500] =	vst v63  }
0xbb: {  	s11 =	simm.s32 @!p0 $0x7  }
0xbc: {  	_ =	swait.ge @!p0 [sflag:s11], $0x40  }
0xbd: {  	[sflag:s11] =	ssyncset.done @!p0 $0x0  }
0xbe: {  	[sflag:s11] =	ssyncadd.s32 @!p0 $0xFFFFFFC0;
	s11 =	simm.s32 @!p0 $0x2500  }
0xbf: {  	[tilespmem:s11], [sflag:$0x2] =	stream.indirect.gather @!p0 [hbm4b:s25+s4], $0x80, s16, s4, $0xb8;
	[tilespmem:$0x1E500] =	vst v63  }
0xc0: {  	_ =	swait.ge [sflag:s3], $0x2000  }
0xc1: {  	[sflag:s3] =	ssyncset.done $0x0  }
0xc2: {  	[sflag:s3] =	ssyncadd.s32 $0xFFFFE000  }
0xc3: {  	_ =	swait.ge [sflag:s20], $0x80  }
0xc4: {  	[sflag:s20] =	ssyncset.done $0x0  }
.Ltmp2:
0xc5: {  	[sflag:s20] =	ssyncadd.s32 $0xFFFFFF80;
	(pc) =	sbr.rel @p0 .LBB2_4-.Ltmp2, $4  }
0xc6: {  	[spmem:s22] =	stream.indirect.scatter.add.f32 [tilespmem:s14], [sflag:$0x10], $0x80, s31, s23, $0xb8;
	[tilespmem:$0x1E500] =	vst v63  }
0xc7: {  	_ =	swait.ge [sflag:s19], $0x2000  }
0xc8: {  	s0 =	simm.s32 $0x200;
	s6 =	simm.s32 $0x8500;
	[sflag:s19] =	ssyncset.done $0x0  }
0xc9: {  	s16 =	simm.s32 $0x400;
	s14 =	simm.s32 $0x6500;
	[sflag:s19] =	ssyncadd.s32 $0xFFFFE000  }
0xca: {  	s4 =	sld [smem:$0x7F9]  }
0xcb: {  	s15 =	simm.s32 $0x180  }
0xcc: {  	[tilespmem:s15], [sflag:$0x9] =	stream.linear.gather [hbm4b:s13+s2], $0x40, $0x38;
	[tilespmem:$0x1E500] =	vst v63  }
0xcd: {  	s4 =	sadd.s32 s5, s4  }
0xce: {  	s11 =	sand.u32 $0x380, s5;
	s4 =	sand.u32 $0xFFC00, s4  }
0xcf: {  	s4 =	sor.u32 s11, s4  }
0xd0: {  	s4 =	sshrl.u32 s4, $0x3  }
0xd1: {  	s11 =	simm.s32 $0x8;
	s4 =	sadd.s32 s1, s4  }
0xd2: {  	[tilespmem:s16], [sflag:$0xE] =	stream.linear.gather [hbm4b:s4+s2], $0x80, $0x38;
	[tilespmem:$0x1E500] =	vst v63  }
0xd3: {  	_ =	swait.ge [sflag:s11], $0x40  }
0xd4: {  	[sflag:s11] =	ssyncset.done $0x0  }
0xd5: {  	s17 =	simm.s32 $0x4500;
	s16 =	simm.s32 $0x100;
	[sflag:s11] =	ssyncadd.s32 $0xFFFFFFC0  }
0xd6: {  	[tilespmem:s17], [sflag:$0x3] =	stream.indirect.gather [hbm4b:s25+s23], $0x80, s16, s23, $0xb8;
	[tilespmem:$0x1E500] =	vst v63  }
0xd7: {  	_ =	swait.ge [sflag:s26], $0x2000  }
0xd8: {  	[sflag:s26] =	ssyncset.done $0x0  }
0xd9: {  	[sflag:s26] =	ssyncadd.s32 $0xFFFFE000  }
0xda: {  	_ =	swait.ge [sflag:s28], $0x80  }
0xdb: {  	[sflag:s28] =	ssyncset.done $0x0  }
0xdc: {  	s18 =	simm.s32 $0x480;
	[sflag:s28] =	ssyncadd.s32 $0xFFFFFF80  }
0xdd: {  	[spmem:s22] =	stream.indirect.scatter.add.f32 [tilespmem:s6], [sflag:$0x10], $0x80, s18, s23, $0xb8;
	[tilespmem:$0x1E500] =	vst v63  }
0xde: {  	s11 =	sadd.s32 $0x90, s24;
	_ =	swait.ge [sflag:s19], $0x2000  }
0xdf: {  	s17 =	sadd.s32 s29, s11;
	s4 =	sand.u32 $0x70, s11;
	[sflag:s19] =	ssyncset.done $0x0  }
0xe0: {  	s11 =	sand.u32 $0x1FF80, s17;
	s4 =	sadd.s32 s1, s4;
	[sflag:s19] =	ssyncadd.s32 $0xFFFFE000  }
0xe1: {  	[tilespmem:s0], [sflag:$0xA] =	stream.linear.gather [hbm4b:s30+s2], $0x40, $0x38;
	[tilespmem:$0x1E500] =	vst v63  }
0xe2: {  	s12 =	sadd.s32 $0x28, s12;
	s4 =	sadd.s32 s11, s4  }
0xe3: {  	[tilespmem:s18], [sflag:$0xF] =	stream.linear.gather [hbm4b:s4+s2], $0x80, $0x38;
	[tilespmem:$0x1E500] =	vst v63  }
0xe4: {  	s21 =	sadd.s32 $0x28, s21;
	s10 =	sadd.s32 $0x28, s10;
	s18 =	simm.s32 $0x9  }
.Ltmp3:
0xe5: {  	s31 =	simm.s32 $0x400;
	_ =	swait.ge [sflag:s18], $0x40;
	(pc) =	sbr.rel .LBB2_2-.Ltmp3, $4  }
0xe6: {  	s13 =	sadd.s32 $0x28, s13;
	s5 =	sadd.s32 $0x280, s5;
	[sflag:s18] =	ssyncset.done $0x0  }
0xe7: {  	s24 =	sadd.s32 $0x50, s24;
	s6 =	simm.s32 $0x8500;
	[sflag:s18] =	ssyncadd.s32 $0xFFFFFFC0  }
0xe8: {  	[tilespmem:s14], [sflag:$0x4] =	stream.indirect.gather [hbm4b:s25+s23], $0x80, s15, s23, $0xb8;
	[tilespmem:$0x1E500] =	vst v63  }
0xe9: {  	s30 =	sadd.s32 $0x28, s30;
	s0 =	simm.s32 $0x200;
	s14 =	simm.s32 $0x6500  }
.LBB2_4:
0xea: {  	_ =	swait.ge [sflag:s26], $0x2000  }
0xeb: {  	[sflag:s26] =	ssyncset.done $0x0  }
0xec: {  	[sflag:s26] =	ssyncadd.s32 $0xFFFFE000  }
0xed: {  	_ =	swait.ge [sflag:s28], $0x80  }
0xee: {  	[sflag:s28] =	ssyncset.done $0x0  }
0xef: {  	s15 =	simm.s32 $0x480;
	[sflag:s28] =	ssyncadd.s32 $0xFFFFFF80  }
0xf0: {  	[spmem:s22] =	stream.indirect.scatter.add.f32 [tilespmem:s6], [sflag:$0x10], $0x80, s15, s23, $0xb8;
	[tilespmem:$0x1E500] =	vst v63  }
0xf1: {  	_ =	swait.ge [sflag:s19], $0x2000  }
0xf2: {  	[sflag:s19] =	ssyncset.done $0x0  }
0xf3: {  	[sflag:s19] =	ssyncadd.s32 $0xFFFFE000  }
0xf4: {  	[bflag:$0x0] =	sbarrier.arrive $0xFFFF  }
0xf5: {  	s6 =	sld [smem:$0x7F7]  }
0xf6: {  	s5 =	rddreg [dreg:$0x1a]  }
0xf7: {  	s4 =	rddreg [dreg:$0x1c]  }
0xf8: {  	[hbm:s4], [sflag:s5] =	dma.local [spmem:s6], $0x2800  }
0xf9: {  	_ =	swait.ge [sflag:s19], $0x2800  }
0xfa: {  	[sflag:s19] =	ssyncset.done $0x0  }
0xfb: {  	[sflag:s19] =	ssyncadd.s32 $0xFFFFD800  }
0xfc: {  	[bflag:$0x0] =	sbarrier.arrive $0xFFFF  }
0xfd: {  	s12 =	rddreg [dreg:$0xa]  }
0xfe: {  	s10 =	simm.s32 $0x0;
	s13 =	rddreg [dreg:$0x1f]  }
0xff: {  	[tilespmem:s10], [sflag:$0x6] =	stream.linear.gather [hbm4b:s12+s10], $0x40, $0x38;
	[tilespmem:$0x1E500] =	vst v63  }
0x100: {  	s11 =	simm.s32 $0x280;
	s17 =	rddreg [dreg:$0xb]  }
0x101: {  	[tilespmem:s11], [sflag:$0xB] =	stream.linear.gather [hbm4b:s13+s10], $0x80, $0x38;
	[tilespmem:$0x1E500] =	vst v63  }
0x102: {  	s18 =	sld [smem:$0x7FA];
	s11 =	simm.s32 $0x80  }
0x103: {  	[tilespmem:s11], [sflag:$0x7] =	stream.linear.gather [hbm4b:s17+s10], $0x40, $0x38;
	[tilespmem:$0x1E500] =	vst v63  }
0x104: {  	s21 =	rddreg [dreg:$0xc];
	s12 =	simm.s32 $0x300  }
0x105: {  	[tilespmem:s12], [sflag:$0xC] =	stream.linear.gather [hbm4b:s18+s10], $0x80, $0x38;
	[tilespmem:$0x1E500] =	vst v63  }
0x106: {  	s24 =	sld [smem:$0x7FB];
	s12 =	simm.s32 $0x100  }
0x107: {  	[tilespmem:s12], [sflag:$0x8] =	stream.linear.gather [hbm4b:s21+s10], $0x40, $0x38;
	[tilespmem:$0x1E500] =	vst v63  }
0x108: {  	s13 =	simm.s32 $0x380;
	s17 =	rddreg [dreg:$0xd]  }
0x109: {  	[tilespmem:s13], [sflag:$0xD] =	stream.linear.gather [hbm4b:s24+s10], $0x80, $0x38;
	[tilespmem:$0x1E500] =	vst v63  }
0x10a: {  	s18 =	sld [smem:$0x7FC];
	s13 =	simm.s32 $0x180  }
0x10b: {  	[tilespmem:s13], [sflag:$0x9] =	stream.linear.gather [hbm4b:s17+s10], $0x40, $0x38;
	[tilespmem:$0x1E500] =	vst v63  }
0x10c: {  	s21 =	rddreg [dreg:$0xe]  }
0x10d: {  	[tilespmem:s16], [sflag:$0xE] =	stream.linear.gather [hbm4b:s18+s10], $0x80, $0x38;
	[tilespmem:$0x1E500] =	vst v63  }
0x10e: {  	s24 =	sld [smem:$0x7FD]  }
0x10f: {  	[tilespmem:s0], [sflag:$0xA] =	stream.linear.gather [hbm4b:s21+s10], $0x40, $0x38;
	[tilespmem:$0x1E500] =	vst v63  }
0x110: {  	s0 =	rddreg [dreg:$0x1e]  }
0x111: {  	[tilespmem:s15], [sflag:$0xF] =	stream.linear.gather [hbm4b:s24+s10], $0x80, $0x38;
	[tilespmem:$0x1E500] =	vst v63  }
0x112: {  	[spmem:s6], [sflag:s5] =	dma.local [hbm:s0], $0x2800  }
0x113: {  	_ =	swait.ge [sflag:s19], $0x2800  }
0x114: {  	[sflag:s19] =	ssyncset.done $0x0  }
0x115: {  	[sflag:s19] =	ssyncadd.s32 $0xFFFFD800  }
0x116: {  	s6 =	simm.s32 $0x6;
	[bflag:$0x0] =	sbarrier.arrive $0xFFFF  }
0x117: {  	_ =	swait.ge [sflag:s6], $0x40  }
0x118: {  	[sflag:s6] =	ssyncset.done $0x0  }
0x119: {  	s16 =	simm.s32 $0x7;
	s15 =	simm.s32 $0x500;
	[sflag:s6] =	ssyncadd.s32 $0xFFFFFFC0  }
0x11a: {  	[tilespmem:s15], [sflag:$0x1] =	stream.indirect.gather [hbm4b:s25+s23], $0x80, s10, s23, $0xb8;
	[tilespmem:$0x1E500] =	vst v63  }
0x11b: {  	_ =	swait.ge [sflag:s16], $0x40  }
0x11c: {  	[sflag:s16] =	ssyncset.done $0x0  }
0x11d: {  	s17 =	simm.s32 $0x2500;
	s18 =	simm.s32 $0x8;
	[sflag:s16] =	ssyncadd.s32 $0xFFFFFFC0  }
0x11e: {  	[tilespmem:s17], [sflag:$0x2] =	stream.indirect.gather [hbm4b:s25+s23], $0x80, s11, s23, $0xb8;
	[tilespmem:$0x1E500] =	vst v63  }
0x11f: {  	_ =	swait.ge [sflag:s18], $0x40  }
0x120: {  	[sflag:s18] =	ssyncset.done $0x0  }
0x121: {  	s21 =	simm.s32 $0x4500;
	s24 =	simm.s32 $0x9;
	[sflag:s18] =	ssyncadd.s32 $0xFFFFFFC0  }
0x122: {  	[tilespmem:s21], [sflag:$0x3] =	stream.indirect.gather [hbm4b:s25+s23], $0x80, s12, s23, $0xb8;
	[tilespmem:$0x1E500] =	vst v63  }
0x123: {  	_ =	swait.ge [sflag:s24], $0x40  }
0x124: {  	s21 =	rddreg [dreg:$0x18]  }
0x125: {  	s31 =	simm.s32 $0x400;
	s12 =	rddreg [dreg:$0x17]  }
0x126: {  	s5 =	simm.s32 $0x0;
	[sflag:s24] =	ssyncset.done $0x0;
	s30 =	rddreg [dreg:$0x14]  }
0x127: {  	s0 =	simm.s32 $0x200;
	[sflag:s24] =	ssyncadd.s32 $0xFFFFFFC0;
	s24 =	rddreg [dreg:$0x15]  }
0x128: {  	[tilespmem:s14], [sflag:$0x4] =	stream.indirect.gather [hbm4b:s25+s23], $0x80, s13, s23, $0xb8;
	[tilespmem:$0x1E500] =	vst v63  }
0x129: {  	s6 =	simm.s32 $0x8500;
	s13 =	rddreg [dreg:$0x16];
	s14 =	simm.s32 $0x6500  }
.LBB2_5:
0x12a: {  	s4 =	simm.s32 $0x1  }
0x12b: {  	_ =	swait.ge [sflag:s4], $0x2000  }
0x12c: {  	[sflag:s4] =	ssyncset.done $0x0  }
0x12d: {  	s15 =	simm.s32 $0xB;
	[sflag:s4] =	ssyncadd.s32 $0xFFFFE000  }
0x12e: {  	_ =	swait.ge [sflag:s15], $0x80  }
0x12f: {  	s16 =	simm.s32 $0x280;
	[sflag:s15] =	ssyncset.done $0x0  }
0x130: {  	s11 =	simm.s32 $0x500;
	p0 =	seq.s32 s10, $0x9B0;
	[sflag:s15] =	ssyncadd.s32 $0xFFFFFF80  }
0x131: {  	[spmem:s22] =	stream.indirect.scatter.add.f32 [tilespmem:s11], [sflag:$0x10], $0x80, s16, s23, $0xb8;
	[tilespmem:$0x1E500] =	vst v63  }
0x132: {  	s4 =	sadd.s32 @!p0 $0x50, s10;
	s15 =	simm.s32 @!p0 $0x0;
	_ =	swait.ge [sflag:s19], $0x2000  }
0x133: {  	s11 =	sadd.s32 @!p0 s29, s4;
	s4 =	sand.u32 @!p0 $0x70, s4;
	[sflag:s19] =	ssyncset.done $0x0  }
0x134: {  	s11 =	sand.u32 @!p0 $0x1FF80, s11;
	s4 =	sadd.s32 @!p0 s1, s4;
	[sflag:s19] =	ssyncadd.s32 $0xFFFFE000  }
0x135: {  	[tilespmem:s15], [sflag:$0x6] =	stream.linear.gather @!p0 [hbm4b:s21+s15], $0x40, $0x38;
	[tilespmem:$0x1E500] =	vst v63  }
0x136: {  	s4 =	sadd.s32 @!p0 s11, s4;
	s11 =	simm.s32 @!p0 $0x280  }
0x137: {  	[tilespmem:s11], [sflag:$0xB] =	stream.linear.gather @!p0 [hbm4b:s4+s15], $0x80, $0x38;
	[tilespmem:$0x1E500] =	vst v63  }
0x138: {  	_ =	swait.ge [sflag:s7], $0x40  }
0x139: {  	[sflag:s7] =	ssyncset.done $0x0  }
0x13a: {  	[sflag:s7] =	ssyncadd.s32 $0xFFFFFFC0  }
0x13b: {  	[tilespmem:s6], [sflag:$0x5] =	stream.indirect.gather [hbm4b:s25+s23], $0x80, s0, s23, $0xb8;
	[tilespmem:$0x1E500] =	vst v63  }
0x13c: {  	_ =	swait.ge [sflag:s8], $0x2000  }
0x13d: {  	[sflag:s8] =	ssyncset.done $0x0  }
0x13e: {  	[sflag:s8] =	ssyncadd.s32 $0xFFFFE000  }
0x13f: {  	_ =	swait.ge [sflag:s9], $0x80  }
0x140: {  	[sflag:s9] =	ssyncset.done $0x0  }
0x141: {  	s17 =	simm.s32 $0x300;
	s18 =	simm.s32 $0x2500;
	[sflag:s9] =	ssyncadd.s32 $0xFFFFFF80  }
0x142: {  	[spmem:s22] =	stream.indirect.scatter.add.f32 [tilespmem:s18], [sflag:$0x10], $0x80, s17, s23, $0xb8;
	[tilespmem:$0x1E500] =	vst v63  }
0x143: {  	_ =	swait.ge [sflag:s19], $0x2000  }
0x144: {  	[sflag:s19] =	ssyncset.done $0x0  }
0x145: {  	s4 =	simm.s32 @p0 $0x3;
	[sflag:s19] =	ssyncadd.s32 $0xFFFFE000  }
0x146: {  	_ =	swait.ge @p0 [sflag:s4], $0x2000  }
0x147: {  	[sflag:s4] =	ssyncset.done @p0 $0x0  }
0x148: {  	[sflag:s4] =	ssyncadd.s32 @p0 $0xFFFFE000;
	s4 =	simm.s32 @p0 $0xD  }
0x149: {  	_ =	swait.ge @p0 [sflag:s4], $0x80  }
0x14a: {  	s16 =	simm.s32 @p0 $0x4500;
	[sflag:s4] =	ssyncset.done @p0 $0x0  }
0x14b: {  	s11 =	simm.s32 @p0 $0x380;
	[sflag:s4] =	ssyncadd.s32 @p0 $0xFFFFFF80;
	s4 =	simm.s32 @p0 $0x40  }
0x14c: {  	[spmem:s22] =	stream.indirect.scatter.add.f32 @p0 [tilespmem:s16], [sflag:$0x10], $0x80, s11, s4, $0xb8;
	[tilespmem:$0x1E500] =	vst v63  }
0x14d: {  	s4 =	simm.s32 @p0 $0x10;
	s11 =	sadd.s32 @!p0 s10, s29  }
0x14e: {  	s16 =	sadd.s32 @!p0 $0x60, s10;
	_ =	swait.ge @p0 [sflag:s4], $0x2000;
	s17 =	sadd.s32 @!p0 $0x60, s11  }
0x14f: {  	s16 =	sand.u32 @!p0 $0x70, s16;
	[sflag:s4] =	ssyncset.done @p0 $0x0;
	s17 =	sand.u32 @!p0 $0x1FF80, s17  }
0x150: {  	s16 =	sadd.s32 @!p0 s1, s16;
	[sflag:s4] =	ssyncadd.s32 @p0 $0xFFFFE000;
	s4 =	simm.s32 @!p0 $0x80  }
0x151: {  	[tilespmem:s4], [sflag:$0x7] =	stream.linear.gather @!p0 [hbm4b:s12+s15], $0x40, $0x38;
	[tilespmem:$0x1E500] =	vst v63  }
0x152: {  	s16 =	sadd.s32 @!p0 s17, s16;
	s17 =	simm.s32 @!p0 $0x300  }
0x153: {  	[tilespmem:s17], [sflag:$0xC] =	stream.linear.gather @!p0 [hbm4b:s16+s15], $0x80, $0x38;
	[tilespmem:$0x1E500] =	vst v63  }
0x154: {  	s16 =	simm.s32 @!p0 $0x6  }
0x155: {  	_ =	swait.ge @!p0 [sflag:s16], $0x40  }
0x156: {  	[sflag:s16] =	ssyncset.done @!p0 $0x0  }
0x157: {  	s17 =	simm.s32 @!p0 $0x500;
	[sflag:s16] =	ssyncadd.s32 @!p0 $0xFFFFFFC0;
	s16 =	simm.s32 @!p0 $0x40  }
0x158: {  	[tilespmem:s17], [sflag:$0x1] =	stream.indirect.gather @!p0 [hbm4b:s25+s16], $0x80, s15, s16, $0xb8;
	[tilespmem:$0x1E500] =	vst v63  }
0x159: {  	s17 =	simm.s32 @!p0 $0x3  }
0x15a: {  	_ =	swait.ge @!p0 [sflag:s17], $0x2000  }
0x15b: {  	[sflag:s17] =	ssyncset.done @!p0 $0x0  }
0x15c: {  	[sflag:s17] =	ssyncadd.s32 @!p0 $0xFFFFE000;
	s17 =	simm.s32 @!p0 $0xD  }
0x15d: {  	_ =	swait.ge @!p0 [sflag:s17], $0x80  }
0x15e: {  	[sflag:s17] =	ssyncset.done @!p0 $0x0  }
0x15f: {  	s18 =	simm.s32 @!p0 $0x4500;
	[sflag:s17] =	ssyncadd.s32 @!p0 $0xFFFFFF80;
	s17 =	simm.s32 @!p0 $0x380  }
0x160: {  	[spmem:s22] =	stream.indirect.scatter.add.f32 @!p0 [tilespmem:s18], [sflag:$0x10], $0x80, s17, s16, $0xb8;
	[tilespmem:$0x1E500] =	vst v63  }
0x161: {  	s18 =	simm.s32 @!p0 $0x10  }
0x162: {  	_ =	swait.ge @!p0 [sflag:s18], $0x2000  }
0x163: {  	[sflag:s18] =	ssyncset.done @!p0 $0x0  }
0x164: {  	[sflag:s18] =	ssyncadd.s32 @!p0 $0xFFFFE000;
	s18 =	simm.s32 @!p0 $0x100  }
0x165: {  	[tilespmem:s18], [sflag:$0x8] =	stream.linear.gather @!p0 [hbm4b:s13+s15], $0x40, $0x38;
	[tilespmem:$0x1E500] =	vst v63  }
0x166: {  	s18 =	sadd.s32 @!p0 $0x70, s10  }
0x167: {  	s11 =	sadd.s32 @!p0 $0x70, s11;
	s18 =	sand.u32 @!p0 $0x70, s18  }
0x168: {  	s11 =	sand.u32 @!p0 $0x1FF80, s11;
	s18 =	sadd.s32 @!p0 s1, s18  }
0x169: {  	s11 =	sadd.s32 @!p0 s11, s18  }
0x16a: {  	[tilespmem:s17], [sflag:$0xD] =	stream.linear.gather @!p0 [hbm4b:s11+s15], $0x80, $0x38;
	[tilespmem:$0x1E500] =	vst v63  }
0x16b: {  	s11 =	simm.s32 @!p0 $0x7  }
0x16c: {  	_ =	swait.ge @!p0 [sflag:s11], $0x40  }
0x16d: {  	[sflag:s11] =	ssyncset.done @!p0 $0x0  }
0x16e: {  	[sflag:s11] =	ssyncadd.s32 @!p0 $0xFFFFFFC0;
	s11 =	simm.s32 @!p0 $0x2500  }
0x16f: {  	[tilespmem:s11], [sflag:$0x2] =	stream.indirect.gather @!p0 [hbm4b:s25+s16], $0x80, s4, s16, $0xb8;
	[tilespmem:$0x1E500] =	vst v63  }
0x170: {  	_ =	swait.ge [sflag:s3], $0x2000  }
0x171: {  	[sflag:s3] =	ssyncset.done $0x0  }
0x172: {  	[sflag:s3] =	ssyncadd.s32 $0xFFFFE000  }
0x173: {  	_ =	swait.ge [sflag:s20], $0x80  }
0x174: {  	[sflag:s20] =	ssyncset.done $0x0  }
.Ltmp4:
0x175: {  	[sflag:s20] =	ssyncadd.s32 $0xFFFFFF80;
	(pc) =	sbr.rel @p0 .LBB2_7-.Ltmp4, $4  }
0x176: {  	[spmem:s22] =	stream.indirect.scatter.add.f32 [tilespmem:s14], [sflag:$0x10], $0x80, s31, s23, $0xb8;
	[tilespmem:$0x1E500] =	vst v63  }
0x177: {  	_ =	swait.ge [sflag:s19], $0x2000  }
0x178: {  	s0 =	simm.s32 $0x200;
	s6 =	simm.s32 $0x8500;
	[sflag:s19] =	ssyncset.done $0x0  }
0x179: {  	s16 =	simm.s32 $0x400;
	s14 =	simm.s32 $0x6500;
	[sflag:s19] =	ssyncadd.s32 $0xFFFFE000  }
0x17a: {  	s4 =	sld [smem:$0x7F9]  }
0x17b: {  	s15 =	simm.s32 $0x180  }
0x17c: {  	[tilespmem:s15], [sflag:$0x9] =	stream.linear.gather [hbm4b:s24+s2], $0x40, $0x38;
	[tilespmem:$0x1E500] =	vst v63  }
0x17d: {  	s4 =	sadd.s32 s5, s4  }
0x17e: {  	s11 =	sand.u32 $0x380, s5;
	s4 =	sand.u32 $0xFFC00, s4  }
0x17f: {  	s4 =	sor.u32 s11, s4  }
0x180: {  	s4 =	sshrl.u32 s4, $0x3  }
0x181: {  	s11 =	simm.s32 $0x8;
	s4 =	sadd.s32 s1, s4  }
0x182: {  	[tilespmem:s16], [sflag:$0xE] =	stream.linear.gather [hbm4b:s4+s2], $0x80, $0x38;
	[tilespmem:$0x1E500] =	vst v63  }
0x183: {  	_ =	swait.ge [sflag:s11], $0x40  }
0x184: {  	[sflag:s11] =	ssyncset.done $0x0  }
0x185: {  	s17 =	simm.s32 $0x4500;
	s16 =	simm.s32 $0x100;
	[sflag:s11] =	ssyncadd.s32 $0xFFFFFFC0  }
0x186: {  	[tilespmem:s17], [sflag:$0x3] =	stream.indirect.gather [hbm4b:s25+s23], $0x80, s16, s23, $0xb8;
	[tilespmem:$0x1E500] =	vst v63  }
0x187: {  	_ =	swait.ge [sflag:s26], $0x2000  }
0x188: {  	[sflag:s26] =	ssyncset.done $0x0  }
0x189: {  	[sflag:s26] =	ssyncadd.s32 $0xFFFFE000  }
0x18a: {  	_ =	swait.ge [sflag:s28], $0x80  }
0x18b: {  	[sflag:s28] =	ssyncset.done $0x0  }
0x18c: {  	s18 =	simm.s32 $0x480;
	[sflag:s28] =	ssyncadd.s32 $0xFFFFFF80  }
0x18d: {  	[spmem:s22] =	stream.indirect.scatter.add.f32 [tilespmem:s6], [sflag:$0x10], $0x80, s18, s23, $0xb8;
	[tilespmem:$0x1E500] =	vst v63  }
0x18e: {  	s11 =	sadd.s32 $0x90, s10;
	_ =	swait.ge [sflag:s19], $0x2000  }
0x18f: {  	s17 =	sadd.s32 s29, s11;
	s4 =	sand.u32 $0x70, s11;
	[sflag:s19] =	ssyncset.done $0x0  }
0x190: {  	s11 =	sand.u32 $0x1FF80, s17;
	s4 =	sadd.s32 s1, s4;
	[sflag:s19] =	ssyncadd.s32 $0xFFFFE000  }
0x191: {  	[tilespmem:s0], [sflag:$0xA] =	stream.linear.gather [hbm4b:s30+s2], $0x40, $0x38;
	[tilespmem:$0x1E500] =	vst v63  }
0x192: {  	s13 =	sadd.s32 $0x28, s13;
	s4 =	sadd.s32 s11, s4  }
0x193: {  	[tilespmem:s18], [sflag:$0xF] =	stream.linear.gather [hbm4b:s4+s2], $0x80, $0x38;
	[tilespmem:$0x1E500] =	vst v63  }
0x194: {  	s12 =	sadd.s32 $0x28, s12;
	s21 =	sadd.s32 $0x28, s21;
	s18 =	simm.s32 $0x9  }
.Ltmp5:
0x195: {  	s31 =	simm.s32 $0x400;
	_ =	swait.ge [sflag:s18], $0x40;
	(pc) =	sbr.rel .LBB2_5-.Ltmp5, $4  }
0x196: {  	s24 =	sadd.s32 $0x28, s24;
	s5 =	sadd.s32 $0x280, s5;
	[sflag:s18] =	ssyncset.done $0x0  }
0x197: {  	s10 =	sadd.s32 $0x50, s10;
	s6 =	simm.s32 $0x8500;
	[sflag:s18] =	ssyncadd.s32 $0xFFFFFFC0  }
0x198: {  	[tilespmem:s14], [sflag:$0x4] =	stream.indirect.gather [hbm4b:s25+s23], $0x80, s15, s23, $0xb8;
	[tilespmem:$0x1E500] =	vst v63  }
0x199: {  	s30 =	sadd.s32 $0x28, s30;
	s0 =	simm.s32 $0x200;
	s14 =	simm.s32 $0x6500  }
.LBB2_8:
0x19a: {  	_ =	sfence.sel $0x180000  }
0x19b: {  	[bflag:$0x0] =	sbarrier.arrive $0xFFFF  }
0x19c: {  	_ =	strace $0x9000004A  }
0x19d: {  	s0 =	stileid.u32;
	[bflag:$0x2] =	sbarrier.arrive $0xFFFF  }
0x19e: {  	p0 =	sne.s32 s0, $0x0;
	s0 =	rddreg [dreg:$0x4]  }
0x19f: {  	s0 =	sadd.s32 @!p0 $0x100000, s0  }
0x1a0: {  	[sflag:s0] =	ssyncadd.tile.s32 @!p0 $0x1;
	_ =	shalt  }
.Lfunc_end2:
_tile_overlayer_lowered:
.L_overlay_start_2:
0x1a1: {  	(tag) =	ssettag $0x2  }
0x1a2: {  	s0 =	rddreg [dreg:$0x0];
	s2 =	stileid.u32  }
0x1a3: {  	s1 =	rddreg [dreg:$0x1];
	p0 =	sne.s32 s2, $0x0  }
0x1a4: {  	s3 =	rddreg [dreg:$0x2];
	[bflag:$0x3] =	sbarrier.arrive $0xFFFF;
	s2 =	simm.s32 @!p0 $0x1C10  }
0x1a5: {  	[timem:s3], [sflag:s2] =	dma.local @!p0 [hbm:s0], s1  }
0x1a6: {  	s0 =	simm.s32 @!p0 $0x10  }
0x1a7: {  	_ =	swait.ge @!p0 [sflag:s0], s1  }
0x1a8: {  	s1 =	ssub.s32 @!p0 $0x0, s1;
	[sflag:s0] =	ssyncset.done @!p0 $0x0  }
0x1a9: {  	[sflag:s0] =	ssyncadd.s32 @!p0 s1  }
0x1aa: {  	[bflag:$0x3] =	sbarrier.arrive $0xFFFF  }
0x1ab: {  	_ =	shalt  }

</sc_bundles>
